<compile_context>
chip_gen: v7x
topology: tpu7x:2x2x1
jax: 0.10.2.dev20260603
libtpu: 0.0.44.dev20260713+nightly
codegen_flags: <defaults>
</compile_context>

<pallas_src>
import functools

import jax
import jax.numpy as jnp
from jax import lax
from jax.experimental import pallas as pl
from jax.experimental.pallas import tpu as pltpu
from jax.experimental.pallas import tpu_sc as plsc

_B = 16384
_D = 64
_VD = 512
_NI = 100000
_NU = 1000000
_L2_LAMBDA = 1e-05

_ROWS_PER_BLK = 4000
_CHUNK = 128
_NW = 32
_PER_W = _B // _NW
_LOSS_BLK = 2048


def _fuse_items_body(ie_ref, ivf_ref, wt_ref, out_ref):
    out_ref[:, :_D] = ie_ref[...]
    out_ref[:, _D:] = jnp.dot(ivf_ref[...], wt_ref[...],
                              preferred_element_type=jnp.float32)


def _fuse_items(ie, ivf, w_t):
    grid = _NI // _ROWS_PER_BLK
    return pl.pallas_call(
        _fuse_items_body,
        grid=(grid,),
        in_specs=[
            pl.BlockSpec((_ROWS_PER_BLK, _D), lambda i: (i, 0)),
            pl.BlockSpec((_ROWS_PER_BLK, _VD), lambda i: (i, 0)),
            pl.BlockSpec((_VD, _D), lambda i: (0, 0)),
        ],
        out_specs=pl.BlockSpec((_ROWS_PER_BLK, 2 * _D), lambda i: (i, 0)),
        out_shape=jax.ShapeDtypeStruct((_NI, 2 * _D), jnp.float32),
    )(ie, ivf, w_t)


def _gather_kernel_body(uid, pid, nid, ue2, uv2, it_t,
                        o_ue, o_uv, o_it_p, o_it_n,
                        uidv, idx_v, rows_v, uerows, uvrows, sem, semi):
    wid = lax.axis_index("s") * 2 + lax.axis_index("c")
    base0 = wid * _PER_W

    for c in range(_PER_W // _CHUNK):
        base = base0 + c * _CHUNK

        pltpu.sync_copy(uid.at[pl.ds(base, _CHUNK)], uidv)

        @pl.loop(0, _CHUNK // 16)
        def _(g):
            vec = uidv[pl.ds(g * 16, 16)]
            descs = []
            for j in range(16):
                e = g * 16 + j
                rid = vec[j]
                descs.append(pltpu.async_copy(
                    ue2.at[pl.ds(rid, 1)], uerows.at[pl.ds(e, 1)], sem))
                descs.append(pltpu.async_copy(
                    uv2.at[pl.ds(rid, 1)], uvrows.at[pl.ds(e, 1)], sem))
            for dsc in descs:
                dsc.wait()

        pltpu.sync_copy(uerows, o_ue.at[pl.ds(base, _CHUNK)])
        pltpu.sync_copy(uvrows, o_uv.at[pl.ds(base, _CHUNK)])

        pltpu.sync_copy(pid.at[pl.ds(base, _CHUNK)], idx_v)
        pltpu.async_copy(it_t.at[idx_v], rows_v, semi).wait()
        pltpu.sync_copy(rows_v, o_it_p.at[pl.ds(base, _CHUNK)])
        pltpu.sync_copy(nid.at[pl.ds(base, _CHUNK)], idx_v)
        pltpu.async_copy(it_t.at[idx_v], rows_v, semi).wait()
        pltpu.sync_copy(rows_v, o_it_n.at[pl.ds(base, _CHUNK)])


def _gather_all(uid, pid, nid, ue2, uv2, it_t):
    mesh = plsc.VectorSubcoreMesh(core_axis_name="c", subcore_axis_name="s",
                                  num_cores=2, num_subcores=16)
    urows = jax.ShapeDtypeStruct((_B, _D), jnp.float32)
    irows = jax.ShapeDtypeStruct((_B, 2 * _D), jnp.float32)
    k = pl.kernel(
        _gather_kernel_body,
        out_type=(urows, urows, irows, irows),
        mesh=mesh,
        scratch_types=[
            pltpu.VMEM((_CHUNK,), jnp.int32),
            pltpu.VMEM((_CHUNK,), jnp.int32),
            pltpu.VMEM((_CHUNK, 2 * _D), jnp.float32),
            pltpu.VMEM((_CHUNK, _D), jnp.float32),
            pltpu.VMEM((_CHUNK, _D), jnp.float32),
            pltpu.SemaphoreType.DMA,
            pltpu.SemaphoreType.DMA,
        ],
    )
    return k(uid, pid, nid, ue2, uv2, it_t)


def _loss_body(ue, uv, itp, itn, out_ref):
    i = pl.program_id(0)
    ue_ = ue[...]
    uv_ = uv[...]
    ucomb = jnp.concatenate([ue_, uv_], axis=1)
    itp_ = itp[...]
    itn_ = itn[...]
    pos = jnp.sum(ucomb * itp_, axis=1)
    neg = jnp.sum(ucomb * itn_, axis=1)
    x = pos - neg
    cf = jnp.maximum(-x, 0.0) + jnp.log1p(jnp.exp(-jnp.abs(x)))
    l2 = 0.5 * (jnp.sum(ue_ * ue_, axis=1)
                + jnp.sum(itp_[:, :_D] * itp_[:, :_D], axis=1)
                + jnp.sum(itn_[:, :_D] * itn_[:, :_D], axis=1))
    part = jnp.sum(cf + _L2_LAMBDA * l2)

    @pl.when(i == 0)
    def _():
        out_ref[0, 0] = 0.0

    out_ref[0, 0] += part

    @pl.when(i == pl.num_programs(0) - 1)
    def _():
        out_ref[0, 0] = out_ref[0, 0] / float(_B)


def _fused_loss(ue, uv, itp, itn):
    grid = _B // _LOSS_BLK
    ublk = pl.BlockSpec((_LOSS_BLK, _D), lambda i: (i, 0))
    iblk = pl.BlockSpec((_LOSS_BLK, 2 * _D), lambda i: (i, 0))
    return pl.pallas_call(
        _loss_body,
        grid=(grid,),
        in_specs=[ublk, ublk, iblk, iblk],
        out_specs=pl.BlockSpec((1, 1), lambda i: (0, 0),
                               memory_space=pltpu.SMEM),
        out_shape=jax.ShapeDtypeStruct((1, 1), jnp.float32),
    )(ue, uv, itp, itn)


def kernel(user_ids, item_pos_ids, item_neg_ids, user_embed, item_embed,
           user_visual_embed, item_visual_feature, W_vis):
    fused_items = _fuse_items(item_embed, item_visual_feature, W_vis.T)
    ue, uv, itp, itn = _gather_all(
        user_ids, item_pos_ids, item_neg_ids,
        user_embed, user_visual_embed, fused_items)
    loss = _fused_loss(ue, uv, itp, itn)
    return loss[0, 0]

# --- scband reference (transcript-rebuilt; emitter-appended) ---
"""Pipeline reference for scband-vbpr-39230231282074 (READ-ONLY COPY).

The authoritative reference and input builder live on the scoring server;
editing this copy changes nothing except your own understanding.
"""

import jax, jax.numpy as jnp
import numpy as np

N_USERS = 1000000
N_ITEMS = 100000
EMBED_DIM = 64
VIS_DIM = 512
BATCH = 16384
L2_LAMBDA = 1e-05


def setup_inputs(seed: int = 0) -> dict:
    key = jax.random.key(seed)
    ks = jax.random.split(key, 8)
    user_ids = jax.random.randint(ks[0], (BATCH,), 0, N_USERS, dtype=jnp.int64 if jax.config.jax_enable_x64 else jnp.int32)
    item_pos_ids = jax.random.randint(ks[1], (BATCH,), 0, N_ITEMS, dtype=jnp.int64 if jax.config.jax_enable_x64 else jnp.int32)
    item_neg_ids = jax.random.randint(ks[2], (BATCH,), 0, N_ITEMS, dtype=jnp.int64 if jax.config.jax_enable_x64 else jnp.int32)
    # xavier-uniform style init for embedding tables
    bound_u = float(np.sqrt(6.0 / (N_USERS + EMBED_DIM)))
    bound_i = float(np.sqrt(6.0 / (N_ITEMS + EMBED_DIM)))
    user_embed = jax.random.uniform(ks[3], (N_USERS, EMBED_DIM), jnp.float32, -bound_u, bound_u)
    item_embed = jax.random.uniform(ks[4], (N_ITEMS, EMBED_DIM), jnp.float32, -bound_i, bound_i)
    user_visual_embed = jax.random.normal(ks[5], (N_USERS, EMBED_DIM), jnp.float32) * 0.02
    item_visual_feature = jax.random.normal(ks[6], (N_ITEMS, VIS_DIM), jnp.float32)
    # nn.Linear(VIS_DIM, EMBED_DIM, bias=False): y = x @ W.T with W: [EMBED_DIM, VIS_DIM]
    bound_w = float(np.sqrt(1.0 / VIS_DIM))
    W_vis = jax.random.uniform(ks[7], (EMBED_DIM, VIS_DIM), jnp.float32, -bound_w, bound_w)
    return {
        "user_ids": user_ids,
        "item_pos_ids": item_pos_ids,
        "item_neg_ids": item_neg_ids,
        "user_embed": user_embed,
        "item_embed": item_embed,
        "user_visual_embed": user_visual_embed,
        "item_visual_feature": item_visual_feature,
        "W_vis": W_vis,
    }


def _l2_loss_mean(x):
    return jnp.mean(jnp.sum(jnp.square(x), axis=1) / 2.0)


def reference(user_ids, item_pos_ids, item_neg_ids, user_embed, item_embed, user_visual_embed, item_visual_feature, W_vis):
    # calc_loss path (is_train=True)
    ue = jnp.take(user_embed, user_ids, axis=0)
    pe = jnp.take(item_embed, item_pos_ids, axis=0)
    ne = jnp.take(item_embed, item_neg_ids, axis=0)
    pos_id_score = jnp.sum(ue * pe, axis=1)
    neg_id_score = jnp.sum(ue * ne, axis=1)
    uv = jnp.take(user_visual_embed, user_ids, axis=0)
    pvf = jnp.take(item_visual_feature, item_pos_ids, axis=0)
    nvf = jnp.take(item_visual_feature, item_neg_ids, axis=0)
    pv = pvf @ W_vis.T
    nv = nvf @ W_vis.T
    pos_visual_score = jnp.sum(uv * pv, axis=1)
    neg_visual_score = jnp.sum(uv * nv, axis=1)
    pos_score = pos_id_score + pos_visual_score
    neg_score = neg_id_score + neg_visual_score
    cf_loss = jnp.mean(-jax.nn.log_sigmoid(pos_score - neg_score))
    l2_loss = _l2_loss_mean(ue) + _l2_loss_mean(pe) + _l2_loss_mean(ne)
    loss = cf_loss + L2_LAMBDA * l2_loss
    return loss

if __name__ == "__main__":
    import jax
    _d = setup_inputs()
    print(jax.jit(kernel)(*tuple(_d.values())))

</pallas_src>

<mosaic_0001>
#map = affine_map<(d0, d1) -> (0)>
#map1 = affine_map<(d0, d1) -> (0, 0)>
module attributes {stable_mosaic.version = 14 : i64} {
  func.func @_gather_kernel_body(%arg0: i32, %arg1: i32, %arg2: memref<16384xi32, #tpu.memory_space<hbm>>, %arg3: memref<16384xi32, #tpu.memory_space<hbm>>, %arg4: memref<16384xi32, #tpu.memory_space<hbm>>, %arg5: memref<1000000x64xf32, #tpu.memory_space<hbm>>, %arg6: memref<1000000x64xf32, #tpu.memory_space<hbm>>, %arg7: memref<100000x128xf32, #tpu.memory_space<hbm>>, %arg8: memref<16384x64xf32, #tpu.memory_space<hbm>>, %arg9: memref<16384x64xf32, #tpu.memory_space<hbm>>, %arg10: memref<16384x128xf32, #tpu.memory_space<hbm>>, %arg11: memref<16384x128xf32, #tpu.memory_space<hbm>>, %arg12: memref<128xi32, #tpu.memory_space<vmem>>, %arg13: memref<128xi32, #tpu.memory_space<vmem>>, %arg14: memref<128x128xf32, #tpu.memory_space<vmem>>, %arg15: memref<128x64xf32, #tpu.memory_space<vmem>>, %arg16: memref<128x64xf32, #tpu.memory_space<vmem>>, %arg17: memref<!tpu.dma_semaphore, #tpu.memory_space<semaphore_mem>>, %arg18: memref<!tpu.dma_semaphore, #tpu.memory_space<semaphore_mem>>) attributes {dimension_semantics = [#tpu.dimension_semantics<core_parallel>, #tpu.dimension_semantics<subcore_parallel>], iteration_bounds = array<i64: 2, 16>, scalar_prefetch = 0 : i64, scratch_operands = 7 : i64, tpu.core_type = #tpu.core_type<sc_vector_subcore>, window_params = [{transform_indices = #map}, {transform_indices = #map}, {transform_indices = #map}, {transform_indices = #map1}, {transform_indices = #map1}, {transform_indices = #map1}, {transform_indices = #map1}, {transform_indices = #map1}, {transform_indices = #map1}, {transform_indices = #map1}]} {
    %mul3A = arith.constant 2 : i32
    %mul3A_0 = arith.muli %arg1, %mul3A : i32
    %add3A = arith.addi %mul3A_0, %arg0 : i32
    %mul3A_1 = arith.constant 512 : i32
    %mul3A_2 = arith.muli %add3A, %mul3A_1 : i32
    %add3A_3 = arith.constant 0 : i32
    %add3A_4 = arith.addi %mul3A_2, %add3A_3 : i32
    "tpu.region"() ({
      %run_scoped3A = tpu.sem_alloc : memref<!tpu.dma_semaphore, #tpu.memory_space<semaphore_mem>>
      %dma_start3A_76 = tpu.memref_slice %arg2[%add3A_4] : memref<16384xi32, #tpu.memory_space<hbm>> -> memref<128xi32, #tpu.memory_space<hbm>>
      %dma_start3A_77 = tpu.memref_slice %arg2[%add3A_4] : memref<16384xi32, #tpu.memory_space<hbm>> -> memref<128xi32, #tpu.memory_space<hbm>>
      tpu.enqueue_dma source(%dma_start3A_77 : memref<128xi32, #tpu.memory_space<hbm>>) target(%arg12 : memref<128xi32, #tpu.memory_space<vmem>>) target_semaphore(%run_scoped3A : memref<!tpu.dma_semaphore, #tpu.memory_space<semaphore_mem>>)
      %dma_wait3A_78 = tpu.memref_slice %arg2[%add3A_4] : memref<16384xi32, #tpu.memory_space<hbm>> -> memref<128xi32, #tpu.memory_space<hbm>>
      %dma_wait3A_79 = tpu.memref_slice %arg2[%add3A_4] : memref<16384xi32, #tpu.memory_space<hbm>> -> memref<128xi32, #tpu.memory_space<hbm>>
      tpu.wait_dma2 semaphore(%run_scoped3A : memref<!tpu.dma_semaphore, #tpu.memory_space<semaphore_mem>>) src(%dma_wait3A_79 : memref<128xi32, #tpu.memory_space<hbm>>) dst(%arg12 : memref<128xi32, #tpu.memory_space<vmem>>)
      tpu.yield
    }) : () -> ()
    %scan3A = arith.constant 0 : i32
    %scan3A_5 = arith.constant 8 : i32
    %scan3A_6 = arith.addi %scan3A, %scan3A_5 : i32
    %scan3A_7 = arith.constant 1 : i32
    scf.for %scan3A_76 = %scan3A to %scan3A_6 step %scan3A_7  : i32 {
      %mul3A_77 = arith.constant 1 : i32
      %mul3A_78 = arith.muli %scan3A_76, %mul3A_77 : i32
      %add3A_79 = arith.constant 0 : i32
      %add3A_80 = arith.addi %add3A_79, %mul3A_78 : i32
      %mul3A_81 = arith.constant 16 : i32
      %mul3A_82 = arith.muli %add3A_80, %mul3A_81 : i32
      %get3A = arith.index_cast %mul3A_82 : i32 to index
      %get3A_83 = tpu.vector_load %arg12[%get3A] {strides = array<i32>} : memref<128xi32, #tpu.memory_space<vmem>>, vector<16xi32>,
      %get3A_84 = vector.shape_cast %get3A_83 : vector<16xi32> to vector<16xi32>
      %mul3A_85 = arith.constant 16 : i32
      %mul3A_86 = arith.muli %add3A_80, %mul3A_85 : i32
      %add3A_87 = arith.constant 0 : i32
      %add3A_88 = arith.addi %mul3A_86, %add3A_87 : i32
      %slice3A = vector.extract_strided_slice %get3A_84 {offsets = [0], sizes = [1], strides = [1]} : vector<16xi32> to vector<1xi32>
      %squeeze3A = vector.extract %slice3A[0] : i32 from vector<1xi32>
      %dma_start3A_89 = arith.constant 0 : i32
      %dma_start3A_90 = tpu.memref_slice %arg15[%add3A_88, %dma_start3A_89] : memref<128x64xf32, #tpu.memory_space<vmem>> -> memref<1x64xf32, #tpu.memory_space<vmem>>
      %dma_start3A_91 = arith.constant 0 : i32
      %dma_start3A_92 = tpu.memref_slice %arg5[%squeeze3A, %dma_start3A_91] : memref<1000000x64xf32, #tpu.memory_space<hbm>> -> memref<1x64xf32, #tpu.memory_space<hbm>>
      %dma_start3A_93 = arith.constant 0 : i32
      %dma_start3A_94 = tpu.memref_slice %arg15[%add3A_88, %dma_start3A_93] : memref<128x64xf32, #tpu.memory_space<vmem>> -> memref<1x64xf32, #tpu.memory_space<vmem>>
      %dma_start3A_95 = arith.constant 0 : i32
      %dma_start3A_96 = tpu.memref_slice %arg5[%squeeze3A, %dma_start3A_95] : memref<1000000x64xf32, #tpu.memory_space<hbm>> -> memref<1x64xf32, #tpu.memory_space<hbm>>
      tpu.enqueue_dma source(%dma_start3A_96 : memref<1x64xf32, #tpu.memory_space<hbm>>) target(%dma_start3A_94 : memref<1x64xf32, #tpu.memory_space<vmem>>) target_semaphore(%arg17 : memref<!tpu.dma_semaphore, #tpu.memory_space<semaphore_mem>>)
      %dma_start3A_97 = arith.constant 0 : i32
      %dma_start3A_98 = tpu.memref_slice %arg16[%add3A_88, %dma_start3A_97] : memref<128x64xf32, #tpu.memory_space<vmem>> -> memref<1x64xf32, #tpu.memory_space<vmem>>
      %dma_start3A_99 = arith.constant 0 : i32
      %dma_start3A_100 = tpu.memref_slice %arg6[%squeeze3A, %dma_start3A_99] : memref<1000000x64xf32, #tpu.memory_space<hbm>> -> memref<1x64xf32, #tpu.memory_space<hbm>>
      %dma_start3A_101 = arith.constant 0 : i32
      %dma_start3A_102 = tpu.memref_slice %arg16[%add3A_88, %dma_start3A_101] : memref<128x64xf32, #tpu.memory_space<vmem>> -> memref<1x64xf32, #tpu.memory_space<vmem>>
      %dma_start3A_103 = arith.constant 0 : i32
      %dma_start3A_104 = tpu.memref_slice %arg6[%squeeze3A, %dma_start3A_103] : memref<1000000x64xf32, #tpu.memory_space<hbm>> -> memref<1x64xf32, #tpu.memory_space<hbm>>
      tpu.enqueue_dma source(%dma_start3A_104 : memref<1x64xf32, #tpu.memory_space<hbm>>) target(%dma_start3A_102 : memref<1x64xf32, #tpu.memory_space<vmem>>) target_semaphore(%arg17 : memref<!tpu.dma_semaphore, #tpu.memory_space<semaphore_mem>>)
      %mul3A_105 = arith.constant 16 : i32
      %mul3A_106 = arith.muli %add3A_80, %mul3A_105 : i32
      %add3A_107 = arith.constant 1 : i32
      %add3A_108 = arith.addi %mul3A_106, %add3A_107 : i32
      %slice3A_109 = vector.extract_strided_slice %get3A_84 {offsets = [1], sizes = [1], strides = [1]} : vector<16xi32> to vector<1xi32>
      %squeeze3A_110 = vector.extract %slice3A_109[0] : i32 from vector<1xi32>
      %dma_start3A_111 = arith.constant 0 : i32
      %dma_start3A_112 = tpu.memref_slice %arg15[%add3A_108, %dma_start3A_111] : memref<128x64xf32, #tpu.memory_space<vmem>> -> memref<1x64xf32, #tpu.memory_space<vmem>>
      %dma_start3A_113 = arith.constant 0 : i32
      %dma_start3A_114 = tpu.memref_slice %arg5[%squeeze3A_110, %dma_start3A_113] : memref<1000000x64xf32, #tpu.memory_space<hbm>> -> memref<1x64xf32, #tpu.memory_space<hbm>>
      %dma_start3A_115 = arith.constant 0 : i32
      %dma_start3A_116 = tpu.memref_slice %arg15[%add3A_108, %dma_start3A_115] : memref<128x64xf32, #tpu.memory_space<vmem>> -> memref<1x64xf32, #tpu.memory_space<vmem>>
      %dma_start3A_117 = arith.constant 0 : i32
      %dma_start3A_118 = tpu.memref_slice %arg5[%squeeze3A_110, %dma_start3A_117] : memref<1000000x64xf32, #tpu.memory_space<hbm>> -> memref<1x64xf32, #tpu.memory_space<hbm>>
      tpu.enqueue_dma source(%dma_start3A_118 : memref<1x64xf32, #tpu.memory_space<hbm>>) target(%dma_start3A_116 : memref<1x64xf32, #tpu.memory_space<vmem>>) target_semaphore(%arg17 : memref<!tpu.dma_semaphore, #tpu.memory_space<semaphore_mem>>)
      %dma_start3A_119 = arith.constant 0 : i32
      %dma_start3A_120 = tpu.memref_slice %arg16[%add3A_108, %dma_start3A_119] : memref<128x64xf32, #tpu.memory_space<vmem>> -> memref<1x64xf32, #tpu.memory_space<vmem>>
      %dma_start3A_121 = arith.constant 0 : i32
      %dma_start3A_122 = tpu.memref_slice %arg6[%squeeze3A_110, %dma_start3A_121] : memref<1000000x64xf32, #tpu.memory_space<hbm>> -> memref<1x64xf32, #tpu.memory_space<hbm>>
      %dma_start3A_123 = arith.constant 0 : i32
      %dma_start3A_124 = tpu.memref_slice %arg16[%add3A_108, %dma_start3A_123] : memref<128x64xf32, #tpu.memory_space<vmem>> -> memref<1x64xf32, #tpu.memory_space<vmem>>
      %dma_start3A_125 = arith.constant 0 : i32
      %dma_start3A_126 = tpu.memref_slice %arg6[%squeeze3A_110, %dma_start3A_125] : memref<1000000x64xf32, #tpu.memory_space<hbm>> -> memref<1x64xf32, #tpu.memory_space<hbm>>
      tpu.enqueue_dma source(%dma_start3A_126 : memref<1x64xf32, #tpu.memory_space<hbm>>) target(%dma_start3A_124 : memref<1x64xf32, #tpu.memory_space<vmem>>) target_semaphore(%arg17 : memref<!tpu.dma_semaphore, #tpu.memory_space<semaphore_mem>>)
      %mul3A_127 = arith.constant 16 : i32
      %mul3A_128 = arith.muli %add3A_80, %mul3A_127 : i32
      %add3A_129 = arith.constant 2 : i32
      %add3A_130 = arith.addi %mul3A_128, %add3A_129 : i32
      %slice3A_131 = vector.extract_strided_slice %get3A_84 {offsets = [2], sizes = [1], strides = [1]} : vector<16xi32> to vector<1xi32>
      %squeeze3A_132 = vector.extract %slice3A_131[0] : i32 from vector<1xi32>
      %dma_start3A_133 = arith.constant 0 : i32
      %dma_start3A_134 = tpu.memref_slice %arg15[%add3A_130, %dma_start3A_133] : memref<128x64xf32, #tpu.memory_space<vmem>> -> memref<1x64xf32, #tpu.memory_space<vmem>>
      %dma_start3A_135 = arith.constant 0 : i32
      %dma_start3A_136 = tpu.memref_slice %arg5[%squeeze3A_132, %dma_start3A_135] : memref<1000000x64xf32, #tpu.memory_space<hbm>> -> memref<1x64xf32, #tpu.memory_space<hbm>>
      %dma_start3A_137 = arith.constant 0 : i32
      %dma_start3A_138 = tpu.memref_slice %arg15[%add3A_130, %dma_start3A_137] : memref<128x64xf32, #tpu.memory_space<vmem>> -> memref<1x64xf32, #tpu.memory_space<vmem>>
      %dma_start3A_139 = arith.constant 0 : i32
      %dma_start3A_140 = tpu.memref_slice %arg5[%squeeze3A_132, %dma_start3A_139] : memref<1000000x64xf32, #tpu.memory_space<hbm>> -> memref<1x64xf32, #tpu.memory_space<hbm>>
      tpu.enqueue_dma source(%dma_start3A_140 : memref<1x64xf32, #tpu.memory_space<hbm>>) target(%dma_start3A_138 : memref<1x64xf32, #tpu.memory_space<vmem>>) target_semaphore(%arg17 : memref<!tpu.dma_semaphore, #tpu.memory_space<semaphore_mem>>)
      %dma_start3A_141 = arith.constant 0 : i32
      %dma_start3A_142 = tpu.memref_slice %arg16[%add3A_130, %dma_start3A_141] : memref<128x64xf32, #tpu.memory_space<vmem>> -> memref<1x64xf32, #tpu.memory_space<vmem>>
      %dma_start3A_143 = arith.constant 0 : i32
      %dma_start3A_144 = tpu.memref_slice %arg6[%squeeze3A_132, %dma_start3A_143] : memref<1000000x64xf32, #tpu.memory_space<hbm>> -> memref<1x64xf32, #tpu.memory_space<hbm>>
      %dma_start3A_145 = arith.constant 0 : i32
      %dma_start3A_146 = tpu.memref_slice %arg16[%add3A_130, %dma_start3A_145] : memref<128x64xf32, #tpu.memory_space<vmem>> -> memref<1x64xf32, #tpu.memory_space<vmem>>
      %dma_start3A_147 = arith.constant 0 : i32
      %dma_start3A_148 = tpu.memref_slice %arg6[%squeeze3A_132, %dma_start3A_147] : memref<1000000x64xf32, #tpu.memory_space<hbm>> -> memref<1x64xf32, #tpu.memory_space<hbm>>
      tpu.enqueue_dma source(%dma_start3A_148 : memref<1x64xf32, #tpu.memory_space<hbm>>) target(%dma_start3A_146 : memref<1x64xf32, #tpu.memory_space<vmem>>) target_semaphore(%arg17 : memref<!tpu.dma_semaphore, #tpu.memory_space<semaphore_mem>>)
      %mul3A_149 = arith.constant 16 : i32
      %mul3A_150 = arith.muli %add3A_80, %mul3A_149 : i32
      %add3A_151 = arith.constant 3 : i32
      %add3A_152 = arith.addi %mul3A_150, %add3A_151 : i32
      %slice3A_153 = vector.extract_strided_slice %get3A_84 {offsets = [3], sizes = [1], strides = [1]} : vector<16xi32> to vector<1xi32>
      %squeeze3A_154 = vector.extract %slice3A_153[0] : i32 from vector<1xi32>
      %dma_start3A_155 = arith.constant 0 : i32
      %dma_start3A_156 = tpu.memref_slice %arg15[%add3A_152, %dma_start3A_155] : memref<128x64xf32, #tpu.memory_space<vmem>> -> memref<1x64xf32, #tpu.memory_space<vmem>>
      %dma_start3A_157 = arith.constant 0 : i32
      %dma_start3A_158 = tpu.memref_slice %arg5[%squeeze3A_154, %dma_start3A_157] : memref<1000000x64xf32, #tpu.memory_space<hbm>> -> memref<1x64xf32, #tpu.memory_space<hbm>>
      %dma_start3A_159 = arith.constant 0 : i32
      %dma_start3A_160 = tpu.memref_slice %arg15[%add3A_152, %dma_start3A_159] : memref<128x64xf32, #tpu.memory_space<vmem>> -> memref<1x64xf32, #tpu.memory_space<vmem>>
      %dma_start3A_161 = arith.constant 0 : i32
      %dma_start3A_162 = tpu.memref_slice %arg5[%squeeze3A_154, %dma_start3A_161] : memref<1000000x64xf32, #tpu.memory_space<hbm>> -> memref<1x64xf32, #tpu.memory_space<hbm>>
      tpu.enqueue_dma source(%dma_start3A_162 : memref<1x64xf32, #tpu.memory_space<hbm>>) target(%dma_start3A_160 : memref<1x64xf32, #tpu.memory_space<vmem>>) target_semaphore(%arg17 : memref<!tpu.dma_semaphore, #tpu.memory_space<semaphore_mem>>)
      %dma_start3A_163 = arith.constant 0 : i32
      %dma_start3A_164 = tpu.memref_slice %arg16[%add3A_152, %dma_start3A_163] : memref<128x64xf32, #tpu.memory_space<vmem>> -> memref<1x64xf32, #tpu.memory_space<vmem>>
      %dma_start3A_165 = arith.constant 0 : i32
      %dma_start3A_166 = tpu.memref_slice %arg6[%squeeze3A_154, %dma_start3A_165] : memref<1000000x64xf32, #tpu.memory_space<hbm>> -> memref<1x64xf32, #tpu.memory_space<hbm>>
      %dma_start3A_167 = arith.constant 0 : i32
      %dma_start3A_168 = tpu.memref_slice %arg16[%add3A_152, %dma_start3A_167] : memref<128x64xf32, #tpu.memory_space<vmem>> -> memref<1x64xf32, #tpu.memory_space<vmem>>
      %dma_start3A_169 = arith.constant 0 : i32
      %dma_start3A_170 = tpu.memref_slice %arg6[%squeeze3A_154, %dma_start3A_169] : memref<1000000x64xf32, #tpu.memory_space<hbm>> -> memref<1x64xf32, #tpu.memory_space<hbm>>
      tpu.enqueue_dma source(%dma_start3A_170 : memref<1x64xf32, #tpu.memory_space<hbm>>) target(%dma_start3A_168 : memref<1x64xf32, #tpu.memory_space<vmem>>) target_semaphore(%arg17 : memref<!tpu.dma_semaphore, #tpu.memory_space<semaphore_mem>>)
      %mul3A_171 = arith.constant 16 : i32
      %mul3A_172 = arith.muli %add3A_80, %mul3A_171 : i32
      %add3A_173 = arith.constant 4 : i32
      %add3A_174 = arith.addi %mul3A_172, %add3A_173 : i32
      %slice3A_175 = vector.extract_strided_slice %get3A_84 {offsets = [4], sizes = [1], strides = [1]} : vector<16xi32> to vector<1xi32>
      %squeeze3A_176 = vector.extract %slice3A_175[0] : i32 from vector<1xi32>
      %dma_start3A_177 = arith.constant 0 : i32
      %dma_start3A_178 = tpu.memref_slice %arg15[%add3A_174, %dma_start3A_177] : memref<128x64xf32, #tpu.memory_space<vmem>> -> memref<1x64xf32, #tpu.memory_space<vmem>>
      %dma_start3A_179 = arith.constant 0 : i32
      %dma_start3A_180 = tpu.memref_slice %arg5[%squeeze3A_176, %dma_start3A_179] : memref<1000000x64xf32, #tpu.memory_space<hbm>> -> memref<1x64xf32, #tpu.memory_space<hbm>>
      %dma_start3A_181 = arith.constant 0 : i32
      %dma_start3A_182 = tpu.memref_slice %arg15[%add3A_174, %dma_start3A_181] : memref<128x64xf32, #tpu.memory_space<vmem>> -> memref<1x64xf32, #tpu.memory_space<vmem>>
      %dma_start3A_183 = arith.constant 0 : i32
      %dma_start3A_184 = tpu.memref_slice %arg5[%squeeze3A_176, %dma_start3A_183] : memref<1000000x64xf32, #tpu.memory_space<hbm>> -> memref<1x64xf32, #tpu.memory_space<hbm>>
      tpu.enqueue_dma source(%dma_start3A_184 : memref<1x64xf32, #tpu.memory_space<hbm>>) target(%dma_start3A_182 : memref<1x64xf32, #tpu.memory_space<vmem>>) target_semaphore(%arg17 : memref<!tpu.dma_semaphore, #tpu.memory_space<semaphore_mem>>)
      %dma_start3A_185 = arith.constant 0 : i32
      %dma_start3A_186 = tpu.memref_slice %arg16[%add3A_174, %dma_start3A_185] : memref<128x64xf32, #tpu.memory_space<vmem>> -> memref<1x64xf32, #tpu.memory_space<vmem>>
      %dma_start3A_187 = arith.constant 0 : i32
      %dma_start3A_188 = tpu.memref_slice %arg6[%squeeze3A_176, %dma_start3A_187] : memref<1000000x64xf32, #tpu.memory_space<hbm>> -> memref<1x64xf32, #tpu.memory_space<hbm>>
      %dma_start3A_189 = arith.constant 0 : i32
      %dma_start3A_190 = tpu.memref_slice %arg16[%add3A_174, %dma_start3A_189] : memref<128x64xf32, #tpu.memory_space<vmem>> -> memref<1x64xf32, #tpu.memory_space<vmem>>
      %dma_start3A_191 = arith.constant 0 : i32
      %dma_start3A_192 = tpu.memref_slice %arg6[%squeeze3A_176, %dma_start3A_191] : memref<1000000x64xf32, #tpu.memory_space<hbm>> -> memref<1x64xf32, #tpu.memory_space<hbm>>
      tpu.enqueue_dma source(%dma_start3A_192 : memref<1x64xf32, #tpu.memory_space<hbm>>) target(%dma_start3A_190 : memref<1x64xf32, #tpu.memory_space<vmem>>) target_semaphore(%arg17 : memref<!tpu.dma_semaphore, #tpu.memory_space<semaphore_mem>>)
      %mul3A_193 = arith.constant 16 : i32
      %mul3A_194 = arith.muli %add3A_80, %mul3A_193 : i32
      %add3A_195 = arith.constant 5 : i32
      %add3A_196 = arith.addi %mul3A_194, %add3A_195 : i32
      %slice3A_197 = vector.extract_strided_slice %get3A_84 {offsets = [5], sizes = [1], strides = [1]} : vector<16xi32> to vector<1xi32>
      %squeeze3A_198 = vector.extract %slice3A_197[0] : i32 from vector<1xi32>
      %dma_start3A_199 = arith.constant 0 : i32
      %dma_start3A_200 = tpu.memref_slice %arg15[%add3A_196, %dma_start3A_199] : memref<128x64xf32, #tpu.memory_space<vmem>> -> memref<1x64xf32, #tpu.memory_space<vmem>>
      %dma_start3A_201 = arith.constant 0 : i32
      %dma_start3A_202 = tpu.memref_slice %arg5[%squeeze3A_198, %dma_start3A_201] : memref<1000000x64xf32, #tpu.memory_space<hbm>> -> memref<1x64xf32, #tpu.memory_space<hbm>>
      %dma_start3A_203 = arith.constant 0 : i32
      %dma_start3A_204 = tpu.memref_slice %arg15[%add3A_196, %dma_start3A_203] : memref<128x64xf32, #tpu.memory_space<vmem>> -> memref<1x64xf32, #tpu.memory_space<vmem>>
      %dma_start3A_205 = arith.constant 0 : i32
      %dma_start3A_206 = tpu.memref_slice %arg5[%squeeze3A_198, %dma_start3A_205] : memref<1000000x64xf32, #tpu.memory_space<hbm>> -> memref<1x64xf32, #tpu.memory_space<hbm>>
      tpu.enqueue_dma source(%dma_start3A_206 : memref<1x64xf32, #tpu.memory_space<hbm>>) target(%dma_start3A_204 : memref<1x64xf32, #tpu.memory_space<vmem>>) target_semaphore(%arg17 : memref<!tpu.dma_semaphore, #tpu.memory_space<semaphore_mem>>)
      %dma_start3A_207 = arith.constant 0 : i32
      %dma_start3A_208 = tpu.memref_slice %arg16[%add3A_196, %dma_start3A_207] : memref<128x64xf32, #tpu.memory_space<vmem>> -> memref<1x64xf32, #tpu.memory_space<vmem>>
      %dma_start3A_209 = arith.constant 0 : i32
      %dma_start3A_210 = tpu.memref_slice %arg6[%squeeze3A_198, %dma_start3A_209] : memref<1000000x64xf32, #tpu.memory_space<hbm>> -> memref<1x64xf32, #tpu.memory_space<hbm>>
      %dma_start3A_211 = arith.constant 0 : i32
      %dma_start3A_212 = tpu.memref_slice %arg16[%add3A_196, %dma_start3A_211] : memref<128x64xf32, #tpu.memory_space<vmem>> -> memref<1x64xf32, #tpu.memory_space<vmem>>
      %dma_start3A_213 = arith.constant 0 : i32
      %dma_start3A_214 = tpu.memref_slice %arg6[%squeeze3A_198, %dma_start3A_213] : memref<1000000x64xf32, #tpu.memory_space<hbm>> -> memref<1x64xf32, #tpu.memory_space<hbm>>
      tpu.enqueue_dma source(%dma_start3A_214 : memref<1x64xf32, #tpu.memory_space<hbm>>) target(%dma_start3A_212 : memref<1x64xf32, #tpu.memory_space<vmem>>) target_semaphore(%arg17 : memref<!tpu.dma_semaphore, #tpu.memory_space<semaphore_mem>>)
      %mul3A_215 = arith.constant 16 : i32
      %mul3A_216 = arith.muli %add3A_80, %mul3A_215 : i32
      %add3A_217 = arith.constant 6 : i32
      %add3A_218 = arith.addi %mul3A_216, %add3A_217 : i32
      %slice3A_219 = vector.extract_strided_slice %get3A_84 {offsets = [6], sizes = [1], strides = [1]} : vector<16xi32> to vector<1xi32>
      %squeeze3A_220 = vector.extract %slice3A_219[0] : i32 from vector<1xi32>
      %dma_start3A_221 = arith.constant 0 : i32
      %dma_start3A_222 = tpu.memref_slice %arg15[%add3A_218, %dma_start3A_221] : memref<128x64xf32, #tpu.memory_space<vmem>> -> memref<1x64xf32, #tpu.memory_space<vmem>>
      %dma_start3A_223 = arith.constant 0 : i32
      %dma_start3A_224 = tpu.memref_slice %arg5[%squeeze3A_220, %dma_start3A_223] : memref<1000000x64xf32, #tpu.memory_space<hbm>> -> memref<1x64xf32, #tpu.memory_space<hbm>>
      %dma_start3A_225 = arith.constant 0 : i32
      %dma_start3A_226 = tpu.memref_slice %arg15[%add3A_218, %dma_start3A_225] : memref<128x64xf32, #tpu.memory_space<vmem>> -> memref<1x64xf32, #tpu.memory_space<vmem>>
      %dma_start3A_227 = arith.constant 0 : i32
      %dma_start3A_228 = tpu.memref_slice %arg5[%squeeze3A_220, %dma_start3A_227] : memref<1000000x64xf32, #tpu.memory_space<hbm>> -> memref<1x64xf32, #tpu.memory_space<hbm>>
      tpu.enqueue_dma source(%dma_start3A_228 : memref<1x64xf32, #tpu.memory_space<hbm>>) target(%dma_start3A_226 : memref<1x64xf32, #tpu.memory_space<vmem>>) target_semaphore(%arg17 : memref<!tpu.dma_semaphore, #tpu.memory_space<semaphore_mem>>)
      %dma_start3A_229 = arith.constant 0 : i32
      %dma_start3A_230 = tpu.memref_slice %arg16[%add3A_218, %dma_start3A_229] : memref<128x64xf32, #tpu.memory_space<vmem>> -> memref<1x64xf32, #tpu.memory_space<vmem>>
      %dma_start3A_231 = arith.constant 0 : i32
      %dma_start3A_232 = tpu.memref_slice %arg6[%squeeze3A_220, %dma_start3A_231] : memref<1000000x64xf32, #tpu.memory_space<hbm>> -> memref<1x64xf32, #tpu.memory_space<hbm>>
      %dma_start3A_233 = arith.constant 0 : i32
      %dma_start3A_234 = tpu.memref_slice %arg16[%add3A_218, %dma_start3A_233] : memref<128x64xf32, #tpu.memory_space<vmem>> -> memref<1x64xf32, #tpu.memory_space<vmem>>
      %dma_start3A_235 = arith.constant 0 : i32
      %dma_start3A_236 = tpu.memref_slice %arg6[%squeeze3A_220, %dma_start3A_235] : memref<1000000x64xf32, #tpu.memory_space<hbm>> -> memref<1x64xf32, #tpu.memory_space<hbm>>
      tpu.enqueue_dma source(%dma_start3A_236 : memref<1x64xf32, #tpu.memory_space<hbm>>) target(%dma_start3A_234 : memref<1x64xf32, #tpu.memory_space<vmem>>) target_semaphore(%arg17 : memref<!tpu.dma_semaphore, #tpu.memory_space<semaphore_mem>>)
      %mul3A_237 = arith.constant 16 : i32
      %mul3A_238 = arith.muli %add3A_80, %mul3A_237 : i32
      %add3A_239 = arith.constant 7 : i32
      %add3A_240 = arith.addi %mul3A_238, %add3A_239 : i32
      %slice3A_241 = vector.extract_strided_slice %get3A_84 {offsets = [7], sizes = [1], strides = [1]} : vector<16xi32> to vector<1xi32>
      %squeeze3A_242 = vector.extract %slice3A_241[0] : i32 from vector<1xi32>
      %dma_start3A_243 = arith.constant 0 : i32
      %dma_start3A_244 = tpu.memref_slice %arg15[%add3A_240, %dma_start3A_243] : memref<128x64xf32, #tpu.memory_space<vmem>> -> memref<1x64xf32, #tpu.memory_space<vmem>>
      %dma_start3A_245 = arith.constant 0 : i32
      %dma_start3A_246 = tpu.memref_slice %arg5[%squeeze3A_242, %dma_start3A_245] : memref<1000000x64xf32, #tpu.memory_space<hbm>> -> memref<1x64xf32, #tpu.memory_space<hbm>>
      %dma_start3A_247 = arith.constant 0 : i32
      %dma_start3A_248 = tpu.memref_slice %arg15[%add3A_240, %dma_start3A_247] : memref<128x64xf32, #tpu.memory_space<vmem>> -> memref<1x64xf32, #tpu.memory_space<vmem>>
      %dma_start3A_249 = arith.constant 0 : i32
      %dma_start3A_250 = tpu.memref_slice %arg5[%squeeze3A_242, %dma_start3A_249] : memref<1000000x64xf32, #tpu.memory_space<hbm>> -> memref<1x64xf32, #tpu.memory_space<hbm>>
      tpu.enqueue_dma source(%dma_start3A_250 : memref<1x64xf32, #tpu.memory_space<hbm>>) target(%dma_start3A_248 : memref<1x64xf32, #tpu.memory_space<vmem>>) target_semaphore(%arg17 : memref<!tpu.dma_semaphore, #tpu.memory_space<semaphore_mem>>)
      %dma_start3A_251 = arith.constant 0 : i32
      %dma_start3A_252 = tpu.memref_slice %arg16[%add3A_240, %dma_start3A_251] : memref<128x64xf32, #tpu.memory_space<vmem>> -> memref<1x64xf32, #tpu.memory_space<vmem>>
      %dma_start3A_253 = arith.constant 0 : i32
      %dma_start3A_254 = tpu.memref_slice %arg6[%squeeze3A_242, %dma_start3A_253] : memref<1000000x64xf32, #tpu.memory_space<hbm>> -> memref<1x64xf32, #tpu.memory_space<hbm>>
      %dma_start3A_255 = arith.constant 0 : i32
      %dma_start3A_256 = tpu.memref_slice %arg16[%add3A_240, %dma_start3A_255] : memref<128x64xf32, #tpu.memory_space<vmem>> -> memref<1x64xf32, #tpu.memory_space<vmem>>
      %dma_start3A_257 = arith.constant 0 : i32
      %dma_start3A_258 = tpu.memref_slice %arg6[%squeeze3A_242, %dma_start3A_257] : memref<1000000x64xf32, #tpu.memory_space<hbm>> -> memref<1x64xf32, #tpu.memory_space<hbm>>
      tpu.enqueue_dma source(%dma_start3A_258 : memref<1x64xf32, #tpu.memory_space<hbm>>) target(%dma_start3A_256 : memref<1x64xf32, #tpu.memory_space<vmem>>) target_semaphore(%arg17 : memref<!tpu.dma_semaphore, #tpu.memory_space<semaphore_mem>>)
      %mul3A_259 = arith.constant 16 : i32
      %mul3A_260 = arith.muli %add3A_80, %mul3A_259 : i32
      %add3A_261 = arith.constant 8 : i32
      %add3A_262 = arith.addi %mul3A_260, %add3A_261 : i32
      %slice3A_263 = vector.extract_strided_slice %get3A_84 {offsets = [8], sizes = [1], strides = [1]} : vector<16xi32> to vector<1xi32>
      %squeeze3A_264 = vector.extract %slice3A_263[0] : i32 from vector<1xi32>
      %dma_start3A_265 = arith.constant 0 : i32
      %dma_start3A_266 = tpu.memref_slice %arg15[%add3A_262, %dma_start3A_265] : memref<128x64xf32, #tpu.memory_space<vmem>> -> memref<1x64xf32, #tpu.memory_space<vmem>>
      %dma_start3A_267 = arith.constant 0 : i32
      %dma_start3A_268 = tpu.memref_slice %arg5[%squeeze3A_264, %dma_start3A_267] : memref<1000000x64xf32, #tpu.memory_space<hbm>> -> memref<1x64xf32, #tpu.memory_space<hbm>>
      %dma_start3A_269 = arith.constant 0 : i32
      %dma_start3A_270 = tpu.memref_slice %arg15[%add3A_262, %dma_start3A_269] : memref<128x64xf32, #tpu.memory_space<vmem>> -> memref<1x64xf32, #tpu.memory_space<vmem>>
      %dma_start3A_271 = arith.constant 0 : i32
      %dma_start3A_272 = tpu.memref_slice %arg5[%squeeze3A_264, %dma_start3A_271] : memref<1000000x64xf32, #tpu.memory_space<hbm>> -> memref<1x64xf32, #tpu.memory_space<hbm>>
      tpu.enqueue_dma source(%dma_start3A_272 : memref<1x64xf32, #tpu.memory_space<hbm>>) target(%dma_start3A_270 : memref<1x64xf32, #tpu.memory_space<vmem>>) target_semaphore(%arg17 : memref<!tpu.dma_semaphore, #tpu.memory_space<semaphore_mem>>)
      %dma_start3A_273 = arith.constant 0 : i32
      %dma_start3A_274 = tpu.memref_slice %arg16[%add3A_262, %dma_start3A_273] : memref<128x64xf32, #tpu.memory_space<vmem>> -> memref<1x64xf32, #tpu.memory_space<vmem>>
      %dma_start3A_275 = arith.constant 0 : i32
      %dma_start3A_276 = tpu.memref_slice %arg6[%squeeze3A_264, %dma_start3A_275] : memref<1000000x64xf32, #tpu.memory_space<hbm>> -> memref<1x64xf32, #tpu.memory_space<hbm>>
      %dma_start3A_277 = arith.constant 0 : i32
      %dma_start3A_278 = tpu.memref_slice %arg16[%add3A_262, %dma_start3A_277] : memref<128x64xf32, #tpu.memory_space<vmem>> -> memref<1x64xf32, #tpu.memory_space<vmem>>
      %dma_start3A_279 = arith.constant 0 : i32
      %dma_start3A_280 = tpu.memref_slice %arg6[%squeeze3A_264, %dma_start3A_279] : memref<1000000x64xf32, #tpu.memory_space<hbm>> -> memref<1x64xf32, #tpu.memory_space<hbm>>
      tpu.enqueue_dma source(%dma_start3A_280 : memref<1x64xf32, #tpu.memory_space<hbm>>) target(%dma_start3A_278 : memref<1x64xf32, #tpu.memory_space<vmem>>) target_semaphore(%arg17 : memref<!tpu.dma_semaphore, #tpu.memory_space<semaphore_mem>>)
      %mul3A_281 = arith.constant 16 : i32
      %mul3A_282 = arith.muli %add3A_80, %mul3A_281 : i32
      %add3A_283 = arith.constant 9 : i32
      %add3A_284 = arith.addi %mul3A_282, %add3A_283 : i32
      %slice3A_285 = vector.extract_strided_slice %get3A_84 {offsets = [9], sizes = [1], strides = [1]} : vector<16xi32> to vector<1xi32>
      %squeeze3A_286 = vector.extract %slice3A_285[0] : i32 from vector<1xi32>
      %dma_start3A_287 = arith.constant 0 : i32
      %dma_start3A_288 = tpu.memref_slice %arg15[%add3A_284, %dma_start3A_287] : memref<128x64xf32, #tpu.memory_space<vmem>> -> memref<1x64xf32, #tpu.memory_space<vmem>>
      %dma_start3A_289 = arith.constant 0 : i32
      %dma_start3A_290 = tpu.memref_slice %arg5[%squeeze3A_286, %dma_start3A_289] : memref<1000000x64xf32, #tpu.memory_space<hbm>> -> memref<1x64xf32, #tpu.memory_space<hbm>>
      %dma_start3A_291 = arith.constant 0 : i32
      %dma_start3A_292 = tpu.memref_slice %arg15[%add3A_284, %dma_start3A_291] : memref<128x64xf32, #tpu.memory_space<vmem>> -> memref<1x64xf32, #tpu.memory_space<vmem>>
      %dma_start3A_293 = arith.constant 0 : i32
      %dma_start3A_294 = tpu.memref_slice %arg5[%squeeze3A_286, %dma_start3A_293] : memref<1000000x64xf32, #tpu.memory_space<hbm>> -> memref<1x64xf32, #tpu.memory_space<hbm>>
      tpu.enqueue_dma source(%dma_start3A_294 : memref<1x64xf32, #tpu.memory_space<hbm>>) target(%dma_start3A_292 : memref<1x64xf32, #tpu.memory_space<vmem>>) target_semaphore(%arg17 : memref<!tpu.dma_semaphore, #tpu.memory_space<semaphore_mem>>)
      %dma_start3A_295 = arith.constant 0 : i32
      %dma_start3A_296 = tpu.memref_slice %arg16[%add3A_284, %dma_start3A_295] : memref<128x64xf32, #tpu.memory_space<vmem>> -> memref<1x64xf32, #tpu.memory_space<vmem>>
      %dma_start3A_297 = arith.constant 0 : i32
      %dma_start3A_298 = tpu.memref_slice %arg6[%squeeze3A_286, %dma_start3A_297] : memref<1000000x64xf32, #tpu.memory_space<hbm>> -> memref<1x64xf32, #tpu.memory_space<hbm>>
      %dma_start3A_299 = arith.constant 0 : i32
      %dma_start3A_300 = tpu.memref_slice %arg16[%add3A_284, %dma_start3A_299] : memref<128x64xf32, #tpu.memory_space<vmem>> -> memref<1x64xf32, #tpu.memory_space<vmem>>
      %dma_start3A_301 = arith.constant 0 : i32
      %dma_start3A_302 = tpu.memref_slice %arg6[%squeeze3A_286, %dma_start3A_301] : memref<1000000x64xf32, #tpu.memory_space<hbm>> -> memref<1x64xf32, #tpu.memory_space<hbm>>
      tpu.enqueue_dma source(%dma_start3A_302 : memref<1x64xf32, #tpu.memory_space<hbm>>) target(%dma_start3A_300 : memref<1x64xf32, #tpu.memory_space<vmem>>) target_semaphore(%arg17 : memref<!tpu.dma_semaphore, #tpu.memory_space<semaphore_mem>>)
      %mul3A_303 = arith.constant 16 : i32
      %mul3A_304 = arith.muli %add3A_80, %mul3A_303 : i32
      %add3A_305 = arith.constant 10 : i32
      %add3A_306 = arith.addi %mul3A_304, %add3A_305 : i32
      %slice3A_307 = vector.extract_strided_slice %get3A_84 {offsets = [10], sizes = [1], strides = [1]} : vector<16xi32> to vector<1xi32>
      %squeeze3A_308 = vector.extract %slice3A_307[0] : i32 from vector<1xi32>
      %dma_start3A_309 = arith.constant 0 : i32
      %dma_start3A_310 = tpu.memref_slice %arg15[%add3A_306, %dma_start3A_309] : memref<128x64xf32, #tpu.memory_space<vmem>> -> memref<1x64xf32, #tpu.memory_space<vmem>>
      %dma_start3A_311 = arith.constant 0 : i32
      %dma_start3A_312 = tpu.memref_slice %arg5[%squeeze3A_308, %dma_start3A_311] : memref<1000000x64xf32, #tpu.memory_space<hbm>> -> memref<1x64xf32, #tpu.memory_space<hbm>>
      %dma_start3A_313 = arith.constant 0 : i32
      %dma_start3A_314 = tpu.memref_slice %arg15[%add3A_306, %dma_start3A_313] : memref<128x64xf32, #tpu.memory_space<vmem>> -> memref<1x64xf32, #tpu.memory_space<vmem>>
      %dma_start3A_315 = arith.constant 0 : i32
      %dma_start3A_316 = tpu.memref_slice %arg5[%squeeze3A_308, %dma_start3A_315] : memref<1000000x64xf32, #tpu.memory_space<hbm>> -> memref<1x64xf32, #tpu.memory_space<hbm>>
      tpu.enqueue_dma source(%dma_start3A_316 : memref<1x64xf32, #tpu.memory_space<hbm>>) target(%dma_start3A_314 : memref<1x64xf32, #tpu.memory_space<vmem>>) target_semaphore(%arg17 : memref<!tpu.dma_semaphore, #tpu.memory_space<semaphore_mem>>)
      %dma_start3A_317 = arith.constant 0 : i32
      %dma_start3A_318 = tpu.memref_slice %arg16[%add3A_306, %dma_start3A_317] : memref<128x64xf32, #tpu.memory_space<vmem>> -> memref<1x64xf32, #tpu.memory_space<vmem>>
      %dma_start3A_319 = arith.constant 0 : i32
      %dma_start3A_320 = tpu.memref_slice %arg6[%squeeze3A_308, %dma_start3A_319] : memref<1000000x64xf32, #tpu.memory_space<hbm>> -> memref<1x64xf32, #tpu.memory_space<hbm>>
      %dma_start3A_321 = arith.constant 0 : i32
      %dma_start3A_322 = tpu.memref_slice %arg16[%add3A_306, %dma_start3A_321] : memref<128x64xf32, #tpu.memory_space<vmem>> -> memref<1x64xf32, #tpu.memory_space<vmem>>
      %dma_start3A_323 = arith.constant 0 : i32
      %dma_start3A_324 = tpu.memref_slice %arg6[%squeeze3A_308, %dma_start3A_323] : memref<1000000x64xf32, #tpu.memory_space<hbm>> -> memref<1x64xf32, #tpu.memory_space<hbm>>
      tpu.enqueue_dma source(%dma_start3A_324 : memref<1x64xf32, #tpu.memory_space<hbm>>) target(%dma_start3A_322 : memref<1x64xf32, #tpu.memory_space<vmem>>) target_semaphore(%arg17 : memref<!tpu.dma_semaphore, #tpu.memory_space<semaphore_mem>>)
      %mul3A_325 = arith.constant 16 : i32
      %mul3A_326 = arith.muli %add3A_80, %mul3A_325 : i32
      %add3A_327 = arith.constant 11 : i32
      %add3A_328 = arith.addi %mul3A_326, %add3A_327 : i32
      %slice3A_329 = vector.extract_strided_slice %get3A_84 {offsets = [11], sizes = [1], strides = [1]} : vector<16xi32> to vector<1xi32>
      %squeeze3A_330 = vector.extract %slice3A_329[0] : i32 from vector<1xi32>
      %dma_start3A_331 = arith.constant 0 : i32
      %dma_start3A_332 = tpu.memref_slice %arg15[%add3A_328, %dma_start3A_331] : memref<128x64xf32, #tpu.memory_space<vmem>> -> memref<1x64xf32, #tpu.memory_space<vmem>>
      %dma_start3A_333 = arith.constant 0 : i32
      %dma_start3A_334 = tpu.memref_slice %arg5[%squeeze3A_330, %dma_start3A_333] : memref<1000000x64xf32, #tpu.memory_space<hbm>> -> memref<1x64xf32, #tpu.memory_space<hbm>>
      %dma_start3A_335 = arith.constant 0 : i32
      %dma_start3A_336 = tpu.memref_slice %arg15[%add3A_328, %dma_start3A_335] : memref<128x64xf32, #tpu.memory_space<vmem>> -> memref<1x64xf32, #tpu.memory_space<vmem>>
      %dma_start3A_337 = arith.constant 0 : i32
      %dma_start3A_338 = tpu.memref_slice %arg5[%squeeze3A_330, %dma_start3A_337] : memref<1000000x64xf32, #tpu.memory_space<hbm>> -> memref<1x64xf32, #tpu.memory_space<hbm>>
      tpu.enqueue_dma source(%dma_start3A_338 : memref<1x64xf32, #tpu.memory_space<hbm>>) target(%dma_start3A_336 : memref<1x64xf32, #tpu.memory_space<vmem>>) target_semaphore(%arg17 : memref<!tpu.dma_semaphore, #tpu.memory_space<semaphore_mem>>)
      %dma_start3A_339 = arith.constant 0 : i32
      %dma_start3A_340 = tpu.memref_slice %arg16[%add3A_328, %dma_start3A_339] : memref<128x64xf32, #tpu.memory_space<vmem>> -> memref<1x64xf32, #tpu.memory_space<vmem>>
      %dma_start3A_341 = arith.constant 0 : i32
      %dma_start3A_342 = tpu.memref_slice %arg6[%squeeze3A_330, %dma_start3A_341] : memref<1000000x64xf32, #tpu.memory_space<hbm>> -> memref<1x64xf32, #tpu.memory_space<hbm>>
      %dma_start3A_343 = arith.constant 0 : i32
      %dma_start3A_344 = tpu.memref_slice %arg16[%add3A_328, %dma_start3A_343] : memref<128x64xf32, #tpu.memory_space<vmem>> -> memref<1x64xf32, #tpu.memory_space<vmem>>
      %dma_start3A_345 = arith.constant 0 : i32
      %dma_start3A_346 = tpu.memref_slice %arg6[%squeeze3A_330, %dma_start3A_345] : memref<1000000x64xf32, #tpu.memory_space<hbm>> -> memref<1x64xf32, #tpu.memory_space<hbm>>
      tpu.enqueue_dma source(%dma_start3A_346 : memref<1x64xf32, #tpu.memory_space<hbm>>) target(%dma_start3A_344 : memref<1x64xf32, #tpu.memory_space<vmem>>) target_semaphore(%arg17 : memref<!tpu.dma_semaphore, #tpu.memory_space<semaphore_mem>>)
      %mul3A_347 = arith.constant 16 : i32
      %mul3A_348 = arith.muli %add3A_80, %mul3A_347 : i32
      %add3A_349 = arith.constant 12 : i32
      %add3A_350 = arith.addi %mul3A_348, %add3A_349 : i32
      %slice3A_351 = vector.extract_strided_slice %get3A_84 {offsets = [12], sizes = [1], strides = [1]} : vector<16xi32> to vector<1xi32>
      %squeeze3A_352 = vector.extract %slice3A_351[0] : i32 from vector<1xi32>
      %dma_start3A_353 = arith.constant 0 : i32
      %dma_start3A_354 = tpu.memref_slice %arg15[%add3A_350, %dma_start3A_353] : memref<128x64xf32, #tpu.memory_space<vmem>> -> memref<1x64xf32, #tpu.memory_space<vmem>>
      %dma_start3A_355 = arith.constant 0 : i32
      %dma_start3A_356 = tpu.memref_slice %arg5[%squeeze3A_352, %dma_start3A_355] : memref<1000000x64xf32, #tpu.memory_space<hbm>> -> memref<1x64xf32, #tpu.memory_space<hbm>>
      %dma_start3A_357 = arith.constant 0 : i32
      %dma_start3A_358 = tpu.memref_slice %arg15[%add3A_350, %dma_start3A_357] : memref<128x64xf32, #tpu.memory_space<vmem>> -> memref<1x64xf32, #tpu.memory_space<vmem>>
      %dma_start3A_359 = arith.constant 0 : i32
      %dma_start3A_360 = tpu.memref_slice %arg5[%squeeze3A_352, %dma_start3A_359] : memref<1000000x64xf32, #tpu.memory_space<hbm>> -> memref<1x64xf32, #tpu.memory_space<hbm>>
      tpu.enqueue_dma source(%dma_start3A_360 : memref<1x64xf32, #tpu.memory_space<hbm>>) target(%dma_start3A_358 : memref<1x64xf32, #tpu.memory_space<vmem>>) target_semaphore(%arg17 : memref<!tpu.dma_semaphore, #tpu.memory_space<semaphore_mem>>)
      %dma_start3A_361 = arith.constant 0 : i32
      %dma_start3A_362 = tpu.memref_slice %arg16[%add3A_350, %dma_start3A_361] : memref<128x64xf32, #tpu.memory_space<vmem>> -> memref<1x64xf32, #tpu.memory_space<vmem>>
      %dma_start3A_363 = arith.constant 0 : i32
      %dma_start3A_364 = tpu.memref_slice %arg6[%squeeze3A_352, %dma_start3A_363] : memref<1000000x64xf32, #tpu.memory_space<hbm>> -> memref<1x64xf32, #tpu.memory_space<hbm>>
      %dma_start3A_365 = arith.constant 0 : i32
      %dma_start3A_366 = tpu.memref_slice %arg16[%add3A_350, %dma_start3A_365] : memref<128x64xf32, #tpu.memory_space<vmem>> -> memref<1x64xf32, #tpu.memory_space<vmem>>
      %dma_start3A_367 = arith.constant 0 : i32
      %dma_start3A_368 = tpu.memref_slice %arg6[%squeeze3A_352, %dma_start3A_367] : memref<1000000x64xf32, #tpu.memory_space<hbm>> -> memref<1x64xf32, #tpu.memory_space<hbm>>
      tpu.enqueue_dma source(%dma_start3A_368 : memref<1x64xf32, #tpu.memory_space<hbm>>) target(%dma_start3A_366 : memref<1x64xf32, #tpu.memory_space<vmem>>) target_semaphore(%arg17 : memref<!tpu.dma_semaphore, #tpu.memory_space<semaphore_mem>>)
      %mul3A_369 = arith.constant 16 : i32
      %mul3A_370 = arith.muli %add3A_80, %mul3A_369 : i32
      %add3A_371 = arith.constant 13 : i32
      %add3A_372 = arith.addi %mul3A_370, %add3A_371 : i32
      %slice3A_373 = vector.extract_strided_slice %get3A_84 {offsets = [13], sizes = [1], strides = [1]} : vector<16xi32> to vector<1xi32>
      %squeeze3A_374 = vector.extract %slice3A_373[0] : i32 from vector<1xi32>
      %dma_start3A_375 = arith.constant 0 : i32
      %dma_start3A_376 = tpu.memref_slice %arg15[%add3A_372, %dma_start3A_375] : memref<128x64xf32, #tpu.memory_space<vmem>> -> memref<1x64xf32, #tpu.memory_space<vmem>>
      %dma_start3A_377 = arith.constant 0 : i32
      %dma_start3A_378 = tpu.memref_slice %arg5[%squeeze3A_374, %dma_start3A_377] : memref<1000000x64xf32, #tpu.memory_space<hbm>> -> memref<1x64xf32, #tpu.memory_space<hbm>>
      %dma_start3A_379 = arith.constant 0 : i32
      %dma_start3A_380 = tpu.memref_slice %arg15[%add3A_372, %dma_start3A_379] : memref<128x64xf32, #tpu.memory_space<vmem>> -> memref<1x64xf32, #tpu.memory_space<vmem>>
      %dma_start3A_381 = arith.constant 0 : i32
      %dma_start3A_382 = tpu.memref_slice %arg5[%squeeze3A_374, %dma_start3A_381] : memref<1000000x64xf32, #tpu.memory_space<hbm>> -> memref<1x64xf32, #tpu.memory_space<hbm>>
      tpu.enqueue_dma source(%dma_start3A_382 : memref<1x64xf32, #tpu.memory_space<hbm>>) target(%dma_start3A_380 : memref<1x64xf32, #tpu.memory_space<vmem>>) target_semaphore(%arg17 : memref<!tpu.dma_semaphore, #tpu.memory_space<semaphore_mem>>)
      %dma_start3A_383 = arith.constant 0 : i32
      %dma_start3A_384 = tpu.memref_slice %arg16[%add3A_372, %dma_start3A_383] : memref<128x64xf32, #tpu.memory_space<vmem>> -> memref<1x64xf32, #tpu.memory_space<vmem>>
      %dma_start3A_385 = arith.constant 0 : i32
      %dma_start3A_386 = tpu.memref_slice %arg6[%squeeze3A_374, %dma_start3A_385] : memref<1000000x64xf32, #tpu.memory_space<hbm>> -> memref<1x64xf32, #tpu.memory_space<hbm>>
      %dma_start3A_387 = arith.constant 0 : i32
      %dma_start3A_388 = tpu.memref_slice %arg16[%add3A_372, %dma_start3A_387] : memref<128x64xf32, #tpu.memory_space<vmem>> -> memref<1x64xf32, #tpu.memory_space<vmem>>
      %dma_start3A_389 = arith.constant 0 : i32
      %dma_start3A_390 = tpu.memref_slice %arg6[%squeeze3A_374, %dma_start3A_389] : memref<1000000x64xf32, #tpu.memory_space<hbm>> -> memref<1x64xf32, #tpu.memory_space<hbm>>
      tpu.enqueue_dma source(%dma_start3A_390 : memref<1x64xf32, #tpu.memory_space<hbm>>) target(%dma_start3A_388 : memref<1x64xf32, #tpu.memory_space<vmem>>) target_semaphore(%arg17 : memref<!tpu.dma_semaphore, #tpu.memory_space<semaphore_mem>>)
      %mul3A_391 = arith.constant 16 : i32
      %mul3A_392 = arith.muli %add3A_80, %mul3A_391 : i32
      %add3A_393 = arith.constant 14 : i32
      %add3A_394 = arith.addi %mul3A_392, %add3A_393 : i32
      %slice3A_395 = vector.extract_strided_slice %get3A_84 {offsets = [14], sizes = [1], strides = [1]} : vector<16xi32> to vector<1xi32>
      %squeeze3A_396 = vector.extract %slice3A_395[0] : i32 from vector<1xi32>
      %dma_start3A_397 = arith.constant 0 : i32
      %dma_start3A_398 = tpu.memref_slice %arg15[%add3A_394, %dma_start3A_397] : memref<128x64xf32, #tpu.memory_space<vmem>> -> memref<1x64xf32, #tpu.memory_space<vmem>>
      %dma_start3A_399 = arith.constant 0 : i32
      %dma_start3A_400 = tpu.memref_slice %arg5[%squeeze3A_396, %dma_start3A_399] : memref<1000000x64xf32, #tpu.memory_space<hbm>> -> memref<1x64xf32, #tpu.memory_space<hbm>>
      %dma_start3A_401 = arith.constant 0 : i32
      %dma_start3A_402 = tpu.memref_slice %arg15[%add3A_394, %dma_start3A_401] : memref<128x64xf32, #tpu.memory_space<vmem>> -> memref<1x64xf32, #tpu.memory_space<vmem>>
      %dma_start3A_403 = arith.constant 0 : i32
      %dma_start3A_404 = tpu.memref_slice %arg5[%squeeze3A_396, %dma_start3A_403] : memref<1000000x64xf32, #tpu.memory_space<hbm>> -> memref<1x64xf32, #tpu.memory_space<hbm>>
      tpu.enqueue_dma source(%dma_start3A_404 : memref<1x64xf32, #tpu.memory_space<hbm>>) target(%dma_start3A_402 : memref<1x64xf32, #tpu.memory_space<vmem>>) target_semaphore(%arg17 : memref<!tpu.dma_semaphore, #tpu.memory_space<semaphore_mem>>)
      %dma_start3A_405 = arith.constant 0 : i32
      %dma_start3A_406 = tpu.memref_slice %arg16[%add3A_394, %dma_start3A_405] : memref<128x64xf32, #tpu.memory_space<vmem>> -> memref<1x64xf32, #tpu.memory_space<vmem>>
      %dma_start3A_407 = arith.constant 0 : i32
      %dma_start3A_408 = tpu.memref_slice %arg6[%squeeze3A_396, %dma_start3A_407] : memref<1000000x64xf32, #tpu.memory_space<hbm>> -> memref<1x64xf32, #tpu.memory_space<hbm>>
      %dma_start3A_409 = arith.constant 0 : i32
      %dma_start3A_410 = tpu.memref_slice %arg16[%add3A_394, %dma_start3A_409] : memref<128x64xf32, #tpu.memory_space<vmem>> -> memref<1x64xf32, #tpu.memory_space<vmem>>
      %dma_start3A_411 = arith.constant 0 : i32
      %dma_start3A_412 = tpu.memref_slice %arg6[%squeeze3A_396, %dma_start3A_411] : memref<1000000x64xf32, #tpu.memory_space<hbm>> -> memref<1x64xf32, #tpu.memory_space<hbm>>
      tpu.enqueue_dma source(%dma_start3A_412 : memref<1x64xf32, #tpu.memory_space<hbm>>) target(%dma_start3A_410 : memref<1x64xf32, #tpu.memory_space<vmem>>) target_semaphore(%arg17 : memref<!tpu.dma_semaphore, #tpu.memory_space<semaphore_mem>>)
      %mul3A_413 = arith.constant 16 : i32
      %mul3A_414 = arith.muli %add3A_80, %mul3A_413 : i32
      %add3A_415 = arith.constant 15 : i32
      %add3A_416 = arith.addi %mul3A_414, %add3A_415 : i32
      %slice3A_417 = vector.extract_strided_slice %get3A_84 {offsets = [15], sizes = [1], strides = [1]} : vector<16xi32> to vector<1xi32>
      %squeeze3A_418 = vector.extract %slice3A_417[0] : i32 from vector<1xi32>
      %dma_start3A_419 = arith.constant 0 : i32
      %dma_start3A_420 = tpu.memref_slice %arg15[%add3A_416, %dma_start3A_419] : memref<128x64xf32, #tpu.memory_space<vmem>> -> memref<1x64xf32, #tpu.memory_space<vmem>>
      %dma_start3A_421 = arith.constant 0 : i32
      %dma_start3A_422 = tpu.memref_slice %arg5[%squeeze3A_418, %dma_start3A_421] : memref<1000000x64xf32, #tpu.memory_space<hbm>> -> memref<1x64xf32, #tpu.memory_space<hbm>>
      %dma_start3A_423 = arith.constant 0 : i32
      %dma_start3A_424 = tpu.memref_slice %arg15[%add3A_416, %dma_start3A_423] : memref<128x64xf32, #tpu.memory_space<vmem>> -> memref<1x64xf32, #tpu.memory_space<vmem>>
      %dma_start3A_425 = arith.constant 0 : i32
      %dma_start3A_426 = tpu.memref_slice %arg5[%squeeze3A_418, %dma_start3A_425] : memref<1000000x64xf32, #tpu.memory_space<hbm>> -> memref<1x64xf32, #tpu.memory_space<hbm>>
      tpu.enqueue_dma source(%dma_start3A_426 : memref<1x64xf32, #tpu.memory_space<hbm>>) target(%dma_start3A_424 : memref<1x64xf32, #tpu.memory_space<vmem>>) target_semaphore(%arg17 : memref<!tpu.dma_semaphore, #tpu.memory_space<semaphore_mem>>)
      %dma_start3A_427 = arith.constant 0 : i32
      %dma_start3A_428 = tpu.memref_slice %arg16[%add3A_416, %dma_start3A_427] : memref<128x64xf32, #tpu.memory_space<vmem>> -> memref<1x64xf32, #tpu.memory_space<vmem>>
      %dma_start3A_429 = arith.constant 0 : i32
      %dma_start3A_430 = tpu.memref_slice %arg6[%squeeze3A_418, %dma_start3A_429] : memref<1000000x64xf32, #tpu.memory_space<hbm>> -> memref<1x64xf32, #tpu.memory_space<hbm>>
      %dma_start3A_431 = arith.constant 0 : i32
      %dma_start3A_432 = tpu.memref_slice %arg16[%add3A_416, %dma_start3A_431] : memref<128x64xf32, #tpu.memory_space<vmem>> -> memref<1x64xf32, #tpu.memory_space<vmem>>
      %dma_start3A_433 = arith.constant 0 : i32
      %dma_start3A_434 = tpu.memref_slice %arg6[%squeeze3A_418, %dma_start3A_433] : memref<1000000x64xf32, #tpu.memory_space<hbm>> -> memref<1x64xf32, #tpu.memory_space<hbm>>
      tpu.enqueue_dma source(%dma_start3A_434 : memref<1x64xf32, #tpu.memory_space<hbm>>) target(%dma_start3A_432 : memref<1x64xf32, #tpu.memory_space<vmem>>) target_semaphore(%arg17 : memref<!tpu.dma_semaphore, #tpu.memory_space<semaphore_mem>>)
      %dma_wait3A_435 = arith.constant 0 : i32
      %dma_wait3A_436 = tpu.memref_slice %arg15[%add3A_88, %dma_wait3A_435] : memref<128x64xf32, #tpu.memory_space<vmem>> -> memref<1x64xf32, #tpu.memory_space<vmem>>
      %dma_wait3A_437 = arith.constant 0 : i32
      %dma_wait3A_438 = tpu.memref_slice %arg5[%squeeze3A, %dma_wait3A_437] : memref<1000000x64xf32, #tpu.memory_space<hbm>> -> memref<1x64xf32, #tpu.memory_space<hbm>>
      %dma_wait3A_439 = arith.constant 0 : i32
      %dma_wait3A_440 = tpu.memref_slice %arg15[%add3A_88, %dma_wait3A_439] : memref<128x64xf32, #tpu.memory_space<vmem>> -> memref<1x64xf32, #tpu.memory_space<vmem>>
      %dma_wait3A_441 = arith.constant 0 : i32
      %dma_wait3A_442 = tpu.memref_slice %arg5[%squeeze3A, %dma_wait3A_441] : memref<1000000x64xf32, #tpu.memory_space<hbm>> -> memref<1x64xf32, #tpu.memory_space<hbm>>
      tpu.wait_dma2 semaphore(%arg17 : memref<!tpu.dma_semaphore, #tpu.memory_space<semaphore_mem>>) src(%dma_wait3A_442 : memref<1x64xf32, #tpu.memory_space<hbm>>) dst(%dma_wait3A_440 : memref<1x64xf32, #tpu.memory_space<vmem>>)
      %dma_wait3A_443 = arith.constant 0 : i32
      %dma_wait3A_444 = tpu.memref_slice %arg16[%add3A_88, %dma_wait3A_443] : memref<128x64xf32, #tpu.memory_space<vmem>> -> memref<1x64xf32, #tpu.memory_space<vmem>>
      %dma_wait3A_445 = arith.constant 0 : i32
      %dma_wait3A_446 = tpu.memref_slice %arg6[%squeeze3A, %dma_wait3A_445] : memref<1000000x64xf32, #tpu.memory_space<hbm>> -> memref<1x64xf32, #tpu.memory_space<hbm>>
      %dma_wait3A_447 = arith.constant 0 : i32
      %dma_wait3A_448 = tpu.memref_slice %arg16[%add3A_88, %dma_wait3A_447] : memref<128x64xf32, #tpu.memory_space<vmem>> -> memref<1x64xf32, #tpu.memory_space<vmem>>
      %dma_wait3A_449 = arith.constant 0 : i32
      %dma_wait3A_450 = tpu.memref_slice %arg6[%squeeze3A, %dma_wait3A_449] : memref<1000000x64xf32, #tpu.memory_space<hbm>> -> memref<1x64xf32, #tpu.memory_space<hbm>>
      tpu.wait_dma2 semaphore(%arg17 : memref<!tpu.dma_semaphore, #tpu.memory_space<semaphore_mem>>) src(%dma_wait3A_450 : memref<1x64xf32, #tpu.memory_space<hbm>>) dst(%dma_wait3A_448 : memref<1x64xf32, #tpu.memory_space<vmem>>)
      %dma_wait3A_451 = arith.constant 0 : i32
      %dma_wait3A_452 = tpu.memref_slice %arg15[%add3A_108, %dma_wait3A_451] : memref<128x64xf32, #tpu.memory_space<vmem>> -> memref<1x64xf32, #tpu.memory_space<vmem>>
      %dma_wait3A_453 = arith.constant 0 : i32
      %dma_wait3A_454 = tpu.memref_slice %arg5[%squeeze3A_110, %dma_wait3A_453] : memref<1000000x64xf32, #tpu.memory_space<hbm>> -> memref<1x64xf32, #tpu.memory_space<hbm>>
      %dma_wait3A_455 = arith.constant 0 : i32
      %dma_wait3A_456 = tpu.memref_slice %arg15[%add3A_108, %dma_wait3A_455] : memref<128x64xf32, #tpu.memory_space<vmem>> -> memref<1x64xf32, #tpu.memory_space<vmem>>
      %dma_wait3A_457 = arith.constant 0 : i32
      %dma_wait3A_458 = tpu.memref_slice %arg5[%squeeze3A_110, %dma_wait3A_457] : memref<1000000x64xf32, #tpu.memory_space<hbm>> -> memref<1x64xf32, #tpu.memory_space<hbm>>
      tpu.wait_dma2 semaphore(%arg17 : memref<!tpu.dma_semaphore, #tpu.memory_space<semaphore_mem>>) src(%dma_wait3A_458 : memref<1x64xf32, #tpu.memory_space<hbm>>) dst(%dma_wait3A_456 : memref<1x64xf32, #tpu.memory_space<vmem>>)
      %dma_wait3A_459 = arith.constant 0 : i32
      %dma_wait3A_460 = tpu.memref_slice %arg16[%add3A_108, %dma_wait3A_459] : memref<128x64xf32, #tpu.memory_space<vmem>> -> memref<1x64xf32, #tpu.memory_space<vmem>>
      %dma_wait3A_461 = arith.constant 0 : i32
      %dma_wait3A_462 = tpu.memref_slice %arg6[%squeeze3A_110, %dma_wait3A_461] : memref<1000000x64xf32, #tpu.memory_space<hbm>> -> memref<1x64xf32, #tpu.memory_space<hbm>>
      %dma_wait3A_463 = arith.constant 0 : i32
      %dma_wait3A_464 = tpu.memref_slice %arg16[%add3A_108, %dma_wait3A_463] : memref<128x64xf32, #tpu.memory_space<vmem>> -> memref<1x64xf32, #tpu.memory_space<vmem>>
      %dma_wait3A_465 = arith.constant 0 : i32
      %dma_wait3A_466 = tpu.memref_slice %arg6[%squeeze3A_110, %dma_wait3A_465] : memref<1000000x64xf32, #tpu.memory_space<hbm>> -> memref<1x64xf32, #tpu.memory_space<hbm>>
      tpu.wait_dma2 semaphore(%arg17 : memref<!tpu.dma_semaphore, #tpu.memory_space<semaphore_mem>>) src(%dma_wait3A_466 : memref<1x64xf32, #tpu.memory_space<hbm>>) dst(%dma_wait3A_464 : memref<1x64xf32, #tpu.memory_space<vmem>>)
      %dma_wait3A_467 = arith.constant 0 : i32
      %dma_wait3A_468 = tpu.memref_slice %arg15[%add3A_130, %dma_wait3A_467] : memref<128x64xf32, #tpu.memory_space<vmem>> -> memref<1x64xf32, #tpu.memory_space<vmem>>
      %dma_wait3A_469 = arith.constant 0 : i32
      %dma_wait3A_470 = tpu.memref_slice %arg5[%squeeze3A_132, %dma_wait3A_469] : memref<1000000x64xf32, #tpu.memory_space<hbm>> -> memref<1x64xf32, #tpu.memory_space<hbm>>
      %dma_wait3A_471 = arith.constant 0 : i32
      %dma_wait3A_472 = tpu.memref_slice %arg15[%add3A_130, %dma_wait3A_471] : memref<128x64xf32, #tpu.memory_space<vmem>> -> memref<1x64xf32, #tpu.memory_space<vmem>>
      %dma_wait3A_473 = arith.constant 0 : i32
      %dma_wait3A_474 = tpu.memref_slice %arg5[%squeeze3A_132, %dma_wait3A_473] : memref<1000000x64xf32, #tpu.memory_space<hbm>> -> memref<1x64xf32, #tpu.memory_space<hbm>>
      tpu.wait_dma2 semaphore(%arg17 : memref<!tpu.dma_semaphore, #tpu.memory_space<semaphore_mem>>) src(%dma_wait3A_474 : memref<1x64xf32, #tpu.memory_space<hbm>>) dst(%dma_wait3A_472 : memref<1x64xf32, #tpu.memory_space<vmem>>)
      %dma_wait3A_475 = arith.constant 0 : i32
      %dma_wait3A_476 = tpu.memref_slice %arg16[%add3A_130, %dma_wait3A_475] : memref<128x64xf32, #tpu.memory_space<vmem>> -> memref<1x64xf32, #tpu.memory_space<vmem>>
      %dma_wait3A_477 = arith.constant 0 : i32
      %dma_wait3A_478 = tpu.memref_slice %arg6[%squeeze3A_132, %dma_wait3A_477] : memref<1000000x64xf32, #tpu.memory_space<hbm>> -> memref<1x64xf32, #tpu.memory_space<hbm>>
      %dma_wait3A_479 = arith.constant 0 : i32
      %dma_wait3A_480 = tpu.memref_slice %arg16[%add3A_130, %dma_wait3A_479] : memref<128x64xf32, #tpu.memory_space<vmem>> -> memref<1x64xf32, #tpu.memory_space<vmem>>
      %dma_wait3A_481 = arith.constant 0 : i32
      %dma_wait3A_482 = tpu.memref_slice %arg6[%squeeze3A_132, %dma_wait3A_481] : memref<1000000x64xf32, #tpu.memory_space<hbm>> -> memref<1x64xf32, #tpu.memory_space<hbm>>
      tpu.wait_dma2 semaphore(%arg17 : memref<!tpu.dma_semaphore, #tpu.memory_space<semaphore_mem>>) src(%dma_wait3A_482 : memref<1x64xf32, #tpu.memory_space<hbm>>) dst(%dma_wait3A_480 : memref<1x64xf32, #tpu.memory_space<vmem>>)
      %dma_wait3A_483 = arith.constant 0 : i32
      %dma_wait3A_484 = tpu.memref_slice %arg15[%add3A_152, %dma_wait3A_483] : memref<128x64xf32, #tpu.memory_space<vmem>> -> memref<1x64xf32, #tpu.memory_space<vmem>>
      %dma_wait3A_485 = arith.constant 0 : i32
      %dma_wait3A_486 = tpu.memref_slice %arg5[%squeeze3A_154, %dma_wait3A_485] : memref<1000000x64xf32, #tpu.memory_space<hbm>> -> memref<1x64xf32, #tpu.memory_space<hbm>>
      %dma_wait3A_487 = arith.constant 0 : i32
      %dma_wait3A_488 = tpu.memref_slice %arg15[%add3A_152, %dma_wait3A_487] : memref<128x64xf32, #tpu.memory_space<vmem>> -> memref<1x64xf32, #tpu.memory_space<vmem>>
      %dma_wait3A_489 = arith.constant 0 : i32
      %dma_wait3A_490 = tpu.memref_slice %arg5[%squeeze3A_154, %dma_wait3A_489] : memref<1000000x64xf32, #tpu.memory_space<hbm>> -> memref<1x64xf32, #tpu.memory_space<hbm>>
      tpu.wait_dma2 semaphore(%arg17 : memref<!tpu.dma_semaphore, #tpu.memory_space<semaphore_mem>>) src(%dma_wait3A_490 : memref<1x64xf32, #tpu.memory_space<hbm>>) dst(%dma_wait3A_488 : memref<1x64xf32, #tpu.memory_space<vmem>>)
      %dma_wait3A_491 = arith.constant 0 : i32
      %dma_wait3A_492 = tpu.memref_slice %arg16[%add3A_152, %dma_wait3A_491] : memref<128x64xf32, #tpu.memory_space<vmem>> -> memref<1x64xf32, #tpu.memory_space<vmem>>
      %dma_wait3A_493 = arith.constant 0 : i32
      %dma_wait3A_494 = tpu.memref_slice %arg6[%squeeze3A_154, %dma_wait3A_493] : memref<1000000x64xf32, #tpu.memory_space<hbm>> -> memref<1x64xf32, #tpu.memory_space<hbm>>
      %dma_wait3A_495 = arith.constant 0 : i32
      %dma_wait3A_496 = tpu.memref_slice %arg16[%add3A_152, %dma_wait3A_495] : memref<128x64xf32, #tpu.memory_space<vmem>> -> memref<1x64xf32, #tpu.memory_space<vmem>>
      %dma_wait3A_497 = arith.constant 0 : i32
      %dma_wait3A_498 = tpu.memref_slice %arg6[%squeeze3A_154, %dma_wait3A_497] : memref<1000000x64xf32, #tpu.memory_space<hbm>> -> memref<1x64xf32, #tpu.memory_space<hbm>>
      tpu.wait_dma2 semaphore(%arg17 : memref<!tpu.dma_semaphore, #tpu.memory_space<semaphore_mem>>) src(%dma_wait3A_498 : memref<1x64xf32, #tpu.memory_space<hbm>>) dst(%dma_wait3A_496 : memref<1x64xf32, #tpu.memory_space<vmem>>)
      %dma_wait3A_499 = arith.constant 0 : i32
      %dma_wait3A_500 = tpu.memref_slice %arg15[%add3A_174, %dma_wait3A_499] : memref<128x64xf32, #tpu.memory_space<vmem>> -> memref<1x64xf32, #tpu.memory_space<vmem>>
      %dma_wait3A_501 = arith.constant 0 : i32
      %dma_wait3A_502 = tpu.memref_slice %arg5[%squeeze3A_176, %dma_wait3A_501] : memref<1000000x64xf32, #tpu.memory_space<hbm>> -> memref<1x64xf32, #tpu.memory_space<hbm>>
      %dma_wait3A_503 = arith.constant 0 : i32
      %dma_wait3A_504 = tpu.memref_slice %arg15[%add3A_174, %dma_wait3A_503] : memref<128x64xf32, #tpu.memory_space<vmem>> -> memref<1x64xf32, #tpu.memory_space<vmem>>
      %dma_wait3A_505 = arith.constant 0 : i32
      %dma_wait3A_506 = tpu.memref_slice %arg5[%squeeze3A_176, %dma_wait3A_505] : memref<1000000x64xf32, #tpu.memory_space<hbm>> -> memref<1x64xf32, #tpu.memory_space<hbm>>
      tpu.wait_dma2 semaphore(%arg17 : memref<!tpu.dma_semaphore, #tpu.memory_space<semaphore_mem>>) src(%dma_wait3A_506 : memref<1x64xf32, #tpu.memory_space<hbm>>) dst(%dma_wait3A_504 : memref<1x64xf32, #tpu.memory_space<vmem>>)
      %dma_wait3A_507 = arith.constant 0 : i32
      %dma_wait3A_508 = tpu.memref_slice %arg16[%add3A_174, %dma_wait3A_507] : memref<128x64xf32, #tpu.memory_space<vmem>> -> memref<1x64xf32, #tpu.memory_space<vmem>>
      %dma_wait3A_509 = arith.constant 0 : i32
      %dma_wait3A_510 = tpu.memref_slice %arg6[%squeeze3A_176, %dma_wait3A_509] : memref<1000000x64xf32, #tpu.memory_space<hbm>> -> memref<1x64xf32, #tpu.memory_space<hbm>>
      %dma_wait3A_511 = arith.constant 0 : i32
      %dma_wait3A_512 = tpu.memref_slice %arg16[%add3A_174, %dma_wait3A_511] : memref<128x64xf32, #tpu.memory_space<vmem>> -> memref<1x64xf32, #tpu.memory_space<vmem>>
      %dma_wait3A_513 = arith.constant 0 : i32
      %dma_wait3A_514 = tpu.memref_slice %arg6[%squeeze3A_176, %dma_wait3A_513] : memref<1000000x64xf32, #tpu.memory_space<hbm>> -> memref<1x64xf32, #tpu.memory_space<hbm>>
      tpu.wait_dma2 semaphore(%arg17 : memref<!tpu.dma_semaphore, #tpu.memory_space<semaphore_mem>>) src(%dma_wait3A_514 : memref<1x64xf32, #tpu.memory_space<hbm>>) dst(%dma_wait3A_512 : memref<1x64xf32, #tpu.memory_space<vmem>>)
      %dma_wait3A_515 = arith.constant 0 : i32
      %dma_wait3A_516 = tpu.memref_slice %arg15[%add3A_196, %dma_wait3A_515] : memref<128x64xf32, #tpu.memory_space<vmem>> -> memref<1x64xf32, #tpu.memory_space<vmem>>
      %dma_wait3A_517 = arith.constant 0 : i32
      %dma_wait3A_518 = tpu.memref_slice %arg5[%squeeze3A_198, %dma_wait3A_517] : memref<1000000x64xf32, #tpu.memory_space<hbm>> -> memref<1x64xf32, #tpu.memory_space<hbm>>
      %dma_wait3A_519 = arith.constant 0 : i32
      %dma_wait3A_520 = tpu.memref_slice %arg15[%add3A_196, %dma_wait3A_519] : memref<128x64xf32, #tpu.memory_space<vmem>> -> memref<1x64xf32, #tpu.memory_space<vmem>>
      %dma_wait3A_521 = arith.constant 0 : i32
      %dma_wait3A_522 = tpu.memref_slice %arg5[%squeeze3A_198, %dma_wait3A_521] : memref<1000000x64xf32, #tpu.memory_space<hbm>> -> memref<1x64xf32, #tpu.memory_space<hbm>>
      tpu.wait_dma2 semaphore(%arg17 : memref<!tpu.dma_semaphore, #tpu.memory_space<semaphore_mem>>) src(%dma_wait3A_522 : memref<1x64xf32, #tpu.memory_space<hbm>>) dst(%dma_wait3A_520 : memref<1x64xf32, #tpu.memory_space<vmem>>)
      %dma_wait3A_523 = arith.constant 0 : i32
      %dma_wait3A_524 = tpu.memref_slice %arg16[%add3A_196, %dma_wait3A_523] : memref<128x64xf32, #tpu.memory_space<vmem>> -> memref<1x64xf32, #tpu.memory_space<vmem>>
      %dma_wait3A_525 = arith.constant 0 : i32
      %dma_wait3A_526 = tpu.memref_slice %arg6[%squeeze3A_198, %dma_wait3A_525] : memref<1000000x64xf32, #tpu.memory_space<hbm>> -> memref<1x64xf32, #tpu.memory_space<hbm>>
      %dma_wait3A_527 = arith.constant 0 : i32
      %dma_wait3A_528 = tpu.memref_slice %arg16[%add3A_196, %dma_wait3A_527] : memref<128x64xf32, #tpu.memory_space<vmem>> -> memref<1x64xf32, #tpu.memory_space<vmem>>
      %dma_wait3A_529 = arith.constant 0 : i32
      %dma_wait3A_530 = tpu.memref_slice %arg6[%squeeze3A_198, %dma_wait3A_529] : memref<1000000x64xf32, #tpu.memory_space<hbm>> -> memref<1x64xf32, #tpu.memory_space<hbm>>
      tpu.wait_dma2 semaphore(%arg17 : memref<!tpu.dma_semaphore, #tpu.memory_space<semaphore_mem>>) src(%dma_wait3A_530 : memref<1x64xf32, #tpu.memory_space<hbm>>) dst(%dma_wait3A_528 : memref<1x64xf32, #tpu.memory_space<vmem>>)
      %dma_wait3A_531 = arith.constant 0 : i32
      %dma_wait3A_532 = tpu.memref_slice %arg15[%add3A_218, %dma_wait3A_531] : memref<128x64xf32, #tpu.memory_space<vmem>> -> memref<1x64xf32, #tpu.memory_space<vmem>>
      %dma_wait3A_533 = arith.constant 0 : i32
      %dma_wait3A_534 = tpu.memref_slice %arg5[%squeeze3A_220, %dma_wait3A_533] : memref<1000000x64xf32, #tpu.memory_space<hbm>> -> memref<1x64xf32, #tpu.memory_space<hbm>>
      %dma_wait3A_535 = arith.constant 0 : i32
      %dma_wait3A_536 = tpu.memref_slice %arg15[%add3A_218, %dma_wait3A_535] : memref<128x64xf32, #tpu.memory_space<vmem>> -> memref<1x64xf32, #tpu.memory_space<vmem>>
      %dma_wait3A_537 = arith.constant 0 : i32
      %dma_wait3A_538 = tpu.memref_slice %arg5[%squeeze3A_220, %dma_wait3A_537] : memref<1000000x64xf32, #tpu.memory_space<hbm>> -> memref<1x64xf32, #tpu.memory_space<hbm>>
      tpu.wait_dma2 semaphore(%arg17 : memref<!tpu.dma_semaphore, #tpu.memory_space<semaphore_mem>>) src(%dma_wait3A_538 : memref<1x64xf32, #tpu.memory_space<hbm>>) dst(%dma_wait3A_536 : memref<1x64xf32, #tpu.memory_space<vmem>>)
      %dma_wait3A_539 = arith.constant 0 : i32
      %dma_wait3A_540 = tpu.memref_slice %arg16[%add3A_218, %dma_wait3A_539] : memref<128x64xf32, #tpu.memory_space<vmem>> -> memref<1x64xf32, #tpu.memory_space<vmem>>
      %dma_wait3A_541 = arith.constant 0 : i32
      %dma_wait3A_542 = tpu.memref_slice %arg6[%squeeze3A_220, %dma_wait3A_541] : memref<1000000x64xf32, #tpu.memory_space<hbm>> -> memref<1x64xf32, #tpu.memory_space<hbm>>
      %dma_wait3A_543 = arith.constant 0 : i32
      %dma_wait3A_544 = tpu.memref_slice %arg16[%add3A_218, %dma_wait3A_543] : memref<128x64xf32, #tpu.memory_space<vmem>> -> memref<1x64xf32, #tpu.memory_space<vmem>>
      %dma_wait3A_545 = arith.constant 0 : i32
      %dma_wait3A_546 = tpu.memref_slice %arg6[%squeeze3A_220, %dma_wait3A_545] : memref<1000000x64xf32, #tpu.memory_space<hbm>> -> memref<1x64xf32, #tpu.memory_space<hbm>>
      tpu.wait_dma2 semaphore(%arg17 : memref<!tpu.dma_semaphore, #tpu.memory_space<semaphore_mem>>) src(%dma_wait3A_546 : memref<1x64xf32, #tpu.memory_space<hbm>>) dst(%dma_wait3A_544 : memref<1x64xf32, #tpu.memory_space<vmem>>)
      %dma_wait3A_547 = arith.constant 0 : i32
      %dma_wait3A_548 = tpu.memref_slice %arg15[%add3A_240, %dma_wait3A_547] : memref<128x64xf32, #tpu.memory_space<vmem>> -> memref<1x64xf32, #tpu.memory_space<vmem>>
      %dma_wait3A_549 = arith.constant 0 : i32
      %dma_wait3A_550 = tpu.memref_slice %arg5[%squeeze3A_242, %dma_wait3A_549] : memref<1000000x64xf32, #tpu.memory_space<hbm>> -> memref<1x64xf32, #tpu.memory_space<hbm>>
      %dma_wait3A_551 = arith.constant 0 : i32
      %dma_wait3A_552 = tpu.memref_slice %arg15[%add3A_240, %dma_wait3A_551] : memref<128x64xf32, #tpu.memory_space<vmem>> -> memref<1x64xf32, #tpu.memory_space<vmem>>
      %dma_wait3A_553 = arith.constant 0 : i32
      %dma_wait3A_554 = tpu.memref_slice %arg5[%squeeze3A_242, %dma_wait3A_553] : memref<1000000x64xf32, #tpu.memory_space<hbm>> -> memref<1x64xf32, #tpu.memory_space<hbm>>
      tpu.wait_dma2 semaphore(%arg17 : memref<!tpu.dma_semaphore, #tpu.memory_space<semaphore_mem>>) src(%dma_wait3A_554 : memref<1x64xf32, #tpu.memory_space<hbm>>) dst(%dma_wait3A_552 : memref<1x64xf32, #tpu.memory_space<vmem>>)
      %dma_wait3A_555 = arith.constant 0 : i32
      %dma_wait3A_556 = tpu.memref_slice %arg16[%add3A_240, %dma_wait3A_555] : memref<128x64xf32, #tpu.memory_space<vmem>> -> memref<1x64xf32, #tpu.memory_space<vmem>>
      %dma_wait3A_557 = arith.constant 0 : i32
      %dma_wait3A_558 = tpu.memref_slice %arg6[%squeeze3A_242, %dma_wait3A_557] : memref<1000000x64xf32, #tpu.memory_space<hbm>> -> memref<1x64xf32, #tpu.memory_space<hbm>>
      %dma_wait3A_559 = arith.constant 0 : i32
      %dma_wait3A_560 = tpu.memref_slice %arg16[%add3A_240, %dma_wait3A_559] : memref<128x64xf32, #tpu.memory_space<vmem>> -> memref<1x64xf32, #tpu.memory_space<vmem>>
      %dma_wait3A_561 = arith.constant 0 : i32
      %dma_wait3A_562 = tpu.memref_slice %arg6[%squeeze3A_242, %dma_wait3A_561] : memref<1000000x64xf32, #tpu.memory_space<hbm>> -> memref<1x64xf32, #tpu.memory_space<hbm>>
      tpu.wait_dma2 semaphore(%arg17 : memref<!tpu.dma_semaphore, #tpu.memory_space<semaphore_mem>>) src(%dma_wait3A_562 : memref<1x64xf32, #tpu.memory_space<hbm>>) dst(%dma_wait3A_560 : memref<1x64xf32, #tpu.memory_space<vmem>>)
      %dma_wait3A_563 = arith.constant 0 : i32
      %dma_wait3A_564 = tpu.memref_slice %arg15[%add3A_262, %dma_wait3A_563] : memref<128x64xf32, #tpu.memory_space<vmem>> -> memref<1x64xf32, #tpu.memory_space<vmem>>
      %dma_wait3A_565 = arith.constant 0 : i32
      %dma_wait3A_566 = tpu.memref_slice %arg5[%squeeze3A_264, %dma_wait3A_565] : memref<1000000x64xf32, #tpu.memory_space<hbm>> -> memref<1x64xf32, #tpu.memory_space<hbm>>
      %dma_wait3A_567 = arith.constant 0 : i32
      %dma_wait3A_568 = tpu.memref_slice %arg15[%add3A_262, %dma_wait3A_567] : memref<128x64xf32, #tpu.memory_space<vmem>> -> memref<1x64xf32, #tpu.memory_space<vmem>>
      %dma_wait3A_569 = arith.constant 0 : i32
      %dma_wait3A_570 = tpu.memref_slice %arg5[%squeeze3A_264, %dma_wait3A_569] : memref<1000000x64xf32, #tpu.memory_space<hbm>> -> memref<1x64xf32, #tpu.memory_space<hbm>>
      tpu.wait_dma2 semaphore(%arg17 : memref<!tpu.dma_semaphore, #tpu.memory_space<semaphore_mem>>) src(%dma_wait3A_570 : memref<1x64xf32, #tpu.memory_space<hbm>>) dst(%dma_wait3A_568 : memref<1x64xf32, #tpu.memory_space<vmem>>)
      %dma_wait3A_571 = arith.constant 0 : i32
      %dma_wait3A_572 = tpu.memref_slice %arg16[%add3A_262, %dma_wait3A_571] : memref<128x64xf32, #tpu.memory_space<vmem>> -> memref<1x64xf32, #tpu.memory_space<vmem>>
      %dma_wait3A_573 = arith.constant 0 : i32
      %dma_wait3A_574 = tpu.memref_slice %arg6[%squeeze3A_264, %dma_wait3A_573] : memref<1000000x64xf32, #tpu.memory_space<hbm>> -> memref<1x64xf32, #tpu.memory_space<hbm>>
      %dma_wait3A_575 = arith.constant 0 : i32
      %dma_wait3A_576 = tpu.memref_slice %arg16[%add3A_262, %dma_wait3A_575] : memref<128x64xf32, #tpu.memory_space<vmem>> -> memref<1x64xf32, #tpu.memory_space<vmem>>
      %dma_wait3A_577 = arith.constant 0 : i32
      %dma_wait3A_578 = tpu.memref_slice %arg6[%squeeze3A_264, %dma_wait3A_577] : memref<1000000x64xf32, #tpu.memory_space<hbm>> -> memref<1x64xf32, #tpu.memory_space<hbm>>
      tpu.wait_dma2 semaphore(%arg17 : memref<!tpu.dma_semaphore, #tpu.memory_space<semaphore_mem>>) src(%dma_wait3A_578 : memref<1x64xf32, #tpu.memory_space<hbm>>) dst(%dma_wait3A_576 : memref<1x64xf32, #tpu.memory_space<vmem>>)
      %dma_wait3A_579 = arith.constant 0 : i32
      %dma_wait3A_580 = tpu.memref_slice %arg15[%add3A_284, %dma_wait3A_579] : memref<128x64xf32, #tpu.memory_space<vmem>> -> memref<1x64xf32, #tpu.memory_space<vmem>>
      %dma_wait3A_581 = arith.constant 0 : i32
      %dma_wait3A_582 = tpu.memref_slice %arg5[%squeeze3A_286, %dma_wait3A_581] : memref<1000000x64xf32, #tpu.memory_space<hbm>> -> memref<1x64xf32, #tpu.memory_space<hbm>>
      %dma_wait3A_583 = arith.constant 0 : i32
      %dma_wait3A_584 = tpu.memref_slice %arg15[%add3A_284, %dma_wait3A_583] : memref<128x64xf32, #tpu.memory_space<vmem>> -> memref<1x64xf32, #tpu.memory_space<vmem>>
      %dma_wait3A_585 = arith.constant 0 : i32
      %dma_wait3A_586 = tpu.memref_slice %arg5[%squeeze3A_286, %dma_wait3A_585] : memref<1000000x64xf32, #tpu.memory_space<hbm>> -> memref<1x64xf32, #tpu.memory_space<hbm>>
      tpu.wait_dma2 semaphore(%arg17 : memref<!tpu.dma_semaphore, #tpu.memory_space<semaphore_mem>>) src(%dma_wait3A_586 : memref<1x64xf32, #tpu.memory_space<hbm>>) dst(%dma_wait3A_584 : memref<1x64xf32, #tpu.memory_space<vmem>>)
      %dma_wait3A_587 = arith.constant 0 : i32
      %dma_wait3A_588 = tpu.memref_slice %arg16[%add3A_284, %dma_wait3A_587] : memref<128x64xf32, #tpu.memory_space<vmem>> -> memref<1x64xf32, #tpu.memory_space<vmem>>
      %dma_wait3A_589 = arith.constant 0 : i32
      %dma_wait3A_590 = tpu.memref_slice %arg6[%squeeze3A_286, %dma_wait3A_589] : memref<1000000x64xf32, #tpu.memory_space<hbm>> -> memref<1x64xf32, #tpu.memory_space<hbm>>
      %dma_wait3A_591 = arith.constant 0 : i32
      %dma_wait3A_592 = tpu.memref_slice %arg16[%add3A_284, %dma_wait3A_591] : memref<128x64xf32, #tpu.memory_space<vmem>> -> memref<1x64xf32, #tpu.memory_space<vmem>>
      %dma_wait3A_593 = arith.constant 0 : i32
      %dma_wait3A_594 = tpu.memref_slice %arg6[%squeeze3A_286, %dma_wait3A_593] : memref<1000000x64xf32, #tpu.memory_space<hbm>> -> memref<1x64xf32, #tpu.memory_space<hbm>>
      tpu.wait_dma2 semaphore(%arg17 : memref<!tpu.dma_semaphore, #tpu.memory_space<semaphore_mem>>) src(%dma_wait3A_594 : memref<1x64xf32, #tpu.memory_space<hbm>>) dst(%dma_wait3A_592 : memref<1x64xf32, #tpu.memory_space<vmem>>)
      %dma_wait3A_595 = arith.constant 0 : i32
      %dma_wait3A_596 = tpu.memref_slice %arg15[%add3A_306, %dma_wait3A_595] : memref<128x64xf32, #tpu.memory_space<vmem>> -> memref<1x64xf32, #tpu.memory_space<vmem>>
      %dma_wait3A_597 = arith.constant 0 : i32
      %dma_wait3A_598 = tpu.memref_slice %arg5[%squeeze3A_308, %dma_wait3A_597] : memref<1000000x64xf32, #tpu.memory_space<hbm>> -> memref<1x64xf32, #tpu.memory_space<hbm>>
      %dma_wait3A_599 = arith.constant 0 : i32
      %dma_wait3A_600 = tpu.memref_slice %arg15[%add3A_306, %dma_wait3A_599] : memref<128x64xf32, #tpu.memory_space<vmem>> -> memref<1x64xf32, #tpu.memory_space<vmem>>
      %dma_wait3A_601 = arith.constant 0 : i32
      %dma_wait3A_602 = tpu.memref_slice %arg5[%squeeze3A_308, %dma_wait3A_601] : memref<1000000x64xf32, #tpu.memory_space<hbm>> -> memref<1x64xf32, #tpu.memory_space<hbm>>
      tpu.wait_dma2 semaphore(%arg17 : memref<!tpu.dma_semaphore, #tpu.memory_space<semaphore_mem>>) src(%dma_wait3A_602 : memref<1x64xf32, #tpu.memory_space<hbm>>) dst(%dma_wait3A_600 : memref<1x64xf32, #tpu.memory_space<vmem>>)
      %dma_wait3A_603 = arith.constant 0 : i32
      %dma_wait3A_604 = tpu.memref_slice %arg16[%add3A_306, %dma_wait3A_603] : memref<128x64xf32, #tpu.memory_space<vmem>> -> memref<1x64xf32, #tpu.memory_space<vmem>>
      %dma_wait3A_605 = arith.constant 0 : i32
      %dma_wait3A_606 = tpu.memref_slice %arg6[%squeeze3A_308, %dma_wait3A_605] : memref<1000000x64xf32, #tpu.memory_space<hbm>> -> memref<1x64xf32, #tpu.memory_space<hbm>>
      %dma_wait3A_607 = arith.constant 0 : i32
      %dma_wait3A_608 = tpu.memref_slice %arg16[%add3A_306, %dma_wait3A_607] : memref<128x64xf32, #tpu.memory_space<vmem>> -> memref<1x64xf32, #tpu.memory_space<vmem>>
      %dma_wait3A_609 = arith.constant 0 : i32
      %dma_wait3A_610 = tpu.memref_slice %arg6[%squeeze3A_308, %dma_wait3A_609] : memref<1000000x64xf32, #tpu.memory_space<hbm>> -> memref<1x64xf32, #tpu.memory_space<hbm>>
      tpu.wait_dma2 semaphore(%arg17 : memref<!tpu.dma_semaphore, #tpu.memory_space<semaphore_mem>>) src(%dma_wait3A_610 : memref<1x64xf32, #tpu.memory_space<hbm>>) dst(%dma_wait3A_608 : memref<1x64xf32, #tpu.memory_space<vmem>>)
      %dma_wait3A_611 = arith.constant 0 : i32
      %dma_wait3A_612 = tpu.memref_slice %arg15[%add3A_328, %dma_wait3A_611] : memref<128x64xf32, #tpu.memory_space<vmem>> -> memref<1x64xf32, #tpu.memory_space<vmem>>
      %dma_wait3A_613 = arith.constant 0 : i32
      %dma_wait3A_614 = tpu.memref_slice %arg5[%squeeze3A_330, %dma_wait3A_613] : memref<1000000x64xf32, #tpu.memory_space<hbm>> -> memref<1x64xf32, #tpu.memory_space<hbm>>
      %dma_wait3A_615 = arith.constant 0 : i32
      %dma_wait3A_616 = tpu.memref_slice %arg15[%add3A_328, %dma_wait3A_615] : memref<128x64xf32, #tpu.memory_space<vmem>> -> memref<1x64xf32, #tpu.memory_space<vmem>>
      %dma_wait3A_617 = arith.constant 0 : i32
      %dma_wait3A_618 = tpu.memref_slice %arg5[%squeeze3A_330, %dma_wait3A_617] : memref<1000000x64xf32, #tpu.memory_space<hbm>> -> memref<1x64xf32, #tpu.memory_space<hbm>>
      tpu.wait_dma2 semaphore(%arg17 : memref<!tpu.dma_semaphore, #tpu.memory_space<semaphore_mem>>) src(%dma_wait3A_618 : memref<1x64xf32, #tpu.memory_space<hbm>>) dst(%dma_wait3A_616 : memref<1x64xf32, #tpu.memory_space<vmem>>)
      %dma_wait3A_619 = arith.constant 0 : i32
      %dma_wait3A_620 = tpu.memref_slice %arg16[%add3A_328, %dma_wait3A_619] : memref<128x64xf32, #tpu.memory_space<vmem>> -> memref<1x64xf32, #tpu.memory_space<vmem>>
      %dma_wait3A_621 = arith.constant 0 : i32
      %dma_wait3A_622 = tpu.memref_slice %arg6[%squeeze3A_330, %dma_wait3A_621] : memref<1000000x64xf32, #tpu.memory_space<hbm>> -> memref<1x64xf32, #tpu.memory_space<hbm>>
      %dma_wait3A_623 = arith.constant 0 : i32
      %dma_wait3A_624 = tpu.memref_slice %arg16[%add3A_328, %dma_wait3A_623] : memref<128x64xf32, #tpu.memory_space<vmem>> -> memref<1x64xf32, #tpu.memory_space<vmem>>
      %dma_wait3A_625 = arith.constant 0 : i32
      %dma_wait3A_626 = tpu.memref_slice %arg6[%squeeze3A_330, %dma_wait3A_625] : memref<1000000x64xf32, #tpu.memory_space<hbm>> -> memref<1x64xf32, #tpu.memory_space<hbm>>
      tpu.wait_dma2 semaphore(%arg17 : memref<!tpu.dma_semaphore, #tpu.memory_space<semaphore_mem>>) src(%dma_wait3A_626 : memref<1x64xf32, #tpu.memory_space<hbm>>) dst(%dma_wait3A_624 : memref<1x64xf32, #tpu.memory_space<vmem>>)
      %dma_wait3A_627 = arith.constant 0 : i32
      %dma_wait3A_628 = tpu.memref_slice %arg15[%add3A_350, %dma_wait3A_627] : memref<128x64xf32, #tpu.memory_space<vmem>> -> memref<1x64xf32, #tpu.memory_space<vmem>>
      %dma_wait3A_629 = arith.constant 0 : i32
      %dma_wait3A_630 = tpu.memref_slice %arg5[%squeeze3A_352, %dma_wait3A_629] : memref<1000000x64xf32, #tpu.memory_space<hbm>> -> memref<1x64xf32, #tpu.memory_space<hbm>>
      %dma_wait3A_631 = arith.constant 0 : i32
      %dma_wait3A_632 = tpu.memref_slice %arg15[%add3A_350, %dma_wait3A_631] : memref<128x64xf32, #tpu.memory_space<vmem>> -> memref<1x64xf32, #tpu.memory_space<vmem>>
      %dma_wait3A_633 = arith.constant 0 : i32
      %dma_wait3A_634 = tpu.memref_slice %arg5[%squeeze3A_352, %dma_wait3A_633] : memref<1000000x64xf32, #tpu.memory_space<hbm>> -> memref<1x64xf32, #tpu.memory_space<hbm>>
      tpu.wait_dma2 semaphore(%arg17 : memref<!tpu.dma_semaphore, #tpu.memory_space<semaphore_mem>>) src(%dma_wait3A_634 : memref<1x64xf32, #tpu.memory_space<hbm>>) dst(%dma_wait3A_632 : memref<1x64xf32, #tpu.memory_space<vmem>>)
      %dma_wait3A_635 = arith.constant 0 : i32
      %dma_wait3A_636 = tpu.memref_slice %arg16[%add3A_350, %dma_wait3A_635] : memref<128x64xf32, #tpu.memory_space<vmem>> -> memref<1x64xf32, #tpu.memory_space<vmem>>
      %dma_wait3A_637 = arith.constant 0 : i32
      %dma_wait3A_638 = tpu.memref_slice %arg6[%squeeze3A_352, %dma_wait3A_637] : memref<1000000x64xf32, #tpu.memory_space<hbm>> -> memref<1x64xf32, #tpu.memory_space<hbm>>
      %dma_wait3A_639 = arith.constant 0 : i32
      %dma_wait3A_640 = tpu.memref_slice %arg16[%add3A_350, %dma_wait3A_639] : memref<128x64xf32, #tpu.memory_space<vmem>> -> memref<1x64xf32, #tpu.memory_space<vmem>>
      %dma_wait3A_641 = arith.constant 0 : i32
      %dma_wait3A_642 = tpu.memref_slice %arg6[%squeeze3A_352, %dma_wait3A_641] : memref<1000000x64xf32, #tpu.memory_space<hbm>> -> memref<1x64xf32, #tpu.memory_space<hbm>>
      tpu.wait_dma2 semaphore(%arg17 : memref<!tpu.dma_semaphore, #tpu.memory_space<semaphore_mem>>) src(%dma_wait3A_642 : memref<1x64xf32, #tpu.memory_space<hbm>>) dst(%dma_wait3A_640 : memref<1x64xf32, #tpu.memory_space<vmem>>)
      %dma_wait3A_643 = arith.constant 0 : i32
      %dma_wait3A_644 = tpu.memref_slice %arg15[%add3A_372, %dma_wait3A_643] : memref<128x64xf32, #tpu.memory_space<vmem>> -> memref<1x64xf32, #tpu.memory_space<vmem>>
      %dma_wait3A_645 = arith.constant 0 : i32
      %dma_wait3A_646 = tpu.memref_slice %arg5[%squeeze3A_374, %dma_wait3A_645] : memref<1000000x64xf32, #tpu.memory_space<hbm>> -> memref<1x64xf32, #tpu.memory_space<hbm>>
      %dma_wait3A_647 = arith.constant 0 : i32
      %dma_wait3A_648 = tpu.memref_slice %arg15[%add3A_372, %dma_wait3A_647] : memref<128x64xf32, #tpu.memory_space<vmem>> -> memref<1x64xf32, #tpu.memory_space<vmem>>
      %dma_wait3A_649 = arith.constant 0 : i32
      %dma_wait3A_650 = tpu.memref_slice %arg5[%squeeze3A_374, %dma_wait3A_649] : memref<1000000x64xf32, #tpu.memory_space<hbm>> -> memref<1x64xf32, #tpu.memory_space<hbm>>
      tpu.wait_dma2 semaphore(%arg17 : memref<!tpu.dma_semaphore, #tpu.memory_space<semaphore_mem>>) src(%dma_wait3A_650 : memref<1x64xf32, #tpu.memory_space<hbm>>) dst(%dma_wait3A_648 : memref<1x64xf32, #tpu.memory_space<vmem>>)
      %dma_wait3A_651 = arith.constant 0 : i32
      %dma_wait3A_652 = tpu.memref_slice %arg16[%add3A_372, %dma_wait3A_651] : memref<128x64xf32, #tpu.memory_space<vmem>> -> memref<1x64xf32, #tpu.memory_space<vmem>>
      %dma_wait3A_653 = arith.constant 0 : i32
      %dma_wait3A_654 = tpu.memref_slice %arg6[%squeeze3A_374, %dma_wait3A_653] : memref<1000000x64xf32, #tpu.memory_space<hbm>> -> memref<1x64xf32, #tpu.memory_space<hbm>>
      %dma_wait3A_655 = arith.constant 0 : i32
      %dma_wait3A_656 = tpu.memref_slice %arg16[%add3A_372, %dma_wait3A_655] : memref<128x64xf32, #tpu.memory_space<vmem>> -> memref<1x64xf32, #tpu.memory_space<vmem>>
      %dma_wait3A_657 = arith.constant 0 : i32
      %dma_wait3A_658 = tpu.memref_slice %arg6[%squeeze3A_374, %dma_wait3A_657] : memref<1000000x64xf32, #tpu.memory_space<hbm>> -> memref<1x64xf32, #tpu.memory_space<hbm>>
      tpu.wait_dma2 semaphore(%arg17 : memref<!tpu.dma_semaphore, #tpu.memory_space<semaphore_mem>>) src(%dma_wait3A_658 : memref<1x64xf32, #tpu.memory_space<hbm>>) dst(%dma_wait3A_656 : memref<1x64xf32, #tpu.memory_space<vmem>>)
      %dma_wait3A_659 = arith.constant 0 : i32
      %dma_wait3A_660 = tpu.memref_slice %arg15[%add3A_394, %dma_wait3A_659] : memref<128x64xf32, #tpu.memory_space<vmem>> -> memref<1x64xf32, #tpu.memory_space<vmem>>
      %dma_wait3A_661 = arith.constant 0 : i32
      %dma_wait3A_662 = tpu.memref_slice %arg5[%squeeze3A_396, %dma_wait3A_661] : memref<1000000x64xf32, #tpu.memory_space<hbm>> -> memref<1x64xf32, #tpu.memory_space<hbm>>
      %dma_wait3A_663 = arith.constant 0 : i32
      %dma_wait3A_664 = tpu.memref_slice %arg15[%add3A_394, %dma_wait3A_663] : memref<128x64xf32, #tpu.memory_space<vmem>> -> memref<1x64xf32, #tpu.memory_space<vmem>>
      %dma_wait3A_665 = arith.constant 0 : i32
      %dma_wait3A_666 = tpu.memref_slice %arg5[%squeeze3A_396, %dma_wait3A_665] : memref<1000000x64xf32, #tpu.memory_space<hbm>> -> memref<1x64xf32, #tpu.memory_space<hbm>>
      tpu.wait_dma2 semaphore(%arg17 : memref<!tpu.dma_semaphore, #tpu.memory_space<semaphore_mem>>) src(%dma_wait3A_666 : memref<1x64xf32, #tpu.memory_space<hbm>>) dst(%dma_wait3A_664 : memref<1x64xf32, #tpu.memory_space<vmem>>)
      %dma_wait3A_667 = arith.constant 0 : i32
      %dma_wait3A_668 = tpu.memref_slice %arg16[%add3A_394, %dma_wait3A_667] : memref<128x64xf32, #tpu.memory_space<vmem>> -> memref<1x64xf32, #tpu.memory_space<vmem>>
      %dma_wait3A_669 = arith.constant 0 : i32
      %dma_wait3A_670 = tpu.memref_slice %arg6[%squeeze3A_396, %dma_wait3A_669] : memref<1000000x64xf32, #tpu.memory_space<hbm>> -> memref<1x64xf32, #tpu.memory_space<hbm>>
      %dma_wait3A_671 = arith.constant 0 : i32
      %dma_wait3A_672 = tpu.memref_slice %arg16[%add3A_394, %dma_wait3A_671] : memref<128x64xf32, #tpu.memory_space<vmem>> -> memref<1x64xf32, #tpu.memory_space<vmem>>
      %dma_wait3A_673 = arith.constant 0 : i32
      %dma_wait3A_674 = tpu.memref_slice %arg6[%squeeze3A_396, %dma_wait3A_673] : memref<1000000x64xf32, #tpu.memory_space<hbm>> -> memref<1x64xf32, #tpu.memory_space<hbm>>
      tpu.wait_dma2 semaphore(%arg17 : memref<!tpu.dma_semaphore, #tpu.memory_space<semaphore_mem>>) src(%dma_wait3A_674 : memref<1x64xf32, #tpu.memory_space<hbm>>) dst(%dma_wait3A_672 : memref<1x64xf32, #tpu.memory_space<vmem>>)
      %dma_wait3A_675 = arith.constant 0 : i32
      %dma_wait3A_676 = tpu.memref_slice %arg15[%add3A_416, %dma_wait3A_675] : memref<128x64xf32, #tpu.memory_space<vmem>> -> memref<1x64xf32, #tpu.memory_space<vmem>>
      %dma_wait3A_677 = arith.constant 0 : i32
      %dma_wait3A_678 = tpu.memref_slice %arg5[%squeeze3A_418, %dma_wait3A_677] : memref<1000000x64xf32, #tpu.memory_space<hbm>> -> memref<1x64xf32, #tpu.memory_space<hbm>>
      %dma_wait3A_679 = arith.constant 0 : i32
      %dma_wait3A_680 = tpu.memref_slice %arg15[%add3A_416, %dma_wait3A_679] : memref<128x64xf32, #tpu.memory_space<vmem>> -> memref<1x64xf32, #tpu.memory_space<vmem>>
      %dma_wait3A_681 = arith.constant 0 : i32
      %dma_wait3A_682 = tpu.memref_slice %arg5[%squeeze3A_418, %dma_wait3A_681] : memref<1000000x64xf32, #tpu.memory_space<hbm>> -> memref<1x64xf32, #tpu.memory_space<hbm>>
      tpu.wait_dma2 semaphore(%arg17 : memref<!tpu.dma_semaphore, #tpu.memory_space<semaphore_mem>>) src(%dma_wait3A_682 : memref<1x64xf32, #tpu.memory_space<hbm>>) dst(%dma_wait3A_680 : memref<1x64xf32, #tpu.memory_space<vmem>>)
      %dma_wait3A_683 = arith.constant 0 : i32
      %dma_wait3A_684 = tpu.memref_slice %arg16[%add3A_416, %dma_wait3A_683] : memref<128x64xf32, #tpu.memory_space<vmem>> -> memref<1x64xf32, #tpu.memory_space<vmem>>
      %dma_wait3A_685 = arith.constant 0 : i32
      %dma_wait3A_686 = tpu.memref_slice %arg6[%squeeze3A_418, %dma_wait3A_685] : memref<1000000x64xf32, #tpu.memory_space<hbm>> -> memref<1x64xf32, #tpu.memory_space<hbm>>
      %dma_wait3A_687 = arith.constant 0 : i32
      %dma_wait3A_688 = tpu.memref_slice %arg16[%add3A_416, %dma_wait3A_687] : memref<128x64xf32, #tpu.memory_space<vmem>> -> memref<1x64xf32, #tpu.memory_space<vmem>>
      %dma_wait3A_689 = arith.constant 0 : i32
      %dma_wait3A_690 = tpu.memref_slice %arg6[%squeeze3A_418, %dma_wait3A_689] : memref<1000000x64xf32, #tpu.memory_space<hbm>> -> memref<1x64xf32, #tpu.memory_space<hbm>>
      tpu.wait_dma2 semaphore(%arg17 : memref<!tpu.dma_semaphore, #tpu.memory_space<semaphore_mem>>) src(%dma_wait3A_690 : memref<1x64xf32, #tpu.memory_space<hbm>>) dst(%dma_wait3A_688 : memref<1x64xf32, #tpu.memory_space<vmem>>)
    }
    %scan3A_8 = arith.constant 8 : i32
    "tpu.region"() ({
      %run_scoped3A = tpu.sem_alloc : memref<!tpu.dma_semaphore, #tpu.memory_space<semaphore_mem>>
      %dma_start3A_76 = arith.constant 0 : i32
      %dma_start3A_77 = tpu.memref_slice %arg8[%add3A_4, %dma_start3A_76] : memref<16384x64xf32, #tpu.memory_space<hbm>> -> memref<128x64xf32, #tpu.memory_space<hbm>>
      %dma_start3A_78 = arith.constant 0 : i32
      %dma_start3A_79 = tpu.memref_slice %arg8[%add3A_4, %dma_start3A_78] : memref<16384x64xf32, #tpu.memory_space<hbm>> -> memref<128x64xf32, #tpu.memory_space<hbm>>
      tpu.enqueue_dma source(%arg15 : memref<128x64xf32, #tpu.memory_space<vmem>>) target(%dma_start3A_79 : memref<128x64xf32, #tpu.memory_space<hbm>>) target_semaphore(%run_scoped3A : memref<!tpu.dma_semaphore, #tpu.memory_space<semaphore_mem>>)
      %dma_wait3A_80 = arith.constant 0 : i32
      %dma_wait3A_81 = tpu.memref_slice %arg8[%add3A_4, %dma_wait3A_80] : memref<16384x64xf32, #tpu.memory_space<hbm>> -> memref<128x64xf32, #tpu.memory_space<hbm>>
      %dma_wait3A_82 = arith.constant 0 : i32
      %dma_wait3A_83 = tpu.memref_slice %arg8[%add3A_4, %dma_wait3A_82] : memref<16384x64xf32, #tpu.memory_space<hbm>> -> memref<128x64xf32, #tpu.memory_space<hbm>>
      tpu.wait_dma2 semaphore(%run_scoped3A : memref<!tpu.dma_semaphore, #tpu.memory_space<semaphore_mem>>) src(%arg15 : memref<128x64xf32, #tpu.memory_space<vmem>>) dst(%dma_wait3A_83 : memref<128x64xf32, #tpu.memory_space<hbm>>)
      tpu.yield
    }) : () -> ()
    "tpu.region"() ({
      %run_scoped3A = tpu.sem_alloc : memref<!tpu.dma_semaphore, #tpu.memory_space<semaphore_mem>>
      %dma_start3A_76 = arith.constant 0 : i32
      %dma_start3A_77 = tpu.memref_slice %arg9[%add3A_4, %dma_start3A_76] : memref<16384x64xf32, #tpu.memory_space<hbm>> -> memref<128x64xf32, #tpu.memory_space<hbm>>
      %dma_start3A_78 = arith.constant 0 : i32
      %dma_start3A_79 = tpu.memref_slice %arg9[%add3A_4, %dma_start3A_78] : memref<16384x64xf32, #tpu.memory_space<hbm>> -> memref<128x64xf32, #tpu.memory_space<hbm>>
      tpu.enqueue_dma source(%arg16 : memref<128x64xf32, #tpu.memory_space<vmem>>) target(%dma_start3A_79 : memref<128x64xf32, #tpu.memory_space<hbm>>) target_semaphore(%run_scoped3A : memref<!tpu.dma_semaphore, #tpu.memory_space<semaphore_mem>>)
      %dma_wait3A_80 = arith.constant 0 : i32
      %dma_wait3A_81 = tpu.memref_slice %arg9[%add3A_4, %dma_wait3A_80] : memref<16384x64xf32, #tpu.memory_space<hbm>> -> memref<128x64xf32, #tpu.memory_space<hbm>>
      %dma_wait3A_82 = arith.constant 0 : i32
      %dma_wait3A_83 = tpu.memref_slice %arg9[%add3A_4, %dma_wait3A_82] : memref<16384x64xf32, #tpu.memory_space<hbm>> -> memref<128x64xf32, #tpu.memory_space<hbm>>
      tpu.wait_dma2 semaphore(%run_scoped3A : memref<!tpu.dma_semaphore, #tpu.memory_space<semaphore_mem>>) src(%arg16 : memref<128x64xf32, #tpu.memory_space<vmem>>) dst(%dma_wait3A_83 : memref<128x64xf32, #tpu.memory_space<hbm>>)
      tpu.yield
    }) : () -> ()
    "tpu.region"() ({
      %run_scoped3A = tpu.sem_alloc : memref<!tpu.dma_semaphore, #tpu.memory_space<semaphore_mem>>
      %dma_start3A_76 = tpu.memref_slice %arg3[%add3A_4] : memref<16384xi32, #tpu.memory_space<hbm>> -> memref<128xi32, #tpu.memory_space<hbm>>
      %dma_start3A_77 = tpu.memref_slice %arg3[%add3A_4] : memref<16384xi32, #tpu.memory_space<hbm>> -> memref<128xi32, #tpu.memory_space<hbm>>
      tpu.enqueue_dma source(%dma_start3A_77 : memref<128xi32, #tpu.memory_space<hbm>>) target(%arg13 : memref<128xi32, #tpu.memory_space<vmem>>) target_semaphore(%run_scoped3A : memref<!tpu.dma_semaphore, #tpu.memory_space<semaphore_mem>>)
      %dma_wait3A_78 = tpu.memref_slice %arg3[%add3A_4] : memref<16384xi32, #tpu.memory_space<hbm>> -> memref<128xi32, #tpu.memory_space<hbm>>
      %dma_wait3A_79 = tpu.memref_slice %arg3[%add3A_4] : memref<16384xi32, #tpu.memory_space<hbm>> -> memref<128xi32, #tpu.memory_space<hbm>>
      tpu.wait_dma2 semaphore(%run_scoped3A : memref<!tpu.dma_semaphore, #tpu.memory_space<semaphore_mem>>) src(%dma_wait3A_79 : memref<128xi32, #tpu.memory_space<hbm>>) dst(%arg13 : memref<128xi32, #tpu.memory_space<vmem>>)
      tpu.yield
    }) : () -> ()
    %dma_start3A = arith.constant 0 : i32
    %dma_start3A_9 = arith.constant 0 : i32
    %dma_start3A_10 = tpu.memref_slice %arg7[%dma_start3A, %dma_start3A_9] : memref<100000x128xf32, #tpu.memory_space<hbm>> -> memref<100000x128xf32, #tpu.memory_space<hbm>>
    tpu.enqueue_indirect_dma source(%dma_start3A_10 : memref<100000x128xf32, #tpu.memory_space<hbm>>) target(%arg14 : memref<128x128xf32, #tpu.memory_space<vmem>>) offsets(%arg13 : memref<128xi32, #tpu.memory_space<vmem>>) semaphore(%arg18 : memref<!tpu.dma_semaphore, #tpu.memory_space<semaphore_mem>>)
    %dma_wait3A = arith.constant 0 : i32
    %dma_wait3A_11 = arith.constant 0 : i32
    %dma_wait3A_12 = tpu.memref_slice %arg7[%dma_wait3A, %dma_wait3A_11] : memref<100000x128xf32, #tpu.memory_space<hbm>> -> memref<100000x128xf32, #tpu.memory_space<hbm>>
    tpu.wait_indirect_dma semaphore(%arg18 : memref<!tpu.dma_semaphore, #tpu.memory_space<semaphore_mem>>) src(%dma_wait3A_12 : memref<100000x128xf32, #tpu.memory_space<hbm>>) dst(%arg14 : memref<128x128xf32, #tpu.memory_space<vmem>>)
    "tpu.region"() ({
      %run_scoped3A = tpu.sem_alloc : memref<!tpu.dma_semaphore, #tpu.memory_space<semaphore_mem>>
      %dma_start3A_76 = arith.constant 0 : i32
      %dma_start3A_77 = tpu.memref_slice %arg10[%add3A_4, %dma_start3A_76] : memref<16384x128xf32, #tpu.memory_space<hbm>> -> memref<128x128xf32, #tpu.memory_space<hbm>>
      %dma_start3A_78 = arith.constant 0 : i32
      %dma_start3A_79 = tpu.memref_slice %arg10[%add3A_4, %dma_start3A_78] : memref<16384x128xf32, #tpu.memory_space<hbm>> -> memref<128x128xf32, #tpu.memory_space<hbm>>
      tpu.enqueue_dma source(%arg14 : memref<128x128xf32, #tpu.memory_space<vmem>>) target(%dma_start3A_79 : memref<128x128xf32, #tpu.memory_space<hbm>>) target_semaphore(%run_scoped3A : memref<!tpu.dma_semaphore, #tpu.memory_space<semaphore_mem>>)
      %dma_wait3A_80 = arith.constant 0 : i32
      %dma_wait3A_81 = tpu.memref_slice %arg10[%add3A_4, %dma_wait3A_80] : memref<16384x128xf32, #tpu.memory_space<hbm>> -> memref<128x128xf32, #tpu.memory_space<hbm>>
      %dma_wait3A_82 = arith.constant 0 : i32
      %dma_wait3A_83 = tpu.memref_slice %arg10[%add3A_4, %dma_wait3A_82] : memref<16384x128xf32, #tpu.memory_space<hbm>> -> memref<128x128xf32, #tpu.memory_space<hbm>>
      tpu.wait_dma2 semaphore(%run_scoped3A : memref<!tpu.dma_semaphore, #tpu.memory_space<semaphore_mem>>) src(%arg14 : memref<128x128xf32, #tpu.memory_space<vmem>>) dst(%dma_wait3A_83 : memref<128x128xf32, #tpu.memory_space<hbm>>)
      tpu.yield
    }) : () -> ()
    "tpu.region"() ({
      %run_scoped3A = tpu.sem_alloc : memref<!tpu.dma_semaphore, #tpu.memory_space<semaphore_mem>>
      %dma_start3A_76 = tpu.memref_slice %arg4[%add3A_4] : memref<16384xi32, #tpu.memory_space<hbm>> -> memref<128xi32, #tpu.memory_space<hbm>>
      %dma_start3A_77 = tpu.memref_slice %arg4[%add3A_4] : memref<16384xi32, #tpu.memory_space<hbm>> -> memref<128xi32, #tpu.memory_space<hbm>>
      tpu.enqueue_dma source(%dma_start3A_77 : memref<128xi32, #tpu.memory_space<hbm>>) target(%arg13 : memref<128xi32, #tpu.memory_space<vmem>>) target_semaphore(%run_scoped3A : memref<!tpu.dma_semaphore, #tpu.memory_space<semaphore_mem>>)
      %dma_wait3A_78 = tpu.memref_slice %arg4[%add3A_4] : memref<16384xi32, #tpu.memory_space<hbm>> -> memref<128xi32, #tpu.memory_space<hbm>>
      %dma_wait3A_79 = tpu.memref_slice %arg4[%add3A_4] : memref<16384xi32, #tpu.memory_space<hbm>> -> memref<128xi32, #tpu.memory_space<hbm>>
      tpu.wait_dma2 semaphore(%run_scoped3A : memref<!tpu.dma_semaphore, #tpu.memory_space<semaphore_mem>>) src(%dma_wait3A_79 : memref<128xi32, #tpu.memory_space<hbm>>) dst(%arg13 : memref<128xi32, #tpu.memory_space<vmem>>)
      tpu.yield
    }) : () -> ()
    %dma_start3A_13 = arith.constant 0 : i32
    %dma_start3A_14 = arith.constant 0 : i32
    %dma_start3A_15 = tpu.memref_slice %arg7[%dma_start3A_13, %dma_start3A_14] : memref<100000x128xf32, #tpu.memory_space<hbm>> -> memref<100000x128xf32, #tpu.memory_space<hbm>>
    tpu.enqueue_indirect_dma source(%dma_start3A_15 : memref<100000x128xf32, #tpu.memory_space<hbm>>) target(%arg14 : memref<128x128xf32, #tpu.memory_space<vmem>>) offsets(%arg13 : memref<128xi32, #tpu.memory_space<vmem>>) semaphore(%arg18 : memref<!tpu.dma_semaphore, #tpu.memory_space<semaphore_mem>>)
    %dma_wait3A_16 = arith.constant 0 : i32
    %dma_wait3A_17 = arith.constant 0 : i32
    %dma_wait3A_18 = tpu.memref_slice %arg7[%dma_wait3A_16, %dma_wait3A_17] : memref<100000x128xf32, #tpu.memory_space<hbm>> -> memref<100000x128xf32, #tpu.memory_space<hbm>>
    tpu.wait_indirect_dma semaphore(%arg18 : memref<!tpu.dma_semaphore, #tpu.memory_space<semaphore_mem>>) src(%dma_wait3A_18 : memref<100000x128xf32, #tpu.memory_space<hbm>>) dst(%arg14 : memref<128x128xf32, #tpu.memory_space<vmem>>)
    "tpu.region"() ({
      %run_scoped3A = tpu.sem_alloc : memref<!tpu.dma_semaphore, #tpu.memory_space<semaphore_mem>>
      %dma_start3A_76 = arith.constant 0 : i32
      %dma_start3A_77 = tpu.memref_slice %arg11[%add3A_4, %dma_start3A_76] : memref<16384x128xf32, #tpu.memory_space<hbm>> -> memref<128x128xf32, #tpu.memory_space<hbm>>
      %dma_start3A_78 = arith.constant 0 : i32
      %dma_start3A_79 = tpu.memref_slice %arg11[%add3A_4, %dma_start3A_78] : memref<16384x128xf32, #tpu.memory_space<hbm>> -> memref<128x128xf32, #tpu.memory_space<hbm>>
      tpu.enqueue_dma source(%arg14 : memref<128x128xf32, #tpu.memory_space<vmem>>) target(%dma_start3A_79 : memref<128x128xf32, #tpu.memory_space<hbm>>) target_semaphore(%run_scoped3A : memref<!tpu.dma_semaphore, #tpu.memory_space<semaphore_mem>>)
      %dma_wait3A_80 = arith.constant 0 : i32
      %dma_wait3A_81 = tpu.memref_slice %arg11[%add3A_4, %dma_wait3A_80] : memref<16384x128xf32, #tpu.memory_space<hbm>> -> memref<128x128xf32, #tpu.memory_space<hbm>>
      %dma_wait3A_82 = arith.constant 0 : i32
      %dma_wait3A_83 = tpu.memref_slice %arg11[%add3A_4, %dma_wait3A_82] : memref<16384x128xf32, #tpu.memory_space<hbm>> -> memref<128x128xf32, #tpu.memory_space<hbm>>
      tpu.wait_dma2 semaphore(%run_scoped3A : memref<!tpu.dma_semaphore, #tpu.memory_space<semaphore_mem>>) src(%arg14 : memref<128x128xf32, #tpu.memory_space<vmem>>) dst(%dma_wait3A_83 : memref<128x128xf32, #tpu.memory_space<hbm>>)
      tpu.yield
    }) : () -> ()
    %add3A_19 = arith.constant 128 : i32
    %add3A_20 = arith.addi %mul3A_2, %add3A_19 : i32
    "tpu.region"() ({
      %run_scoped3A = tpu.sem_alloc : memref<!tpu.dma_semaphore, #tpu.memory_space<semaphore_mem>>
      %dma_start3A_76 = tpu.memref_slice %arg2[%add3A_20] : memref<16384xi32, #tpu.memory_space<hbm>> -> memref<128xi32, #tpu.memory_space<hbm>>
      %dma_start3A_77 = tpu.memref_slice %arg2[%add3A_20] : memref<16384xi32, #tpu.memory_space<hbm>> -> memref<128xi32, #tpu.memory_space<hbm>>
      tpu.enqueue_dma source(%dma_start3A_77 : memref<128xi32, #tpu.memory_space<hbm>>) target(%arg12 : memref<128xi32, #tpu.memory_space<vmem>>) target_semaphore(%run_scoped3A : memref<!tpu.dma_semaphore, #tpu.memory_space<semaphore_mem>>)
      %dma_wait3A_78 = tpu.memref_slice %arg2[%add3A_20] : memref<16384xi32, #tpu.memory_space<hbm>> -> memref<128xi32, #tpu.memory_space<hbm>>
      %dma_wait3A_79 = tpu.memref_slice %arg2[%add3A_20] : memref<16384xi32, #tpu.memory_space<hbm>> -> memref<128xi32, #tpu.memory_space<hbm>>
      tpu.wait_dma2 semaphore(%run_scoped3A : memref<!tpu.dma_semaphore, #tpu.memory_space<semaphore_mem>>) src(%dma_wait3A_79 : memref<128xi32, #tpu.memory_space<hbm>>) dst(%arg12 : memref<128xi32, #tpu.memory_space<vmem>>)
      tpu.yield
    }) : () -> ()
    %scan3A_21 = arith.constant 0 : i32
    %scan3A_22 = arith.constant 8 : i32
    %scan3A_23 = arith.addi %scan3A_21, %scan3A_22 : i32
    %scan3A_24 = arith.constant 1 : i32
    scf.for %scan3A_76 = %scan3A_21 to %scan3A_23 step %scan3A_24  : i32 {
      %mul3A_77 = arith.constant 1 : i32
      %mul3A_78 = arith.muli %scan3A_76, %mul3A_77 : i32
      %add3A_79 = arith.constant 0 : i32
      %add3A_80 = arith.addi %add3A_79, %mul3A_78 : i32
      %mul3A_81 = arith.constant 16 : i32
      %mul3A_82 = arith.muli %add3A_80, %mul3A_81 : i32
      %get3A = arith.index_cast %mul3A_82 : i32 to index
      %get3A_83 = tpu.vector_load %arg12[%get3A] {strides = array<i32>} : memref<128xi32, #tpu.memory_space<vmem>>, vector<16xi32>,
      %get3A_84 = vector.shape_cast %get3A_83 : vector<16xi32> to vector<16xi32>
      %mul3A_85 = arith.constant 16 : i32
      %mul3A_86 = arith.muli %add3A_80, %mul3A_85 : i32
      %add3A_87 = arith.constant 0 : i32
      %add3A_88 = arith.addi %mul3A_86, %add3A_87 : i32
      %slice3A = vector.extract_strided_slice %get3A_84 {offsets = [0], sizes = [1], strides = [1]} : vector<16xi32> to vector<1xi32>
      %squeeze3A = vector.extract %slice3A[0] : i32 from vector<1xi32>
      %dma_start3A_89 = arith.constant 0 : i32
      %dma_start3A_90 = tpu.memref_slice %arg15[%add3A_88, %dma_start3A_89] : memref<128x64xf32, #tpu.memory_space<vmem>> -> memref<1x64xf32, #tpu.memory_space<vmem>>
      %dma_start3A_91 = arith.constant 0 : i32
      %dma_start3A_92 = tpu.memref_slice %arg5[%squeeze3A, %dma_start3A_91] : memref<1000000x64xf32, #tpu.memory_space<hbm>> -> memref<1x64xf32, #tpu.memory_space<hbm>>
      %dma_start3A_93 = arith.constant 0 : i32
      %dma_start3A_94 = tpu.memref_slice %arg15[%add3A_88, %dma_start3A_93] : memref<128x64xf32, #tpu.memory_space<vmem>> -> memref<1x64xf32, #tpu.memory_space<vmem>>
      %dma_start3A_95 = arith.constant 0 : i32
      %dma_start3A_96 = tpu.memref_slice %arg5[%squeeze3A, %dma_start3A_95] : memref<1000000x64xf32, #tpu.memory_space<hbm>> -> memref<1x64xf32, #tpu.memory_space<hbm>>
      tpu.enqueue_dma source(%dma_start3A_96 : memref<1x64xf32, #tpu.memory_space<hbm>>) target(%dma_start3A_94 : memref<1x64xf32, #tpu.memory_space<vmem>>) target_semaphore(%arg17 : memref<!tpu.dma_semaphore, #tpu.memory_space<semaphore_mem>>)
      %dma_start3A_97 = arith.constant 0 : i32
      %dma_start3A_98 = tpu.memref_slice %arg16[%add3A_88, %dma_start3A_97] : memref<128x64xf32, #tpu.memory_space<vmem>> -> memref<1x64xf32, #tpu.memory_space<vmem>>
      %dma_start3A_99 = arith.constant 0 : i32
      %dma_start3A_100 = tpu.memref_slice %arg6[%squeeze3A, %dma_start3A_99] : memref<1000000x64xf32, #tpu.memory_space<hbm>> -> memref<1x64xf32, #tpu.memory_space<hbm>>
      %dma_start3A_101 = arith.constant 0 : i32
      %dma_start3A_102 = tpu.memref_slice %arg16[%add3A_88, %dma_start3A_101] : memref<128x64xf32, #tpu.memory_space<vmem>> -> memref<1x64xf32, #tpu.memory_space<vmem>>
      %dma_start3A_103 = arith.constant 0 : i32
      %dma_start3A_104 = tpu.memref_slice %arg6[%squeeze3A, %dma_start3A_103] : memref<1000000x64xf32, #tpu.memory_space<hbm>> -> memref<1x64xf32, #tpu.memory_space<hbm>>
      tpu.enqueue_dma source(%dma_start3A_104 : memref<1x64xf32, #tpu.memory_space<hbm>>) target(%dma_start3A_102 : memref<1x64xf32, #tpu.memory_space<vmem>>) target_semaphore(%arg17 : memref<!tpu.dma_semaphore, #tpu.memory_space<semaphore_mem>>)
      %mul3A_105 = arith.constant 16 : i32
      %mul3A_106 = arith.muli %add3A_80, %mul3A_105 : i32
      %add3A_107 = arith.constant 1 : i32
      %add3A_108 = arith.addi %mul3A_106, %add3A_107 : i32
      %slice3A_109 = vector.extract_strided_slice %get3A_84 {offsets = [1], sizes = [1], strides = [1]} : vector<16xi32> to vector<1xi32>
      %squeeze3A_110 = vector.extract %slice3A_109[0] : i32 from vector<1xi32>
      %dma_start3A_111 = arith.constant 0 : i32
      %dma_start3A_112 = tpu.memref_slice %arg15[%add3A_108, %dma_start3A_111] : memref<128x64xf32, #tpu.memory_space<vmem>> -> memref<1x64xf32, #tpu.memory_space<vmem>>
      %dma_start3A_113 = arith.constant 0 : i32
      %dma_start3A_114 = tpu.memref_slice %arg5[%squeeze3A_110, %dma_start3A_113] : memref<1000000x64xf32, #tpu.memory_space<hbm>> -> memref<1x64xf32, #tpu.memory_space<hbm>>
      %dma_start3A_115 = arith.constant 0 : i32
      %dma_start3A_116 = tpu.memref_slice %arg15[%add3A_108, %dma_start3A_115] : memref<128x64xf32, #tpu.memory_space<vmem>> -> memref<1x64xf32, #tpu.memory_space<vmem>>
      %dma_start3A_117 = arith.constant 0 : i32
      %dma_start3A_118 = tpu.memref_slice %arg5[%squeeze3A_110, %dma_start3A_117] : memref<1000000x64xf32, #tpu.memory_space<hbm>> -> memref<1x64xf32, #tpu.memory_space<hbm>>
      tpu.enqueue_dma source(%dma_start3A_118 : memref<1x64xf32, #tpu.memory_space<hbm>>) target(%dma_start3A_116 : memref<1x64xf32, #tpu.memory_space<vmem>>) target_semaphore(%arg17 : memref<!tpu.dma_semaphore, #tpu.memory_space<semaphore_mem>>)
      %dma_start3A_119 = arith.constant 0 : i32
      %dma_start3A_120 = tpu.memref_slice %arg16[%add3A_108, %dma_start3A_119] : memref<128x64xf32, #tpu.memory_space<vmem>> -> memref<1x64xf32, #tpu.memory_space<vmem>>
      %dma_start3A_121 = arith.constant 0 : i32
      %dma_start3A_122 = tpu.memref_slice %arg6[%squeeze3A_110, %dma_start3A_121] : memref<1000000x64xf32, #tpu.memory_space<hbm>> -> memref<1x64xf32, #tpu.memory_space<hbm>>
      %dma_start3A_123 = arith.constant 0 : i32
      %dma_start3A_124 = tpu.memref_slice %arg16[%add3A_108, %dma_start3A_123] : memref<128x64xf32, #tpu.memory_space<vmem>> -> memref<1x64xf32, #tpu.memory_space<vmem>>
      %dma_start3A_125 = arith.constant 0 : i32
      %dma_start3A_126 = tpu.memref_slice %arg6[%squeeze3A_110, %dma_start3A_125] : memref<1000000x64xf32, #tpu.memory_space<hbm>> -> memref<1x64xf32, #tpu.memory_space<hbm>>
      tpu.enqueue_dma source(%dma_start3A_126 : memref<1x64xf32, #tpu.memory_space<hbm>>) target(%dma_start3A_124 : memref<1x64xf32, #tpu.memory_space<vmem>>) target_semaphore(%arg17 : memref<!tpu.dma_semaphore, #tpu.memory_space<semaphore_mem>>)
      %mul3A_127 = arith.constant 16 : i32
      %mul3A_128 = arith.muli %add3A_80, %mul3A_127 : i32
      %add3A_129 = arith.constant 2 : i32
      %add3A_130 = arith.addi %mul3A_128, %add3A_129 : i32
      %slice3A_131 = vector.extract_strided_slice %get3A_84 {offsets = [2], sizes = [1], strides = [1]} : vector<16xi32> to vector<1xi32>
      %squeeze3A_132 = vector.extract %slice3A_131[0] : i32 from vector<1xi32>
      %dma_start3A_133 = arith.constant 0 : i32
      %dma_start3A_134 = tpu.memref_slice %arg15[%add3A_130, %dma_start3A_133] : memref<128x64xf32, #tpu.memory_space<vmem>> -> memref<1x64xf32, #tpu.memory_space<vmem>>
      %dma_start3A_135 = arith.constant 0 : i32
      %dma_start3A_136 = tpu.memref_slice %arg5[%squeeze3A_132, %dma_start3A_135] : memref<1000000x64xf32, #tpu.memory_space<hbm>> -> memref<1x64xf32, #tpu.memory_space<hbm>>
      %dma_start3A_137 = arith.constant 0 : i32
      %dma_start3A_138 = tpu.memref_slice %arg15[%add3A_130, %dma_start3A_137] : memref<128x64xf32, #tpu.memory_space<vmem>> -> memref<1x64xf32, #tpu.memory_space<vmem>>
      %dma_start3A_139 = arith.constant 0 : i32
      %dma_start3A_140 = tpu.memref_slice %arg5[%squeeze3A_132, %dma_start3A_139] : memref<1000000x64xf32, #tpu.memory_space<hbm>> -> memref<1x64xf32, #tpu.memory_space<hbm>>
      tpu.enqueue_dma source(%dma_start3A_140 : memref<1x64xf32, #tpu.memory_space<hbm>>) target(%dma_start3A_138 : memref<1x64xf32, #tpu.memory_space<vmem>>) target_semaphore(%arg17 : memref<!tpu.dma_semaphore, #tpu.memory_space<semaphore_mem>>)
      %dma_start3A_141 = arith.constant 0 : i32
      %dma_start3A_142 = tpu.memref_slice %arg16[%add3A_130, %dma_start3A_141] : memref<128x64xf32, #tpu.memory_space<vmem>> -> memref<1x64xf32, #tpu.memory_space<vmem>>
      %dma_start3A_143 = arith.constant 0 : i32
      %dma_start3A_144 = tpu.memref_slice %arg6[%squeeze3A_132, %dma_start3A_143] : memref<1000000x64xf32, #tpu.memory_space<hbm>> -> memref<1x64xf32, #tpu.memory_space<hbm>>
      %dma_start3A_145 = arith.constant 0 : i32
      %dma_start3A_146 = tpu.memref_slice %arg16[%add3A_130, %dma_start3A_145] : memref<128x64xf32, #tpu.memory_space<vmem>> -> memref<1x64xf32, #tpu.memory_space<vmem>>
      %dma_start3A_147 = arith.constant 0 : i32
      %dma_start3A_148 = tpu.memref_slice %arg6[%squeeze3A_132, %dma_start3A_147] : memref<1000000x64xf32, #tpu.memory_space<hbm>> -> memref<1x64xf32, #tpu.memory_space<hbm>>
      tpu.enqueue_dma source(%dma_start3A_148 : memref<1x64xf32, #tpu.memory_space<hbm>>) target(%dma_start3A_146 : memref<1x64xf32, #tpu.memory_space<vmem>>) target_semaphore(%arg17 : memref<!tpu.dma_semaphore, #tpu.memory_space<semaphore_mem>>)
      %mul3A_149 = arith.constant 16 : i32
      %mul3A_150 = arith.muli %add3A_80, %mul3A_149 : i32
      %add3A_151 = arith.constant 3 : i32
      %add3A_152 = arith.addi %mul3A_150, %add3A_151 : i32
      %slice3A_153 = vector.extract_strided_slice %get3A_84 {offsets = [3], sizes = [1], strides = [1]} : vector<16xi32> to vector<1xi32>
      %squeeze3A_154 = vector.extract %slice3A_153[0] : i32 from vector<1xi32>
      %dma_start3A_155 = arith.constant 0 : i32
      %dma_start3A_156 = tpu.memref_slice %arg15[%add3A_152, %dma_start3A_155] : memref<128x64xf32, #tpu.memory_space<vmem>> -> memref<1x64xf32, #tpu.memory_space<vmem>>
      %dma_start3A_157 = arith.constant 0 : i32
      %dma_start3A_158 = tpu.memref_slice %arg5[%squeeze3A_154, %dma_start3A_157] : memref<1000000x64xf32, #tpu.memory_space<hbm>> -> memref<1x64xf32, #tpu.memory_space<hbm>>
      %dma_start3A_159 = arith.constant 0 : i32
      %dma_start3A_160 = tpu.memref_slice %arg15[%add3A_152, %dma_start3A_159] : memref<128x64xf32, #tpu.memory_space<vmem>> -> memref<1x64xf32, #tpu.memory_space<vmem>>
      %dma_start3A_161 = arith.constant 0 : i32
      %dma_start3A_162 = tpu.memref_slice %arg5[%squeeze3A_154, %dma_start3A_161] : memref<1000000x64xf32, #tpu.memory_space<hbm>> -> memref<1x64xf32, #tpu.memory_space<hbm>>
      tpu.enqueue_dma source(%dma_start3A_162 : memref<1x64xf32, #tpu.memory_space<hbm>>) target(%dma_start3A_160 : memref<1x64xf32, #tpu.memory_space<vmem>>) target_semaphore(%arg17 : memref<!tpu.dma_semaphore, #tpu.memory_space<semaphore_mem>>)
      %dma_start3A_163 = arith.constant 0 : i32
      %dma_start3A_164 = tpu.memref_slice %arg16[%add3A_152, %dma_start3A_163] : memref<128x64xf32, #tpu.memory_space<vmem>> -> memref<1x64xf32, #tpu.memory_space<vmem>>
      %dma_start3A_165 = arith.constant 0 : i32
      %dma_start3A_166 = tpu.memref_slice %arg6[%squeeze3A_154, %dma_start3A_165] : memref<1000000x64xf32, #tpu.memory_space<hbm>> -> memref<1x64xf32, #tpu.memory_space<hbm>>
      %dma_start3A_167 = arith.constant 0 : i32
      %dma_start3A_168 = tpu.memref_slice %arg16[%add3A_152, %dma_start3A_167] : memref<128x64xf32, #tpu.memory_space<vmem>> -> memref<1x64xf32, #tpu.memory_space<vmem>>
      %dma_start3A_169 = arith.constant 0 : i32
      %dma_start3A_170 = tpu.memref_slice %arg6[%squeeze3A_154, %dma_start3A_169] : memref<1000000x64xf32, #tpu.memory_space<hbm>> -> memref<1x64xf32, #tpu.memory_space<hbm>>
      tpu.enqueue_dma source(%dma_start3A_170 : memref<1x64xf32, #tpu.memory_space<hbm>>) target(%dma_start3A_168 : memref<1x64xf32, #tpu.memory_space<vmem>>) target_semaphore(%arg17 : memref<!tpu.dma_semaphore, #tpu.memory_space<semaphore_mem>>)
      %mul3A_171 = arith.constant 16 : i32
      %mul3A_172 = arith.muli %add3A_80, %mul3A_171 : i32
      %add3A_173 = arith.constant 4 : i32
      %add3A_174 = arith.addi %mul3A_172, %add3A_173 : i32
      %slice3A_175 = vector.extract_strided_slice %get3A_84 {offsets = [4], sizes = [1], strides = [1]} : vector<16xi32> to vector<1xi32>
      %squeeze3A_176 = vector.extract %slice3A_175[0] : i32 from vector<1xi32>
      %dma_start3A_177 = arith.constant 0 : i32
      %dma_start3A_178 = tpu.memref_slice %arg15[%add3A_174, %dma_start3A_177] : memref<128x64xf32, #tpu.memory_space<vmem>> -> memref<1x64xf32, #tpu.memory_space<vmem>>
      %dma_start3A_179 = arith.constant 0 : i32
      %dma_start3A_180 = tpu.memref_slice %arg5[%squeeze3A_176, %dma_start3A_179] : memref<1000000x64xf32, #tpu.memory_space<hbm>> -> memref<1x64xf32, #tpu.memory_space<hbm>>
      %dma_start3A_181 = arith.constant 0 : i32
      %dma_start3A_182 = tpu.memref_slice %arg15[%add3A_174, %dma_start3A_181] : memref<128x64xf32, #tpu.memory_space<vmem>> -> memref<1x64xf32, #tpu.memory_space<vmem>>
      %dma_start3A_183 = arith.constant 0 : i32
      %dma_start3A_184 = tpu.memref_slice %arg5[%squeeze3A_176, %dma_start3A_183] : memref<1000000x64xf32, #tpu.memory_space<hbm>> -> memref<1x64xf32, #tpu.memory_space<hbm>>
      tpu.enqueue_dma source(%dma_start3A_184 : memref<1x64xf32, #tpu.memory_space<hbm>>) target(%dma_start3A_182 : memref<1x64xf32, #tpu.memory_space<vmem>>) target_semaphore(%arg17 : memref<!tpu.dma_semaphore, #tpu.memory_space<semaphore_mem>>)
      %dma_start3A_185 = arith.constant 0 : i32
      %dma_start3A_186 = tpu.memref_slice %arg16[%add3A_174, %dma_start3A_185] : memref<128x64xf32, #tpu.memory_space<vmem>> -> memref<1x64xf32, #tpu.memory_space<vmem>>
      %dma_start3A_187 = arith.constant 0 : i32
      %dma_start3A_188 = tpu.memref_slice %arg6[%squeeze3A_176, %dma_start3A_187] : memref<1000000x64xf32, #tpu.memory_space<hbm>> -> memref<1x64xf32, #tpu.memory_space<hbm>>
      %dma_start3A_189 = arith.constant 0 : i32
      %dma_start3A_190 = tpu.memref_slice %arg16[%add3A_174, %dma_start3A_189] : memref<128x64xf32, #tpu.memory_space<vmem>> -> memref<1x64xf32, #tpu.memory_space<vmem>>
      %dma_start3A_191 = arith.constant 0 : i32
      %dma_start3A_192 = tpu.memref_slice %arg6[%squeeze3A_176, %dma_start3A_191] : memref<1000000x64xf32, #tpu.memory_space<hbm>> -> memref<1x64xf32, #tpu.memory_space<hbm>>
      tpu.enqueue_dma source(%dma_start3A_192 : memref<1x64xf32, #tpu.memory_space<hbm>>) target(%dma_start3A_190 : memref<1x64xf32, #tpu.memory_space<vmem>>) target_semaphore(%arg17 : memref<!tpu.dma_semaphore, #tpu.memory_space<semaphore_mem>>)
      %mul3A_193 = arith.constant 16 : i32
      %mul3A_194 = arith.muli %add3A_80, %mul3A_193 : i32
      %add3A_195 = arith.constant 5 : i32
      %add3A_196 = arith.addi %mul3A_194, %add3A_195 : i32
      %slice3A_197 = vector.extract_strided_slice %get3A_84 {offsets = [5], sizes = [1], strides = [1]} : vector<16xi32> to vector<1xi32>
      %squeeze3A_198 = vector.extract %slice3A_197[0] : i32 from vector<1xi32>
      %dma_start3A_199 = arith.constant 0 : i32
      %dma_start3A_200 = tpu.memref_slice %arg15[%add3A_196, %dma_start3A_199] : memref<128x64xf32, #tpu.memory_space<vmem>> -> memref<1x64xf32, #tpu.memory_space<vmem>>
      %dma_start3A_201 = arith.constant 0 : i32
      %dma_start3A_202 = tpu.memref_slice %arg5[%squeeze3A_198, %dma_start3A_201] : memref<1000000x64xf32, #tpu.memory_space<hbm>> -> memref<1x64xf32, #tpu.memory_space<hbm>>
      %dma_start3A_203 = arith.constant 0 : i32
      %dma_start3A_204 = tpu.memref_slice %arg15[%add3A_196, %dma_start3A_203] : memref<128x64xf32, #tpu.memory_space<vmem>> -> memref<1x64xf32, #tpu.memory_space<vmem>>
      %dma_start3A_205 = arith.constant 0 : i32
      %dma_start3A_206 = tpu.memref_slice %arg5[%squeeze3A_198, %dma_start3A_205] : memref<1000000x64xf32, #tpu.memory_space<hbm>> -> memref<1x64xf32, #tpu.memory_space<hbm>>
      tpu.enqueue_dma source(%dma_start3A_206 : memref<1x64xf32, #tpu.memory_space<hbm>>) target(%dma_start3A_204 : memref<1x64xf32, #tpu.memory_space<vmem>>) target_semaphore(%arg17 : memref<!tpu.dma_semaphore, #tpu.memory_space<semaphore_mem>>)
      %dma_start3A_207 = arith.constant 0 : i32
      %dma_start3A_208 = tpu.memref_slice %arg16[%add3A_196, %dma_start3A_207] : memref<128x64xf32, #tpu.memory_space<vmem>> -> memref<1x64xf32, #tpu.memory_space<vmem>>
      %dma_start3A_209 = arith.constant 0 : i32
      %dma_start3A_210 = tpu.memref_slice %arg6[%squeeze3A_198, %dma_start3A_209] : memref<1000000x64xf32, #tpu.memory_space<hbm>> -> memref<1x64xf32, #tpu.memory_space<hbm>>
      %dma_start3A_211 = arith.constant 0 : i32
      %dma_start3A_212 = tpu.memref_slice %arg16[%add3A_196, %dma_start3A_211] : memref<128x64xf32, #tpu.memory_space<vmem>> -> memref<1x64xf32, #tpu.memory_space<vmem>>
      %dma_start3A_213 = arith.constant 0 : i32
      %dma_start3A_214 = tpu.memref_slice %arg6[%squeeze3A_198, %dma_start3A_213] : memref<1000000x64xf32, #tpu.memory_space<hbm>> -> memref<1x64xf32, #tpu.memory_space<hbm>>
      tpu.enqueue_dma source(%dma_start3A_214 : memref<1x64xf32, #tpu.memory_space<hbm>>) target(%dma_start3A_212 : memref<1x64xf32, #tpu.memory_space<vmem>>) target_semaphore(%arg17 : memref<!tpu.dma_semaphore, #tpu.memory_space<semaphore_mem>>)
      %mul3A_215 = arith.constant 16 : i32
      %mul3A_216 = arith.muli %add3A_80, %mul3A_215 : i32
      %add3A_217 = arith.constant 6 : i32
      %add3A_218 = arith.addi %mul3A_216, %add3A_217 : i32
      %slice3A_219 = vector.extract_strided_slice %get3A_84 {offsets = [6], sizes = [1], strides = [1]} : vector<16xi32> to vector<1xi32>
      %squeeze3A_220 = vector.extract %slice3A_219[0] : i32 from vector<1xi32>
      %dma_start3A_221 = arith.constant 0 : i32
      %dma_start3A_222 = tpu.memref_slice %arg15[%add3A_218, %dma_start3A_221] : memref<128x64xf32, #tpu.memory_space<vmem>> -> memref<1x64xf32, #tpu.memory_space<vmem>>
      %dma_start3A_223 = arith.constant 0 : i32
      %dma_start3A_224 = tpu.memref_slice %arg5[%squeeze3A_220, %dma_start3A_223] : memref<1000000x64xf32, #tpu.memory_space<hbm>> -> memref<1x64xf32, #tpu.memory_space<hbm>>
      %dma_start3A_225 = arith.constant 0 : i32
      %dma_start3A_226 = tpu.memref_slice %arg15[%add3A_218, %dma_start3A_225] : memref<128x64xf32, #tpu.memory_space<vmem>> -> memref<1x64xf32, #tpu.memory_space<vmem>>
      %dma_start3A_227 = arith.constant 0 : i32
      %dma_start3A_228 = tpu.memref_slice %arg5[%squeeze3A_220, %dma_start3A_227] : memref<1000000x64xf32, #tpu.memory_space<hbm>> -> memref<1x64xf32, #tpu.memory_space<hbm>>
      tpu.enqueue_dma source(%dma_start3A_228 : memref<1x64xf32, #tpu.memory_space<hbm>>) target(%dma_start3A_226 : memref<1x64xf32, #tpu.memory_space<vmem>>) target_semaphore(%arg17 : memref<!tpu.dma_semaphore, #tpu.memory_space<semaphore_mem>>)
      %dma_start3A_229 = arith.constant 0 : i32
      %dma_start3A_230 = tpu.memref_slice %arg16[%add3A_218, %dma_start3A_229] : memref<128x64xf32, #tpu.memory_space<vmem>> -> memref<1x64xf32, #tpu.memory_space<vmem>>
      %dma_start3A_231 = arith.constant 0 : i32
      %dma_start3A_232 = tpu.memref_slice %arg6[%squeeze3A_220, %dma_start3A_231] : memref<1000000x64xf32, #tpu.memory_space<hbm>> -> memref<1x64xf32, #tpu.memory_space<hbm>>
      %dma_start3A_233 = arith.constant 0 : i32
      %dma_start3A_234 = tpu.memref_slice %arg16[%add3A_218, %dma_start3A_233] : memref<128x64xf32, #tpu.memory_space<vmem>> -> memref<1x64xf32, #tpu.memory_space<vmem>>
      %dma_start3A_235 = arith.constant 0 : i32
      %dma_start3A_236 = tpu.memref_slice %arg6[%squeeze3A_220, %dma_start3A_235] : memref<1000000x64xf32, #tpu.memory_space<hbm>> -> memref<1x64xf32, #tpu.memory_space<hbm>>
      tpu.enqueue_dma source(%dma_start3A_236 : memref<1x64xf32, #tpu.memory_space<hbm>>) target(%dma_start3A_234 : memref<1x64xf32, #tpu.memory_space<vmem>>) target_semaphore(%arg17 : memref<!tpu.dma_semaphore, #tpu.memory_space<semaphore_mem>>)
      %mul3A_237 = arith.constant 16 : i32
      %mul3A_238 = arith.muli %add3A_80, %mul3A_237 : i32
      %add3A_239 = arith.constant 7 : i32
      %add3A_240 = arith.addi %mul3A_238, %add3A_239 : i32
      %slice3A_241 = vector.extract_strided_slice %get3A_84 {offsets = [7], sizes = [1], strides = [1]} : vector<16xi32> to vector<1xi32>
      %squeeze3A_242 = vector.extract %slice3A_241[0] : i32 from vector<1xi32>
      %dma_start3A_243 = arith.constant 0 : i32
      %dma_start3A_244 = tpu.memref_slice %arg15[%add3A_240, %dma_start3A_243] : memref<128x64xf32, #tpu.memory_space<vmem>> -> memref<1x64xf32, #tpu.memory_space<vmem>>
      %dma_start3A_245 = arith.constant 0 : i32
      %dma_start3A_246 = tpu.memref_slice %arg5[%squeeze3A_242, %dma_start3A_245] : memref<1000000x64xf32, #tpu.memory_space<hbm>> -> memref<1x64xf32, #tpu.memory_space<hbm>>
      %dma_start3A_247 = arith.constant 0 : i32
      %dma_start3A_248 = tpu.memref_slice %arg15[%add3A_240, %dma_start3A_247] : memref<128x64xf32, #tpu.memory_space<vmem>> -> memref<1x64xf32, #tpu.memory_space<vmem>>
      %dma_start3A_249 = arith.constant 0 : i32
      %dma_start3A_250 = tpu.memref_slice %arg5[%squeeze3A_242, %dma_start3A_249] : memref<1000000x64xf32, #tpu.memory_space<hbm>> -> memref<1x64xf32, #tpu.memory_space<hbm>>
      tpu.enqueue_dma source(%dma_start3A_250 : memref<1x64xf32, #tpu.memory_space<hbm>>) target(%dma_start3A_248 : memref<1x64xf32, #tpu.memory_space<vmem>>) target_semaphore(%arg17 : memref<!tpu.dma_semaphore, #tpu.memory_space<semaphore_mem>>)
      %dma_start3A_251 = arith.constant 0 : i32
      %dma_start3A_252 = tpu.memref_slice %arg16[%add3A_240, %dma_start3A_251] : memref<128x64xf32, #tpu.memory_space<vmem>> -> memref<1x64xf32, #tpu.memory_space<vmem>>
      %dma_start3A_253 = arith.constant 0 : i32
      %dma_start3A_254 = tpu.memref_slice %arg6[%squeeze3A_242, %dma_start3A_253] : memref<1000000x64xf32, #tpu.memory_space<hbm>> -> memref<1x64xf32, #tpu.memory_space<hbm>>
      %dma_start3A_255 = arith.constant 0 : i32
      %dma_start3A_256 = tpu.memref_slice %arg16[%add3A_240, %dma_start3A_255] : memref<128x64xf32, #tpu.memory_space<vmem>> -> memref<1x64xf32, #tpu.memory_space<vmem>>
      %dma_start3A_257 = arith.constant 0 : i32
      %dma_start3A_258 = tpu.memref_slice %arg6[%squeeze3A_242, %dma_start3A_257] : memref<1000000x64xf32, #tpu.memory_space<hbm>> -> memref<1x64xf32, #tpu.memory_space<hbm>>
      tpu.enqueue_dma source(%dma_start3A_258 : memref<1x64xf32, #tpu.memory_space<hbm>>) target(%dma_start3A_256 : memref<1x64xf32, #tpu.memory_space<vmem>>) target_semaphore(%arg17 : memref<!tpu.dma_semaphore, #tpu.memory_space<semaphore_mem>>)
      %mul3A_259 = arith.constant 16 : i32
      %mul3A_260 = arith.muli %add3A_80, %mul3A_259 : i32
      %add3A_261 = arith.constant 8 : i32
      %add3A_262 = arith.addi %mul3A_260, %add3A_261 : i32
      %slice3A_263 = vector.extract_strided_slice %get3A_84 {offsets = [8], sizes = [1], strides = [1]} : vector<16xi32> to vector<1xi32>
      %squeeze3A_264 = vector.extract %slice3A_263[0] : i32 from vector<1xi32>
      %dma_start3A_265 = arith.constant 0 : i32
      %dma_start3A_266 = tpu.memref_slice %arg15[%add3A_262, %dma_start3A_265] : memref<128x64xf32, #tpu.memory_space<vmem>> -> memref<1x64xf32, #tpu.memory_space<vmem>>
      %dma_start3A_267 = arith.constant 0 : i32
      %dma_start3A_268 = tpu.memref_slice %arg5[%squeeze3A_264, %dma_start3A_267] : memref<1000000x64xf32, #tpu.memory_space<hbm>> -> memref<1x64xf32, #tpu.memory_space<hbm>>
      %dma_start3A_269 = arith.constant 0 : i32
      %dma_start3A_270 = tpu.memref_slice %arg15[%add3A_262, %dma_start3A_269] : memref<128x64xf32, #tpu.memory_space<vmem>> -> memref<1x64xf32, #tpu.memory_space<vmem>>
      %dma_start3A_271 = arith.constant 0 : i32
      %dma_start3A_272 = tpu.memref_slice %arg5[%squeeze3A_264, %dma_start3A_271] : memref<1000000x64xf32, #tpu.memory_space<hbm>> -> memref<1x64xf32, #tpu.memory_space<hbm>>
      tpu.enqueue_dma source(%dma_start3A_272 : memref<1x64xf32, #tpu.memory_space<hbm>>) target(%dma_start3A_270 : memref<1x64xf32, #tpu.memory_space<vmem>>) target_semaphore(%arg17 : memref<!tpu.dma_semaphore, #tpu.memory_space<semaphore_mem>>)
      %dma_start3A_273 = arith.constant 0 : i32
      %dma_start3A_274 = tpu.memref_slice %arg16[%add3A_262, %dma_start3A_273] : memref<128x64xf32, #tpu.memory_space<vmem>> -> memref<1x64xf32, #tpu.memory_space<vmem>>
      %dma_start3A_275 = arith.constant 0 : i32
      %dma_start3A_276 = tpu.memref_slice %arg6[%squeeze3A_264, %dma_start3A_275] : memref<1000000x64xf32, #tpu.memory_space<hbm>> -> memref<1x64xf32, #tpu.memory_space<hbm>>
      %dma_start3A_277 = arith.constant 0 : i32
      %dma_start3A_278 = tpu.memref_slice %arg16[%add3A_262, %dma_start3A_277] : memref<128x64xf32, #tpu.memory_space<vmem>> -> memref<1x64xf32, #tpu.memory_space<vmem>>
      %dma_start3A_279 = arith.constant 0 : i32
      %dma_start3A_280 = tpu.memref_slice %arg6[%squeeze3A_264, %dma_start3A_279] : memref<1000000x64xf32, #tpu.memory_space<hbm>> -> memref<1x64xf32, #tpu.memory_space<hbm>>
      tpu.enqueue_dma source(%dma_start3A_280 : memref<1x64xf32, #tpu.memory_space<hbm>>) target(%dma_start3A_278 : memref<1x64xf32, #tpu.memory_space<vmem>>) target_semaphore(%arg17 : memref<!tpu.dma_semaphore, #tpu.memory_space<semaphore_mem>>)
      %mul3A_281 = arith.constant 16 : i32
      %mul3A_282 = arith.muli %add3A_80, %mul3A_281 : i32
      %add3A_283 = arith.constant 9 : i32
      %add3A_284 = arith.addi %mul3A_282, %add3A_283 : i32
      %slice3A_285 = vector.extract_strided_slice %get3A_84 {offsets = [9], sizes = [1], strides = [1]} : vector<16xi32> to vector<1xi32>
      %squeeze3A_286 = vector.extract %slice3A_285[0] : i32 from vector<1xi32>
      %dma_start3A_287 = arith.constant 0 : i32
      %dma_start3A_288 = tpu.memref_slice %arg15[%add3A_284, %dma_start3A_287] : memref<128x64xf32, #tpu.memory_space<vmem>> -> memref<1x64xf32, #tpu.memory_space<vmem>>
      %dma_start3A_289 = arith.constant 0 : i32
      %dma_start3A_290 = tpu.memref_slice %arg5[%squeeze3A_286, %dma_start3A_289] : memref<1000000x64xf32, #tpu.memory_space<hbm>> -> memref<1x64xf32, #tpu.memory_space<hbm>>
      %dma_start3A_291 = arith.constant 0 : i32
      %dma_start3A_292 = tpu.memref_slice %arg15[%add3A_284, %dma_start3A_291] : memref<128x64xf32, #tpu.memory_space<vmem>> -> memref<1x64xf32, #tpu.memory_space<vmem>>
      %dma_start3A_293 = arith.constant 0 : i32
      %dma_start3A_294 = tpu.memref_slice %arg5[%squeeze3A_286, %dma_start3A_293] : memref<1000000x64xf32, #tpu.memory_space<hbm>> -> memref<1x64xf32, #tpu.memory_space<hbm>>
      tpu.enqueue_dma source(%dma_start3A_294 : memref<1x64xf32, #tpu.memory_space<hbm>>) target(%dma_start3A_292 : memref<1x64xf32, #tpu.memory_space<vmem>>) target_semaphore(%arg17 : memref<!tpu.dma_semaphore, #tpu.memory_space<semaphore_mem>>)
      %dma_start3A_295 = arith.constant 0 : i32
      %dma_start3A_296 = tpu.memref_slice %arg16[%add3A_284, %dma_start3A_295] : memref<128x64xf32, #tpu.memory_space<vmem>> -> memref<1x64xf32, #tpu.memory_space<vmem>>
      %dma_start3A_297 = arith.constant 0 : i32
      %dma_start3A_298 = tpu.memref_slice %arg6[%squeeze3A_286, %dma_start3A_297] : memref<1000000x64xf32, #tpu.memory_space<hbm>> -> memref<1x64xf32, #tpu.memory_space<hbm>>
      %dma_start3A_299 = arith.constant 0 : i32
      %dma_start3A_300 = tpu.memref_slice %arg16[%add3A_284, %dma_start3A_299] : memref<128x64xf32, #tpu.memory_space<vmem>> -> memref<1x64xf32, #tpu.memory_space<vmem>>
      %dma_start3A_301 = arith.constant 0 : i32
      %dma_start3A_302 = tpu.memref_slice %arg6[%squeeze3A_286, %dma_start3A_301] : memref<1000000x64xf32, #tpu.memory_space<hbm>> -> memref<1x64xf32, #tpu.memory_space<hbm>>
      tpu.enqueue_dma source(%dma_start3A_302 : memref<1x64xf32, #tpu.memory_space<hbm>>) target(%dma_start3A_300 : memref<1x64xf32, #tpu.memory_space<vmem>>) target_semaphore(%arg17 : memref<!tpu.dma_semaphore, #tpu.memory_space<semaphore_mem>>)
      %mul3A_303 = arith.constant 16 : i32
      %mul3A_304 = arith.muli %add3A_80, %mul3A_303 : i32
      %add3A_305 = arith.constant 10 : i32
      %add3A_306 = arith.addi %mul3A_304, %add3A_305 : i32
      %slice3A_307 = vector.extract_strided_slice %get3A_84 {offsets = [10], sizes = [1], strides = [1]} : vector<16xi32> to vector<1xi32>
      %squeeze3A_308 = vector.extract %slice3A_307[0] : i32 from vector<1xi32>
      %dma_start3A_309 = arith.constant 0 : i32
      %dma_start3A_310 = tpu.memref_slice %arg15[%add3A_306, %dma_start3A_309] : memref<128x64xf32, #tpu.memory_space<vmem>> -> memref<1x64xf32, #tpu.memory_space<vmem>>
      %dma_start3A_311 = arith.constant 0 : i32
      %dma_start3A_312 = tpu.memref_slice %arg5[%squeeze3A_308, %dma_start3A_311] : memref<1000000x64xf32, #tpu.memory_space<hbm>> -> memref<1x64xf32, #tpu.memory_space<hbm>>
      %dma_start3A_313 = arith.constant 0 : i32
      %dma_start3A_314 = tpu.memref_slice %arg15[%add3A_306, %dma_start3A_313] : memref<128x64xf32, #tpu.memory_space<vmem>> -> memref<1x64xf32, #tpu.memory_space<vmem>>
      %dma_start3A_315 = arith.constant 0 : i32
      %dma_start3A_316 = tpu.memref_slice %arg5[%squeeze3A_308, %dma_start3A_315] : memref<1000000x64xf32, #tpu.memory_space<hbm>> -> memref<1x64xf32, #tpu.memory_space<hbm>>
      tpu.enqueue_dma source(%dma_start3A_316 : memref<1x64xf32, #tpu.memory_space<hbm>>) target(%dma_start3A_314 : memref<1x64xf32, #tpu.memory_space<vmem>>) target_semaphore(%arg17 : memref<!tpu.dma_semaphore, #tpu.memory_space<semaphore_mem>>)
      %dma_start3A_317 = arith.constant 0 : i32
      %dma_start3A_318 = tpu.memref_slice %arg16[%add3A_306, %dma_start3A_317] : memref<128x64xf32, #tpu.memory_space<vmem>> -> memref<1x64xf32, #tpu.memory_space<vmem>>
      %dma_start3A_319 = arith.constant 0 : i32
      %dma_start3A_320 = tpu.memref_slice %arg6[%squeeze3A_308, %dma_start3A_319] : memref<1000000x64xf32, #tpu.memory_space<hbm>> -> memref<1x64xf32, #tpu.memory_space<hbm>>
      %dma_start3A_321 = arith.constant 0 : i32
      %dma_start3A_322 = tpu.memref_slice %arg16[%add3A_306, %dma_start3A_321] : memref<128x64xf32, #tpu.memory_space<vmem>> -> memref<1x64xf32, #tpu.memory_space<vmem>>
      %dma_start3A_323 = arith.constant 0 : i32
      %dma_start3A_324 = tpu.memref_slice %arg6[%squeeze3A_308, %dma_start3A_323] : memref<1000000x64xf32, #tpu.memory_space<hbm>> -> memref<1x64xf32, #tpu.memory_space<hbm>>
      tpu.enqueue_dma source(%dma_start3A_324 : memref<1x64xf32, #tpu.memory_space<hbm>>) target(%dma_start3A_322 : memref<1x64xf32, #tpu.memory_space<vmem>>) target_semaphore(%arg17 : memref<!tpu.dma_semaphore, #tpu.memory_space<semaphore_mem>>)
      %mul3A_325 = arith.constant 16 : i32
      %mul3A_326 = arith.muli %add3A_80, %mul3A_325 : i32
      %add3A_327 = arith.constant 11 : i32
      %add3A_328 = arith.addi %mul3A_326, %add3A_327 : i32
      %slice3A_329 = vector.extract_strided_slice %get3A_84 {offsets = [11], sizes = [1], strides = [1]} : vector<16xi32> to vector<1xi32>
      %squeeze3A_330 = vector.extract %slice3A_329[0] : i32 from vector<1xi32>
      %dma_start3A_331 = arith.constant 0 : i32
      %dma_start3A_332 = tpu.memref_slice %arg15[%add3A_328, %dma_start3A_331] : memref<128x64xf32, #tpu.memory_space<vmem>> -> memref<1x64xf32, #tpu.memory_space<vmem>>
      %dma_start3A_333 = arith.constant 0 : i32
      %dma_start3A_334 = tpu.memref_slice %arg5[%squeeze3A_330, %dma_start3A_333] : memref<1000000x64xf32, #tpu.memory_space<hbm>> -> memref<1x64xf32, #tpu.memory_space<hbm>>
      %dma_start3A_335 = arith.constant 0 : i32
      %dma_start3A_336 = tpu.memref_slice %arg15[%add3A_328, %dma_start3A_335] : memref<128x64xf32, #tpu.memory_space<vmem>> -> memref<1x64xf32, #tpu.memory_space<vmem>>
      %dma_start3A_337 = arith.constant 0 : i32
      %dma_start3A_338 = tpu.memref_slice %arg5[%squeeze3A_330, %dma_start3A_337] : memref<1000000x64xf32, #tpu.memory_space<hbm>> -> memref<1x64xf32, #tpu.memory_space<hbm>>
      tpu.enqueue_dma source(%dma_start3A_338 : memref<1x64xf32, #tpu.memory_space<hbm>>) target(%dma_start3A_336 : memref<1x64xf32, #tpu.memory_space<vmem>>) target_semaphore(%arg17 : memref<!tpu.dma_semaphore, #tpu.memory_space<semaphore_mem>>)
      %dma_start3A_339 = arith.constant 0 : i32
      %dma_start3A_340 = tpu.memref_slice %arg16[%add3A_328, %dma_start3A_339] : memref<128x64xf32, #tpu.memory_space<vmem>> -> memref<1x64xf32, #tpu.memory_space<vmem>>
      %dma_start3A_341 = arith.constant 0 : i32
      %dma_start3A_342 = tpu.memref_slice %arg6[%squeeze3A_330, %dma_start3A_341] : memref<1000000x64xf32, #tpu.memory_space<hbm>> -> memref<1x64xf32, #tpu.memory_space<hbm>>
      %dma_start3A_343 = arith.constant 0 : i32
      %dma_start3A_344 = tpu.memref_slice %arg16[%add3A_328, %dma_start3A_343] : memref<128x64xf32, #tpu.memory_space<vmem>> -> memref<1x64xf32, #tpu.memory_space<vmem>>
      %dma_start3A_345 = arith.constant 0 : i32
      %dma_start3A_346 = tpu.memref_slice %arg6[%squeeze3A_330, %dma_start3A_345] : memref<1000000x64xf32, #tpu.memory_space<hbm>> -> memref<1x64xf32, #tpu.memory_space<hbm>>
      tpu.enqueue_dma source(%dma_start3A_346 : memref<1x64xf32, #tpu.memory_space<hbm>>) target(%dma_start3A_344 : memref<1x64xf32, #tpu.memory_space<vmem>>) target_semaphore(%arg17 : memref<!tpu.dma_semaphore, #tpu.memory_space<semaphore_mem>>)
      %mul3A_347 = arith.constant 16 : i32
      %mul3A_348 = arith.muli %add3A_80, %mul3A_347 : i32
      %add3A_349 = arith.constant 12 : i32
      %add3A_350 = arith.addi %mul3A_348, %add3A_349 : i32
      %slice3A_351 = vector.extract_strided_slice %get3A_84 {offsets = [12], sizes = [1], strides = [1]} : vector<16xi32> to vector<1xi32>
      %squeeze3A_352 = vector.extract %slice3A_351[0] : i32 from vector<1xi32>
      %dma_start3A_353 = arith.constant 0 : i32
      %dma_start3A_354 = tpu.memref_slice %arg15[%add3A_350, %dma_start3A_353] : memref<128x64xf32, #tpu.memory_space<vmem>> -> memref<1x64xf32, #tpu.memory_space<vmem>>
      %dma_start3A_355 = arith.constant 0 : i32
      %dma_start3A_356 = tpu.memref_slice %arg5[%squeeze3A_352, %dma_start3A_355] : memref<1000000x64xf32, #tpu.memory_space<hbm>> -> memref<1x64xf32, #tpu.memory_space<hbm>>
      %dma_start3A_357 = arith.constant 0 : i32
      %dma_start3A_358 = tpu.memref_slice %arg15[%add3A_350, %dma_start3A_357] : memref<128x64xf32, #tpu.memory_space<vmem>> -> memref<1x64xf32, #tpu.memory_space<vmem>>
      %dma_start3A_359 = arith.constant 0 : i32
      %dma_start3A_360 = tpu.memref_slice %arg5[%squeeze3A_352, %dma_start3A_359] : memref<1000000x64xf32, #tpu.memory_space<hbm>> -> memref<1x64xf32, #tpu.memory_space<hbm>>
      tpu.enqueue_dma source(%dma_start3A_360 : memref<1x64xf32, #tpu.memory_space<hbm>>) target(%dma_start3A_358 : memref<1x64xf32, #tpu.memory_space<vmem>>) target_semaphore(%arg17 : memref<!tpu.dma_semaphore, #tpu.memory_space<semaphore_mem>>)
      %dma_start3A_361 = arith.constant 0 : i32
      %dma_start3A_362 = tpu.memref_slice %arg16[%add3A_350, %dma_start3A_361] : memref<128x64xf32, #tpu.memory_space<vmem>> -> memref<1x64xf32, #tpu.memory_space<vmem>>
      %dma_start3A_363 = arith.constant 0 : i32
      %dma_start3A_364 = tpu.memref_slice %arg6[%squeeze3A_352, %dma_start3A_363] : memref<1000000x64xf32, #tpu.memory_space<hbm>> -> memref<1x64xf32, #tpu.memory_space<hbm>>
      %dma_start3A_365 = arith.constant 0 : i32
      %dma_start3A_366 = tpu.memref_slice %arg16[%add3A_350, %dma_start3A_365] : memref<128x64xf32, #tpu.memory_space<vmem>> -> memref<1x64xf32, #tpu.memory_space<vmem>>
      %dma_start3A_367 = arith.constant 0 : i32
      %dma_start3A_368 = tpu.memref_slice %arg6[%squeeze3A_352, %dma_start3A_367] : memref<1000000x64xf32, #tpu.memory_space<hbm>> -> memref<1x64xf32, #tpu.memory_space<hbm>>
      tpu.enqueue_dma source(%dma_start3A_368 : memref<1x64xf32, #tpu.memory_space<hbm>>) target(%dma_start3A_366 : memref<1x64xf32, #tpu.memory_space<vmem>>) target_semaphore(%arg17 : memref<!tpu.dma_semaphore, #tpu.memory_space<semaphore_mem>>)
      %mul3A_369 = arith.constant 16 : i32
      %mul3A_370 = arith.muli %add3A_80, %mul3A_369 : i32
      %add3A_371 = arith.constant 13 : i32
      %add3A_372 = arith.addi %mul3A_370, %add3A_371 : i32
      %slice3A_373 = vector.extract_strided_slice %get3A_84 {offsets = [13], sizes = [1], strides = [1]} : vector<16xi32> to vector<1xi32>
      %squeeze3A_374 = vector.extract %slice3A_373[0] : i32 from vector<1xi32>
      %dma_start3A_375 = arith.constant 0 : i32
      %dma_start3A_376 = tpu.memref_slice %arg15[%add3A_372, %dma_start3A_375] : memref<128x64xf32, #tpu.memory_space<vmem>> -> memref<1x64xf32, #tpu.memory_space<vmem>>
      %dma_start3A_377 = arith.constant 0 : i32
      %dma_start3A_378 = tpu.memref_slice %arg5[%squeeze3A_374, %dma_start3A_377] : memref<1000000x64xf32, #tpu.memory_space<hbm>> -> memref<1x64xf32, #tpu.memory_space<hbm>>
      %dma_start3A_379 = arith.constant 0 : i32
      %dma_start3A_380 = tpu.memref_slice %arg15[%add3A_372, %dma_start3A_379] : memref<128x64xf32, #tpu.memory_space<vmem>> -> memref<1x64xf32, #tpu.memory_space<vmem>>
      %dma_start3A_381 = arith.constant 0 : i32
      %dma_start3A_382 = tpu.memref_slice %arg5[%squeeze3A_374, %dma_start3A_381] : memref<1000000x64xf32, #tpu.memory_space<hbm>> -> memref<1x64xf32, #tpu.memory_space<hbm>>
      tpu.enqueue_dma source(%dma_start3A_382 : memref<1x64xf32, #tpu.memory_space<hbm>>) target(%dma_start3A_380 : memref<1x64xf32, #tpu.memory_space<vmem>>) target_semaphore(%arg17 : memref<!tpu.dma_semaphore, #tpu.memory_space<semaphore_mem>>)
      %dma_start3A_383 = arith.constant 0 : i32
      %dma_start3A_384 = tpu.memref_slice %arg16[%add3A_372, %dma_start3A_383] : memref<128x64xf32, #tpu.memory_space<vmem>> -> memref<1x64xf32, #tpu.memory_space<vmem>>
      %dma_start3A_385 = arith.constant 0 : i32
      %dma_start3A_386 = tpu.memref_slice %arg6[%squeeze3A_374, %dma_start3A_385] : memref<1000000x64xf32, #tpu.memory_space<hbm>> -> memref<1x64xf32, #tpu.memory_space<hbm>>
      %dma_start3A_387 = arith.constant 0 : i32
      %dma_start3A_388 = tpu.memref_slice %arg16[%add3A_372, %dma_start3A_387] : memref<128x64xf32, #tpu.memory_space<vmem>> -> memref<1x64xf32, #tpu.memory_space<vmem>>
      %dma_start3A_389 = arith.constant 0 : i32
      %dma_start3A_390 = tpu.memref_slice %arg6[%squeeze3A_374, %dma_start3A_389] : memref<1000000x64xf32, #tpu.memory_space<hbm>> -> memref<1x64xf32, #tpu.memory_space<hbm>>
      tpu.enqueue_dma source(%dma_start3A_390 : memref<1x64xf32, #tpu.memory_space<hbm>>) target(%dma_start3A_388 : memref<1x64xf32, #tpu.memory_space<vmem>>) target_semaphore(%arg17 : memref<!tpu.dma_semaphore, #tpu.memory_space<semaphore_mem>>)
      %mul3A_391 = arith.constant 16 : i32
      %mul3A_392 = arith.muli %add3A_80, %mul3A_391 : i32
      %add3A_393 = arith.constant 14 : i32
      %add3A_394 = arith.addi %mul3A_392, %add3A_393 : i32
      %slice3A_395 = vector.extract_strided_slice %get3A_84 {offsets = [14], sizes = [1], strides = [1]} : vector<16xi32> to vector<1xi32>
      %squeeze3A_396 = vector.extract %slice3A_395[0] : i32 from vector<1xi32>
      %dma_start3A_397 = arith.constant 0 : i32
      %dma_start3A_398 = tpu.memref_slice %arg15[%add3A_394, %dma_start3A_397] : memref<128x64xf32, #tpu.memory_space<vmem>> -> memref<1x64xf32, #tpu.memory_space<vmem>>
      %dma_start3A_399 = arith.constant 0 : i32
      %dma_start3A_400 = tpu.memref_slice %arg5[%squeeze3A_396, %dma_start3A_399] : memref<1000000x64xf32, #tpu.memory_space<hbm>> -> memref<1x64xf32, #tpu.memory_space<hbm>>
      %dma_start3A_401 = arith.constant 0 : i32
      %dma_start3A_402 = tpu.memref_slice %arg15[%add3A_394, %dma_start3A_401] : memref<128x64xf32, #tpu.memory_space<vmem>> -> memref<1x64xf32, #tpu.memory_space<vmem>>
      %dma_start3A_403 = arith.constant 0 : i32
      %dma_start3A_404 = tpu.memref_slice %arg5[%squeeze3A_396, %dma_start3A_403] : memref<1000000x64xf32, #tpu.memory_space<hbm>> -> memref<1x64xf32, #tpu.memory_space<hbm>>
      tpu.enqueue_dma source(%dma_start3A_404 : memref<1x64xf32, #tpu.memory_space<hbm>>) target(%dma_start3A_402 : memref<1x64xf32, #tpu.memory_space<vmem>>) target_semaphore(%arg17 : memref<!tpu.dma_semaphore, #tpu.memory_space<semaphore_mem>>)
      %dma_start3A_405 = arith.constant 0 : i32
      %dma_start3A_406 = tpu.memref_slice %arg16[%add3A_394, %dma_start3A_405] : memref<128x64xf32, #tpu.memory_space<vmem>> -> memref<1x64xf32, #tpu.memory_space<vmem>>
      %dma_start3A_407 = arith.constant 0 : i32
      %dma_start3A_408 = tpu.memref_slice %arg6[%squeeze3A_396, %dma_start3A_407] : memref<1000000x64xf32, #tpu.memory_space<hbm>> -> memref<1x64xf32, #tpu.memory_space<hbm>>
      %dma_start3A_409 = arith.constant 0 : i32
      %dma_start3A_410 = tpu.memref_slice %arg16[%add3A_394, %dma_start3A_409] : memref<128x64xf32, #tpu.memory_space<vmem>> -> memref<1x64xf32, #tpu.memory_space<vmem>>
      %dma_start3A_411 = arith.constant 0 : i32
      %dma_start3A_412 = tpu.memref_slice %arg6[%squeeze3A_396, %dma_start3A_411] : memref<1000000x64xf32, #tpu.memory_space<hbm>> -> memref<1x64xf32, #tpu.memory_space<hbm>>
      tpu.enqueue_dma source(%dma_start3A_412 : memref<1x64xf32, #tpu.memory_space<hbm>>) target(%dma_start3A_410 : memref<1x64xf32, #tpu.memory_space<vmem>>) target_semaphore(%arg17 : memref<!tpu.dma_semaphore, #tpu.memory_space<semaphore_mem>>)
      %mul3A_413 = arith.constant 16 : i32
      %mul3A_414 = arith.muli %add3A_80, %mul3A_413 : i32
      %add3A_415 = arith.constant 15 : i32
      %add3A_416 = arith.addi %mul3A_414, %add3A_415 : i32
      %slice3A_417 = vector.extract_strided_slice %get3A_84 {offsets = [15], sizes = [1], strides = [1]} : vector<16xi32> to vector<1xi32>
      %squeeze3A_418 = vector.extract %slice3A_417[0] : i32 from vector<1xi32>
      %dma_start3A_419 = arith.constant 0 : i32
      %dma_start3A_420 = tpu.memref_slice %arg15[%add3A_416, %dma_start3A_419] : memref<128x64xf32, #tpu.memory_space<vmem>> -> memref<1x64xf32, #tpu.memory_space<vmem>>
      %dma_start3A_421 = arith.constant 0 : i32
      %dma_start3A_422 = tpu.memref_slice %arg5[%squeeze3A_418, %dma_start3A_421] : memref<1000000x64xf32, #tpu.memory_space<hbm>> -> memref<1x64xf32, #tpu.memory_space<hbm>>
      %dma_start3A_423 = arith.constant 0 : i32
      %dma_start3A_424 = tpu.memref_slice %arg15[%add3A_416, %dma_start3A_423] : memref<128x64xf32, #tpu.memory_space<vmem>> -> memref<1x64xf32, #tpu.memory_space<vmem>>
      %dma_start3A_425 = arith.constant 0 : i32
      %dma_start3A_426 = tpu.memref_slice %arg5[%squeeze3A_418, %dma_start3A_425] : memref<1000000x64xf32, #tpu.memory_space<hbm>> -> memref<1x64xf32, #tpu.memory_space<hbm>>
      tpu.enqueue_dma source(%dma_start3A_426 : memref<1x64xf32, #tpu.memory_space<hbm>>) target(%dma_start3A_424 : memref<1x64xf32, #tpu.memory_space<vmem>>) target_semaphore(%arg17 : memref<!tpu.dma_semaphore, #tpu.memory_space<semaphore_mem>>)
      %dma_start3A_427 = arith.constant 0 : i32
      %dma_start3A_428 = tpu.memref_slice %arg16[%add3A_416, %dma_start3A_427] : memref<128x64xf32, #tpu.memory_space<vmem>> -> memref<1x64xf32, #tpu.memory_space<vmem>>
      %dma_start3A_429 = arith.constant 0 : i32
      %dma_start3A_430 = tpu.memref_slice %arg6[%squeeze3A_418, %dma_start3A_429] : memref<1000000x64xf32, #tpu.memory_space<hbm>> -> memref<1x64xf32, #tpu.memory_space<hbm>>
      %dma_start3A_431 = arith.constant 0 : i32
      %dma_start3A_432 = tpu.memref_slice %arg16[%add3A_416, %dma_start3A_431] : memref<128x64xf32, #tpu.memory_space<vmem>> -> memref<1x64xf32, #tpu.memory_space<vmem>>
      %dma_start3A_433 = arith.constant 0 : i32
      %dma_start3A_434 = tpu.memref_slice %arg6[%squeeze3A_418, %dma_start3A_433] : memref<1000000x64xf32, #tpu.memory_space<hbm>> -> memref<1x64xf32, #tpu.memory_space<hbm>>
      tpu.enqueue_dma source(%dma_start3A_434 : memref<1x64xf32, #tpu.memory_space<hbm>>) target(%dma_start3A_432 : memref<1x64xf32, #tpu.memory_space<vmem>>) target_semaphore(%arg17 : memref<!tpu.dma_semaphore, #tpu.memory_space<semaphore_mem>>)
      %dma_wait3A_435 = arith.constant 0 : i32
      %dma_wait3A_436 = tpu.memref_slice %arg15[%add3A_88, %dma_wait3A_435] : memref<128x64xf32, #tpu.memory_space<vmem>> -> memref<1x64xf32, #tpu.memory_space<vmem>>
      %dma_wait3A_437 = arith.constant 0 : i32
      %dma_wait3A_438 = tpu.memref_slice %arg5[%squeeze3A, %dma_wait3A_437] : memref<1000000x64xf32, #tpu.memory_space<hbm>> -> memref<1x64xf32, #tpu.memory_space<hbm>>
      %dma_wait3A_439 = arith.constant 0 : i32
      %dma_wait3A_440 = tpu.memref_slice %arg15[%add3A_88, %dma_wait3A_439] : memref<128x64xf32, #tpu.memory_space<vmem>> -> memref<1x64xf32, #tpu.memory_space<vmem>>
      %dma_wait3A_441 = arith.constant 0 : i32
      %dma_wait3A_442 = tpu.memref_slice %arg5[%squeeze3A, %dma_wait3A_441] : memref<1000000x64xf32, #tpu.memory_space<hbm>> -> memref<1x64xf32, #tpu.memory_space<hbm>>
      tpu.wait_dma2 semaphore(%arg17 : memref<!tpu.dma_semaphore, #tpu.memory_space<semaphore_mem>>) src(%dma_wait3A_442 : memref<1x64xf32, #tpu.memory_space<hbm>>) dst(%dma_wait3A_440 : memref<1x64xf32, #tpu.memory_space<vmem>>)
      %dma_wait3A_443 = arith.constant 0 : i32
      %dma_wait3A_444 = tpu.memref_slice %arg16[%add3A_88, %dma_wait3A_443] : memref<128x64xf32, #tpu.memory_space<vmem>> -> memref<1x64xf32, #tpu.memory_space<vmem>>
      %dma_wait3A_445 = arith.constant 0 : i32
      %dma_wait3A_446 = tpu.memref_slice %arg6[%squeeze3A, %dma_wait3A_445] : memref<1000000x64xf32, #tpu.memory_space<hbm>> -> memref<1x64xf32, #tpu.memory_space<hbm>>
      %dma_wait3A_447 = arith.constant 0 : i32
      %dma_wait3A_448 = tpu.memref_slice %arg16[%add3A_88, %dma_wait3A_447] : memref<128x64xf32, #tpu.memory_space<vmem>> -> memref<1x64xf32, #tpu.memory_space<vmem>>
      %dma_wait3A_449 = arith.constant 0 : i32
      %dma_wait3A_450 = tpu.memref_slice %arg6[%squeeze3A, %dma_wait3A_449] : memref<1000000x64xf32, #tpu.memory_space<hbm>> -> memref<1x64xf32, #tpu.memory_space<hbm>>
      tpu.wait_dma2 semaphore(%arg17 : memref<!tpu.dma_semaphore, #tpu.memory_space<semaphore_mem>>) src(%dma_wait3A_450 : memref<1x64xf32, #tpu.memory_space<hbm>>) dst(%dma_wait3A_448 : memref<1x64xf32, #tpu.memory_space<vmem>>)
      %dma_wait3A_451 = arith.constant 0 : i32
      %dma_wait3A_452 = tpu.memref_slice %arg15[%add3A_108, %dma_wait3A_451] : memref<128x64xf32, #tpu.memory_space<vmem>> -> memref<1x64xf32, #tpu.memory_space<vmem>>
      %dma_wait3A_453 = arith.constant 0 : i32
      %dma_wait3A_454 = tpu.memref_slice %arg5[%squeeze3A_110, %dma_wait3A_453] : memref<1000000x64xf32, #tpu.memory_space<hbm>> -> memref<1x64xf32, #tpu.memory_space<hbm>>
      %dma_wait3A_455 = arith.constant 0 : i32
      %dma_wait3A_456 = tpu.memref_slice %arg15[%add3A_108, %dma_wait3A_455] : memref<128x64xf32, #tpu.memory_space<vmem>> -> memref<1x64xf32, #tpu.memory_space<vmem>>
      %dma_wait3A_457 = arith.constant 0 : i32
      %dma_wait3A_458 = tpu.memref_slice %arg5[%squeeze3A_110, %dma_wait3A_457] : memref<1000000x64xf32, #tpu.memory_space<hbm>> -> memref<1x64xf32, #tpu.memory_space<hbm>>
      tpu.wait_dma2 semaphore(%arg17 : memref<!tpu.dma_semaphore, #tpu.memory_space<semaphore_mem>>) src(%dma_wait3A_458 : memref<1x64xf32, #tpu.memory_space<hbm>>) dst(%dma_wait3A_456 : memref<1x64xf32, #tpu.memory_space<vmem>>)
      %dma_wait3A_459 = arith.constant 0 : i32
      %dma_wait3A_460 = tpu.memref_slice %arg16[%add3A_108, %dma_wait3A_459] : memref<128x64xf32, #tpu.memory_space<vmem>> -> memref<1x64xf32, #tpu.memory_space<vmem>>
      %dma_wait3A_461 = arith.constant 0 : i32
      %dma_wait3A_462 = tpu.memref_slice %arg6[%squeeze3A_110, %dma_wait3A_461] : memref<1000000x64xf32, #tpu.memory_space<hbm>> -> memref<1x64xf32, #tpu.memory_space<hbm>>
      %dma_wait3A_463 = arith.constant 0 : i32
      %dma_wait3A_464 = tpu.memref_slice %arg16[%add3A_108, %dma_wait3A_463] : memref<128x64xf32, #tpu.memory_space<vmem>> -> memref<1x64xf32, #tpu.memory_space<vmem>>
      %dma_wait3A_465 = arith.constant 0 : i32
      %dma_wait3A_466 = tpu.memref_slice %arg6[%squeeze3A_110, %dma_wait3A_465] : memref<1000000x64xf32, #tpu.memory_space<hbm>> -> memref<1x64xf32, #tpu.memory_space<hbm>>
      tpu.wait_dma2 semaphore(%arg17 : memref<!tpu.dma_semaphore, #tpu.memory_space<semaphore_mem>>) src(%dma_wait3A_466 : memref<1x64xf32, #tpu.memory_space<hbm>>) dst(%dma_wait3A_464 : memref<1x64xf32, #tpu.memory_space<vmem>>)
      %dma_wait3A_467 = arith.constant 0 : i32
      %dma_wait3A_468 = tpu.memref_slice %arg15[%add3A_130, %dma_wait3A_467] : memref<128x64xf32, #tpu.memory_space<vmem>> -> memref<1x64xf32, #tpu.memory_space<vmem>>
      %dma_wait3A_469 = arith.constant 0 : i32
      %dma_wait3A_470 = tpu.memref_slice %arg5[%squeeze3A_132, %dma_wait3A_469] : memref<1000000x64xf32, #tpu.memory_space<hbm>> -> memref<1x64xf32, #tpu.memory_space<hbm>>
      %dma_wait3A_471 = arith.constant 0 : i32
      %dma_wait3A_472 = tpu.memref_slice %arg15[%add3A_130, %dma_wait3A_471] : memref<128x64xf32, #tpu.memory_space<vmem>> -> memref<1x64xf32, #tpu.memory_space<vmem>>
      %dma_wait3A_473 = arith.constant 0 : i32
      %dma_wait3A_474 = tpu.memref_slice %arg5[%squeeze3A_132, %dma_wait3A_473] : memref<1000000x64xf32, #tpu.memory_space<hbm>> -> memref<1x64xf32, #tpu.memory_space<hbm>>
      tpu.wait_dma2 semaphore(%arg17 : memref<!tpu.dma_semaphore, #tpu.memory_space<semaphore_mem>>) src(%dma_wait3A_474 : memref<1x64xf32, #tpu.memory_space<hbm>>) dst(%dma_wait3A_472 : memref<1x64xf32, #tpu.memory_space<vmem>>)
      %dma_wait3A_475 = arith.constant 0 : i32
      %dma_wait3A_476 = tpu.memref_slice %arg16[%add3A_130, %dma_wait3A_475] : memref<128x64xf32, #tpu.memory_space<vmem>> -> memref<1x64xf32, #tpu.memory_space<vmem>>
      %dma_wait3A_477 = arith.constant 0 : i32
      %dma_wait3A_478 = tpu.memref_slice %arg6[%squeeze3A_132, %dma_wait3A_477] : memref<1000000x64xf32, #tpu.memory_space<hbm>> -> memref<1x64xf32, #tpu.memory_space<hbm>>
      %dma_wait3A_479 = arith.constant 0 : i32
      %dma_wait3A_480 = tpu.memref_slice %arg16[%add3A_130, %dma_wait3A_479] : memref<128x64xf32, #tpu.memory_space<vmem>> -> memref<1x64xf32, #tpu.memory_space<vmem>>
      %dma_wait3A_481 = arith.constant 0 : i32
      %dma_wait3A_482 = tpu.memref_slice %arg6[%squeeze3A_132, %dma_wait3A_481] : memref<1000000x64xf32, #tpu.memory_space<hbm>> -> memref<1x64xf32, #tpu.memory_space<hbm>>
      tpu.wait_dma2 semaphore(%arg17 : memref<!tpu.dma_semaphore, #tpu.memory_space<semaphore_mem>>) src(%dma_wait3A_482 : memref<1x64xf32, #tpu.memory_space<hbm>>) dst(%dma_wait3A_480 : memref<1x64xf32, #tpu.memory_space<vmem>>)
      %dma_wait3A_483 = arith.constant 0 : i32
      %dma_wait3A_484 = tpu.memref_slice %arg15[%add3A_152, %dma_wait3A_483] : memref<128x64xf32, #tpu.memory_space<vmem>> -> memref<1x64xf32, #tpu.memory_space<vmem>>
      %dma_wait3A_485 = arith.constant 0 : i32
      %dma_wait3A_486 = tpu.memref_slice %arg5[%squeeze3A_154, %dma_wait3A_485] : memref<1000000x64xf32, #tpu.memory_space<hbm>> -> memref<1x64xf32, #tpu.memory_space<hbm>>
      %dma_wait3A_487 = arith.constant 0 : i32
      %dma_wait3A_488 = tpu.memref_slice %arg15[%add3A_152, %dma_wait3A_487] : memref<128x64xf32, #tpu.memory_space<vmem>> -> memref<1x64xf32, #tpu.memory_space<vmem>>
      %dma_wait3A_489 = arith.constant 0 : i32
      %dma_wait3A_490 = tpu.memref_slice %arg5[%squeeze3A_154, %dma_wait3A_489] : memref<1000000x64xf32, #tpu.memory_space<hbm>> -> memref<1x64xf32, #tpu.memory_space<hbm>>
      tpu.wait_dma2 semaphore(%arg17 : memref<!tpu.dma_semaphore, #tpu.memory_space<semaphore_mem>>) src(%dma_wait3A_490 : memref<1x64xf32, #tpu.memory_space<hbm>>) dst(%dma_wait3A_488 : memref<1x64xf32, #tpu.memory_space<vmem>>)
      %dma_wait3A_491 = arith.constant 0 : i32
      %dma_wait3A_492 = tpu.memref_slice %arg16[%add3A_152, %dma_wait3A_491] : memref<128x64xf32, #tpu.memory_space<vmem>> -> memref<1x64xf32, #tpu.memory_space<vmem>>
      %dma_wait3A_493 = arith.constant 0 : i32
      %dma_wait3A_494 = tpu.memref_slice %arg6[%squeeze3A_154, %dma_wait3A_493] : memref<1000000x64xf32, #tpu.memory_space<hbm>> -> memref<1x64xf32, #tpu.memory_space<hbm>>
      %dma_wait3A_495 = arith.constant 0 : i32
      %dma_wait3A_496 = tpu.memref_slice %arg16[%add3A_152, %dma_wait3A_495] : memref<128x64xf32, #tpu.memory_space<vmem>> -> memref<1x64xf32, #tpu.memory_space<vmem>>
      %dma_wait3A_497 = arith.constant 0 : i32
      %dma_wait3A_498 = tpu.memref_slice %arg6[%squeeze3A_154, %dma_wait3A_497] : memref<1000000x64xf32, #tpu.memory_space<hbm>> -> memref<1x64xf32, #tpu.memory_space<hbm>>
      tpu.wait_dma2 semaphore(%arg17 : memref<!tpu.dma_semaphore, #tpu.memory_space<semaphore_mem>>) src(%dma_wait3A_498 : memref<1x64xf32, #tpu.memory_space<hbm>>) dst(%dma_wait3A_496 : memref<1x64xf32, #tpu.memory_space<vmem>>)
      %dma_wait3A_499 = arith.constant 0 : i32
      %dma_wait3A_500 = tpu.memref_slice %arg15[%add3A_174, %dma_wait3A_499] : memref<128x64xf32, #tpu.memory_space<vmem>> -> memref<1x64xf32, #tpu.memory_space<vmem>>
      %dma_wait3A_501 = arith.constant 0 : i32
      %dma_wait3A_502 = tpu.memref_slice %arg5[%squeeze3A_176, %dma_wait3A_501] : memref<1000000x64xf32, #tpu.memory_space<hbm>> -> memref<1x64xf32, #tpu.memory_space<hbm>>
      %dma_wait3A_503 = arith.constant 0 : i32
      %dma_wait3A_504 = tpu.memref_slice %arg15[%add3A_174, %dma_wait3A_503] : memref<128x64xf32, #tpu.memory_space<vmem>> -> memref<1x64xf32, #tpu.memory_space<vmem>>
      %dma_wait3A_505 = arith.constant 0 : i32
      %dma_wait3A_506 = tpu.memref_slice %arg5[%squeeze3A_176, %dma_wait3A_505] : memref<1000000x64xf32, #tpu.memory_space<hbm>> -> memref<1x64xf32, #tpu.memory_space<hbm>>
      tpu.wait_dma2 semaphore(%arg17 : memref<!tpu.dma_semaphore, #tpu.memory_space<semaphore_mem>>) src(%dma_wait3A_506 : memref<1x64xf32, #tpu.memory_space<hbm>>) dst(%dma_wait3A_504 : memref<1x64xf32, #tpu.memory_space<vmem>>)
      %dma_wait3A_507 = arith.constant 0 : i32
      %dma_wait3A_508 = tpu.memref_slice %arg16[%add3A_174, %dma_wait3A_507] : memref<128x64xf32, #tpu.memory_space<vmem>> -> memref<1x64xf32, #tpu.memory_space<vmem>>
      %dma_wait3A_509 = arith.constant 0 : i32
      %dma_wait3A_510 = tpu.memref_slice %arg6[%squeeze3A_176, %dma_wait3A_509] : memref<1000000x64xf32, #tpu.memory_space<hbm>> -> memref<1x64xf32, #tpu.memory_space<hbm>>
      %dma_wait3A_511 = arith.constant 0 : i32
      %dma_wait3A_512 = tpu.memref_slice %arg16[%add3A_174, %dma_wait3A_511] : memref<128x64xf32, #tpu.memory_space<vmem>> -> memref<1x64xf32, #tpu.memory_space<vmem>>
      %dma_wait3A_513 = arith.constant 0 : i32
      %dma_wait3A_514 = tpu.memref_slice %arg6[%squeeze3A_176, %dma_wait3A_513] : memref<1000000x64xf32, #tpu.memory_space<hbm>> -> memref<1x64xf32, #tpu.memory_space<hbm>>
      tpu.wait_dma2 semaphore(%arg17 : memref<!tpu.dma_semaphore, #tpu.memory_space<semaphore_mem>>) src(%dma_wait3A_514 : memref<1x64xf32, #tpu.memory_space<hbm>>) dst(%dma_wait3A_512 : memref<1x64xf32, #tpu.memory_space<vmem>>)
      %dma_wait3A_515 = arith.constant 0 : i32
      %dma_wait3A_516 = tpu.memref_slice %arg15[%add3A_196, %dma_wait3A_515] : memref<128x64xf32, #tpu.memory_space<vmem>> -> memref<1x64xf32, #tpu.memory_space<vmem>>
      %dma_wait3A_517 = arith.constant 0 : i32
      %dma_wait3A_518 = tpu.memref_slice %arg5[%squeeze3A_198, %dma_wait3A_517] : memref<1000000x64xf32, #tpu.memory_space<hbm>> -> memref<1x64xf32, #tpu.memory_space<hbm>>
      %dma_wait3A_519 = arith.constant 0 : i32
      %dma_wait3A_520 = tpu.memref_slice %arg15[%add3A_196, %dma_wait3A_519] : memref<128x64xf32, #tpu.memory_space<vmem>> -> memref<1x64xf32, #tpu.memory_space<vmem>>
      %dma_wait3A_521 = arith.constant 0 : i32
      %dma_wait3A_522 = tpu.memref_slice %arg5[%squeeze3A_198, %dma_wait3A_521] : memref<1000000x64xf32, #tpu.memory_space<hbm>> -> memref<1x64xf32, #tpu.memory_space<hbm>>
      tpu.wait_dma2 semaphore(%arg17 : memref<!tpu.dma_semaphore, #tpu.memory_space<semaphore_mem>>) src(%dma_wait3A_522 : memref<1x64xf32, #tpu.memory_space<hbm>>) dst(%dma_wait3A_520 : memref<1x64xf32, #tpu.memory_space<vmem>>)
      %dma_wait3A_523 = arith.constant 0 : i32
      %dma_wait3A_524 = tpu.memref_slice %arg16[%add3A_196, %dma_wait3A_523] : memref<128x64xf32, #tpu.memory_space<vmem>> -> memref<1x64xf32, #tpu.memory_space<vmem>>
      %dma_wait3A_525 = arith.constant 0 : i32
      %dma_wait3A_526 = tpu.memref_slice %arg6[%squeeze3A_198, %dma_wait3A_525] : memref<1000000x64xf32, #tpu.memory_space<hbm>> -> memref<1x64xf32, #tpu.memory_space<hbm>>
      %dma_wait3A_527 = arith.constant 0 : i32
      %dma_wait3A_528 = tpu.memref_slice %arg16[%add3A_196, %dma_wait3A_527] : memref<128x64xf32, #tpu.memory_space<vmem>> -> memref<1x64xf32, #tpu.memory_space<vmem>>
      %dma_wait3A_529 = arith.constant 0 : i32
      %dma_wait3A_530 = tpu.memref_slice %arg6[%squeeze3A_198, %dma_wait3A_529] : memref<1000000x64xf32, #tpu.memory_space<hbm>> -> memref<1x64xf32, #tpu.memory_space<hbm>>
      tpu.wait_dma2 semaphore(%arg17 : memref<!tpu.dma_semaphore, #tpu.memory_space<semaphore_mem>>) src(%dma_wait3A_530 : memref<1x64xf32, #tpu.memory_space<hbm>>) dst(%dma_wait3A_528 : memref<1x64xf32, #tpu.memory_space<vmem>>)
      %dma_wait3A_531 = arith.constant 0 : i32
      %dma_wait3A_532 = tpu.memref_slice %arg15[%add3A_218, %dma_wait3A_531] : memref<128x64xf32, #tpu.memory_space<vmem>> -> memref<1x64xf32, #tpu.memory_space<vmem>>
      %dma_wait3A_533 = arith.constant 0 : i32
      %dma_wait3A_534 = tpu.memref_slice %arg5[%squeeze3A_220, %dma_wait3A_533] : memref<1000000x64xf32, #tpu.memory_space<hbm>> -> memref<1x64xf32, #tpu.memory_space<hbm>>
      %dma_wait3A_535 = arith.constant 0 : i32
      %dma_wait3A_536 = tpu.memref_slice %arg15[%add3A_218, %dma_wait3A_535] : memref<128x64xf32, #tpu.memory_space<vmem>> -> memref<1x64xf32, #tpu.memory_space<vmem>>
      %dma_wait3A_537 = arith.constant 0 : i32
      %dma_wait3A_538 = tpu.memref_slice %arg5[%squeeze3A_220, %dma_wait3A_537] : memref<1000000x64xf32, #tpu.memory_space<hbm>> -> memref<1x64xf32, #tpu.memory_space<hbm>>
      tpu.wait_dma2 semaphore(%arg17 : memref<!tpu.dma_semaphore, #tpu.memory_space<semaphore_mem>>) src(%dma_wait3A_538 : memref<1x64xf32, #tpu.memory_space<hbm>>) dst(%dma_wait3A_536 : memref<1x64xf32, #tpu.memory_space<vmem>>)
      %dma_wait3A_539 = arith.constant 0 : i32
      %dma_wait3A_540 = tpu.memref_slice %arg16[%add3A_218, %dma_wait3A_539] : memref<128x64xf32, #tpu.memory_space<vmem>> -> memref<1x64xf32, #tpu.memory_space<vmem>>
      %dma_wait3A_541 = arith.constant 0 : i32
      %dma_wait3A_542 = tpu.memref_slice %arg6[%squeeze3A_220, %dma_wait3A_541] : memref<1000000x64xf32, #tpu.memory_space<hbm>> -> memref<1x64xf32, #tpu.memory_space<hbm>>
      %dma_wait3A_543 = arith.constant 0 : i32
      %dma_wait3A_544 = tpu.memref_slice %arg16[%add3A_218, %dma_wait3A_543] : memref<128x64xf32, #tpu.memory_space<vmem>> -> memref<1x64xf32, #tpu.memory_space<vmem>>
      %dma_wait3A_545 = arith.constant 0 : i32
      %dma_wait3A_546 = tpu.memref_slice %arg6[%squeeze3A_220, %dma_wait3A_545] : memref<1000000x64xf32, #tpu.memory_space<hbm>> -> memref<1x64xf32, #tpu.memory_space<hbm>>
      tpu.wait_dma2 semaphore(%arg17 : memref<!tpu.dma_semaphore, #tpu.memory_space<semaphore_mem>>) src(%dma_wait3A_546 : memref<1x64xf32, #tpu.memory_space<hbm>>) dst(%dma_wait3A_544 : memref<1x64xf32, #tpu.memory_space<vmem>>)
      %dma_wait3A_547 = arith.constant 0 : i32
      %dma_wait3A_548 = tpu.memref_slice %arg15[%add3A_240, %dma_wait3A_547] : memref<128x64xf32, #tpu.memory_space<vmem>> -> memref<1x64xf32, #tpu.memory_space<vmem>>
      %dma_wait3A_549 = arith.constant 0 : i32
      %dma_wait3A_550 = tpu.memref_slice %arg5[%squeeze3A_242, %dma_wait3A_549] : memref<1000000x64xf32, #tpu.memory_space<hbm>> -> memref<1x64xf32, #tpu.memory_space<hbm>>
      %dma_wait3A_551 = arith.constant 0 : i32
      %dma_wait3A_552 = tpu.memref_slice %arg15[%add3A_240, %dma_wait3A_551] : memref<128x64xf32, #tpu.memory_space<vmem>> -> memref<1x64xf32, #tpu.memory_space<vmem>>
      %dma_wait3A_553 = arith.constant 0 : i32
      %dma_wait3A_554 = tpu.memref_slice %arg5[%squeeze3A_242, %dma_wait3A_553] : memref<1000000x64xf32, #tpu.memory_space<hbm>> -> memref<1x64xf32, #tpu.memory_space<hbm>>
      tpu.wait_dma2 semaphore(%arg17 : memref<!tpu.dma_semaphore, #tpu.memory_space<semaphore_mem>>) src(%dma_wait3A_554 : memref<1x64xf32, #tpu.memory_space<hbm>>) dst(%dma_wait3A_552 : memref<1x64xf32, #tpu.memory_space<vmem>>)
      %dma_wait3A_555 = arith.constant 0 : i32
      %dma_wait3A_556 = tpu.memref_slice %arg16[%add3A_240, %dma_wait3A_555] : memref<128x64xf32, #tpu.memory_space<vmem>> -> memref<1x64xf32, #tpu.memory_space<vmem>>
      %dma_wait3A_557 = arith.constant 0 : i32
      %dma_wait3A_558 = tpu.memref_slice %arg6[%squeeze3A_242, %dma_wait3A_557] : memref<1000000x64xf32, #tpu.memory_space<hbm>> -> memref<1x64xf32, #tpu.memory_space<hbm>>
      %dma_wait3A_559 = arith.constant 0 : i32
      %dma_wait3A_560 = tpu.memref_slice %arg16[%add3A_240, %dma_wait3A_559] : memref<128x64xf32, #tpu.memory_space<vmem>> -> memref<1x64xf32, #tpu.memory_space<vmem>>
      %dma_wait3A_561 = arith.constant 0 : i32
      %dma_wait3A_562 = tpu.memref_slice %arg6[%squeeze3A_242, %dma_wait3A_561] : memref<1000000x64xf32, #tpu.memory_space<hbm>> -> memref<1x64xf32, #tpu.memory_space<hbm>>
      tpu.wait_dma2 semaphore(%arg17 : memref<!tpu.dma_semaphore, #tpu.memory_space<semaphore_mem>>) src(%dma_wait3A_562 : memref<1x64xf32, #tpu.memory_space<hbm>>) dst(%dma_wait3A_560 : memref<1x64xf32, #tpu.memory_space<vmem>>)
      %dma_wait3A_563 = arith.constant 0 : i32
      %dma_wait3A_564 = tpu.memref_slice %arg15[%add3A_262, %dma_wait3A_563] : memref<128x64xf32, #tpu.memory_space<vmem>> -> memref<1x64xf32, #tpu.memory_space<vmem>>
      %dma_wait3A_565 = arith.constant 0 : i32
      %dma_wait3A_566 = tpu.memref_slice %arg5[%squeeze3A_264, %dma_wait3A_565] : memref<1000000x64xf32, #tpu.memory_space<hbm>> -> memref<1x64xf32, #tpu.memory_space<hbm>>
      %dma_wait3A_567 = arith.constant 0 : i32
      %dma_wait3A_568 = tpu.memref_slice %arg15[%add3A_262, %dma_wait3A_567] : memref<128x64xf32, #tpu.memory_space<vmem>> -> memref<1x64xf32, #tpu.memory_space<vmem>>
      %dma_wait3A_569 = arith.constant 0 : i32
      %dma_wait3A_570 = tpu.memref_slice %arg5[%squeeze3A_264, %dma_wait3A_569] : memref<1000000x64xf32, #tpu.memory_space<hbm>> -> memref<1x64xf32, #tpu.memory_space<hbm>>
      tpu.wait_dma2 semaphore(%arg17 : memref<!tpu.dma_semaphore, #tpu.memory_space<semaphore_mem>>) src(%dma_wait3A_570 : memref<1x64xf32, #tpu.memory_space<hbm>>) dst(%dma_wait3A_568 : memref<1x64xf32, #tpu.memory_space<vmem>>)
      %dma_wait3A_571 = arith.constant 0 : i32
      %dma_wait3A_572 = tpu.memref_slice %arg16[%add3A_262, %dma_wait3A_571] : memref<128x64xf32, #tpu.memory_space<vmem>> -> memref<1x64xf32, #tpu.memory_space<vmem>>
      %dma_wait3A_573 = arith.constant 0 : i32
      %dma_wait3A_574 = tpu.memref_slice %arg6[%squeeze3A_264, %dma_wait3A_573] : memref<1000000x64xf32, #tpu.memory_space<hbm>> -> memref<1x64xf32, #tpu.memory_space<hbm>>
      %dma_wait3A_575 = arith.constant 0 : i32
      %dma_wait3A_576 = tpu.memref_slice %arg16[%add3A_262, %dma_wait3A_575] : memref<128x64xf32, #tpu.memory_space<vmem>> -> memref<1x64xf32, #tpu.memory_space<vmem>>
      %dma_wait3A_577 = arith.constant 0 : i32
      %dma_wait3A_578 = tpu.memref_slice %arg6[%squeeze3A_264, %dma_wait3A_577] : memref<1000000x64xf32, #tpu.memory_space<hbm>> -> memref<1x64xf32, #tpu.memory_space<hbm>>
      tpu.wait_dma2 semaphore(%arg17 : memref<!tpu.dma_semaphore, #tpu.memory_space<semaphore_mem>>) src(%dma_wait3A_578 : memref<1x64xf32, #tpu.memory_space<hbm>>) dst(%dma_wait3A_576 : memref<1x64xf32, #tpu.memory_space<vmem>>)
      %dma_wait3A_579 = arith.constant 0 : i32
      %dma_wait3A_580 = tpu.memref_slice %arg15[%add3A_284, %dma_wait3A_579] : memref<128x64xf32, #tpu.memory_space<vmem>> -> memref<1x64xf32, #tpu.memory_space<vmem>>
      %dma_wait3A_581 = arith.constant 0 : i32
      %dma_wait3A_582 = tpu.memref_slice %arg5[%squeeze3A_286, %dma_wait3A_581] : memref<1000000x64xf32, #tpu.memory_space<hbm>> -> memref<1x64xf32, #tpu.memory_space<hbm>>
      %dma_wait3A_583 = arith.constant 0 : i32
      %dma_wait3A_584 = tpu.memref_slice %arg15[%add3A_284, %dma_wait3A_583] : memref<128x64xf32, #tpu.memory_space<vmem>> -> memref<1x64xf32, #tpu.memory_space<vmem>>
      %dma_wait3A_585 = arith.constant 0 : i32
      %dma_wait3A_586 = tpu.memref_slice %arg5[%squeeze3A_286, %dma_wait3A_585] : memref<1000000x64xf32, #tpu.memory_space<hbm>> -> memref<1x64xf32, #tpu.memory_space<hbm>>
      tpu.wait_dma2 semaphore(%arg17 : memref<!tpu.dma_semaphore, #tpu.memory_space<semaphore_mem>>) src(%dma_wait3A_586 : memref<1x64xf32, #tpu.memory_space<hbm>>) dst(%dma_wait3A_584 : memref<1x64xf32, #tpu.memory_space<vmem>>)
      %dma_wait3A_587 = arith.constant 0 : i32
      %dma_wait3A_588 = tpu.memref_slice %arg16[%add3A_284, %dma_wait3A_587] : memref<128x64xf32, #tpu.memory_space<vmem>> -> memref<1x64xf32, #tpu.memory_space<vmem>>
      %dma_wait3A_589 = arith.constant 0 : i32
      %dma_wait3A_590 = tpu.memref_slice %arg6[%squeeze3A_286, %dma_wait3A_589] : memref<1000000x64xf32, #tpu.memory_space<hbm>> -> memref<1x64xf32, #tpu.memory_space<hbm>>
      %dma_wait3A_591 = arith.constant 0 : i32
      %dma_wait3A_592 = tpu.memref_slice %arg16[%add3A_284, %dma_wait3A_591] : memref<128x64xf32, #tpu.memory_space<vmem>> -> memref<1x64xf32, #tpu.memory_space<vmem>>
      %dma_wait3A_593 = arith.constant 0 : i32
      %dma_wait3A_594 = tpu.memref_slice %arg6[%squeeze3A_286, %dma_wait3A_593] : memref<1000000x64xf32, #tpu.memory_space<hbm>> -> memref<1x64xf32, #tpu.memory_space<hbm>>
      tpu.wait_dma2 semaphore(%arg17 : memref<!tpu.dma_semaphore, #tpu.memory_space<semaphore_mem>>) src(%dma_wait3A_594 : memref<1x64xf32, #tpu.memory_space<hbm>>) dst(%dma_wait3A_592 : memref<1x64xf32, #tpu.memory_space<vmem>>)
      %dma_wait3A_595 = arith.constant 0 : i32
      %dma_wait3A_596 = tpu.memref_slice %arg15[%add3A_306, %dma_wait3A_595] : memref<128x64xf32, #tpu.memory_space<vmem>> -> memref<1x64xf32, #tpu.memory_space<vmem>>
      %dma_wait3A_597 = arith.constant 0 : i32
      %dma_wait3A_598 = tpu.memref_slice %arg5[%squeeze3A_308, %dma_wait3A_597] : memref<1000000x64xf32, #tpu.memory_space<hbm>> -> memref<1x64xf32, #tpu.memory_space<hbm>>
      %dma_wait3A_599 = arith.constant 0 : i32
      %dma_wait3A_600 = tpu.memref_slice %arg15[%add3A_306, %dma_wait3A_599] : memref<128x64xf32, #tpu.memory_space<vmem>> -> memref<1x64xf32, #tpu.memory_space<vmem>>
      %dma_wait3A_601 = arith.constant 0 : i32
      %dma_wait3A_602 = tpu.memref_slice %arg5[%squeeze3A_308, %dma_wait3A_601] : memref<1000000x64xf32, #tpu.memory_space<hbm>> -> memref<1x64xf32, #tpu.memory_space<hbm>>
      tpu.wait_dma2 semaphore(%arg17 : memref<!tpu.dma_semaphore, #tpu.memory_space<semaphore_mem>>) src(%dma_wait3A_602 : memref<1x64xf32, #tpu.memory_space<hbm>>) dst(%dma_wait3A_600 : memref<1x64xf32, #tpu.memory_space<vmem>>)
      %dma_wait3A_603 = arith.constant 0 : i32
      %dma_wait3A_604 = tpu.memref_slice %arg16[%add3A_306, %dma_wait3A_603] : memref<128x64xf32, #tpu.memory_space<vmem>> -> memref<1x64xf32, #tpu.memory_space<vmem>>
      %dma_wait3A_605 = arith.constant 0 : i32
      %dma_wait3A_606 = tpu.memref_slice %arg6[%squeeze3A_308, %dma_wait3A_605] : memref<1000000x64xf32, #tpu.memory_space<hbm>> -> memref<1x64xf32, #tpu.memory_space<hbm>>
      %dma_wait3A_607 = arith.constant 0 : i32
      %dma_wait3A_608 = tpu.memref_slice %arg16[%add3A_306, %dma_wait3A_607] : memref<128x64xf32, #tpu.memory_space<vmem>> -> memref<1x64xf32, #tpu.memory_space<vmem>>
      %dma_wait3A_609 = arith.constant 0 : i32
      %dma_wait3A_610 = tpu.memref_slice %arg6[%squeeze3A_308, %dma_wait3A_609] : memref<1000000x64xf32, #tpu.memory_space<hbm>> -> memref<1x64xf32, #tpu.memory_space<hbm>>
      tpu.wait_dma2 semaphore(%arg17 : memref<!tpu.dma_semaphore, #tpu.memory_space<semaphore_mem>>) src(%dma_wait3A_610 : memref<1x64xf32, #tpu.memory_space<hbm>>) dst(%dma_wait3A_608 : memref<1x64xf32, #tpu.memory_space<vmem>>)
      %dma_wait3A_611 = arith.constant 0 : i32
      %dma_wait3A_612 = tpu.memref_slice %arg15[%add3A_328, %dma_wait3A_611] : memref<128x64xf32, #tpu.memory_space<vmem>> -> memref<1x64xf32, #tpu.memory_space<vmem>>
      %dma_wait3A_613 = arith.constant 0 : i32
      %dma_wait3A_614 = tpu.memref_slice %arg5[%squeeze3A_330, %dma_wait3A_613] : memref<1000000x64xf32, #tpu.memory_space<hbm>> -> memref<1x64xf32, #tpu.memory_space<hbm>>
      %dma_wait3A_615 = arith.constant 0 : i32
      %dma_wait3A_616 = tpu.memref_slice %arg15[%add3A_328, %dma_wait3A_615] : memref<128x64xf32, #tpu.memory_space<vmem>> -> memref<1x64xf32, #tpu.memory_space<vmem>>
      %dma_wait3A_617 = arith.constant 0 : i32
      %dma_wait3A_618 = tpu.memref_slice %arg5[%squeeze3A_330, %dma_wait3A_617] : memref<1000000x64xf32, #tpu.memory_space<hbm>> -> memref<1x64xf32, #tpu.memory_space<hbm>>
      tpu.wait_dma2 semaphore(%arg17 : memref<!tpu.dma_semaphore, #tpu.memory_space<semaphore_mem>>) src(%dma_wait3A_618 : memref<1x64xf32, #tpu.memory_space<hbm>>) dst(%dma_wait3A_616 : memref<1x64xf32, #tpu.memory_space<vmem>>)
      %dma_wait3A_619 = arith.constant 0 : i32
      %dma_wait3A_620 = tpu.memref_slice %arg16[%add3A_328, %dma_wait3A_619] : memref<128x64xf32, #tpu.memory_space<vmem>> -> memref<1x64xf32, #tpu.memory_space<vmem>>
      %dma_wait3A_621 = arith.constant 0 : i32
      %dma_wait3A_622 = tpu.memref_slice %arg6[%squeeze3A_330, %dma_wait3A_621] : memref<1000000x64xf32, #tpu.memory_space<hbm>> -> memref<1x64xf32, #tpu.memory_space<hbm>>
      %dma_wait3A_623 = arith.constant 0 : i32
      %dma_wait3A_624 = tpu.memref_slice %arg16[%add3A_328, %dma_wait3A_623] : memref<128x64xf32, #tpu.memory_space<vmem>> -> memref<1x64xf32, #tpu.memory_space<vmem>>
      %dma_wait3A_625 = arith.constant 0 : i32
      %dma_wait3A_626 = tpu.memref_slice %arg6[%squeeze3A_330, %dma_wait3A_625] : memref<1000000x64xf32, #tpu.memory_space<hbm>> -> memref<1x64xf32, #tpu.memory_space<hbm>>
      tpu.wait_dma2 semaphore(%arg17 : memref<!tpu.dma_semaphore, #tpu.memory_space<semaphore_mem>>) src(%dma_wait3A_626 : memref<1x64xf32, #tpu.memory_space<hbm>>) dst(%dma_wait3A_624 : memref<1x64xf32, #tpu.memory_space<vmem>>)
      %dma_wait3A_627 = arith.constant 0 : i32
      %dma_wait3A_628 = tpu.memref_slice %arg15[%add3A_350, %dma_wait3A_627] : memref<128x64xf32, #tpu.memory_space<vmem>> -> memref<1x64xf32, #tpu.memory_space<vmem>>
      %dma_wait3A_629 = arith.constant 0 : i32
      %dma_wait3A_630 = tpu.memref_slice %arg5[%squeeze3A_352, %dma_wait3A_629] : memref<1000000x64xf32, #tpu.memory_space<hbm>> -> memref<1x64xf32, #tpu.memory_space<hbm>>
      %dma_wait3A_631 = arith.constant 0 : i32
      %dma_wait3A_632 = tpu.memref_slice %arg15[%add3A_350, %dma_wait3A_631] : memref<128x64xf32, #tpu.memory_space<vmem>> -> memref<1x64xf32, #tpu.memory_space<vmem>>
      %dma_wait3A_633 = arith.constant 0 : i32
      %dma_wait3A_634 = tpu.memref_slice %arg5[%squeeze3A_352, %dma_wait3A_633] : memref<1000000x64xf32, #tpu.memory_space<hbm>> -> memref<1x64xf32, #tpu.memory_space<hbm>>
      tpu.wait_dma2 semaphore(%arg17 : memref<!tpu.dma_semaphore, #tpu.memory_space<semaphore_mem>>) src(%dma_wait3A_634 : memref<1x64xf32, #tpu.memory_space<hbm>>) dst(%dma_wait3A_632 : memref<1x64xf32, #tpu.memory_space<vmem>>)
      %dma_wait3A_635 = arith.constant 0 : i32
      %dma_wait3A_636 = tpu.memref_slice %arg16[%add3A_350, %dma_wait3A_635] : memref<128x64xf32, #tpu.memory_space<vmem>> -> memref<1x64xf32, #tpu.memory_space<vmem>>
      %dma_wait3A_637 = arith.constant 0 : i32
      %dma_wait3A_638 = tpu.memref_slice %arg6[%squeeze3A_352, %dma_wait3A_637] : memref<1000000x64xf32, #tpu.memory_space<hbm>> -> memref<1x64xf32, #tpu.memory_space<hbm>>
      %dma_wait3A_639 = arith.constant 0 : i32
      %dma_wait3A_640 = tpu.memref_slice %arg16[%add3A_350, %dma_wait3A_639] : memref<128x64xf32, #tpu.memory_space<vmem>> -> memref<1x64xf32, #tpu.memory_space<vmem>>
      %dma_wait3A_641 = arith.constant 0 : i32
      %dma_wait3A_642 = tpu.memref_slice %arg6[%squeeze3A_352, %dma_wait3A_641] : memref<1000000x64xf32, #tpu.memory_space<hbm>> -> memref<1x64xf32, #tpu.memory_space<hbm>>
      tpu.wait_dma2 semaphore(%arg17 : memref<!tpu.dma_semaphore, #tpu.memory_space<semaphore_mem>>) src(%dma_wait3A_642 : memref<1x64xf32, #tpu.memory_space<hbm>>) dst(%dma_wait3A_640 : memref<1x64xf32, #tpu.memory_space<vmem>>)
      %dma_wait3A_643 = arith.constant 0 : i32
      %dma_wait3A_644 = tpu.memref_slice %arg15[%add3A_372, %dma_wait3A_643] : memref<128x64xf32, #tpu.memory_space<vmem>> -> memref<1x64xf32, #tpu.memory_space<vmem>>
      %dma_wait3A_645 = arith.constant 0 : i32
      %dma_wait3A_646 = tpu.memref_slice %arg5[%squeeze3A_374, %dma_wait3A_645] : memref<1000000x64xf32, #tpu.memory_space<hbm>> -> memref<1x64xf32, #tpu.memory_space<hbm>>
      %dma_wait3A_647 = arith.constant 0 : i32
      %dma_wait3A_648 = tpu.memref_slice %arg15[%add3A_372, %dma_wait3A_647] : memref<128x64xf32, #tpu.memory_space<vmem>> -> memref<1x64xf32, #tpu.memory_space<vmem>>
      %dma_wait3A_649 = arith.constant 0 : i32
      %dma_wait3A_650 = tpu.memref_slice %arg5[%squeeze3A_374, %dma_wait3A_649] : memref<1000000x64xf32, #tpu.memory_space<hbm>> -> memref<1x64xf32, #tpu.memory_space<hbm>>
      tpu.wait_dma2 semaphore(%arg17 : memref<!tpu.dma_semaphore, #tpu.memory_space<semaphore_mem>>) src(%dma_wait3A_650 : memref<1x64xf32, #tpu.memory_space<hbm>>) dst(%dma_wait3A_648 : memref<1x64xf32, #tpu.memory_space<vmem>>)
      %dma_wait3A_651 = arith.constant 0 : i32
      %dma_wait3A_652 = tpu.memref_slice %arg16[%add3A_372, %dma_wait3A_651] : memref<128x64xf32, #tpu.memory_space<vmem>> -> memref<1x64xf32, #tpu.memory_space<vmem>>
      %dma_wait3A_653 = arith.constant 0 : i32
      %dma_wait3A_654 = tpu.memref_slice %arg6[%squeeze3A_374, %dma_wait3A_653] : memref<1000000x64xf32, #tpu.memory_space<hbm>> -> memref<1x64xf32, #tpu.memory_space<hbm>>
      %dma_wait3A_655 = arith.constant 0 : i32
      %dma_wait3A_656 = tpu.memref_slice %arg16[%add3A_372, %dma_wait3A_655] : memref<128x64xf32, #tpu.memory_space<vmem>> -> memref<1x64xf32, #tpu.memory_space<vmem>>
      %dma_wait3A_657 = arith.constant 0 : i32
      %dma_wait3A_658 = tpu.memref_slice %arg6[%squeeze3A_374, %dma_wait3A_657] : memref<1000000x64xf32, #tpu.memory_space<hbm>> -> memref<1x64xf32, #tpu.memory_space<hbm>>
      tpu.wait_dma2 semaphore(%arg17 : memref<!tpu.dma_semaphore, #tpu.memory_space<semaphore_mem>>) src(%dma_wait3A_658 : memref<1x64xf32, #tpu.memory_space<hbm>>) dst(%dma_wait3A_656 : memref<1x64xf32, #tpu.memory_space<vmem>>)
      %dma_wait3A_659 = arith.constant 0 : i32
      %dma_wait3A_660 = tpu.memref_slice %arg15[%add3A_394, %dma_wait3A_659] : memref<128x64xf32, #tpu.memory_space<vmem>> -> memref<1x64xf32, #tpu.memory_space<vmem>>
      %dma_wait3A_661 = arith.constant 0 : i32
      %dma_wait3A_662 = tpu.memref_slice %arg5[%squeeze3A_396, %dma_wait3A_661] : memref<1000000x64xf32, #tpu.memory_space<hbm>> -> memref<1x64xf32, #tpu.memory_space<hbm>>
      %dma_wait3A_663 = arith.constant 0 : i32
      %dma_wait3A_664 = tpu.memref_slice %arg15[%add3A_394, %dma_wait3A_663] : memref<128x64xf32, #tpu.memory_space<vmem>> -> memref<1x64xf32, #tpu.memory_space<vmem>>
      %dma_wait3A_665 = arith.constant 0 : i32
      %dma_wait3A_666 = tpu.memref_slice %arg5[%squeeze3A_396, %dma_wait3A_665] : memref<1000000x64xf32, #tpu.memory_space<hbm>> -> memref<1x64xf32, #tpu.memory_space<hbm>>
      tpu.wait_dma2 semaphore(%arg17 : memref<!tpu.dma_semaphore, #tpu.memory_space<semaphore_mem>>) src(%dma_wait3A_666 : memref<1x64xf32, #tpu.memory_space<hbm>>) dst(%dma_wait3A_664 : memref<1x64xf32, #tpu.memory_space<vmem>>)
      %dma_wait3A_667 = arith.constant 0 : i32
      %dma_wait3A_668 = tpu.memref_slice %arg16[%add3A_394, %dma_wait3A_667] : memref<128x64xf32, #tpu.memory_space<vmem>> -> memref<1x64xf32, #tpu.memory_space<vmem>>
      %dma_wait3A_669 = arith.constant 0 : i32
      %dma_wait3A_670 = tpu.memref_slice %arg6[%squeeze3A_396, %dma_wait3A_669] : memref<1000000x64xf32, #tpu.memory_space<hbm>> -> memref<1x64xf32, #tpu.memory_space<hbm>>
      %dma_wait3A_671 = arith.constant 0 : i32
      %dma_wait3A_672 = tpu.memref_slice %arg16[%add3A_394, %dma_wait3A_671] : memref<128x64xf32, #tpu.memory_space<vmem>> -> memref<1x64xf32, #tpu.memory_space<vmem>>
      %dma_wait3A_673 = arith.constant 0 : i32
      %dma_wait3A_674 = tpu.memref_slice %arg6[%squeeze3A_396, %dma_wait3A_673] : memref<1000000x64xf32, #tpu.memory_space<hbm>> -> memref<1x64xf32, #tpu.memory_space<hbm>>
      tpu.wait_dma2 semaphore(%arg17 : memref<!tpu.dma_semaphore, #tpu.memory_space<semaphore_mem>>) src(%dma_wait3A_674 : memref<1x64xf32, #tpu.memory_space<hbm>>) dst(%dma_wait3A_672 : memref<1x64xf32, #tpu.memory_space<vmem>>)
      %dma_wait3A_675 = arith.constant 0 : i32
      %dma_wait3A_676 = tpu.memref_slice %arg15[%add3A_416, %dma_wait3A_675] : memref<128x64xf32, #tpu.memory_space<vmem>> -> memref<1x64xf32, #tpu.memory_space<vmem>>
      %dma_wait3A_677 = arith.constant 0 : i32
      %dma_wait3A_678 = tpu.memref_slice %arg5[%squeeze3A_418, %dma_wait3A_677] : memref<1000000x64xf32, #tpu.memory_space<hbm>> -> memref<1x64xf32, #tpu.memory_space<hbm>>
      %dma_wait3A_679 = arith.constant 0 : i32
      %dma_wait3A_680 = tpu.memref_slice %arg15[%add3A_416, %dma_wait3A_679] : memref<128x64xf32, #tpu.memory_space<vmem>> -> memref<1x64xf32, #tpu.memory_space<vmem>>
      %dma_wait3A_681 = arith.constant 0 : i32
      %dma_wait3A_682 = tpu.memref_slice %arg5[%squeeze3A_418, %dma_wait3A_681] : memref<1000000x64xf32, #tpu.memory_space<hbm>> -> memref<1x64xf32, #tpu.memory_space<hbm>>
      tpu.wait_dma2 semaphore(%arg17 : memref<!tpu.dma_semaphore, #tpu.memory_space<semaphore_mem>>) src(%dma_wait3A_682 : memref<1x64xf32, #tpu.memory_space<hbm>>) dst(%dma_wait3A_680 : memref<1x64xf32, #tpu.memory_space<vmem>>)
      %dma_wait3A_683 = arith.constant 0 : i32
      %dma_wait3A_684 = tpu.memref_slice %arg16[%add3A_416, %dma_wait3A_683] : memref<128x64xf32, #tpu.memory_space<vmem>> -> memref<1x64xf32, #tpu.memory_space<vmem>>
      %dma_wait3A_685 = arith.constant 0 : i32
      %dma_wait3A_686 = tpu.memref_slice %arg6[%squeeze3A_418, %dma_wait3A_685] : memref<1000000x64xf32, #tpu.memory_space<hbm>> -> memref<1x64xf32, #tpu.memory_space<hbm>>
      %dma_wait3A_687 = arith.constant 0 : i32
      %dma_wait3A_688 = tpu.memref_slice %arg16[%add3A_416, %dma_wait3A_687] : memref<128x64xf32, #tpu.memory_space<vmem>> -> memref<1x64xf32, #tpu.memory_space<vmem>>
      %dma_wait3A_689 = arith.constant 0 : i32
      %dma_wait3A_690 = tpu.memref_slice %arg6[%squeeze3A_418, %dma_wait3A_689] : memref<1000000x64xf32, #tpu.memory_space<hbm>> -> memref<1x64xf32, #tpu.memory_space<hbm>>
      tpu.wait_dma2 semaphore(%arg17 : memref<!tpu.dma_semaphore, #tpu.memory_space<semaphore_mem>>) src(%dma_wait3A_690 : memref<1x64xf32, #tpu.memory_space<hbm>>) dst(%dma_wait3A_688 : memref<1x64xf32, #tpu.memory_space<vmem>>)
    }
    %scan3A_25 = arith.constant 8 : i32
    "tpu.region"() ({
      %run_scoped3A = tpu.sem_alloc : memref<!tpu.dma_semaphore, #tpu.memory_space<semaphore_mem>>
      %dma_start3A_76 = arith.constant 0 : i32
      %dma_start3A_77 = tpu.memref_slice %arg8[%add3A_20, %dma_start3A_76] : memref<16384x64xf32, #tpu.memory_space<hbm>> -> memref<128x64xf32, #tpu.memory_space<hbm>>
      %dma_start3A_78 = arith.constant 0 : i32
      %dma_start3A_79 = tpu.memref_slice %arg8[%add3A_20, %dma_start3A_78] : memref<16384x64xf32, #tpu.memory_space<hbm>> -> memref<128x64xf32, #tpu.memory_space<hbm>>
      tpu.enqueue_dma source(%arg15 : memref<128x64xf32, #tpu.memory_space<vmem>>) target(%dma_start3A_79 : memref<128x64xf32, #tpu.memory_space<hbm>>) target_semaphore(%run_scoped3A : memref<!tpu.dma_semaphore, #tpu.memory_space<semaphore_mem>>)
      %dma_wait3A_80 = arith.constant 0 : i32
      %dma_wait3A_81 = tpu.memref_slice %arg8[%add3A_20, %dma_wait3A_80] : memref<16384x64xf32, #tpu.memory_space<hbm>> -> memref<128x64xf32, #tpu.memory_space<hbm>>
      %dma_wait3A_82 = arith.constant 0 : i32
      %dma_wait3A_83 = tpu.memref_slice %arg8[%add3A_20, %dma_wait3A_82] : memref<16384x64xf32, #tpu.memory_space<hbm>> -> memref<128x64xf32, #tpu.memory_space<hbm>>
      tpu.wait_dma2 semaphore(%run_scoped3A : memref<!tpu.dma_semaphore, #tpu.memory_space<semaphore_mem>>) src(%arg15 : memref<128x64xf32, #tpu.memory_space<vmem>>) dst(%dma_wait3A_83 : memref<128x64xf32, #tpu.memory_space<hbm>>)
      tpu.yield
    }) : () -> ()
    "tpu.region"() ({
      %run_scoped3A = tpu.sem_alloc : memref<!tpu.dma_semaphore, #tpu.memory_space<semaphore_mem>>
      %dma_start3A_76 = arith.constant 0 : i32
      %dma_start3A_77 = tpu.memref_slice %arg9[%add3A_20, %dma_start3A_76] : memref<16384x64xf32, #tpu.memory_space<hbm>> -> memref<128x64xf32, #tpu.memory_space<hbm>>
      %dma_start3A_78 = arith.constant 0 : i32
      %dma_start3A_79 = tpu.memref_slice %arg9[%add3A_20, %dma_start3A_78] : memref<16384x64xf32, #tpu.memory_space<hbm>> -> memref<128x64xf32, #tpu.memory_space<hbm>>
      tpu.enqueue_dma source(%arg16 : memref<128x64xf32, #tpu.memory_space<vmem>>) target(%dma_start3A_79 : memref<128x64xf32, #tpu.memory_space<hbm>>) target_semaphore(%run_scoped3A : memref<!tpu.dma_semaphore, #tpu.memory_space<semaphore_mem>>)
      %dma_wait3A_80 = arith.constant 0 : i32
      %dma_wait3A_81 = tpu.memref_slice %arg9[%add3A_20, %dma_wait3A_80] : memref<16384x64xf32, #tpu.memory_space<hbm>> -> memref<128x64xf32, #tpu.memory_space<hbm>>
      %dma_wait3A_82 = arith.constant 0 : i32
      %dma_wait3A_83 = tpu.memref_slice %arg9[%add3A_20, %dma_wait3A_82] : memref<16384x64xf32, #tpu.memory_space<hbm>> -> memref<128x64xf32, #tpu.memory_space<hbm>>
      tpu.wait_dma2 semaphore(%run_scoped3A : memref<!tpu.dma_semaphore, #tpu.memory_space<semaphore_mem>>) src(%arg16 : memref<128x64xf32, #tpu.memory_space<vmem>>) dst(%dma_wait3A_83 : memref<128x64xf32, #tpu.memory_space<hbm>>)
      tpu.yield
    }) : () -> ()
    "tpu.region"() ({
      %run_scoped3A = tpu.sem_alloc : memref<!tpu.dma_semaphore, #tpu.memory_space<semaphore_mem>>
      %dma_start3A_76 = tpu.memref_slice %arg3[%add3A_20] : memref<16384xi32, #tpu.memory_space<hbm>> -> memref<128xi32, #tpu.memory_space<hbm>>
      %dma_start3A_77 = tpu.memref_slice %arg3[%add3A_20] : memref<16384xi32, #tpu.memory_space<hbm>> -> memref<128xi32, #tpu.memory_space<hbm>>
      tpu.enqueue_dma source(%dma_start3A_77 : memref<128xi32, #tpu.memory_space<hbm>>) target(%arg13 : memref<128xi32, #tpu.memory_space<vmem>>) target_semaphore(%run_scoped3A : memref<!tpu.dma_semaphore, #tpu.memory_space<semaphore_mem>>)
      %dma_wait3A_78 = tpu.memref_slice %arg3[%add3A_20] : memref<16384xi32, #tpu.memory_space<hbm>> -> memref<128xi32, #tpu.memory_space<hbm>>
      %dma_wait3A_79 = tpu.memref_slice %arg3[%add3A_20] : memref<16384xi32, #tpu.memory_space<hbm>> -> memref<128xi32, #tpu.memory_space<hbm>>
      tpu.wait_dma2 semaphore(%run_scoped3A : memref<!tpu.dma_semaphore, #tpu.memory_space<semaphore_mem>>) src(%dma_wait3A_79 : memref<128xi32, #tpu.memory_space<hbm>>) dst(%arg13 : memref<128xi32, #tpu.memory_space<vmem>>)
      tpu.yield
    }) : () -> ()
    %dma_start3A_26 = arith.constant 0 : i32
    %dma_start3A_27 = arith.constant 0 : i32
    %dma_start3A_28 = tpu.memref_slice %arg7[%dma_start3A_26, %dma_start3A_27] : memref<100000x128xf32, #tpu.memory_space<hbm>> -> memref<100000x128xf32, #tpu.memory_space<hbm>>
    tpu.enqueue_indirect_dma source(%dma_start3A_28 : memref<100000x128xf32, #tpu.memory_space<hbm>>) target(%arg14 : memref<128x128xf32, #tpu.memory_space<vmem>>) offsets(%arg13 : memref<128xi32, #tpu.memory_space<vmem>>) semaphore(%arg18 : memref<!tpu.dma_semaphore, #tpu.memory_space<semaphore_mem>>)
    %dma_wait3A_29 = arith.constant 0 : i32
    %dma_wait3A_30 = arith.constant 0 : i32
    %dma_wait3A_31 = tpu.memref_slice %arg7[%dma_wait3A_29, %dma_wait3A_30] : memref<100000x128xf32, #tpu.memory_space<hbm>> -> memref<100000x128xf32, #tpu.memory_space<hbm>>
    tpu.wait_indirect_dma semaphore(%arg18 : memref<!tpu.dma_semaphore, #tpu.memory_space<semaphore_mem>>) src(%dma_wait3A_31 : memref<100000x128xf32, #tpu.memory_space<hbm>>) dst(%arg14 : memref<128x128xf32, #tpu.memory_space<vmem>>)
    "tpu.region"() ({
      %run_scoped3A = tpu.sem_alloc : memref<!tpu.dma_semaphore, #tpu.memory_space<semaphore_mem>>
      %dma_start3A_76 = arith.constant 0 : i32
      %dma_start3A_77 = tpu.memref_slice %arg10[%add3A_20, %dma_start3A_76] : memref<16384x128xf32, #tpu.memory_space<hbm>> -> memref<128x128xf32, #tpu.memory_space<hbm>>
      %dma_start3A_78 = arith.constant 0 : i32
      %dma_start3A_79 = tpu.memref_slice %arg10[%add3A_20, %dma_start3A_78] : memref<16384x128xf32, #tpu.memory_space<hbm>> -> memref<128x128xf32, #tpu.memory_space<hbm>>
      tpu.enqueue_dma source(%arg14 : memref<128x128xf32, #tpu.memory_space<vmem>>) target(%dma_start3A_79 : memref<128x128xf32, #tpu.memory_space<hbm>>) target_semaphore(%run_scoped3A : memref<!tpu.dma_semaphore, #tpu.memory_space<semaphore_mem>>)
      %dma_wait3A_80 = arith.constant 0 : i32
      %dma_wait3A_81 = tpu.memref_slice %arg10[%add3A_20, %dma_wait3A_80] : memref<16384x128xf32, #tpu.memory_space<hbm>> -> memref<128x128xf32, #tpu.memory_space<hbm>>
      %dma_wait3A_82 = arith.constant 0 : i32
      %dma_wait3A_83 = tpu.memref_slice %arg10[%add3A_20, %dma_wait3A_82] : memref<16384x128xf32, #tpu.memory_space<hbm>> -> memref<128x128xf32, #tpu.memory_space<hbm>>
      tpu.wait_dma2 semaphore(%run_scoped3A : memref<!tpu.dma_semaphore, #tpu.memory_space<semaphore_mem>>) src(%arg14 : memref<128x128xf32, #tpu.memory_space<vmem>>) dst(%dma_wait3A_83 : memref<128x128xf32, #tpu.memory_space<hbm>>)
      tpu.yield
    }) : () -> ()
    "tpu.region"() ({
      %run_scoped3A = tpu.sem_alloc : memref<!tpu.dma_semaphore, #tpu.memory_space<semaphore_mem>>
      %dma_start3A_76 = tpu.memref_slice %arg4[%add3A_20] : memref<16384xi32, #tpu.memory_space<hbm>> -> memref<128xi32, #tpu.memory_space<hbm>>
      %dma_start3A_77 = tpu.memref_slice %arg4[%add3A_20] : memref<16384xi32, #tpu.memory_space<hbm>> -> memref<128xi32, #tpu.memory_space<hbm>>
      tpu.enqueue_dma source(%dma_start3A_77 : memref<128xi32, #tpu.memory_space<hbm>>) target(%arg13 : memref<128xi32, #tpu.memory_space<vmem>>) target_semaphore(%run_scoped3A : memref<!tpu.dma_semaphore, #tpu.memory_space<semaphore_mem>>)
      %dma_wait3A_78 = tpu.memref_slice %arg4[%add3A_20] : memref<16384xi32, #tpu.memory_space<hbm>> -> memref<128xi32, #tpu.memory_space<hbm>>
      %dma_wait3A_79 = tpu.memref_slice %arg4[%add3A_20] : memref<16384xi32, #tpu.memory_space<hbm>> -> memref<128xi32, #tpu.memory_space<hbm>>
      tpu.wait_dma2 semaphore(%run_scoped3A : memref<!tpu.dma_semaphore, #tpu.memory_space<semaphore_mem>>) src(%dma_wait3A_79 : memref<128xi32, #tpu.memory_space<hbm>>) dst(%arg13 : memref<128xi32, #tpu.memory_space<vmem>>)
      tpu.yield
    }) : () -> ()
    %dma_start3A_32 = arith.constant 0 : i32
    %dma_start3A_33 = arith.constant 0 : i32
    %dma_start3A_34 = tpu.memref_slice %arg7[%dma_start3A_32, %dma_start3A_33] : memref<100000x128xf32, #tpu.memory_space<hbm>> -> memref<100000x128xf32, #tpu.memory_space<hbm>>
    tpu.enqueue_indirect_dma source(%dma_start3A_34 : memref<100000x128xf32, #tpu.memory_space<hbm>>) target(%arg14 : memref<128x128xf32, #tpu.memory_space<vmem>>) offsets(%arg13 : memref<128xi32, #tpu.memory_space<vmem>>) semaphore(%arg18 : memref<!tpu.dma_semaphore, #tpu.memory_space<semaphore_mem>>)
    %dma_wait3A_35 = arith.constant 0 : i32
    %dma_wait3A_36 = arith.constant 0 : i32
    %dma_wait3A_37 = tpu.memref_slice %arg7[%dma_wait3A_35, %dma_wait3A_36] : memref<100000x128xf32, #tpu.memory_space<hbm>> -> memref<100000x128xf32, #tpu.memory_space<hbm>>
    tpu.wait_indirect_dma semaphore(%arg18 : memref<!tpu.dma_semaphore, #tpu.memory_space<semaphore_mem>>) src(%dma_wait3A_37 : memref<100000x128xf32, #tpu.memory_space<hbm>>) dst(%arg14 : memref<128x128xf32, #tpu.memory_space<vmem>>)
    "tpu.region"() ({
      %run_scoped3A = tpu.sem_alloc : memref<!tpu.dma_semaphore, #tpu.memory_space<semaphore_mem>>
      %dma_start3A_76 = arith.constant 0 : i32
      %dma_start3A_77 = tpu.memref_slice %arg11[%add3A_20, %dma_start3A_76] : memref<16384x128xf32, #tpu.memory_space<hbm>> -> memref<128x128xf32, #tpu.memory_space<hbm>>
      %dma_start3A_78 = arith.constant 0 : i32
      %dma_start3A_79 = tpu.memref_slice %arg11[%add3A_20, %dma_start3A_78] : memref<16384x128xf32, #tpu.memory_space<hbm>> -> memref<128x128xf32, #tpu.memory_space<hbm>>
      tpu.enqueue_dma source(%arg14 : memref<128x128xf32, #tpu.memory_space<vmem>>) target(%dma_start3A_79 : memref<128x128xf32, #tpu.memory_space<hbm>>) target_semaphore(%run_scoped3A : memref<!tpu.dma_semaphore, #tpu.memory_space<semaphore_mem>>)
      %dma_wait3A_80 = arith.constant 0 : i32
      %dma_wait3A_81 = tpu.memref_slice %arg11[%add3A_20, %dma_wait3A_80] : memref<16384x128xf32, #tpu.memory_space<hbm>> -> memref<128x128xf32, #tpu.memory_space<hbm>>
      %dma_wait3A_82 = arith.constant 0 : i32
      %dma_wait3A_83 = tpu.memref_slice %arg11[%add3A_20, %dma_wait3A_82] : memref<16384x128xf32, #tpu.memory_space<hbm>> -> memref<128x128xf32, #tpu.memory_space<hbm>>
      tpu.wait_dma2 semaphore(%run_scoped3A : memref<!tpu.dma_semaphore, #tpu.memory_space<semaphore_mem>>) src(%arg14 : memref<128x128xf32, #tpu.memory_space<vmem>>) dst(%dma_wait3A_83 : memref<128x128xf32, #tpu.memory_space<hbm>>)
      tpu.yield
    }) : () -> ()
    %add3A_38 = arith.constant 256 : i32
    %add3A_39 = arith.addi %mul3A_2, %add3A_38 : i32
    "tpu.region"() ({
      %run_scoped3A = tpu.sem_alloc : memref<!tpu.dma_semaphore, #tpu.memory_space<semaphore_mem>>
      %dma_start3A_76 = tpu.memref_slice %arg2[%add3A_39] : memref<16384xi32, #tpu.memory_space<hbm>> -> memref<128xi32, #tpu.memory_space<hbm>>
      %dma_start3A_77 = tpu.memref_slice %arg2[%add3A_39] : memref<16384xi32, #tpu.memory_space<hbm>> -> memref<128xi32, #tpu.memory_space<hbm>>
      tpu.enqueue_dma source(%dma_start3A_77 : memref<128xi32, #tpu.memory_space<hbm>>) target(%arg12 : memref<128xi32, #tpu.memory_space<vmem>>) target_semaphore(%run_scoped3A : memref<!tpu.dma_semaphore, #tpu.memory_space<semaphore_mem>>)
      %dma_wait3A_78 = tpu.memref_slice %arg2[%add3A_39] : memref<16384xi32, #tpu.memory_space<hbm>> -> memref<128xi32, #tpu.memory_space<hbm>>
      %dma_wait3A_79 = tpu.memref_slice %arg2[%add3A_39] : memref<16384xi32, #tpu.memory_space<hbm>> -> memref<128xi32, #tpu.memory_space<hbm>>
      tpu.wait_dma2 semaphore(%run_scoped3A : memref<!tpu.dma_semaphore, #tpu.memory_space<semaphore_mem>>) src(%dma_wait3A_79 : memref<128xi32, #tpu.memory_space<hbm>>) dst(%arg12 : memref<128xi32, #tpu.memory_space<vmem>>)
      tpu.yield
    }) : () -> ()
    %scan3A_40 = arith.constant 0 : i32
    %scan3A_41 = arith.constant 8 : i32
    %scan3A_42 = arith.addi %scan3A_40, %scan3A_41 : i32
    %scan3A_43 = arith.constant 1 : i32
    scf.for %scan3A_76 = %scan3A_40 to %scan3A_42 step %scan3A_43  : i32 {
      %mul3A_77 = arith.constant 1 : i32
      %mul3A_78 = arith.muli %scan3A_76, %mul3A_77 : i32
      %add3A_79 = arith.constant 0 : i32
      %add3A_80 = arith.addi %add3A_79, %mul3A_78 : i32
      %mul3A_81 = arith.constant 16 : i32
      %mul3A_82 = arith.muli %add3A_80, %mul3A_81 : i32
      %get3A = arith.index_cast %mul3A_82 : i32 to index
      %get3A_83 = tpu.vector_load %arg12[%get3A] {strides = array<i32>} : memref<128xi32, #tpu.memory_space<vmem>>, vector<16xi32>,
      %get3A_84 = vector.shape_cast %get3A_83 : vector<16xi32> to vector<16xi32>
      %mul3A_85 = arith.constant 16 : i32
      %mul3A_86 = arith.muli %add3A_80, %mul3A_85 : i32
      %add3A_87 = arith.constant 0 : i32
      %add3A_88 = arith.addi %mul3A_86, %add3A_87 : i32
      %slice3A = vector.extract_strided_slice %get3A_84 {offsets = [0], sizes = [1], strides = [1]} : vector<16xi32> to vector<1xi32>
      %squeeze3A = vector.extract %slice3A[0] : i32 from vector<1xi32>
      %dma_start3A_89 = arith.constant 0 : i32
      %dma_start3A_90 = tpu.memref_slice %arg15[%add3A_88, %dma_start3A_89] : memref<128x64xf32, #tpu.memory_space<vmem>> -> memref<1x64xf32, #tpu.memory_space<vmem>>
      %dma_start3A_91 = arith.constant 0 : i32
      %dma_start3A_92 = tpu.memref_slice %arg5[%squeeze3A, %dma_start3A_91] : memref<1000000x64xf32, #tpu.memory_space<hbm>> -> memref<1x64xf32, #tpu.memory_space<hbm>>
      %dma_start3A_93 = arith.constant 0 : i32
      %dma_start3A_94 = tpu.memref_slice %arg15[%add3A_88, %dma_start3A_93] : memref<128x64xf32, #tpu.memory_space<vmem>> -> memref<1x64xf32, #tpu.memory_space<vmem>>
      %dma_start3A_95 = arith.constant 0 : i32
      %dma_start3A_96 = tpu.memref_slice %arg5[%squeeze3A, %dma_start3A_95] : memref<1000000x64xf32, #tpu.memory_space<hbm>> -> memref<1x64xf32, #tpu.memory_space<hbm>>
      tpu.enqueue_dma source(%dma_start3A_96 : memref<1x64xf32, #tpu.memory_space<hbm>>) target(%dma_start3A_94 : memref<1x64xf32, #tpu.memory_space<vmem>>) target_semaphore(%arg17 : memref<!tpu.dma_semaphore, #tpu.memory_space<semaphore_mem>>)
      %dma_start3A_97 = arith.constant 0 : i32
      %dma_start3A_98 = tpu.memref_slice %arg16[%add3A_88, %dma_start3A_97] : memref<128x64xf32, #tpu.memory_space<vmem>> -> memref<1x64xf32, #tpu.memory_space<vmem>>
      %dma_start3A_99 = arith.constant 0 : i32
      %dma_start3A_100 = tpu.memref_slice %arg6[%squeeze3A, %dma_start3A_99] : memref<1000000x64xf32, #tpu.memory_space<hbm>> -> memref<1x64xf32, #tpu.memory_space<hbm>>
      %dma_start3A_101 = arith.constant 0 : i32
      %dma_start3A_102 = tpu.memref_slice %arg16[%add3A_88, %dma_start3A_101] : memref<128x64xf32, #tpu.memory_space<vmem>> -> memref<1x64xf32, #tpu.memory_space<vmem>>
      %dma_start3A_103 = arith.constant 0 : i32
      %dma_start3A_104 = tpu.memref_slice %arg6[%squeeze3A, %dma_start3A_103] : memref<1000000x64xf32, #tpu.memory_space<hbm>> -> memref<1x64xf32, #tpu.memory_space<hbm>>
      tpu.enqueue_dma source(%dma_start3A_104 : memref<1x64xf32, #tpu.memory_space<hbm>>) target(%dma_start3A_102 : memref<1x64xf32, #tpu.memory_space<vmem>>) target_semaphore(%arg17 : memref<!tpu.dma_semaphore, #tpu.memory_space<semaphore_mem>>)
      %mul3A_105 = arith.constant 16 : i32
      %mul3A_106 = arith.muli %add3A_80, %mul3A_105 : i32
      %add3A_107 = arith.constant 1 : i32
      %add3A_108 = arith.addi %mul3A_106, %add3A_107 : i32
      %slice3A_109 = vector.extract_strided_slice %get3A_84 {offsets = [1], sizes = [1], strides = [1]} : vector<16xi32> to vector<1xi32>
      %squeeze3A_110 = vector.extract %slice3A_109[0] : i32 from vector<1xi32>
      %dma_start3A_111 = arith.constant 0 : i32
      %dma_start3A_112 = tpu.memref_slice %arg15[%add3A_108, %dma_start3A_111] : memref<128x64xf32, #tpu.memory_space<vmem>> -> memref<1x64xf32, #tpu.memory_space<vmem>>
      %dma_start3A_113 = arith.constant 0 : i32
      %dma_start3A_114 = tpu.memref_slice %arg5[%squeeze3A_110, %dma_start3A_113] : memref<1000000x64xf32, #tpu.memory_space<hbm>> -> memref<1x64xf32, #tpu.memory_space<hbm>>
      %dma_start3A_115 = arith.constant 0 : i32
      %dma_start3A_116 = tpu.memref_slice %arg15[%add3A_108, %dma_start3A_115] : memref<128x64xf32, #tpu.memory_space<vmem>> -> memref<1x64xf32, #tpu.memory_space<vmem>>
      %dma_start3A_117 = arith.constant 0 : i32
      %dma_start3A_118 = tpu.memref_slice %arg5[%squeeze3A_110, %dma_start3A_117] : memref<1000000x64xf32, #tpu.memory_space<hbm>> -> memref<1x64xf32, #tpu.memory_space<hbm>>
      tpu.enqueue_dma source(%dma_start3A_118 : memref<1x64xf32, #tpu.memory_space<hbm>>) target(%dma_start3A_116 : memref<1x64xf32, #tpu.memory_space<vmem>>) target_semaphore(%arg17 : memref<!tpu.dma_semaphore, #tpu.memory_space<semaphore_mem>>)
      %dma_start3A_119 = arith.constant 0 : i32
      %dma_start3A_120 = tpu.memref_slice %arg16[%add3A_108, %dma_start3A_119] : memref<128x64xf32, #tpu.memory_space<vmem>> -> memref<1x64xf32, #tpu.memory_space<vmem>>
      %dma_start3A_121 = arith.constant 0 : i32
      %dma_start3A_122 = tpu.memref_slice %arg6[%squeeze3A_110, %dma_start3A_121] : memref<1000000x64xf32, #tpu.memory_space<hbm>> -> memref<1x64xf32, #tpu.memory_space<hbm>>
      %dma_start3A_123 = arith.constant 0 : i32
      %dma_start3A_124 = tpu.memref_slice %arg16[%add3A_108, %dma_start3A_123] : memref<128x64xf32, #tpu.memory_space<vmem>> -> memref<1x64xf32, #tpu.memory_space<vmem>>
      %dma_start3A_125 = arith.constant 0 : i32
      %dma_start3A_126 = tpu.memref_slice %arg6[%squeeze3A_110, %dma_start3A_125] : memref<1000000x64xf32, #tpu.memory_space<hbm>> -> memref<1x64xf32, #tpu.memory_space<hbm>>
      tpu.enqueue_dma source(%dma_start3A_126 : memref<1x64xf32, #tpu.memory_space<hbm>>) target(%dma_start3A_124 : memref<1x64xf32, #tpu.memory_space<vmem>>) target_semaphore(%arg17 : memref<!tpu.dma_semaphore, #tpu.memory_space<semaphore_mem>>)
      %mul3A_127 = arith.constant 16 : i32
      %mul3A_128 = arith.muli %add3A_80, %mul3A_127 : i32
      %add3A_129 = arith.constant 2 : i32
      %add3A_130 = arith.addi %mul3A_128, %add3A_129 : i32
      %slice3A_131 = vector.extract_strided_slice %get3A_84 {offsets = [2], sizes = [1], strides = [1]} : vector<16xi32> to vector<1xi32>
      %squeeze3A_132 = vector.extract %slice3A_131[0] : i32 from vector<1xi32>
      %dma_start3A_133 = arith.constant 0 : i32
      %dma_start3A_134 = tpu.memref_slice %arg15[%add3A_130, %dma_start3A_133] : memref<128x64xf32, #tpu.memory_space<vmem>> -> memref<1x64xf32, #tpu.memory_space<vmem>>
      %dma_start3A_135 = arith.constant 0 : i32
      %dma_start3A_136 = tpu.memref_slice %arg5[%squeeze3A_132, %dma_start3A_135] : memref<1000000x64xf32, #tpu.memory_space<hbm>> -> memref<1x64xf32, #tpu.memory_space<hbm>>
      %dma_start3A_137 = arith.constant 0 : i32
      %dma_start3A_138 = tpu.memref_slice %arg15[%add3A_130, %dma_start3A_137] : memref<128x64xf32, #tpu.memory_space<vmem>> -> memref<1x64xf32, #tpu.memory_space<vmem>>
      %dma_start3A_139 = arith.constant 0 : i32
      %dma_start3A_140 = tpu.memref_slice %arg5[%squeeze3A_132, %dma_start3A_139] : memref<1000000x64xf32, #tpu.memory_space<hbm>> -> memref<1x64xf32, #tpu.memory_space<hbm>>
      tpu.enqueue_dma source(%dma_start3A_140 : memref<1x64xf32, #tpu.memory_space<hbm>>) target(%dma_start3A_138 : memref<1x64xf32, #tpu.memory_space<vmem>>) target_semaphore(%arg17 : memref<!tpu.dma_semaphore, #tpu.memory_space<semaphore_mem>>)
      %dma_start3A_141 = arith.constant 0 : i32
      %dma_start3A_142 = tpu.memref_slice %arg16[%add3A_130, %dma_start3A_141] : memref<128x64xf32, #tpu.memory_space<vmem>> -> memref<1x64xf32, #tpu.memory_space<vmem>>
      %dma_start3A_143 = arith.constant 0 : i32
      %dma_start3A_144 = tpu.memref_slice %arg6[%squeeze3A_132, %dma_start3A_143] : memref<1000000x64xf32, #tpu.memory_space<hbm>> -> memref<1x64xf32, #tpu.memory_space<hbm>>
      %dma_start3A_145 = arith.constant 0 : i32
      %dma_start3A_146 = tpu.memref_slice %arg16[%add3A_130, %dma_start3A_145] : memref<128x64xf32, #tpu.memory_space<vmem>> -> memref<1x64xf32, #tpu.memory_space<vmem>>
      %dma_start3A_147 = arith.constant 0 : i32
      %dma_start3A_148 = tpu.memref_slice %arg6[%squeeze3A_132, %dma_start3A_147] : memref<1000000x64xf32, #tpu.memory_space<hbm>> -> memref<1x64xf32, #tpu.memory_space<hbm>>
      tpu.enqueue_dma source(%dma_start3A_148 : memref<1x64xf32, #tpu.memory_space<hbm>>) target(%dma_start3A_146 : memref<1x64xf32, #tpu.memory_space<vmem>>) target_semaphore(%arg17 : memref<!tpu.dma_semaphore, #tpu.memory_space<semaphore_mem>>)
      %mul3A_149 = arith.constant 16 : i32
      %mul3A_150 = arith.muli %add3A_80, %mul3A_149 : i32
      %add3A_151 = arith.constant 3 : i32
      %add3A_152 = arith.addi %mul3A_150, %add3A_151 : i32
      %slice3A_153 = vector.extract_strided_slice %get3A_84 {offsets = [3], sizes = [1], strides = [1]} : vector<16xi32> to vector<1xi32>
      %squeeze3A_154 = vector.extract %slice3A_153[0] : i32 from vector<1xi32>
      %dma_start3A_155 = arith.constant 0 : i32
      %dma_start3A_156 = tpu.memref_slice %arg15[%add3A_152, %dma_start3A_155] : memref<128x64xf32, #tpu.memory_space<vmem>> -> memref<1x64xf32, #tpu.memory_space<vmem>>
      %dma_start3A_157 = arith.constant 0 : i32
      %dma_start3A_158 = tpu.memref_slice %arg5[%squeeze3A_154, %dma_start3A_157] : memref<1000000x64xf32, #tpu.memory_space<hbm>> -> memref<1x64xf32, #tpu.memory_space<hbm>>
      %dma_start3A_159 = arith.constant 0 : i32
      %dma_start3A_160 = tpu.memref_slice %arg15[%add3A_152, %dma_start3A_159] : memref<128x64xf32, #tpu.memory_space<vmem>> -> memref<1x64xf32, #tpu.memory_space<vmem>>
      %dma_start3A_161 = arith.constant 0 : i32
      %dma_start3A_162 = tpu.memref_slice %arg5[%squeeze3A_154, %dma_start3A_161] : memref<1000000x64xf32, #tpu.memory_space<hbm>> -> memref<1x64xf32, #tpu.memory_space<hbm>>
      tpu.enqueue_dma source(%dma_start3A_162 : memref<1x64xf32, #tpu.memory_space<hbm>>) target(%dma_start3A_160 : memref<1x64xf32, #tpu.memory_space<vmem>>) target_semaphore(%arg17 : memref<!tpu.dma_semaphore, #tpu.memory_space<semaphore_mem>>)
      %dma_start3A_163 = arith.constant 0 : i32
      %dma_start3A_164 = tpu.memref_slice %arg16[%add3A_152, %dma_start3A_163] : memref<128x64xf32, #tpu.memory_space<vmem>> -> memref<1x64xf32, #tpu.memory_space<vmem>>
      %dma_start3A_165 = arith.constant 0 : i32
      %dma_start3A_166 = tpu.memref_slice %arg6[%squeeze3A_154, %dma_start3A_165] : memref<1000000x64xf32, #tpu.memory_space<hbm>> -> memref<1x64xf32, #tpu.memory_space<hbm>>
      %dma_start3A_167 = arith.constant 0 : i32
      %dma_start3A_168 = tpu.memref_slice %arg16[%add3A_152, %dma_start3A_167] : memref<128x64xf32, #tpu.memory_space<vmem>> -> memref<1x64xf32, #tpu.memory_space<vmem>>
      %dma_start3A_169 = arith.constant 0 : i32
      %dma_start3A_170 = tpu.memref_slice %arg6[%squeeze3A_154, %dma_start3A_169] : memref<1000000x64xf32, #tpu.memory_space<hbm>> -> memref<1x64xf32, #tpu.memory_space<hbm>>
      tpu.enqueue_dma source(%dma_start3A_170 : memref<1x64xf32, #tpu.memory_space<hbm>>) target(%dma_start3A_168 : memref<1x64xf32, #tpu.memory_space<vmem>>) target_semaphore(%arg17 : memref<!tpu.dma_semaphore, #tpu.memory_space<semaphore_mem>>)
      %mul3A_171 = arith.constant 16 : i32
      %mul3A_172 = arith.muli %add3A_80, %mul3A_171 : i32
      %add3A_173 = arith.constant 4 : i32
      %add3A_174 = arith.addi %mul3A_172, %add3A_173 : i32
      %slice3A_175 = vector.extract_strided_slice %get3A_84 {offsets = [4], sizes = [1], strides = [1]} : vector<16xi32> to vector<1xi32>
      %squeeze3A_176 = vector.extract %slice3A_175[0] : i32 from vector<1xi32>
      %dma_start3A_177 = arith.constant 0 : i32
      %dma_start3A_178 = tpu.memref_slice %arg15[%add3A_174, %dma_start3A_177] : memref<128x64xf32, #tpu.memory_space<vmem>> -> memref<1x64xf32, #tpu.memory_space<vmem>>
      %dma_start3A_179 = arith.constant 0 : i32
      %dma_start3A_180 = tpu.memref_slice %arg5[%squeeze3A_176, %dma_start3A_179] : memref<1000000x64xf32, #tpu.memory_space<hbm>> -> memref<1x64xf32, #tpu.memory_space<hbm>>
      %dma_start3A_181 = arith.constant 0 : i32
      %dma_start3A_182 = tpu.memref_slice %arg15[%add3A_174, %dma_start3A_181] : memref<128x64xf32, #tpu.memory_space<vmem>> -> memref<1x64xf32, #tpu.memory_space<vmem>>
      %dma_start3A_183 = arith.constant 0 : i32
      %dma_start3A_184 = tpu.memref_slice %arg5[%squeeze3A_176, %dma_start3A_183] : memref<1000000x64xf32, #tpu.memory_space<hbm>> -> memref<1x64xf32, #tpu.memory_space<hbm>>
      tpu.enqueue_dma source(%dma_start3A_184 : memref<1x64xf32, #tpu.memory_space<hbm>>) target(%dma_start3A_182 : memref<1x64xf32, #tpu.memory_space<vmem>>) target_semaphore(%arg17 : memref<!tpu.dma_semaphore, #tpu.memory_space<semaphore_mem>>)
      %dma_start3A_185 = arith.constant 0 : i32
      %dma_start3A_186 = tpu.memref_slice %arg16[%add3A_174, %dma_start3A_185] : memref<128x64xf32, #tpu.memory_space<vmem>> -> memref<1x64xf32, #tpu.memory_space<vmem>>
      %dma_start3A_187 = arith.constant 0 : i32
      %dma_start3A_188 = tpu.memref_slice %arg6[%squeeze3A_176, %dma_start3A_187] : memref<1000000x64xf32, #tpu.memory_space<hbm>> -> memref<1x64xf32, #tpu.memory_space<hbm>>
      %dma_start3A_189 = arith.constant 0 : i32
      %dma_start3A_190 = tpu.memref_slice %arg16[%add3A_174, %dma_start3A_189] : memref<128x64xf32, #tpu.memory_space<vmem>> -> memref<1x64xf32, #tpu.memory_space<vmem>>
      %dma_start3A_191 = arith.constant 0 : i32
      %dma_start3A_192 = tpu.memref_slice %arg6[%squeeze3A_176, %dma_start3A_191] : memref<1000000x64xf32, #tpu.memory_space<hbm>> -> memref<1x64xf32, #tpu.memory_space<hbm>>
      tpu.enqueue_dma source(%dma_start3A_192 : memref<1x64xf32, #tpu.memory_space<hbm>>) target(%dma_start3A_190 : memref<1x64xf32, #tpu.memory_space<vmem>>) target_semaphore(%arg17 : memref<!tpu.dma_semaphore, #tpu.memory_space<semaphore_mem>>)
      %mul3A_193 = arith.constant 16 : i32
      %mul3A_194 = arith.muli %add3A_80, %mul3A_193 : i32
      %add3A_195 = arith.constant 5 : i32
      %add3A_196 = arith.addi %mul3A_194, %add3A_195 : i32
      %slice3A_197 = vector.extract_strided_slice %get3A_84 {offsets = [5], sizes = [1], strides = [1]} : vector<16xi32> to vector<1xi32>
      %squeeze3A_198 = vector.extract %slice3A_197[0] : i32 from vector<1xi32>
      %dma_start3A_199 = arith.constant 0 : i32
      %dma_start3A_200 = tpu.memref_slice %arg15[%add3A_196, %dma_start3A_199] : memref<128x64xf32, #tpu.memory_space<vmem>> -> memref<1x64xf32, #tpu.memory_space<vmem>>
      %dma_start3A_201 = arith.constant 0 : i32
      %dma_start3A_202 = tpu.memref_slice %arg5[%squeeze3A_198, %dma_start3A_201] : memref<1000000x64xf32, #tpu.memory_space<hbm>> -> memref<1x64xf32, #tpu.memory_space<hbm>>
      %dma_start3A_203 = arith.constant 0 : i32
      %dma_start3A_204 = tpu.memref_slice %arg15[%add3A_196, %dma_start3A_203] : memref<128x64xf32, #tpu.memory_space<vmem>> -> memref<1x64xf32, #tpu.memory_space<vmem>>
      %dma_start3A_205 = arith.constant 0 : i32
      %dma_start3A_206 = tpu.memref_slice %arg5[%squeeze3A_198, %dma_start3A_205] : memref<1000000x64xf32, #tpu.memory_space<hbm>> -> memref<1x64xf32, #tpu.memory_space<hbm>>
      tpu.enqueue_dma source(%dma_start3A_206 : memref<1x64xf32, #tpu.memory_space<hbm>>) target(%dma_start3A_204 : memref<1x64xf32, #tpu.memory_space<vmem>>) target_semaphore(%arg17 : memref<!tpu.dma_semaphore, #tpu.memory_space<semaphore_mem>>)
      %dma_start3A_207 = arith.constant 0 : i32
      %dma_start3A_208 = tpu.memref_slice %arg16[%add3A_196, %dma_start3A_207] : memref<128x64xf32, #tpu.memory_space<vmem>> -> memref<1x64xf32, #tpu.memory_space<vmem>>
      %dma_start3A_209 = arith.constant 0 : i32
      %dma_start3A_210 = tpu.memref_slice %arg6[%squeeze3A_198, %dma_start3A_209] : memref<1000000x64xf32, #tpu.memory_space<hbm>> -> memref<1x64xf32, #tpu.memory_space<hbm>>
      %dma_start3A_211 = arith.constant 0 : i32
      %dma_start3A_212 = tpu.memref_slice %arg16[%add3A_196, %dma_start3A_211] : memref<128x64xf32, #tpu.memory_space<vmem>> -> memref<1x64xf32, #tpu.memory_space<vmem>>
      %dma_start3A_213 = arith.constant 0 : i32
      %dma_start3A_214 = tpu.memref_slice %arg6[%squeeze3A_198, %dma_start3A_213] : memref<1000000x64xf32, #tpu.memory_space<hbm>> -> memref<1x64xf32, #tpu.memory_space<hbm>>
      tpu.enqueue_dma source(%dma_start3A_214 : memref<1x64xf32, #tpu.memory_space<hbm>>) target(%dma_start3A_212 : memref<1x64xf32, #tpu.memory_space<vmem>>) target_semaphore(%arg17 : memref<!tpu.dma_semaphore, #tpu.memory_space<semaphore_mem>>)
      %mul3A_215 = arith.constant 16 : i32
      %mul3A_216 = arith.muli %add3A_80, %mul3A_215 : i32
      %add3A_217 = arith.constant 6 : i32
      %add3A_218 = arith.addi %mul3A_216, %add3A_217 : i32
      %slice3A_219 = vector.extract_strided_slice %get3A_84 {offsets = [6], sizes = [1], strides = [1]} : vector<16xi32> to vector<1xi32>
      %squeeze3A_220 = vector.extract %slice3A_219[0] : i32 from vector<1xi32>
      %dma_start3A_221 = arith.constant 0 : i32
      %dma_start3A_222 = tpu.memref_slice %arg15[%add3A_218, %dma_start3A_221] : memref<128x64xf32, #tpu.memory_space<vmem>> -> memref<1x64xf32, #tpu.memory_space<vmem>>
      %dma_start3A_223 = arith.constant 0 : i32
      %dma_start3A_224 = tpu.memref_slice %arg5[%squeeze3A_220, %dma_start3A_223] : memref<1000000x64xf32, #tpu.memory_space<hbm>> -> memref<1x64xf32, #tpu.memory_space<hbm>>
      %dma_start3A_225 = arith.constant 0 : i32
      %dma_start3A_226 = tpu.memref_slice %arg15[%add3A_218, %dma_start3A_225] : memref<128x64xf32, #tpu.memory_space<vmem>> -> memref<1x64xf32, #tpu.memory_space<vmem>>
      %dma_start3A_227 = arith.constant 0 : i32
      %dma_start3A_228 = tpu.memref_slice %arg5[%squeeze3A_220, %dma_start3A_227] : memref<1000000x64xf32, #tpu.memory_space<hbm>> -> memref<1x64xf32, #tpu.memory_space<hbm>>
      tpu.enqueue_dma source(%dma_start3A_228 : memref<1x64xf32, #tpu.memory_space<hbm>>) target(%dma_start3A_226 : memref<1x64xf32, #tpu.memory_space<vmem>>) target_semaphore(%arg17 : memref<!tpu.dma_semaphore, #tpu.memory_space<semaphore_mem>>)
      %dma_start3A_229 = arith.constant 0 : i32
      %dma_start3A_230 = tpu.memref_slice %arg16[%add3A_218, %dma_start3A_229] : memref<128x64xf32, #tpu.memory_space<vmem>> -> memref<1x64xf32, #tpu.memory_space<vmem>>
      %dma_start3A_231 = arith.constant 0 : i32
      %dma_start3A_232 = tpu.memref_slice %arg6[%squeeze3A_220, %dma_start3A_231] : memref<1000000x64xf32, #tpu.memory_space<hbm>> -> memref<1x64xf32, #tpu.memory_space<hbm>>
      %dma_start3A_233 = arith.constant 0 : i32
      %dma_start3A_234 = tpu.memref_slice %arg16[%add3A_218, %dma_start3A_233] : memref<128x64xf32, #tpu.memory_space<vmem>> -> memref<1x64xf32, #tpu.memory_space<vmem>>
      %dma_start3A_235 = arith.constant 0 : i32
      %dma_start3A_236 = tpu.memref_slice %arg6[%squeeze3A_220, %dma_start3A_235] : memref<1000000x64xf32, #tpu.memory_space<hbm>> -> memref<1x64xf32, #tpu.memory_space<hbm>>
      tpu.enqueue_dma source(%dma_start3A_236 : memref<1x64xf32, #tpu.memory_space<hbm>>) target(%dma_start3A_234 : memref<1x64xf32, #tpu.memory_space<vmem>>) target_semaphore(%arg17 : memref<!tpu.dma_semaphore, #tpu.memory_space<semaphore_mem>>)
      %mul3A_237 = arith.constant 16 : i32
      %mul3A_238 = arith.muli %add3A_80, %mul3A_237 : i32
      %add3A_239 = arith.constant 7 : i32
      %add3A_240 = arith.addi %mul3A_238, %add3A_239 : i32
      %slice3A_241 = vector.extract_strided_slice %get3A_84 {offsets = [7], sizes = [1], strides = [1]} : vector<16xi32> to vector<1xi32>
      %squeeze3A_242 = vector.extract %slice3A_241[0] : i32 from vector<1xi32>
      %dma_start3A_243 = arith.constant 0 : i32
      %dma_start3A_244 = tpu.memref_slice %arg15[%add3A_240, %dma_start3A_243] : memref<128x64xf32, #tpu.memory_space<vmem>> -> memref<1x64xf32, #tpu.memory_space<vmem>>
      %dma_start3A_245 = arith.constant 0 : i32
      %dma_start3A_246 = tpu.memref_slice %arg5[%squeeze3A_242, %dma_start3A_245] : memref<1000000x64xf32, #tpu.memory_space<hbm>> -> memref<1x64xf32, #tpu.memory_space<hbm>>
      %dma_start3A_247 = arith.constant 0 : i32
      %dma_start3A_248 = tpu.memref_slice %arg15[%add3A_240, %dma_start3A_247] : memref<128x64xf32, #tpu.memory_space<vmem>> -> memref<1x64xf32, #tpu.memory_space<vmem>>
      %dma_start3A_249 = arith.constant 0 : i32
      %dma_start3A_250 = tpu.memref_slice %arg5[%squeeze3A_242, %dma_start3A_249] : memref<1000000x64xf32, #tpu.memory_space<hbm>> -> memref<1x64xf32, #tpu.memory_space<hbm>>
      tpu.enqueue_dma source(%dma_start3A_250 : memref<1x64xf32, #tpu.memory_space<hbm>>) target(%dma_start3A_248 : memref<1x64xf32, #tpu.memory_space<vmem>>) target_semaphore(%arg17 : memref<!tpu.dma_semaphore, #tpu.memory_space<semaphore_mem>>)
      %dma_start3A_251 = arith.constant 0 : i32
      %dma_start3A_252 = tpu.memref_slice %arg16[%add3A_240, %dma_start3A_251] : memref<128x64xf32, #tpu.memory_space<vmem>> -> memref<1x64xf32, #tpu.memory_space<vmem>>
      %dma_start3A_253 = arith.constant 0 : i32
      %dma_start3A_254 = tpu.memref_slice %arg6[%squeeze3A_242, %dma_start3A_253] : memref<1000000x64xf32, #tpu.memory_space<hbm>> -> memref<1x64xf32, #tpu.memory_space<hbm>>
      %dma_start3A_255 = arith.constant 0 : i32
      %dma_start3A_256 = tpu.memref_slice %arg16[%add3A_240, %dma_start3A_255] : memref<128x64xf32, #tpu.memory_space<vmem>> -> memref<1x64xf32, #tpu.memory_space<vmem>>
      %dma_start3A_257 = arith.constant 0 : i32
      %dma_start3A_258 = tpu.memref_slice %arg6[%squeeze3A_242, %dma_start3A_257] : memref<1000000x64xf32, #tpu.memory_space<hbm>> -> memref<1x64xf32, #tpu.memory_space<hbm>>
      tpu.enqueue_dma source(%dma_start3A_258 : memref<1x64xf32, #tpu.memory_space<hbm>>) target(%dma_start3A_256 : memref<1x64xf32, #tpu.memory_space<vmem>>) target_semaphore(%arg17 : memref<!tpu.dma_semaphore, #tpu.memory_space<semaphore_mem>>)
      %mul3A_259 = arith.constant 16 : i32
      %mul3A_260 = arith.muli %add3A_80, %mul3A_259 : i32
      %add3A_261 = arith.constant 8 : i32
      %add3A_262 = arith.addi %mul3A_260, %add3A_261 : i32
      %slice3A_263 = vector.extract_strided_slice %get3A_84 {offsets = [8], sizes = [1], strides = [1]} : vector<16xi32> to vector<1xi32>
      %squeeze3A_264 = vector.extract %slice3A_263[0] : i32 from vector<1xi32>
      %dma_start3A_265 = arith.constant 0 : i32
      %dma_start3A_266 = tpu.memref_slice %arg15[%add3A_262, %dma_start3A_265] : memref<128x64xf32, #tpu.memory_space<vmem>> -> memref<1x64xf32, #tpu.memory_space<vmem>>
      %dma_start3A_267 = arith.constant 0 : i32
      %dma_start3A_268 = tpu.memref_slice %arg5[%squeeze3A_264, %dma_start3A_267] : memref<1000000x64xf32, #tpu.memory_space<hbm>> -> memref<1x64xf32, #tpu.memory_space<hbm>>
      %dma_start3A_269 = arith.constant 0 : i32
      %dma_start3A_270 = tpu.memref_slice %arg15[%add3A_262, %dma_start3A_269] : memref<128x64xf32, #tpu.memory_space<vmem>> -> memref<1x64xf32, #tpu.memory_space<vmem>>
      %dma_start3A_271 = arith.constant 0 : i32
      %dma_start3A_272 = tpu.memref_slice %arg5[%squeeze3A_264, %dma_start3A_271] : memref<1000000x64xf32, #tpu.memory_space<hbm>> -> memref<1x64xf32, #tpu.memory_space<hbm>>
      tpu.enqueue_dma source(%dma_start3A_272 : memref<1x64xf32, #tpu.memory_space<hbm>>) target(%dma_start3A_270 : memref<1x64xf32, #tpu.memory_space<vmem>>) target_semaphore(%arg17 : memref<!tpu.dma_semaphore, #tpu.memory_space<semaphore_mem>>)
      %dma_start3A_273 = arith.constant 0 : i32
      %dma_start3A_274 = tpu.memref_slice %arg16[%add3A_262, %dma_start3A_273] : memref<128x64xf32, #tpu.memory_space<vmem>> -> memref<1x64xf32, #tpu.memory_space<vmem>>
      %dma_start3A_275 = arith.constant 0 : i32
      %dma_start3A_276 = tpu.memref_slice %arg6[%squeeze3A_264, %dma_start3A_275] : memref<1000000x64xf32, #tpu.memory_space<hbm>> -> memref<1x64xf32, #tpu.memory_space<hbm>>
      %dma_start3A_277 = arith.constant 0 : i32
      %dma_start3A_278 = tpu.memref_slice %arg16[%add3A_262, %dma_start3A_277] : memref<128x64xf32, #tpu.memory_space<vmem>> -> memref<1x64xf32, #tpu.memory_space<vmem>>
      %dma_start3A_279 = arith.constant 0 : i32
      %dma_start3A_280 = tpu.memref_slice %arg6[%squeeze3A_264, %dma_start3A_279] : memref<1000000x64xf32, #tpu.memory_space<hbm>> -> memref<1x64xf32, #tpu.memory_space<hbm>>
      tpu.enqueue_dma source(%dma_start3A_280 : memref<1x64xf32, #tpu.memory_space<hbm>>) target(%dma_start3A_278 : memref<1x64xf32, #tpu.memory_space<vmem>>) target_semaphore(%arg17 : memref<!tpu.dma_semaphore, #tpu.memory_space<semaphore_mem>>)
      %mul3A_281 = arith.constant 16 : i32
      %mul3A_282 = arith.muli %add3A_80, %mul3A_281 : i32
      %add3A_283 = arith.constant 9 : i32
      %add3A_284 = arith.addi %mul3A_282, %add3A_283 : i32
      %slice3A_285 = vector.extract_strided_slice %get3A_84 {offsets = [9], sizes = [1], strides = [1]} : vector<16xi32> to vector<1xi32>
      %squeeze3A_286 = vector.extract %slice3A_285[0] : i32 from vector<1xi32>
      %dma_start3A_287 = arith.constant 0 : i32
      %dma_start3A_288 = tpu.memref_slice %arg15[%add3A_284, %dma_start3A_287] : memref<128x64xf32, #tpu.memory_space<vmem>> -> memref<1x64xf32, #tpu.memory_space<vmem>>
      %dma_start3A_289 = arith.constant 0 : i32
      %dma_start3A_290 = tpu.memref_slice %arg5[%squeeze3A_286, %dma_start3A_289] : memref<1000000x64xf32, #tpu.memory_space<hbm>> -> memref<1x64xf32, #tpu.memory_space<hbm>>
      %dma_start3A_291 = arith.constant 0 : i32
      %dma_start3A_292 = tpu.memref_slice %arg15[%add3A_284, %dma_start3A_291] : memref<128x64xf32, #tpu.memory_space<vmem>> -> memref<1x64xf32, #tpu.memory_space<vmem>>
      %dma_start3A_293 = arith.constant 0 : i32
      %dma_start3A_294 = tpu.memref_slice %arg5[%squeeze3A_286, %dma_start3A_293] : memref<1000000x64xf32, #tpu.memory_space<hbm>> -> memref<1x64xf32, #tpu.memory_space<hbm>>
      tpu.enqueue_dma source(%dma_start3A_294 : memref<1x64xf32, #tpu.memory_space<hbm>>) target(%dma_start3A_292 : memref<1x64xf32, #tpu.memory_space<vmem>>) target_semaphore(%arg17 : memref<!tpu.dma_semaphore, #tpu.memory_space<semaphore_mem>>)
      %dma_start3A_295 = arith.constant 0 : i32
      %dma_start3A_296 = tpu.memref_slice %arg16[%add3A_284, %dma_start3A_295] : memref<128x64xf32, #tpu.memory_space<vmem>> -> memref<1x64xf32, #tpu.memory_space<vmem>>
      %dma_start3A_297 = arith.constant 0 : i32
      %dma_start3A_298 = tpu.memref_slice %arg6[%squeeze3A_286, %dma_start3A_297] : memref<1000000x64xf32, #tpu.memory_space<hbm>> -> memref<1x64xf32, #tpu.memory_space<hbm>>
      %dma_start3A_299 = arith.constant 0 : i32
      %dma_start3A_300 = tpu.memref_slice %arg16[%add3A_284, %dma_start3A_299] : memref<128x64xf32, #tpu.memory_space<vmem>> -> memref<1x64xf32, #tpu.memory_space<vmem>>
      %dma_start3A_301 = arith.constant 0 : i32
      %dma_start3A_302 = tpu.memref_slice %arg6[%squeeze3A_286, %dma_start3A_301] : memref<1000000x64xf32, #tpu.memory_space<hbm>> -> memref<1x64xf32, #tpu.memory_space<hbm>>
      tpu.enqueue_dma source(%dma_start3A_302 : memref<1x64xf32, #tpu.memory_space<hbm>>) target(%dma_start3A_300 : memref<1x64xf32, #tpu.memory_space<vmem>>) target_semaphore(%arg17 : memref<!tpu.dma_semaphore, #tpu.memory_space<semaphore_mem>>)
      %mul3A_303 = arith.constant 16 : i32
      %mul3A_304 = arith.muli %add3A_80, %mul3A_303 : i32
      %add3A_305 = arith.constant 10 : i32
      %add3A_306 = arith.addi %mul3A_304, %add3A_305 : i32
      %slice3A_307 = vector.extract_strided_slice %get3A_84 {offsets = [10], sizes = [1], strides = [1]} : vector<16xi32> to vector<1xi32>
      %squeeze3A_308 = vector.extract %slice3A_307[0] : i32 from vector<1xi32>
      %dma_start3A_309 = arith.constant 0 : i32
      %dma_start3A_310 = tpu.memref_slice %arg15[%add3A_306, %dma_start3A_309] : memref<128x64xf32, #tpu.memory_space<vmem>> -> memref<1x64xf32, #tpu.memory_space<vmem>>
      %dma_start3A_311 = arith.constant 0 : i32
      %dma_start3A_312 = tpu.memref_slice %arg5[%squeeze3A_308, %dma_start3A_311] : memref<1000000x64xf32, #tpu.memory_space<hbm>> -> memref<1x64xf32, #tpu.memory_space<hbm>>
      %dma_start3A_313 = arith.constant 0 : i32
      %dma_start3A_314 = tpu.memref_slice %arg15[%add3A_306, %dma_start3A_313] : memref<128x64xf32, #tpu.memory_space<vmem>> -> memref<1x64xf32, #tpu.memory_space<vmem>>
      %dma_start3A_315 = arith.constant 0 : i32
      %dma_start3A_316 = tpu.memref_slice %arg5[%squeeze3A_308, %dma_start3A_315] : memref<1000000x64xf32, #tpu.memory_space<hbm>> -> memref<1x64xf32, #tpu.memory_space<hbm>>
      tpu.enqueue_dma source(%dma_start3A_316 : memref<1x64xf32, #tpu.memory_space<hbm>>) target(%dma_start3A_314 : memref<1x64xf32, #tpu.memory_space<vmem>>) target_semaphore(%arg17 : memref<!tpu.dma_semaphore, #tpu.memory_space<semaphore_mem>>)
      %dma_start3A_317 = arith.constant 0 : i32
      %dma_start3A_318 = tpu.memref_slice %arg16[%add3A_306, %dma_start3A_317] : memref<128x64xf32, #tpu.memory_space<vmem>> -> memref<1x64xf32, #tpu.memory_space<vmem>>
      %dma_start3A_319 = arith.constant 0 : i32
      %dma_start3A_320 = tpu.memref_slice %arg6[%squeeze3A_308, %dma_start3A_319] : memref<1000000x64xf32, #tpu.memory_space<hbm>> -> memref<1x64xf32, #tpu.memory_space<hbm>>
      %dma_start3A_321 = arith.constant 0 : i32
      %dma_start3A_322 = tpu.memref_slice %arg16[%add3A_306, %dma_start3A_321] : memref<128x64xf32, #tpu.memory_space<vmem>> -> memref<1x64xf32, #tpu.memory_space<vmem>>
      %dma_start3A_323 = arith.constant 0 : i32
      %dma_start3A_324 = tpu.memref_slice %arg6[%squeeze3A_308, %dma_start3A_323] : memref<1000000x64xf32, #tpu.memory_space<hbm>> -> memref<1x64xf32, #tpu.memory_space<hbm>>
      tpu.enqueue_dma source(%dma_start3A_324 : memref<1x64xf32, #tpu.memory_space<hbm>>) target(%dma_start3A_322 : memref<1x64xf32, #tpu.memory_space<vmem>>) target_semaphore(%arg17 : memref<!tpu.dma_semaphore, #tpu.memory_space<semaphore_mem>>)
      %mul3A_325 = arith.constant 16 : i32
      %mul3A_326 = arith.muli %add3A_80, %mul3A_325 : i32
      %add3A_327 = arith.constant 11 : i32
      %add3A_328 = arith.addi %mul3A_326, %add3A_327 : i32
      %slice3A_329 = vector.extract_strided_slice %get3A_84 {offsets = [11], sizes = [1], strides = [1]} : vector<16xi32> to vector<1xi32>
      %squeeze3A_330 = vector.extract %slice3A_329[0] : i32 from vector<1xi32>
      %dma_start3A_331 = arith.constant 0 : i32
      %dma_start3A_332 = tpu.memref_slice %arg15[%add3A_328, %dma_start3A_331] : memref<128x64xf32, #tpu.memory_space<vmem>> -> memref<1x64xf32, #tpu.memory_space<vmem>>
      %dma_start3A_333 = arith.constant 0 : i32
      %dma_start3A_334 = tpu.memref_slice %arg5[%squeeze3A_330, %dma_start3A_333] : memref<1000000x64xf32, #tpu.memory_space<hbm>> -> memref<1x64xf32, #tpu.memory_space<hbm>>
      %dma_start3A_335 = arith.constant 0 : i32
      %dma_start3A_336 = tpu.memref_slice %arg15[%add3A_328, %dma_start3A_335] : memref<128x64xf32, #tpu.memory_space<vmem>> -> memref<1x64xf32, #tpu.memory_space<vmem>>
      %dma_start3A_337 = arith.constant 0 : i32
      %dma_start3A_338 = tpu.memref_slice %arg5[%squeeze3A_330, %dma_start3A_337] : memref<1000000x64xf32, #tpu.memory_space<hbm>> -> memref<1x64xf32, #tpu.memory_space<hbm>>
      tpu.enqueue_dma source(%dma_start3A_338 : memref<1x64xf32, #tpu.memory_space<hbm>>) target(%dma_start3A_336 : memref<1x64xf32, #tpu.memory_space<vmem>>) target_semaphore(%arg17 : memref<!tpu.dma_semaphore, #tpu.memory_space<semaphore_mem>>)
      %dma_start3A_339 = arith.constant 0 : i32
      %dma_start3A_340 = tpu.memref_slice %arg16[%add3A_328, %dma_start3A_339] : memref<128x64xf32, #tpu.memory_space<vmem>> -> memref<1x64xf32, #tpu.memory_space<vmem>>
      %dma_start3A_341 = arith.constant 0 : i32
      %dma_start3A_342 = tpu.memref_slice %arg6[%squeeze3A_330, %dma_start3A_341] : memref<1000000x64xf32, #tpu.memory_space<hbm>> -> memref<1x64xf32, #tpu.memory_space<hbm>>
      %dma_start3A_343 = arith.constant 0 : i32
      %dma_start3A_344 = tpu.memref_slice %arg16[%add3A_328, %dma_start3A_343] : memref<128x64xf32, #tpu.memory_space<vmem>> -> memref<1x64xf32, #tpu.memory_space<vmem>>
      %dma_start3A_345 = arith.constant 0 : i32
      %dma_start3A_346 = tpu.memref_slice %arg6[%squeeze3A_330, %dma_start3A_345] : memref<1000000x64xf32, #tpu.memory_space<hbm>> -> memref<1x64xf32, #tpu.memory_space<hbm>>
      tpu.enqueue_dma source(%dma_start3A_346 : memref<1x64xf32, #tpu.memory_space<hbm>>) target(%dma_start3A_344 : memref<1x64xf32, #tpu.memory_space<vmem>>) target_semaphore(%arg17 : memref<!tpu.dma_semaphore, #tpu.memory_space<semaphore_mem>>)
      %mul3A_347 = arith.constant 16 : i32
      %mul3A_348 = arith.muli %add3A_80, %mul3A_347 : i32
      %add3A_349 = arith.constant 12 : i32
      %add3A_350 = arith.addi %mul3A_348, %add3A_349 : i32
      %slice3A_351 = vector.extract_strided_slice %get3A_84 {offsets = [12], sizes = [1], strides = [1]} : vector<16xi32> to vector<1xi32>
      %squeeze3A_352 = vector.extract %slice3A_351[0] : i32 from vector<1xi32>
      %dma_start3A_353 = arith.constant 0 : i32
      %dma_start3A_354 = tpu.memref_slice %arg15[%add3A_350, %dma_start3A_353] : memref<128x64xf32, #tpu.memory_space<vmem>> -> memref<1x64xf32, #tpu.memory_space<vmem>>
      %dma_start3A_355 = arith.constant 0 : i32
      %dma_start3A_356 = tpu.memref_slice %arg5[%squeeze3A_352, %dma_start3A_355] : memref<1000000x64xf32, #tpu.memory_space<hbm>> -> memref<1x64xf32, #tpu.memory_space<hbm>>
      %dma_start3A_357 = arith.constant 0 : i32
      %dma_start3A_358 = tpu.memref_slice %arg15[%add3A_350, %dma_start3A_357] : memref<128x64xf32, #tpu.memory_space<vmem>> -> memref<1x64xf32, #tpu.memory_space<vmem>>
      %dma_start3A_359 = arith.constant 0 : i32
      %dma_start3A_360 = tpu.memref_slice %arg5[%squeeze3A_352, %dma_start3A_359] : memref<1000000x64xf32, #tpu.memory_space<hbm>> -> memref<1x64xf32, #tpu.memory_space<hbm>>
      tpu.enqueue_dma source(%dma_start3A_360 : memref<1x64xf32, #tpu.memory_space<hbm>>) target(%dma_start3A_358 : memref<1x64xf32, #tpu.memory_space<vmem>>) target_semaphore(%arg17 : memref<!tpu.dma_semaphore, #tpu.memory_space<semaphore_mem>>)
      %dma_start3A_361 = arith.constant 0 : i32
      %dma_start3A_362 = tpu.memref_slice %arg16[%add3A_350, %dma_start3A_361] : memref<128x64xf32, #tpu.memory_space<vmem>> -> memref<1x64xf32, #tpu.memory_space<vmem>>
      %dma_start3A_363 = arith.constant 0 : i32
      %dma_start3A_364 = tpu.memref_slice %arg6[%squeeze3A_352, %dma_start3A_363] : memref<1000000x64xf32, #tpu.memory_space<hbm>> -> memref<1x64xf32, #tpu.memory_space<hbm>>
      %dma_start3A_365 = arith.constant 0 : i32
      %dma_start3A_366 = tpu.memref_slice %arg16[%add3A_350, %dma_start3A_365] : memref<128x64xf32, #tpu.memory_space<vmem>> -> memref<1x64xf32, #tpu.memory_space<vmem>>
      %dma_start3A_367 = arith.constant 0 : i32
      %dma_start3A_368 = tpu.memref_slice %arg6[%squeeze3A_352, %dma_start3A_367] : memref<1000000x64xf32, #tpu.memory_space<hbm>> -> memref<1x64xf32, #tpu.memory_space<hbm>>
      tpu.enqueue_dma source(%dma_start3A_368 : memref<1x64xf32, #tpu.memory_space<hbm>>) target(%dma_start3A_366 : memref<1x64xf32, #tpu.memory_space<vmem>>) target_semaphore(%arg17 : memref<!tpu.dma_semaphore, #tpu.memory_space<semaphore_mem>>)
      %mul3A_369 = arith.constant 16 : i32
      %mul3A_370 = arith.muli %add3A_80, %mul3A_369 : i32
      %add3A_371 = arith.constant 13 : i32
      %add3A_372 = arith.addi %mul3A_370, %add3A_371 : i32
      %slice3A_373 = vector.extract_strided_slice %get3A_84 {offsets = [13], sizes = [1], strides = [1]} : vector<16xi32> to vector<1xi32>
      %squeeze3A_374 = vector.extract %slice3A_373[0] : i32 from vector<1xi32>
      %dma_start3A_375 = arith.constant 0 : i32
      %dma_start3A_376 = tpu.memref_slice %arg15[%add3A_372, %dma_start3A_375] : memref<128x64xf32, #tpu.memory_space<vmem>> -> memref<1x64xf32, #tpu.memory_space<vmem>>
      %dma_start3A_377 = arith.constant 0 : i32
      %dma_start3A_378 = tpu.memref_slice %arg5[%squeeze3A_374, %dma_start3A_377] : memref<1000000x64xf32, #tpu.memory_space<hbm>> -> memref<1x64xf32, #tpu.memory_space<hbm>>
      %dma_start3A_379 = arith.constant 0 : i32
      %dma_start3A_380 = tpu.memref_slice %arg15[%add3A_372, %dma_start3A_379] : memref<128x64xf32, #tpu.memory_space<vmem>> -> memref<1x64xf32, #tpu.memory_space<vmem>>
      %dma_start3A_381 = arith.constant 0 : i32
      %dma_start3A_382 = tpu.memref_slice %arg5[%squeeze3A_374, %dma_start3A_381] : memref<1000000x64xf32, #tpu.memory_space<hbm>> -> memref<1x64xf32, #tpu.memory_space<hbm>>
      tpu.enqueue_dma source(%dma_start3A_382 : memref<1x64xf32, #tpu.memory_space<hbm>>) target(%dma_start3A_380 : memref<1x64xf32, #tpu.memory_space<vmem>>) target_semaphore(%arg17 : memref<!tpu.dma_semaphore, #tpu.memory_space<semaphore_mem>>)
      %dma_start3A_383 = arith.constant 0 : i32
      %dma_start3A_384 = tpu.memref_slice %arg16[%add3A_372, %dma_start3A_383] : memref<128x64xf32, #tpu.memory_space<vmem>> -> memref<1x64xf32, #tpu.memory_space<vmem>>
      %dma_start3A_385 = arith.constant 0 : i32
      %dma_start3A_386 = tpu.memref_slice %arg6[%squeeze3A_374, %dma_start3A_385] : memref<1000000x64xf32, #tpu.memory_space<hbm>> -> memref<1x64xf32, #tpu.memory_space<hbm>>
      %dma_start3A_387 = arith.constant 0 : i32
      %dma_start3A_388 = tpu.memref_slice %arg16[%add3A_372, %dma_start3A_387] : memref<128x64xf32, #tpu.memory_space<vmem>> -> memref<1x64xf32, #tpu.memory_space<vmem>>
      %dma_start3A_389 = arith.constant 0 : i32
      %dma_start3A_390 = tpu.memref_slice %arg6[%squeeze3A_374, %dma_start3A_389] : memref<1000000x64xf32, #tpu.memory_space<hbm>> -> memref<1x64xf32, #tpu.memory_space<hbm>>
      tpu.enqueue_dma source(%dma_start3A_390 : memref<1x64xf32, #tpu.memory_space<hbm>>) target(%dma_start3A_388 : memref<1x64xf32, #tpu.memory_space<vmem>>) target_semaphore(%arg17 : memref<!tpu.dma_semaphore, #tpu.memory_space<semaphore_mem>>)
      %mul3A_391 = arith.constant 16 : i32
      %mul3A_392 = arith.muli %add3A_80, %mul3A_391 : i32
      %add3A_393 = arith.constant 14 : i32
      %add3A_394 = arith.addi %mul3A_392, %add3A_393 : i32
      %slice3A_395 = vector.extract_strided_slice %get3A_84 {offsets = [14], sizes = [1], strides = [1]} : vector<16xi32> to vector<1xi32>
      %squeeze3A_396 = vector.extract %slice3A_395[0] : i32 from vector<1xi32>
      %dma_start3A_397 = arith.constant 0 : i32
      %dma_start3A_398 = tpu.memref_slice %arg15[%add3A_394, %dma_start3A_397] : memref<128x64xf32, #tpu.memory_space<vmem>> -> memref<1x64xf32, #tpu.memory_space<vmem>>
      %dma_start3A_399 = arith.constant 0 : i32
      %dma_start3A_400 = tpu.memref_slice %arg5[%squeeze3A_396, %dma_start3A_399] : memref<1000000x64xf32, #tpu.memory_space<hbm>> -> memref<1x64xf32, #tpu.memory_space<hbm>>
      %dma_start3A_401 = arith.constant 0 : i32
      %dma_start3A_402 = tpu.memref_slice %arg15[%add3A_394, %dma_start3A_401] : memref<128x64xf32, #tpu.memory_space<vmem>> -> memref<1x64xf32, #tpu.memory_space<vmem>>
      %dma_start3A_403 = arith.constant 0 : i32
      %dma_start3A_404 = tpu.memref_slice %arg5[%squeeze3A_396, %dma_start3A_403] : memref<1000000x64xf32, #tpu.memory_space<hbm>> -> memref<1x64xf32, #tpu.memory_space<hbm>>
      tpu.enqueue_dma source(%dma_start3A_404 : memref<1x64xf32, #tpu.memory_space<hbm>>) target(%dma_start3A_402 : memref<1x64xf32, #tpu.memory_space<vmem>>) target_semaphore(%arg17 : memref<!tpu.dma_semaphore, #tpu.memory_space<semaphore_mem>>)
      %dma_start3A_405 = arith.constant 0 : i32
      %dma_start3A_406 = tpu.memref_slice %arg16[%add3A_394, %dma_start3A_405] : memref<128x64xf32, #tpu.memory_space<vmem>> -> memref<1x64xf32, #tpu.memory_space<vmem>>
      %dma_start3A_407 = arith.constant 0 : i32
      %dma_start3A_408 = tpu.memref_slice %arg6[%squeeze3A_396, %dma_start3A_407] : memref<1000000x64xf32, #tpu.memory_space<hbm>> -> memref<1x64xf32, #tpu.memory_space<hbm>>
      %dma_start3A_409 = arith.constant 0 : i32
      %dma_start3A_410 = tpu.memref_slice %arg16[%add3A_394, %dma_start3A_409] : memref<128x64xf32, #tpu.memory_space<vmem>> -> memref<1x64xf32, #tpu.memory_space<vmem>>
      %dma_start3A_411 = arith.constant 0 : i32
      %dma_start3A_412 = tpu.memref_slice %arg6[%squeeze3A_396, %dma_start3A_411] : memref<1000000x64xf32, #tpu.memory_space<hbm>> -> memref<1x64xf32, #tpu.memory_space<hbm>>
      tpu.enqueue_dma source(%dma_start3A_412 : memref<1x64xf32, #tpu.memory_space<hbm>>) target(%dma_start3A_410 : memref<1x64xf32, #tpu.memory_space<vmem>>) target_semaphore(%arg17 : memref<!tpu.dma_semaphore, #tpu.memory_space<semaphore_mem>>)
      %mul3A_413 = arith.constant 16 : i32
      %mul3A_414 = arith.muli %add3A_80, %mul3A_413 : i32
      %add3A_415 = arith.constant 15 : i32
      %add3A_416 = arith.addi %mul3A_414, %add3A_415 : i32
      %slice3A_417 = vector.extract_strided_slice %get3A_84 {offsets = [15], sizes = [1], strides = [1]} : vector<16xi32> to vector<1xi32>
      %squeeze3A_418 = vector.extract %slice3A_417[0] : i32 from vector<1xi32>
      %dma_start3A_419 = arith.constant 0 : i32
      %dma_start3A_420 = tpu.memref_slice %arg15[%add3A_416, %dma_start3A_419] : memref<128x64xf32, #tpu.memory_space<vmem>> -> memref<1x64xf32, #tpu.memory_space<vmem>>
      %dma_start3A_421 = arith.constant 0 : i32
      %dma_start3A_422 = tpu.memref_slice %arg5[%squeeze3A_418, %dma_start3A_421] : memref<1000000x64xf32, #tpu.memory_space<hbm>> -> memref<1x64xf32, #tpu.memory_space<hbm>>
      %dma_start3A_423 = arith.constant 0 : i32
      %dma_start3A_424 = tpu.memref_slice %arg15[%add3A_416, %dma_start3A_423] : memref<128x64xf32, #tpu.memory_space<vmem>> -> memref<1x64xf32, #tpu.memory_space<vmem>>
      %dma_start3A_425 = arith.constant 0 : i32
      %dma_start3A_426 = tpu.memref_slice %arg5[%squeeze3A_418, %dma_start3A_425] : memref<1000000x64xf32, #tpu.memory_space<hbm>> -> memref<1x64xf32, #tpu.memory_space<hbm>>
      tpu.enqueue_dma source(%dma_start3A_426 : memref<1x64xf32, #tpu.memory_space<hbm>>) target(%dma_start3A_424 : memref<1x64xf32, #tpu.memory_space<vmem>>) target_semaphore(%arg17 : memref<!tpu.dma_semaphore, #tpu.memory_space<semaphore_mem>>)
      %dma_start3A_427 = arith.constant 0 : i32
      %dma_start3A_428 = tpu.memref_slice %arg16[%add3A_416, %dma_start3A_427] : memref<128x64xf32, #tpu.memory_space<vmem>> -> memref<1x64xf32, #tpu.memory_space<vmem>>
      %dma_start3A_429 = arith.constant 0 : i32
      %dma_start3A_430 = tpu.memref_slice %arg6[%squeeze3A_418, %dma_start3A_429] : memref<1000000x64xf32, #tpu.memory_space<hbm>> -> memref<1x64xf32, #tpu.memory_space<hbm>>
      %dma_start3A_431 = arith.constant 0 : i32
      %dma_start3A_432 = tpu.memref_slice %arg16[%add3A_416, %dma_start3A_431] : memref<128x64xf32, #tpu.memory_space<vmem>> -> memref<1x64xf32, #tpu.memory_space<vmem>>
      %dma_start3A_433 = arith.constant 0 : i32
      %dma_start3A_434 = tpu.memref_slice %arg6[%squeeze3A_418, %dma_start3A_433] : memref<1000000x64xf32, #tpu.memory_space<hbm>> -> memref<1x64xf32, #tpu.memory_space<hbm>>
      tpu.enqueue_dma source(%dma_start3A_434 : memref<1x64xf32, #tpu.memory_space<hbm>>) target(%dma_start3A_432 : memref<1x64xf32, #tpu.memory_space<vmem>>) target_semaphore(%arg17 : memref<!tpu.dma_semaphore, #tpu.memory_space<semaphore_mem>>)
      %dma_wait3A_435 = arith.constant 0 : i32
      %dma_wait3A_436 = tpu.memref_slice %arg15[%add3A_88, %dma_wait3A_435] : memref<128x64xf32, #tpu.memory_space<vmem>> -> memref<1x64xf32, #tpu.memory_space<vmem>>
      %dma_wait3A_437 = arith.constant 0 : i32
      %dma_wait3A_438 = tpu.memref_slice %arg5[%squeeze3A, %dma_wait3A_437] : memref<1000000x64xf32, #tpu.memory_space<hbm>> -> memref<1x64xf32, #tpu.memory_space<hbm>>
      %dma_wait3A_439 = arith.constant 0 : i32
      %dma_wait3A_440 = tpu.memref_slice %arg15[%add3A_88, %dma_wait3A_439] : memref<128x64xf32, #tpu.memory_space<vmem>> -> memref<1x64xf32, #tpu.memory_space<vmem>>
      %dma_wait3A_441 = arith.constant 0 : i32
      %dma_wait3A_442 = tpu.memref_slice %arg5[%squeeze3A, %dma_wait3A_441] : memref<1000000x64xf32, #tpu.memory_space<hbm>> -> memref<1x64xf32, #tpu.memory_space<hbm>>
      tpu.wait_dma2 semaphore(%arg17 : memref<!tpu.dma_semaphore, #tpu.memory_space<semaphore_mem>>) src(%dma_wait3A_442 : memref<1x64xf32, #tpu.memory_space<hbm>>) dst(%dma_wait3A_440 : memref<1x64xf32, #tpu.memory_space<vmem>>)
      %dma_wait3A_443 = arith.constant 0 : i32
      %dma_wait3A_444 = tpu.memref_slice %arg16[%add3A_88, %dma_wait3A_443] : memref<128x64xf32, #tpu.memory_space<vmem>> -> memref<1x64xf32, #tpu.memory_space<vmem>>
      %dma_wait3A_445 = arith.constant 0 : i32
      %dma_wait3A_446 = tpu.memref_slice %arg6[%squeeze3A, %dma_wait3A_445] : memref<1000000x64xf32, #tpu.memory_space<hbm>> -> memref<1x64xf32, #tpu.memory_space<hbm>>
      %dma_wait3A_447 = arith.constant 0 : i32
      %dma_wait3A_448 = tpu.memref_slice %arg16[%add3A_88, %dma_wait3A_447] : memref<128x64xf32, #tpu.memory_space<vmem>> -> memref<1x64xf32, #tpu.memory_space<vmem>>
      %dma_wait3A_449 = arith.constant 0 : i32
      %dma_wait3A_450 = tpu.memref_slice %arg6[%squeeze3A, %dma_wait3A_449] : memref<1000000x64xf32, #tpu.memory_space<hbm>> -> memref<1x64xf32, #tpu.memory_space<hbm>>
      tpu.wait_dma2 semaphore(%arg17 : memref<!tpu.dma_semaphore, #tpu.memory_space<semaphore_mem>>) src(%dma_wait3A_450 : memref<1x64xf32, #tpu.memory_space<hbm>>) dst(%dma_wait3A_448 : memref<1x64xf32, #tpu.memory_space<vmem>>)
      %dma_wait3A_451 = arith.constant 0 : i32
      %dma_wait3A_452 = tpu.memref_slice %arg15[%add3A_108, %dma_wait3A_451] : memref<128x64xf32, #tpu.memory_space<vmem>> -> memref<1x64xf32, #tpu.memory_space<vmem>>
      %dma_wait3A_453 = arith.constant 0 : i32
      %dma_wait3A_454 = tpu.memref_slice %arg5[%squeeze3A_110, %dma_wait3A_453] : memref<1000000x64xf32, #tpu.memory_space<hbm>> -> memref<1x64xf32, #tpu.memory_space<hbm>>
      %dma_wait3A_455 = arith.constant 0 : i32
      %dma_wait3A_456 = tpu.memref_slice %arg15[%add3A_108, %dma_wait3A_455] : memref<128x64xf32, #tpu.memory_space<vmem>> -> memref<1x64xf32, #tpu.memory_space<vmem>>
      %dma_wait3A_457 = arith.constant 0 : i32
      %dma_wait3A_458 = tpu.memref_slice %arg5[%squeeze3A_110, %dma_wait3A_457] : memref<1000000x64xf32, #tpu.memory_space<hbm>> -> memref<1x64xf32, #tpu.memory_space<hbm>>
      tpu.wait_dma2 semaphore(%arg17 : memref<!tpu.dma_semaphore, #tpu.memory_space<semaphore_mem>>) src(%dma_wait3A_458 : memref<1x64xf32, #tpu.memory_space<hbm>>) dst(%dma_wait3A_456 : memref<1x64xf32, #tpu.memory_space<vmem>>)
      %dma_wait3A_459 = arith.constant 0 : i32
      %dma_wait3A_460 = tpu.memref_slice %arg16[%add3A_108, %dma_wait3A_459] : memref<128x64xf32, #tpu.memory_space<vmem>> -> memref<1x64xf32, #tpu.memory_space<vmem>>
      %dma_wait3A_461 = arith.constant 0 : i32
      %dma_wait3A_462 = tpu.memref_slice %arg6[%squeeze3A_110, %dma_wait3A_461] : memref<1000000x64xf32, #tpu.memory_space<hbm>> -> memref<1x64xf32, #tpu.memory_space<hbm>>
      %dma_wait3A_463 = arith.constant 0 : i32
      %dma_wait3A_464 = tpu.memref_slice %arg16[%add3A_108, %dma_wait3A_463] : memref<128x64xf32, #tpu.memory_space<vmem>> -> memref<1x64xf32, #tpu.memory_space<vmem>>
      %dma_wait3A_465 = arith.constant 0 : i32
      %dma_wait3A_466 = tpu.memref_slice %arg6[%squeeze3A_110, %dma_wait3A_465] : memref<1000000x64xf32, #tpu.memory_space<hbm>> -> memref<1x64xf32, #tpu.memory_space<hbm>>
      tpu.wait_dma2 semaphore(%arg17 : memref<!tpu.dma_semaphore, #tpu.memory_space<semaphore_mem>>) src(%dma_wait3A_466 : memref<1x64xf32, #tpu.memory_space<hbm>>) dst(%dma_wait3A_464 : memref<1x64xf32, #tpu.memory_space<vmem>>)
      %dma_wait3A_467 = arith.constant 0 : i32
      %dma_wait3A_468 = tpu.memref_slice %arg15[%add3A_130, %dma_wait3A_467] : memref<128x64xf32, #tpu.memory_space<vmem>> -> memref<1x64xf32, #tpu.memory_space<vmem>>
      %dma_wait3A_469 = arith.constant 0 : i32
      %dma_wait3A_470 = tpu.memref_slice %arg5[%squeeze3A_132, %dma_wait3A_469] : memref<1000000x64xf32, #tpu.memory_space<hbm>> -> memref<1x64xf32, #tpu.memory_space<hbm>>
      %dma_wait3A_471 = arith.constant 0 : i32
      %dma_wait3A_472 = tpu.memref_slice %arg15[%add3A_130, %dma_wait3A_471] : memref<128x64xf32, #tpu.memory_space<vmem>> -> memref<1x64xf32, #tpu.memory_space<vmem>>
      %dma_wait3A_473 = arith.constant 0 : i32
      %dma_wait3A_474 = tpu.memref_slice %arg5[%squeeze3A_132, %dma_wait3A_473] : memref<1000000x64xf32, #tpu.memory_space<hbm>> -> memref<1x64xf32, #tpu.memory_space<hbm>>
      tpu.wait_dma2 semaphore(%arg17 : memref<!tpu.dma_semaphore, #tpu.memory_space<semaphore_mem>>) src(%dma_wait3A_474 : memref<1x64xf32, #tpu.memory_space<hbm>>) dst(%dma_wait3A_472 : memref<1x64xf32, #tpu.memory_space<vmem>>)
      %dma_wait3A_475 = arith.constant 0 : i32
      %dma_wait3A_476 = tpu.memref_slice %arg16[%add3A_130, %dma_wait3A_475] : memref<128x64xf32, #tpu.memory_space<vmem>> -> memref<1x64xf32, #tpu.memory_space<vmem>>
      %dma_wait3A_477 = arith.constant 0 : i32
      %dma_wait3A_478 = tpu.memref_slice %arg6[%squeeze3A_132, %dma_wait3A_477] : memref<1000000x64xf32, #tpu.memory_space<hbm>> -> memref<1x64xf32, #tpu.memory_space<hbm>>
      %dma_wait3A_479 = arith.constant 0 : i32
      %dma_wait3A_480 = tpu.memref_slice %arg16[%add3A_130, %dma_wait3A_479] : memref<128x64xf32, #tpu.memory_space<vmem>> -> memref<1x64xf32, #tpu.memory_space<vmem>>
      %dma_wait3A_481 = arith.constant 0 : i32
      %dma_wait3A_482 = tpu.memref_slice %arg6[%squeeze3A_132, %dma_wait3A_481] : memref<1000000x64xf32, #tpu.memory_space<hbm>> -> memref<1x64xf32, #tpu.memory_space<hbm>>
      tpu.wait_dma2 semaphore(%arg17 : memref<!tpu.dma_semaphore, #tpu.memory_space<semaphore_mem>>) src(%dma_wait3A_482 : memref<1x64xf32, #tpu.memory_space<hbm>>) dst(%dma_wait3A_480 : memref<1x64xf32, #tpu.memory_space<vmem>>)
      %dma_wait3A_483 = arith.constant 0 : i32
      %dma_wait3A_484 = tpu.memref_slice %arg15[%add3A_152, %dma_wait3A_483] : memref<128x64xf32, #tpu.memory_space<vmem>> -> memref<1x64xf32, #tpu.memory_space<vmem>>
      %dma_wait3A_485 = arith.constant 0 : i32
      %dma_wait3A_486 = tpu.memref_slice %arg5[%squeeze3A_154, %dma_wait3A_485] : memref<1000000x64xf32, #tpu.memory_space<hbm>> -> memref<1x64xf32, #tpu.memory_space<hbm>>
      %dma_wait3A_487 = arith.constant 0 : i32
      %dma_wait3A_488 = tpu.memref_slice %arg15[%add3A_152, %dma_wait3A_487] : memref<128x64xf32, #tpu.memory_space<vmem>> -> memref<1x64xf32, #tpu.memory_space<vmem>>
      %dma_wait3A_489 = arith.constant 0 : i32
      %dma_wait3A_490 = tpu.memref_slice %arg5[%squeeze3A_154, %dma_wait3A_489] : memref<1000000x64xf32, #tpu.memory_space<hbm>> -> memref<1x64xf32, #tpu.memory_space<hbm>>
      tpu.wait_dma2 semaphore(%arg17 : memref<!tpu.dma_semaphore, #tpu.memory_space<semaphore_mem>>) src(%dma_wait3A_490 : memref<1x64xf32, #tpu.memory_space<hbm>>) dst(%dma_wait3A_488 : memref<1x64xf32, #tpu.memory_space<vmem>>)
      %dma_wait3A_491 = arith.constant 0 : i32
      %dma_wait3A_492 = tpu.memref_slice %arg16[%add3A_152, %dma_wait3A_491] : memref<128x64xf32, #tpu.memory_space<vmem>> -> memref<1x64xf32, #tpu.memory_space<vmem>>
      %dma_wait3A_493 = arith.constant 0 : i32
      %dma_wait3A_494 = tpu.memref_slice %arg6[%squeeze3A_154, %dma_wait3A_493] : memref<1000000x64xf32, #tpu.memory_space<hbm>> -> memref<1x64xf32, #tpu.memory_space<hbm>>
      %dma_wait3A_495 = arith.constant 0 : i32
      %dma_wait3A_496 = tpu.memref_slice %arg16[%add3A_152, %dma_wait3A_495] : memref<128x64xf32, #tpu.memory_space<vmem>> -> memref<1x64xf32, #tpu.memory_space<vmem>>
      %dma_wait3A_497 = arith.constant 0 : i32
      %dma_wait3A_498 = tpu.memref_slice %arg6[%squeeze3A_154, %dma_wait3A_497] : memref<1000000x64xf32, #tpu.memory_space<hbm>> -> memref<1x64xf32, #tpu.memory_space<hbm>>
      tpu.wait_dma2 semaphore(%arg17 : memref<!tpu.dma_semaphore, #tpu.memory_space<semaphore_mem>>) src(%dma_wait3A_498 : memref<1x64xf32, #tpu.memory_space<hbm>>) dst(%dma_wait3A_496 : memref<1x64xf32, #tpu.memory_space<vmem>>)
      %dma_wait3A_499 = arith.constant 0 : i32
      %dma_wait3A_500 = tpu.memref_slice %arg15[%add3A_174, %dma_wait3A_499] : memref<128x64xf32, #tpu.memory_space<vmem>> -> memref<1x64xf32, #tpu.memory_space<vmem>>
      %dma_wait3A_501 = arith.constant 0 : i32
      %dma_wait3A_502 = tpu.memref_slice %arg5[%squeeze3A_176, %dma_wait3A_501] : memref<1000000x64xf32, #tpu.memory_space<hbm>> -> memref<1x64xf32, #tpu.memory_space<hbm>>
      %dma_wait3A_503 = arith.constant 0 : i32
      %dma_wait3A_504 = tpu.memref_slice %arg15[%add3A_174, %dma_wait3A_503] : memref<128x64xf32, #tpu.memory_space<vmem>> -> memref<1x64xf32, #tpu.memory_space<vmem>>
      %dma_wait3A_505 = arith.constant 0 : i32
      %dma_wait3A_506 = tpu.memref_slice %arg5[%squeeze3A_176, %dma_wait3A_505] : memref<1000000x64xf32, #tpu.memory_space<hbm>> -> memref<1x64xf32, #tpu.memory_space<hbm>>
      tpu.wait_dma2 semaphore(%arg17 : memref<!tpu.dma_semaphore, #tpu.memory_space<semaphore_mem>>) src(%dma_wait3A_506 : memref<1x64xf32, #tpu.memory_space<hbm>>) dst(%dma_wait3A_504 : memref<1x64xf32, #tpu.memory_space<vmem>>)
      %dma_wait3A_507 = arith.constant 0 : i32
      %dma_wait3A_508 = tpu.memref_slice %arg16[%add3A_174, %dma_wait3A_507] : memref<128x64xf32, #tpu.memory_space<vmem>> -> memref<1x64xf32, #tpu.memory_space<vmem>>
      %dma_wait3A_509 = arith.constant 0 : i32
      %dma_wait3A_510 = tpu.memref_slice %arg6[%squeeze3A_176, %dma_wait3A_509] : memref<1000000x64xf32, #tpu.memory_space<hbm>> -> memref<1x64xf32, #tpu.memory_space<hbm>>
      %dma_wait3A_511 = arith.constant 0 : i32
      %dma_wait3A_512 = tpu.memref_slice %arg16[%add3A_174, %dma_wait3A_511] : memref<128x64xf32, #tpu.memory_space<vmem>> -> memref<1x64xf32, #tpu.memory_space<vmem>>
      %dma_wait3A_513 = arith.constant 0 : i32
      %dma_wait3A_514 = tpu.memref_slice %arg6[%squeeze3A_176, %dma_wait3A_513] : memref<1000000x64xf32, #tpu.memory_space<hbm>> -> memref<1x64xf32, #tpu.memory_space<hbm>>
      tpu.wait_dma2 semaphore(%arg17 : memref<!tpu.dma_semaphore, #tpu.memory_space<semaphore_mem>>) src(%dma_wait3A_514 : memref<1x64xf32, #tpu.memory_space<hbm>>) dst(%dma_wait3A_512 : memref<1x64xf32, #tpu.memory_space<vmem>>)
      %dma_wait3A_515 = arith.constant 0 : i32
      %dma_wait3A_516 = tpu.memref_slice %arg15[%add3A_196, %dma_wait3A_515] : memref<128x64xf32, #tpu.memory_space<vmem>> -> memref<1x64xf32, #tpu.memory_space<vmem>>
      %dma_wait3A_517 = arith.constant 0 : i32
      %dma_wait3A_518 = tpu.memref_slice %arg5[%squeeze3A_198, %dma_wait3A_517] : memref<1000000x64xf32, #tpu.memory_space<hbm>> -> memref<1x64xf32, #tpu.memory_space<hbm>>
      %dma_wait3A_519 = arith.constant 0 : i32
      %dma_wait3A_520 = tpu.memref_slice %arg15[%add3A_196, %dma_wait3A_519] : memref<128x64xf32, #tpu.memory_space<vmem>> -> memref<1x64xf32, #tpu.memory_space<vmem>>
      %dma_wait3A_521 = arith.constant 0 : i32
      %dma_wait3A_522 = tpu.memref_slice %arg5[%squeeze3A_198, %dma_wait3A_521] : memref<1000000x64xf32, #tpu.memory_space<hbm>> -> memref<1x64xf32, #tpu.memory_space<hbm>>
      tpu.wait_dma2 semaphore(%arg17 : memref<!tpu.dma_semaphore, #tpu.memory_space<semaphore_mem>>) src(%dma_wait3A_522 : memref<1x64xf32, #tpu.memory_space<hbm>>) dst(%dma_wait3A_520 : memref<1x64xf32, #tpu.memory_space<vmem>>)
      %dma_wait3A_523 = arith.constant 0 : i32
      %dma_wait3A_524 = tpu.memref_slice %arg16[%add3A_196, %dma_wait3A_523] : memref<128x64xf32, #tpu.memory_space<vmem>> -> memref<1x64xf32, #tpu.memory_space<vmem>>
      %dma_wait3A_525 = arith.constant 0 : i32
      %dma_wait3A_526 = tpu.memref_slice %arg6[%squeeze3A_198, %dma_wait3A_525] : memref<1000000x64xf32, #tpu.memory_space<hbm>> -> memref<1x64xf32, #tpu.memory_space<hbm>>
      %dma_wait3A_527 = arith.constant 0 : i32
      %dma_wait3A_528 = tpu.memref_slice %arg16[%add3A_196, %dma_wait3A_527] : memref<128x64xf32, #tpu.memory_space<vmem>> -> memref<1x64xf32, #tpu.memory_space<vmem>>
      %dma_wait3A_529 = arith.constant 0 : i32
      %dma_wait3A_530 = tpu.memref_slice %arg6[%squeeze3A_198, %dma_wait3A_529] : memref<1000000x64xf32, #tpu.memory_space<hbm>> -> memref<1x64xf32, #tpu.memory_space<hbm>>
      tpu.wait_dma2 semaphore(%arg17 : memref<!tpu.dma_semaphore, #tpu.memory_space<semaphore_mem>>) src(%dma_wait3A_530 : memref<1x64xf32, #tpu.memory_space<hbm>>) dst(%dma_wait3A_528 : memref<1x64xf32, #tpu.memory_space<vmem>>)
      %dma_wait3A_531 = arith.constant 0 : i32
      %dma_wait3A_532 = tpu.memref_slice %arg15[%add3A_218, %dma_wait3A_531] : memref<128x64xf32, #tpu.memory_space<vmem>> -> memref<1x64xf32, #tpu.memory_space<vmem>>
      %dma_wait3A_533 = arith.constant 0 : i32
      %dma_wait3A_534 = tpu.memref_slice %arg5[%squeeze3A_220, %dma_wait3A_533] : memref<1000000x64xf32, #tpu.memory_space<hbm>> -> memref<1x64xf32, #tpu.memory_space<hbm>>
      %dma_wait3A_535 = arith.constant 0 : i32
      %dma_wait3A_536 = tpu.memref_slice %arg15[%add3A_218, %dma_wait3A_535] : memref<128x64xf32, #tpu.memory_space<vmem>> -> memref<1x64xf32, #tpu.memory_space<vmem>>
      %dma_wait3A_537 = arith.constant 0 : i32
      %dma_wait3A_538 = tpu.memref_slice %arg5[%squeeze3A_220, %dma_wait3A_537] : memref<1000000x64xf32, #tpu.memory_space<hbm>> -> memref<1x64xf32, #tpu.memory_space<hbm>>
      tpu.wait_dma2 semaphore(%arg17 : memref<!tpu.dma_semaphore, #tpu.memory_space<semaphore_mem>>) src(%dma_wait3A_538 : memref<1x64xf32, #tpu.memory_space<hbm>>) dst(%dma_wait3A_536 : memref<1x64xf32, #tpu.memory_space<vmem>>)
      %dma_wait3A_539 = arith.constant 0 : i32
      %dma_wait3A_540 = tpu.memref_slice %arg16[%add3A_218, %dma_wait3A_539] : memref<128x64xf32, #tpu.memory_space<vmem>> -> memref<1x64xf32, #tpu.memory_space<vmem>>
      %dma_wait3A_541 = arith.constant 0 : i32
      %dma_wait3A_542 = tpu.memref_slice %arg6[%squeeze3A_220, %dma_wait3A_541] : memref<1000000x64xf32, #tpu.memory_space<hbm>> -> memref<1x64xf32, #tpu.memory_space<hbm>>
      %dma_wait3A_543 = arith.constant 0 : i32
      %dma_wait3A_544 = tpu.memref_slice %arg16[%add3A_218, %dma_wait3A_543] : memref<128x64xf32, #tpu.memory_space<vmem>> -> memref<1x64xf32, #tpu.memory_space<vmem>>
      %dma_wait3A_545 = arith.constant 0 : i32
      %dma_wait3A_546 = tpu.memref_slice %arg6[%squeeze3A_220, %dma_wait3A_545] : memref<1000000x64xf32, #tpu.memory_space<hbm>> -> memref<1x64xf32, #tpu.memory_space<hbm>>
      tpu.wait_dma2 semaphore(%arg17 : memref<!tpu.dma_semaphore, #tpu.memory_space<semaphore_mem>>) src(%dma_wait3A_546 : memref<1x64xf32, #tpu.memory_space<hbm>>) dst(%dma_wait3A_544 : memref<1x64xf32, #tpu.memory_space<vmem>>)
      %dma_wait3A_547 = arith.constant 0 : i32
      %dma_wait3A_548 = tpu.memref_slice %arg15[%add3A_240, %dma_wait3A_547] : memref<128x64xf32, #tpu.memory_space<vmem>> -> memref<1x64xf32, #tpu.memory_space<vmem>>
      %dma_wait3A_549 = arith.constant 0 : i32
      %dma_wait3A_550 = tpu.memref_slice %arg5[%squeeze3A_242, %dma_wait3A_549] : memref<1000000x64xf32, #tpu.memory_space<hbm>> -> memref<1x64xf32, #tpu.memory_space<hbm>>
      %dma_wait3A_551 = arith.constant 0 : i32
      %dma_wait3A_552 = tpu.memref_slice %arg15[%add3A_240, %dma_wait3A_551] : memref<128x64xf32, #tpu.memory_space<vmem>> -> memref<1x64xf32, #tpu.memory_space<vmem>>
      %dma_wait3A_553 = arith.constant 0 : i32
      %dma_wait3A_554 = tpu.memref_slice %arg5[%squeeze3A_242, %dma_wait3A_553] : memref<1000000x64xf32, #tpu.memory_space<hbm>> -> memref<1x64xf32, #tpu.memory_space<hbm>>
      tpu.wait_dma2 semaphore(%arg17 : memref<!tpu.dma_semaphore, #tpu.memory_space<semaphore_mem>>) src(%dma_wait3A_554 : memref<1x64xf32, #tpu.memory_space<hbm>>) dst(%dma_wait3A_552 : memref<1x64xf32, #tpu.memory_space<vmem>>)
      %dma_wait3A_555 = arith.constant 0 : i32
      %dma_wait3A_556 = tpu.memref_slice %arg16[%add3A_240, %dma_wait3A_555] : memref<128x64xf32, #tpu.memory_space<vmem>> -> memref<1x64xf32, #tpu.memory_space<vmem>>
      %dma_wait3A_557 = arith.constant 0 : i32
      %dma_wait3A_558 = tpu.memref_slice %arg6[%squeeze3A_242, %dma_wait3A_557] : memref<1000000x64xf32, #tpu.memory_space<hbm>> -> memref<1x64xf32, #tpu.memory_space<hbm>>
      %dma_wait3A_559 = arith.constant 0 : i32
      %dma_wait3A_560 = tpu.memref_slice %arg16[%add3A_240, %dma_wait3A_559] : memref<128x64xf32, #tpu.memory_space<vmem>> -> memref<1x64xf32, #tpu.memory_space<vmem>>
      %dma_wait3A_561 = arith.constant 0 : i32
      %dma_wait3A_562 = tpu.memref_slice %arg6[%squeeze3A_242, %dma_wait3A_561] : memref<1000000x64xf32, #tpu.memory_space<hbm>> -> memref<1x64xf32, #tpu.memory_space<hbm>>
      tpu.wait_dma2 semaphore(%arg17 : memref<!tpu.dma_semaphore, #tpu.memory_space<semaphore_mem>>) src(%dma_wait3A_562 : memref<1x64xf32, #tpu.memory_space<hbm>>) dst(%dma_wait3A_560 : memref<1x64xf32, #tpu.memory_space<vmem>>)
      %dma_wait3A_563 = arith.constant 0 : i32
      %dma_wait3A_564 = tpu.memref_slice %arg15[%add3A_262, %dma_wait3A_563] : memref<128x64xf32, #tpu.memory_space<vmem>> -> memref<1x64xf32, #tpu.memory_space<vmem>>
      %dma_wait3A_565 = arith.constant 0 : i32
      %dma_wait3A_566 = tpu.memref_slice %arg5[%squeeze3A_264, %dma_wait3A_565] : memref<1000000x64xf32, #tpu.memory_space<hbm>> -> memref<1x64xf32, #tpu.memory_space<hbm>>
      %dma_wait3A_567 = arith.constant 0 : i32
      %dma_wait3A_568 = tpu.memref_slice %arg15[%add3A_262, %dma_wait3A_567] : memref<128x64xf32, #tpu.memory_space<vmem>> -> memref<1x64xf32, #tpu.memory_space<vmem>>
      %dma_wait3A_569 = arith.constant 0 : i32
      %dma_wait3A_570 = tpu.memref_slice %arg5[%squeeze3A_264, %dma_wait3A_569] : memref<1000000x64xf32, #tpu.memory_space<hbm>> -> memref<1x64xf32, #tpu.memory_space<hbm>>
      tpu.wait_dma2 semaphore(%arg17 : memref<!tpu.dma_semaphore, #tpu.memory_space<semaphore_mem>>) src(%dma_wait3A_570 : memref<1x64xf32, #tpu.memory_space<hbm>>) dst(%dma_wait3A_568 : memref<1x64xf32, #tpu.memory_space<vmem>>)
      %dma_wait3A_571 = arith.constant 0 : i32
      %dma_wait3A_572 = tpu.memref_slice %arg16[%add3A_262, %dma_wait3A_571] : memref<128x64xf32, #tpu.memory_space<vmem>> -> memref<1x64xf32, #tpu.memory_space<vmem>>
      %dma_wait3A_573 = arith.constant 0 : i32
      %dma_wait3A_574 = tpu.memref_slice %arg6[%squeeze3A_264, %dma_wait3A_573] : memref<1000000x64xf32, #tpu.memory_space<hbm>> -> memref<1x64xf32, #tpu.memory_space<hbm>>
      %dma_wait3A_575 = arith.constant 0 : i32
      %dma_wait3A_576 = tpu.memref_slice %arg16[%add3A_262, %dma_wait3A_575] : memref<128x64xf32, #tpu.memory_space<vmem>> -> memref<1x64xf32, #tpu.memory_space<vmem>>
      %dma_wait3A_577 = arith.constant 0 : i32
      %dma_wait3A_578 = tpu.memref_slice %arg6[%squeeze3A_264, %dma_wait3A_577] : memref<1000000x64xf32, #tpu.memory_space<hbm>> -> memref<1x64xf32, #tpu.memory_space<hbm>>
      tpu.wait_dma2 semaphore(%arg17 : memref<!tpu.dma_semaphore, #tpu.memory_space<semaphore_mem>>) src(%dma_wait3A_578 : memref<1x64xf32, #tpu.memory_space<hbm>>) dst(%dma_wait3A_576 : memref<1x64xf32, #tpu.memory_space<vmem>>)
      %dma_wait3A_579 = arith.constant 0 : i32
      %dma_wait3A_580 = tpu.memref_slice %arg15[%add3A_284, %dma_wait3A_579] : memref<128x64xf32, #tpu.memory_space<vmem>> -> memref<1x64xf32, #tpu.memory_space<vmem>>
      %dma_wait3A_581 = arith.constant 0 : i32
      %dma_wait3A_582 = tpu.memref_slice %arg5[%squeeze3A_286, %dma_wait3A_581] : memref<1000000x64xf32, #tpu.memory_space<hbm>> -> memref<1x64xf32, #tpu.memory_space<hbm>>
      %dma_wait3A_583 = arith.constant 0 : i32
      %dma_wait3A_584 = tpu.memref_slice %arg15[%add3A_284, %dma_wait3A_583] : memref<128x64xf32, #tpu.memory_space<vmem>> -> memref<1x64xf32, #tpu.memory_space<vmem>>
      %dma_wait3A_585 = arith.constant 0 : i32
      %dma_wait3A_586 = tpu.memref_slice %arg5[%squeeze3A_286, %dma_wait3A_585] : memref<1000000x64xf32, #tpu.memory_space<hbm>> -> memref<1x64xf32, #tpu.memory_space<hbm>>
      tpu.wait_dma2 semaphore(%arg17 : memref<!tpu.dma_semaphore, #tpu.memory_space<semaphore_mem>>) src(%dma_wait3A_586 : memref<1x64xf32, #tpu.memory_space<hbm>>) dst(%dma_wait3A_584 : memref<1x64xf32, #tpu.memory_space<vmem>>)
      %dma_wait3A_587 = arith.constant 0 : i32
      %dma_wait3A_588 = tpu.memref_slice %arg16[%add3A_284, %dma_wait3A_587] : memref<128x64xf32, #tpu.memory_space<vmem>> -> memref<1x64xf32, #tpu.memory_space<vmem>>
      %dma_wait3A_589 = arith.constant 0 : i32
      %dma_wait3A_590 = tpu.memref_slice %arg6[%squeeze3A_286, %dma_wait3A_589] : memref<1000000x64xf32, #tpu.memory_space<hbm>> -> memref<1x64xf32, #tpu.memory_space<hbm>>
      %dma_wait3A_591 = arith.constant 0 : i32
      %dma_wait3A_592 = tpu.memref_slice %arg16[%add3A_284, %dma_wait3A_591] : memref<128x64xf32, #tpu.memory_space<vmem>> -> memref<1x64xf32, #tpu.memory_space<vmem>>
      %dma_wait3A_593 = arith.constant 0 : i32
      %dma_wait3A_594 = tpu.memref_slice %arg6[%squeeze3A_286, %dma_wait3A_593] : memref<1000000x64xf32, #tpu.memory_space<hbm>> -> memref<1x64xf32, #tpu.memory_space<hbm>>
      tpu.wait_dma2 semaphore(%arg17 : memref<!tpu.dma_semaphore, #tpu.memory_space<semaphore_mem>>) src(%dma_wait3A_594 : memref<1x64xf32, #tpu.memory_space<hbm>>) dst(%dma_wait3A_592 : memref<1x64xf32, #tpu.memory_space<vmem>>)
      %dma_wait3A_595 = arith.constant 0 : i32
      %dma_wait3A_596 = tpu.memref_slice %arg15[%add3A_306, %dma_wait3A_595] : memref<128x64xf32, #tpu.memory_space<vmem>> -> memref<1x64xf32, #tpu.memory_space<vmem>>
      %dma_wait3A_597 = arith.constant 0 : i32
      %dma_wait3A_598 = tpu.memref_slice %arg5[%squeeze3A_308, %dma_wait3A_597] : memref<1000000x64xf32, #tpu.memory_space<hbm>> -> memref<1x64xf32, #tpu.memory_space<hbm>>
      %dma_wait3A_599 = arith.constant 0 : i32
      %dma_wait3A_600 = tpu.memref_slice %arg15[%add3A_306, %dma_wait3A_599] : memref<128x64xf32, #tpu.memory_space<vmem>> -> memref<1x64xf32, #tpu.memory_space<vmem>>
      %dma_wait3A_601 = arith.constant 0 : i32
      %dma_wait3A_602 = tpu.memref_slice %arg5[%squeeze3A_308, %dma_wait3A_601] : memref<1000000x64xf32, #tpu.memory_space<hbm>> -> memref<1x64xf32, #tpu.memory_space<hbm>>
      tpu.wait_dma2 semaphore(%arg17 : memref<!tpu.dma_semaphore, #tpu.memory_space<semaphore_mem>>) src(%dma_wait3A_602 : memref<1x64xf32, #tpu.memory_space<hbm>>) dst(%dma_wait3A_600 : memref<1x64xf32, #tpu.memory_space<vmem>>)
      %dma_wait3A_603 = arith.constant 0 : i32
      %dma_wait3A_604 = tpu.memref_slice %arg16[%add3A_306, %dma_wait3A_603] : memref<128x64xf32, #tpu.memory_space<vmem>> -> memref<1x64xf32, #tpu.memory_space<vmem>>
      %dma_wait3A_605 = arith.constant 0 : i32
      %dma_wait3A_606 = tpu.memref_slice %arg6[%squeeze3A_308, %dma_wait3A_605] : memref<1000000x64xf32, #tpu.memory_space<hbm>> -> memref<1x64xf32, #tpu.memory_space<hbm>>
      %dma_wait3A_607 = arith.constant 0 : i32
      %dma_wait3A_608 = tpu.memref_slice %arg16[%add3A_306, %dma_wait3A_607] : memref<128x64xf32, #tpu.memory_space<vmem>> -> memref<1x64xf32, #tpu.memory_space<vmem>>
      %dma_wait3A_609 = arith.constant 0 : i32
      %dma_wait3A_610 = tpu.memref_slice %arg6[%squeeze3A_308, %dma_wait3A_609] : memref<1000000x64xf32, #tpu.memory_space<hbm>> -> memref<1x64xf32, #tpu.memory_space<hbm>>
      tpu.wait_dma2 semaphore(%arg17 : memref<!tpu.dma_semaphore, #tpu.memory_space<semaphore_mem>>) src(%dma_wait3A_610 : memref<1x64xf32, #tpu.memory_space<hbm>>) dst(%dma_wait3A_608 : memref<1x64xf32, #tpu.memory_space<vmem>>)
      %dma_wait3A_611 = arith.constant 0 : i32
      %dma_wait3A_612 = tpu.memref_slice %arg15[%add3A_328, %dma_wait3A_611] : memref<128x64xf32, #tpu.memory_space<vmem>> -> memref<1x64xf32, #tpu.memory_space<vmem>>
      %dma_wait3A_613 = arith.constant 0 : i32
      %dma_wait3A_614 = tpu.memref_slice %arg5[%squeeze3A_330, %dma_wait3A_613] : memref<1000000x64xf32, #tpu.memory_space<hbm>> -> memref<1x64xf32, #tpu.memory_space<hbm>>
      %dma_wait3A_615 = arith.constant 0 : i32
      %dma_wait3A_616 = tpu.memref_slice %arg15[%add3A_328, %dma_wait3A_615] : memref<128x64xf32, #tpu.memory_space<vmem>> -> memref<1x64xf32, #tpu.memory_space<vmem>>
      %dma_wait3A_617 = arith.constant 0 : i32
      %dma_wait3A_618 = tpu.memref_slice %arg5[%squeeze3A_330, %dma_wait3A_617] : memref<1000000x64xf32, #tpu.memory_space<hbm>> -> memref<1x64xf32, #tpu.memory_space<hbm>>
      tpu.wait_dma2 semaphore(%arg17 : memref<!tpu.dma_semaphore, #tpu.memory_space<semaphore_mem>>) src(%dma_wait3A_618 : memref<1x64xf32, #tpu.memory_space<hbm>>) dst(%dma_wait3A_616 : memref<1x64xf32, #tpu.memory_space<vmem>>)
      %dma_wait3A_619 = arith.constant 0 : i32
      %dma_wait3A_620 = tpu.memref_slice %arg16[%add3A_328, %dma_wait3A_619] : memref<128x64xf32, #tpu.memory_space<vmem>> -> memref<1x64xf32, #tpu.memory_space<vmem>>
      %dma_wait3A_621 = arith.constant 0 : i32
      %dma_wait3A_622 = tpu.memref_slice %arg6[%squeeze3A_330, %dma_wait3A_621] : memref<1000000x64xf32, #tpu.memory_space<hbm>> -> memref<1x64xf32, #tpu.memory_space<hbm>>
      %dma_wait3A_623 = arith.constant 0 : i32
      %dma_wait3A_624 = tpu.memref_slice %arg16[%add3A_328, %dma_wait3A_623] : memref<128x64xf32, #tpu.memory_space<vmem>> -> memref<1x64xf32, #tpu.memory_space<vmem>>
      %dma_wait3A_625 = arith.constant 0 : i32
      %dma_wait3A_626 = tpu.memref_slice %arg6[%squeeze3A_330, %dma_wait3A_625] : memref<1000000x64xf32, #tpu.memory_space<hbm>> -> memref<1x64xf32, #tpu.memory_space<hbm>>
      tpu.wait_dma2 semaphore(%arg17 : memref<!tpu.dma_semaphore, #tpu.memory_space<semaphore_mem>>) src(%dma_wait3A_626 : memref<1x64xf32, #tpu.memory_space<hbm>>) dst(%dma_wait3A_624 : memref<1x64xf32, #tpu.memory_space<vmem>>)
      %dma_wait3A_627 = arith.constant 0 : i32
      %dma_wait3A_628 = tpu.memref_slice %arg15[%add3A_350, %dma_wait3A_627] : memref<128x64xf32, #tpu.memory_space<vmem>> -> memref<1x64xf32, #tpu.memory_space<vmem>>
      %dma_wait3A_629 = arith.constant 0 : i32
      %dma_wait3A_630 = tpu.memref_slice %arg5[%squeeze3A_352, %dma_wait3A_629] : memref<1000000x64xf32, #tpu.memory_space<hbm>> -> memref<1x64xf32, #tpu.memory_space<hbm>>
      %dma_wait3A_631 = arith.constant 0 : i32
      %dma_wait3A_632 = tpu.memref_slice %arg15[%add3A_350, %dma_wait3A_631] : memref<128x64xf32, #tpu.memory_space<vmem>> -> memref<1x64xf32, #tpu.memory_space<vmem>>
      %dma_wait3A_633 = arith.constant 0 : i32
      %dma_wait3A_634 = tpu.memref_slice %arg5[%squeeze3A_352, %dma_wait3A_633] : memref<1000000x64xf32, #tpu.memory_space<hbm>> -> memref<1x64xf32, #tpu.memory_space<hbm>>
      tpu.wait_dma2 semaphore(%arg17 : memref<!tpu.dma_semaphore, #tpu.memory_space<semaphore_mem>>) src(%dma_wait3A_634 : memref<1x64xf32, #tpu.memory_space<hbm>>) dst(%dma_wait3A_632 : memref<1x64xf32, #tpu.memory_space<vmem>>)
      %dma_wait3A_635 = arith.constant 0 : i32
      %dma_wait3A_636 = tpu.memref_slice %arg16[%add3A_350, %dma_wait3A_635] : memref<128x64xf32, #tpu.memory_space<vmem>> -> memref<1x64xf32, #tpu.memory_space<vmem>>
      %dma_wait3A_637 = arith.constant 0 : i32
      %dma_wait3A_638 = tpu.memref_slice %arg6[%squeeze3A_352, %dma_wait3A_637] : memref<1000000x64xf32, #tpu.memory_space<hbm>> -> memref<1x64xf32, #tpu.memory_space<hbm>>
      %dma_wait3A_639 = arith.constant 0 : i32
      %dma_wait3A_640 = tpu.memref_slice %arg16[%add3A_350, %dma_wait3A_639] : memref<128x64xf32, #tpu.memory_space<vmem>> -> memref<1x64xf32, #tpu.memory_space<vmem>>
      %dma_wait3A_641 = arith.constant 0 : i32
      %dma_wait3A_642 = tpu.memref_slice %arg6[%squeeze3A_352, %dma_wait3A_641] : memref<1000000x64xf32, #tpu.memory_space<hbm>> -> memref<1x64xf32, #tpu.memory_space<hbm>>
      tpu.wait_dma2 semaphore(%arg17 : memref<!tpu.dma_semaphore, #tpu.memory_space<semaphore_mem>>) src(%dma_wait3A_642 : memref<1x64xf32, #tpu.memory_space<hbm>>) dst(%dma_wait3A_640 : memref<1x64xf32, #tpu.memory_space<vmem>>)
      %dma_wait3A_643 = arith.constant 0 : i32
      %dma_wait3A_644 = tpu.memref_slice %arg15[%add3A_372, %dma_wait3A_643] : memref<128x64xf32, #tpu.memory_space<vmem>> -> memref<1x64xf32, #tpu.memory_space<vmem>>
      %dma_wait3A_645 = arith.constant 0 : i32
      %dma_wait3A_646 = tpu.memref_slice %arg5[%squeeze3A_374, %dma_wait3A_645] : memref<1000000x64xf32, #tpu.memory_space<hbm>> -> memref<1x64xf32, #tpu.memory_space<hbm>>
      %dma_wait3A_647 = arith.constant 0 : i32
      %dma_wait3A_648 = tpu.memref_slice %arg15[%add3A_372, %dma_wait3A_647] : memref<128x64xf32, #tpu.memory_space<vmem>> -> memref<1x64xf32, #tpu.memory_space<vmem>>
      %dma_wait3A_649 = arith.constant 0 : i32
      %dma_wait3A_650 = tpu.memref_slice %arg5[%squeeze3A_374, %dma_wait3A_649] : memref<1000000x64xf32, #tpu.memory_space<hbm>> -> memref<1x64xf32, #tpu.memory_space<hbm>>
      tpu.wait_dma2 semaphore(%arg17 : memref<!tpu.dma_semaphore, #tpu.memory_space<semaphore_mem>>) src(%dma_wait3A_650 : memref<1x64xf32, #tpu.memory_space<hbm>>) dst(%dma_wait3A_648 : memref<1x64xf32, #tpu.memory_space<vmem>>)
      %dma_wait3A_651 = arith.constant 0 : i32
      %dma_wait3A_652 = tpu.memref_slice %arg16[%add3A_372, %dma_wait3A_651] : memref<128x64xf32, #tpu.memory_space<vmem>> -> memref<1x64xf32, #tpu.memory_space<vmem>>
      %dma_wait3A_653 = arith.constant 0 : i32
      %dma_wait3A_654 = tpu.memref_slice %arg6[%squeeze3A_374, %dma_wait3A_653] : memref<1000000x64xf32, #tpu.memory_space<hbm>> -> memref<1x64xf32, #tpu.memory_space<hbm>>
      %dma_wait3A_655 = arith.constant 0 : i32
      %dma_wait3A_656 = tpu.memref_slice %arg16[%add3A_372, %dma_wait3A_655] : memref<128x64xf32, #tpu.memory_space<vmem>> -> memref<1x64xf32, #tpu.memory_space<vmem>>
      %dma_wait3A_657 = arith.constant 0 : i32
      %dma_wait3A_658 = tpu.memref_slice %arg6[%squeeze3A_374, %dma_wait3A_657] : memref<1000000x64xf32, #tpu.memory_space<hbm>> -> memref<1x64xf32, #tpu.memory_space<hbm>>
      tpu.wait_dma2 semaphore(%arg17 : memref<!tpu.dma_semaphore, #tpu.memory_space<semaphore_mem>>) src(%dma_wait3A_658 : memref<1x64xf32, #tpu.memory_space<hbm>>) dst(%dma_wait3A_656 : memref<1x64xf32, #tpu.memory_space<vmem>>)
      %dma_wait3A_659 = arith.constant 0 : i32
      %dma_wait3A_660 = tpu.memref_slice %arg15[%add3A_394, %dma_wait3A_659] : memref<128x64xf32, #tpu.memory_space<vmem>> -> memref<1x64xf32, #tpu.memory_space<vmem>>
      %dma_wait3A_661 = arith.constant 0 : i32
      %dma_wait3A_662 = tpu.memref_slice %arg5[%squeeze3A_396, %dma_wait3A_661] : memref<1000000x64xf32, #tpu.memory_space<hbm>> -> memref<1x64xf32, #tpu.memory_space<hbm>>
      %dma_wait3A_663 = arith.constant 0 : i32
      %dma_wait3A_664 = tpu.memref_slice %arg15[%add3A_394, %dma_wait3A_663] : memref<128x64xf32, #tpu.memory_space<vmem>> -> memref<1x64xf32, #tpu.memory_space<vmem>>
      %dma_wait3A_665 = arith.constant 0 : i32
      %dma_wait3A_666 = tpu.memref_slice %arg5[%squeeze3A_396, %dma_wait3A_665] : memref<1000000x64xf32, #tpu.memory_space<hbm>> -> memref<1x64xf32, #tpu.memory_space<hbm>>
      tpu.wait_dma2 semaphore(%arg17 : memref<!tpu.dma_semaphore, #tpu.memory_space<semaphore_mem>>) src(%dma_wait3A_666 : memref<1x64xf32, #tpu.memory_space<hbm>>) dst(%dma_wait3A_664 : memref<1x64xf32, #tpu.memory_space<vmem>>)
      %dma_wait3A_667 = arith.constant 0 : i32
      %dma_wait3A_668 = tpu.memref_slice %arg16[%add3A_394, %dma_wait3A_667] : memref<128x64xf32, #tpu.memory_space<vmem>> -> memref<1x64xf32, #tpu.memory_space<vmem>>
      %dma_wait3A_669 = arith.constant 0 : i32
      %dma_wait3A_670 = tpu.memref_slice %arg6[%squeeze3A_396, %dma_wait3A_669] : memref<1000000x64xf32, #tpu.memory_space<hbm>> -> memref<1x64xf32, #tpu.memory_space<hbm>>
      %dma_wait3A_671 = arith.constant 0 : i32
      %dma_wait3A_672 = tpu.memref_slice %arg16[%add3A_394, %dma_wait3A_671] : memref<128x64xf32, #tpu.memory_space<vmem>> -> memref<1x64xf32, #tpu.memory_space<vmem>>
      %dma_wait3A_673 = arith.constant 0 : i32
      %dma_wait3A_674 = tpu.memref_slice %arg6[%squeeze3A_396, %dma_wait3A_673] : memref<1000000x64xf32, #tpu.memory_space<hbm>> -> memref<1x64xf32, #tpu.memory_space<hbm>>
      tpu.wait_dma2 semaphore(%arg17 : memref<!tpu.dma_semaphore, #tpu.memory_space<semaphore_mem>>) src(%dma_wait3A_674 : memref<1x64xf32, #tpu.memory_space<hbm>>) dst(%dma_wait3A_672 : memref<1x64xf32, #tpu.memory_space<vmem>>)
      %dma_wait3A_675 = arith.constant 0 : i32
      %dma_wait3A_676 = tpu.memref_slice %arg15[%add3A_416, %dma_wait3A_675] : memref<128x64xf32, #tpu.memory_space<vmem>> -> memref<1x64xf32, #tpu.memory_space<vmem>>
      %dma_wait3A_677 = arith.constant 0 : i32
      %dma_wait3A_678 = tpu.memref_slice %arg5[%squeeze3A_418, %dma_wait3A_677] : memref<1000000x64xf32, #tpu.memory_space<hbm>> -> memref<1x64xf32, #tpu.memory_space<hbm>>
      %dma_wait3A_679 = arith.constant 0 : i32
      %dma_wait3A_680 = tpu.memref_slice %arg15[%add3A_416, %dma_wait3A_679] : memref<128x64xf32, #tpu.memory_space<vmem>> -> memref<1x64xf32, #tpu.memory_space<vmem>>
      %dma_wait3A_681 = arith.constant 0 : i32
      %dma_wait3A_682 = tpu.memref_slice %arg5[%squeeze3A_418, %dma_wait3A_681] : memref<1000000x64xf32, #tpu.memory_space<hbm>> -> memref<1x64xf32, #tpu.memory_space<hbm>>
      tpu.wait_dma2 semaphore(%arg17 : memref<!tpu.dma_semaphore, #tpu.memory_space<semaphore_mem>>) src(%dma_wait3A_682 : memref<1x64xf32, #tpu.memory_space<hbm>>) dst(%dma_wait3A_680 : memref<1x64xf32, #tpu.memory_space<vmem>>)
      %dma_wait3A_683 = arith.constant 0 : i32
      %dma_wait3A_684 = tpu.memref_slice %arg16[%add3A_416, %dma_wait3A_683] : memref<128x64xf32, #tpu.memory_space<vmem>> -> memref<1x64xf32, #tpu.memory_space<vmem>>
      %dma_wait3A_685 = arith.constant 0 : i32
      %dma_wait3A_686 = tpu.memref_slice %arg6[%squeeze3A_418, %dma_wait3A_685] : memref<1000000x64xf32, #tpu.memory_space<hbm>> -> memref<1x64xf32, #tpu.memory_space<hbm>>
      %dma_wait3A_687 = arith.constant 0 : i32
      %dma_wait3A_688 = tpu.memref_slice %arg16[%add3A_416, %dma_wait3A_687] : memref<128x64xf32, #tpu.memory_space<vmem>> -> memref<1x64xf32, #tpu.memory_space<vmem>>
      %dma_wait3A_689 = arith.constant 0 : i32
      %dma_wait3A_690 = tpu.memref_slice %arg6[%squeeze3A_418, %dma_wait3A_689] : memref<1000000x64xf32, #tpu.memory_space<hbm>> -> memref<1x64xf32, #tpu.memory_space<hbm>>
      tpu.wait_dma2 semaphore(%arg17 : memref<!tpu.dma_semaphore, #tpu.memory_space<semaphore_mem>>) src(%dma_wait3A_690 : memref<1x64xf32, #tpu.memory_space<hbm>>) dst(%dma_wait3A_688 : memref<1x64xf32, #tpu.memory_space<vmem>>)
    }
    %scan3A_44 = arith.constant 8 : i32
    "tpu.region"() ({
      %run_scoped3A = tpu.sem_alloc : memref<!tpu.dma_semaphore, #tpu.memory_space<semaphore_mem>>
      %dma_start3A_76 = arith.constant 0 : i32
      %dma_start3A_77 = tpu.memref_slice %arg8[%add3A_39, %dma_start3A_76] : memref<16384x64xf32, #tpu.memory_space<hbm>> -> memref<128x64xf32, #tpu.memory_space<hbm>>
      %dma_start3A_78 = arith.constant 0 : i32
      %dma_start3A_79 = tpu.memref_slice %arg8[%add3A_39, %dma_start3A_78] : memref<16384x64xf32, #tpu.memory_space<hbm>> -> memref<128x64xf32, #tpu.memory_space<hbm>>
      tpu.enqueue_dma source(%arg15 : memref<128x64xf32, #tpu.memory_space<vmem>>) target(%dma_start3A_79 : memref<128x64xf32, #tpu.memory_space<hbm>>) target_semaphore(%run_scoped3A : memref<!tpu.dma_semaphore, #tpu.memory_space<semaphore_mem>>)
      %dma_wait3A_80 = arith.constant 0 : i32
      %dma_wait3A_81 = tpu.memref_slice %arg8[%add3A_39, %dma_wait3A_80] : memref<16384x64xf32, #tpu.memory_space<hbm>> -> memref<128x64xf32, #tpu.memory_space<hbm>>
      %dma_wait3A_82 = arith.constant 0 : i32
      %dma_wait3A_83 = tpu.memref_slice %arg8[%add3A_39, %dma_wait3A_82] : memref<16384x64xf32, #tpu.memory_space<hbm>> -> memref<128x64xf32, #tpu.memory_space<hbm>>
      tpu.wait_dma2 semaphore(%run_scoped3A : memref<!tpu.dma_semaphore, #tpu.memory_space<semaphore_mem>>) src(%arg15 : memref<128x64xf32, #tpu.memory_space<vmem>>) dst(%dma_wait3A_83 : memref<128x64xf32, #tpu.memory_space<hbm>>)
      tpu.yield
    }) : () -> ()
    "tpu.region"() ({
      %run_scoped3A = tpu.sem_alloc : memref<!tpu.dma_semaphore, #tpu.memory_space<semaphore_mem>>
      %dma_start3A_76 = arith.constant 0 : i32
      %dma_start3A_77 = tpu.memref_slice %arg9[%add3A_39, %dma_start3A_76] : memref<16384x64xf32, #tpu.memory_space<hbm>> -> memref<128x64xf32, #tpu.memory_space<hbm>>
      %dma_start3A_78 = arith.constant 0 : i32
      %dma_start3A_79 = tpu.memref_slice %arg9[%add3A_39, %dma_start3A_78] : memref<16384x64xf32, #tpu.memory_space<hbm>> -> memref<128x64xf32, #tpu.memory_space<hbm>>
      tpu.enqueue_dma source(%arg16 : memref<128x64xf32, #tpu.memory_space<vmem>>) target(%dma_start3A_79 : memref<128x64xf32, #tpu.memory_space<hbm>>) target_semaphore(%run_scoped3A : memref<!tpu.dma_semaphore, #tpu.memory_space<semaphore_mem>>)
      %dma_wait3A_80 = arith.constant 0 : i32
      %dma_wait3A_81 = tpu.memref_slice %arg9[%add3A_39, %dma_wait3A_80] : memref<16384x64xf32, #tpu.memory_space<hbm>> -> memref<128x64xf32, #tpu.memory_space<hbm>>
      %dma_wait3A_82 = arith.constant 0 : i32
      %dma_wait3A_83 = tpu.memref_slice %arg9[%add3A_39, %dma_wait3A_82] : memref<16384x64xf32, #tpu.memory_space<hbm>> -> memref<128x64xf32, #tpu.memory_space<hbm>>
      tpu.wait_dma2 semaphore(%run_scoped3A : memref<!tpu.dma_semaphore, #tpu.memory_space<semaphore_mem>>) src(%arg16 : memref<128x64xf32, #tpu.memory_space<vmem>>) dst(%dma_wait3A_83 : memref<128x64xf32, #tpu.memory_space<hbm>>)
      tpu.yield
    }) : () -> ()
    "tpu.region"() ({
      %run_scoped3A = tpu.sem_alloc : memref<!tpu.dma_semaphore, #tpu.memory_space<semaphore_mem>>
      %dma_start3A_76 = tpu.memref_slice %arg3[%add3A_39] : memref<16384xi32, #tpu.memory_space<hbm>> -> memref<128xi32, #tpu.memory_space<hbm>>
      %dma_start3A_77 = tpu.memref_slice %arg3[%add3A_39] : memref<16384xi32, #tpu.memory_space<hbm>> -> memref<128xi32, #tpu.memory_space<hbm>>
      tpu.enqueue_dma source(%dma_start3A_77 : memref<128xi32, #tpu.memory_space<hbm>>) target(%arg13 : memref<128xi32, #tpu.memory_space<vmem>>) target_semaphore(%run_scoped3A : memref<!tpu.dma_semaphore, #tpu.memory_space<semaphore_mem>>)
      %dma_wait3A_78 = tpu.memref_slice %arg3[%add3A_39] : memref<16384xi32, #tpu.memory_space<hbm>> -> memref<128xi32, #tpu.memory_space<hbm>>
      %dma_wait3A_79 = tpu.memref_slice %arg3[%add3A_39] : memref<16384xi32, #tpu.memory_space<hbm>> -> memref<128xi32, #tpu.memory_space<hbm>>
      tpu.wait_dma2 semaphore(%run_scoped3A : memref<!tpu.dma_semaphore, #tpu.memory_space<semaphore_mem>>) src(%dma_wait3A_79 : memref<128xi32, #tpu.memory_space<hbm>>) dst(%arg13 : memref<128xi32, #tpu.memory_space<vmem>>)
      tpu.yield
    }) : () -> ()
    %dma_start3A_45 = arith.constant 0 : i32
    %dma_start3A_46 = arith.constant 0 : i32
    %dma_start3A_47 = tpu.memref_slice %arg7[%dma_start3A_45, %dma_start3A_46] : memref<100000x128xf32, #tpu.memory_space<hbm>> -> memref<100000x128xf32, #tpu.memory_space<hbm>>
    tpu.enqueue_indirect_dma source(%dma_start3A_47 : memref<100000x128xf32, #tpu.memory_space<hbm>>) target(%arg14 : memref<128x128xf32, #tpu.memory_space<vmem>>) offsets(%arg13 : memref<128xi32, #tpu.memory_space<vmem>>) semaphore(%arg18 : memref<!tpu.dma_semaphore, #tpu.memory_space<semaphore_mem>>)
    %dma_wait3A_48 = arith.constant 0 : i32
    %dma_wait3A_49 = arith.constant 0 : i32
    %dma_wait3A_50 = tpu.memref_slice %arg7[%dma_wait3A_48, %dma_wait3A_49] : memref<100000x128xf32, #tpu.memory_space<hbm>> -> memref<100000x128xf32, #tpu.memory_space<hbm>>
    tpu.wait_indirect_dma semaphore(%arg18 : memref<!tpu.dma_semaphore, #tpu.memory_space<semaphore_mem>>) src(%dma_wait3A_50 : memref<100000x128xf32, #tpu.memory_space<hbm>>) dst(%arg14 : memref<128x128xf32, #tpu.memory_space<vmem>>)
    "tpu.region"() ({
      %run_scoped3A = tpu.sem_alloc : memref<!tpu.dma_semaphore, #tpu.memory_space<semaphore_mem>>
      %dma_start3A_76 = arith.constant 0 : i32
      %dma_start3A_77 = tpu.memref_slice %arg10[%add3A_39, %dma_start3A_76] : memref<16384x128xf32, #tpu.memory_space<hbm>> -> memref<128x128xf32, #tpu.memory_space<hbm>>
      %dma_start3A_78 = arith.constant 0 : i32
      %dma_start3A_79 = tpu.memref_slice %arg10[%add3A_39, %dma_start3A_78] : memref<16384x128xf32, #tpu.memory_space<hbm>> -> memref<128x128xf32, #tpu.memory_space<hbm>>
      tpu.enqueue_dma source(%arg14 : memref<128x128xf32, #tpu.memory_space<vmem>>) target(%dma_start3A_79 : memref<128x128xf32, #tpu.memory_space<hbm>>) target_semaphore(%run_scoped3A : memref<!tpu.dma_semaphore, #tpu.memory_space<semaphore_mem>>)
      %dma_wait3A_80 = arith.constant 0 : i32
      %dma_wait3A_81 = tpu.memref_slice %arg10[%add3A_39, %dma_wait3A_80] : memref<16384x128xf32, #tpu.memory_space<hbm>> -> memref<128x128xf32, #tpu.memory_space<hbm>>
      %dma_wait3A_82 = arith.constant 0 : i32
      %dma_wait3A_83 = tpu.memref_slice %arg10[%add3A_39, %dma_wait3A_82] : memref<16384x128xf32, #tpu.memory_space<hbm>> -> memref<128x128xf32, #tpu.memory_space<hbm>>
      tpu.wait_dma2 semaphore(%run_scoped3A : memref<!tpu.dma_semaphore, #tpu.memory_space<semaphore_mem>>) src(%arg14 : memref<128x128xf32, #tpu.memory_space<vmem>>) dst(%dma_wait3A_83 : memref<128x128xf32, #tpu.memory_space<hbm>>)
      tpu.yield
    }) : () -> ()
    "tpu.region"() ({
      %run_scoped3A = tpu.sem_alloc : memref<!tpu.dma_semaphore, #tpu.memory_space<semaphore_mem>>
      %dma_start3A_76 = tpu.memref_slice %arg4[%add3A_39] : memref<16384xi32, #tpu.memory_space<hbm>> -> memref<128xi32, #tpu.memory_space<hbm>>
      %dma_start3A_77 = tpu.memref_slice %arg4[%add3A_39] : memref<16384xi32, #tpu.memory_space<hbm>> -> memref<128xi32, #tpu.memory_space<hbm>>
      tpu.enqueue_dma source(%dma_start3A_77 : memref<128xi32, #tpu.memory_space<hbm>>) target(%arg13 : memref<128xi32, #tpu.memory_space<vmem>>) target_semaphore(%run_scoped3A : memref<!tpu.dma_semaphore, #tpu.memory_space<semaphore_mem>>)
      %dma_wait3A_78 = tpu.memref_slice %arg4[%add3A_39] : memref<16384xi32, #tpu.memory_space<hbm>> -> memref<128xi32, #tpu.memory_space<hbm>>
      %dma_wait3A_79 = tpu.memref_slice %arg4[%add3A_39] : memref<16384xi32, #tpu.memory_space<hbm>> -> memref<128xi32, #tpu.memory_space<hbm>>
      tpu.wait_dma2 semaphore(%run_scoped3A : memref<!tpu.dma_semaphore, #tpu.memory_space<semaphore_mem>>) src(%dma_wait3A_79 : memref<128xi32, #tpu.memory_space<hbm>>) dst(%arg13 : memref<128xi32, #tpu.memory_space<vmem>>)
      tpu.yield
    }) : () -> ()
    %dma_start3A_51 = arith.constant 0 : i32
    %dma_start3A_52 = arith.constant 0 : i32
    %dma_start3A_53 = tpu.memref_slice %arg7[%dma_start3A_51, %dma_start3A_52] : memref<100000x128xf32, #tpu.memory_space<hbm>> -> memref<100000x128xf32, #tpu.memory_space<hbm>>
    tpu.enqueue_indirect_dma source(%dma_start3A_53 : memref<100000x128xf32, #tpu.memory_space<hbm>>) target(%arg14 : memref<128x128xf32, #tpu.memory_space<vmem>>) offsets(%arg13 : memref<128xi32, #tpu.memory_space<vmem>>) semaphore(%arg18 : memref<!tpu.dma_semaphore, #tpu.memory_space<semaphore_mem>>)
    %dma_wait3A_54 = arith.constant 0 : i32
    %dma_wait3A_55 = arith.constant 0 : i32
    %dma_wait3A_56 = tpu.memref_slice %arg7[%dma_wait3A_54, %dma_wait3A_55] : memref<100000x128xf32, #tpu.memory_space<hbm>> -> memref<100000x128xf32, #tpu.memory_space<hbm>>
    tpu.wait_indirect_dma semaphore(%arg18 : memref<!tpu.dma_semaphore, #tpu.memory_space<semaphore_mem>>) src(%dma_wait3A_56 : memref<100000x128xf32, #tpu.memory_space<hbm>>) dst(%arg14 : memref<128x128xf32, #tpu.memory_space<vmem>>)
    "tpu.region"() ({
      %run_scoped3A = tpu.sem_alloc : memref<!tpu.dma_semaphore, #tpu.memory_space<semaphore_mem>>
      %dma_start3A_76 = arith.constant 0 : i32
      %dma_start3A_77 = tpu.memref_slice %arg11[%add3A_39, %dma_start3A_76] : memref<16384x128xf32, #tpu.memory_space<hbm>> -> memref<128x128xf32, #tpu.memory_space<hbm>>
      %dma_start3A_78 = arith.constant 0 : i32
      %dma_start3A_79 = tpu.memref_slice %arg11[%add3A_39, %dma_start3A_78] : memref<16384x128xf32, #tpu.memory_space<hbm>> -> memref<128x128xf32, #tpu.memory_space<hbm>>
      tpu.enqueue_dma source(%arg14 : memref<128x128xf32, #tpu.memory_space<vmem>>) target(%dma_start3A_79 : memref<128x128xf32, #tpu.memory_space<hbm>>) target_semaphore(%run_scoped3A : memref<!tpu.dma_semaphore, #tpu.memory_space<semaphore_mem>>)
      %dma_wait3A_80 = arith.constant 0 : i32
      %dma_wait3A_81 = tpu.memref_slice %arg11[%add3A_39, %dma_wait3A_80] : memref<16384x128xf32, #tpu.memory_space<hbm>> -> memref<128x128xf32, #tpu.memory_space<hbm>>
      %dma_wait3A_82 = arith.constant 0 : i32
      %dma_wait3A_83 = tpu.memref_slice %arg11[%add3A_39, %dma_wait3A_82] : memref<16384x128xf32, #tpu.memory_space<hbm>> -> memref<128x128xf32, #tpu.memory_space<hbm>>
      tpu.wait_dma2 semaphore(%run_scoped3A : memref<!tpu.dma_semaphore, #tpu.memory_space<semaphore_mem>>) src(%arg14 : memref<128x128xf32, #tpu.memory_space<vmem>>) dst(%dma_wait3A_83 : memref<128x128xf32, #tpu.memory_space<hbm>>)
      tpu.yield
    }) : () -> ()
    %add3A_57 = arith.constant 384 : i32
    %add3A_58 = arith.addi %mul3A_2, %add3A_57 : i32
    "tpu.region"() ({
      %run_scoped3A = tpu.sem_alloc : memref<!tpu.dma_semaphore, #tpu.memory_space<semaphore_mem>>
      %dma_start3A_76 = tpu.memref_slice %arg2[%add3A_58] : memref<16384xi32, #tpu.memory_space<hbm>> -> memref<128xi32, #tpu.memory_space<hbm>>
      %dma_start3A_77 = tpu.memref_slice %arg2[%add3A_58] : memref<16384xi32, #tpu.memory_space<hbm>> -> memref<128xi32, #tpu.memory_space<hbm>>
      tpu.enqueue_dma source(%dma_start3A_77 : memref<128xi32, #tpu.memory_space<hbm>>) target(%arg12 : memref<128xi32, #tpu.memory_space<vmem>>) target_semaphore(%run_scoped3A : memref<!tpu.dma_semaphore, #tpu.memory_space<semaphore_mem>>)
      %dma_wait3A_78 = tpu.memref_slice %arg2[%add3A_58] : memref<16384xi32, #tpu.memory_space<hbm>> -> memref<128xi32, #tpu.memory_space<hbm>>
      %dma_wait3A_79 = tpu.memref_slice %arg2[%add3A_58] : memref<16384xi32, #tpu.memory_space<hbm>> -> memref<128xi32, #tpu.memory_space<hbm>>
      tpu.wait_dma2 semaphore(%run_scoped3A : memref<!tpu.dma_semaphore, #tpu.memory_space<semaphore_mem>>) src(%dma_wait3A_79 : memref<128xi32, #tpu.memory_space<hbm>>) dst(%arg12 : memref<128xi32, #tpu.memory_space<vmem>>)
      tpu.yield
    }) : () -> ()
    %scan3A_59 = arith.constant 0 : i32
    %scan3A_60 = arith.constant 8 : i32
    %scan3A_61 = arith.addi %scan3A_59, %scan3A_60 : i32
    %scan3A_62 = arith.constant 1 : i32
    scf.for %scan3A_76 = %scan3A_59 to %scan3A_61 step %scan3A_62  : i32 {
      %mul3A_77 = arith.constant 1 : i32
      %mul3A_78 = arith.muli %scan3A_76, %mul3A_77 : i32
      %add3A_79 = arith.constant 0 : i32
      %add3A_80 = arith.addi %add3A_79, %mul3A_78 : i32
      %mul3A_81 = arith.constant 16 : i32
      %mul3A_82 = arith.muli %add3A_80, %mul3A_81 : i32
      %get3A = arith.index_cast %mul3A_82 : i32 to index
      %get3A_83 = tpu.vector_load %arg12[%get3A] {strides = array<i32>} : memref<128xi32, #tpu.memory_space<vmem>>, vector<16xi32>,
      %get3A_84 = vector.shape_cast %get3A_83 : vector<16xi32> to vector<16xi32>
      %mul3A_85 = arith.constant 16 : i32
      %mul3A_86 = arith.muli %add3A_80, %mul3A_85 : i32
      %add3A_87 = arith.constant 0 : i32
      %add3A_88 = arith.addi %mul3A_86, %add3A_87 : i32
      %slice3A = vector.extract_strided_slice %get3A_84 {offsets = [0], sizes = [1], strides = [1]} : vector<16xi32> to vector<1xi32>
      %squeeze3A = vector.extract %slice3A[0] : i32 from vector<1xi32>
      %dma_start3A_89 = arith.constant 0 : i32
      %dma_start3A_90 = tpu.memref_slice %arg15[%add3A_88, %dma_start3A_89] : memref<128x64xf32, #tpu.memory_space<vmem>> -> memref<1x64xf32, #tpu.memory_space<vmem>>
      %dma_start3A_91 = arith.constant 0 : i32
      %dma_start3A_92 = tpu.memref_slice %arg5[%squeeze3A, %dma_start3A_91] : memref<1000000x64xf32, #tpu.memory_space<hbm>> -> memref<1x64xf32, #tpu.memory_space<hbm>>
      %dma_start3A_93 = arith.constant 0 : i32
      %dma_start3A_94 = tpu.memref_slice %arg15[%add3A_88, %dma_start3A_93] : memref<128x64xf32, #tpu.memory_space<vmem>> -> memref<1x64xf32, #tpu.memory_space<vmem>>
      %dma_start3A_95 = arith.constant 0 : i32
      %dma_start3A_96 = tpu.memref_slice %arg5[%squeeze3A, %dma_start3A_95] : memref<1000000x64xf32, #tpu.memory_space<hbm>> -> memref<1x64xf32, #tpu.memory_space<hbm>>
      tpu.enqueue_dma source(%dma_start3A_96 : memref<1x64xf32, #tpu.memory_space<hbm>>) target(%dma_start3A_94 : memref<1x64xf32, #tpu.memory_space<vmem>>) target_semaphore(%arg17 : memref<!tpu.dma_semaphore, #tpu.memory_space<semaphore_mem>>)
      %dma_start3A_97 = arith.constant 0 : i32
      %dma_start3A_98 = tpu.memref_slice %arg16[%add3A_88, %dma_start3A_97] : memref<128x64xf32, #tpu.memory_space<vmem>> -> memref<1x64xf32, #tpu.memory_space<vmem>>
      %dma_start3A_99 = arith.constant 0 : i32
      %dma_start3A_100 = tpu.memref_slice %arg6[%squeeze3A, %dma_start3A_99] : memref<1000000x64xf32, #tpu.memory_space<hbm>> -> memref<1x64xf32, #tpu.memory_space<hbm>>
      %dma_start3A_101 = arith.constant 0 : i32
      %dma_start3A_102 = tpu.memref_slice %arg16[%add3A_88, %dma_start3A_101] : memref<128x64xf32, #tpu.memory_space<vmem>> -> memref<1x64xf32, #tpu.memory_space<vmem>>
      %dma_start3A_103 = arith.constant 0 : i32
      %dma_start3A_104 = tpu.memref_slice %arg6[%squeeze3A, %dma_start3A_103] : memref<1000000x64xf32, #tpu.memory_space<hbm>> -> memref<1x64xf32, #tpu.memory_space<hbm>>
      tpu.enqueue_dma source(%dma_start3A_104 : memref<1x64xf32, #tpu.memory_space<hbm>>) target(%dma_start3A_102 : memref<1x64xf32, #tpu.memory_space<vmem>>) target_semaphore(%arg17 : memref<!tpu.dma_semaphore, #tpu.memory_space<semaphore_mem>>)
      %mul3A_105 = arith.constant 16 : i32
      %mul3A_106 = arith.muli %add3A_80, %mul3A_105 : i32
      %add3A_107 = arith.constant 1 : i32
      %add3A_108 = arith.addi %mul3A_106, %add3A_107 : i32
      %slice3A_109 = vector.extract_strided_slice %get3A_84 {offsets = [1], sizes = [1], strides = [1]} : vector<16xi32> to vector<1xi32>
      %squeeze3A_110 = vector.extract %slice3A_109[0] : i32 from vector<1xi32>
      %dma_start3A_111 = arith.constant 0 : i32
      %dma_start3A_112 = tpu.memref_slice %arg15[%add3A_108, %dma_start3A_111] : memref<128x64xf32, #tpu.memory_space<vmem>> -> memref<1x64xf32, #tpu.memory_space<vmem>>
      %dma_start3A_113 = arith.constant 0 : i32
      %dma_start3A_114 = tpu.memref_slice %arg5[%squeeze3A_110, %dma_start3A_113] : memref<1000000x64xf32, #tpu.memory_space<hbm>> -> memref<1x64xf32, #tpu.memory_space<hbm>>
      %dma_start3A_115 = arith.constant 0 : i32
      %dma_start3A_116 = tpu.memref_slice %arg15[%add3A_108, %dma_start3A_115] : memref<128x64xf32, #tpu.memory_space<vmem>> -> memref<1x64xf32, #tpu.memory_space<vmem>>
      %dma_start3A_117 = arith.constant 0 : i32
      %dma_start3A_118 = tpu.memref_slice %arg5[%squeeze3A_110, %dma_start3A_117] : memref<1000000x64xf32, #tpu.memory_space<hbm>> -> memref<1x64xf32, #tpu.memory_space<hbm>>
      tpu.enqueue_dma source(%dma_start3A_118 : memref<1x64xf32, #tpu.memory_space<hbm>>) target(%dma_start3A_116 : memref<1x64xf32, #tpu.memory_space<vmem>>) target_semaphore(%arg17 : memref<!tpu.dma_semaphore, #tpu.memory_space<semaphore_mem>>)
      %dma_start3A_119 = arith.constant 0 : i32
      %dma_start3A_120 = tpu.memref_slice %arg16[%add3A_108, %dma_start3A_119] : memref<128x64xf32, #tpu.memory_space<vmem>> -> memref<1x64xf32, #tpu.memory_space<vmem>>
      %dma_start3A_121 = arith.constant 0 : i32
      %dma_start3A_122 = tpu.memref_slice %arg6[%squeeze3A_110, %dma_start3A_121] : memref<1000000x64xf32, #tpu.memory_space<hbm>> -> memref<1x64xf32, #tpu.memory_space<hbm>>
      %dma_start3A_123 = arith.constant 0 : i32
      %dma_start3A_124 = tpu.memref_slice %arg16[%add3A_108, %dma_start3A_123] : memref<128x64xf32, #tpu.memory_space<vmem>> -> memref<1x64xf32, #tpu.memory_space<vmem>>
      %dma_start3A_125 = arith.constant 0 : i32
      %dma_start3A_126 = tpu.memref_slice %arg6[%squeeze3A_110, %dma_start3A_125] : memref<1000000x64xf32, #tpu.memory_space<hbm>> -> memref<1x64xf32, #tpu.memory_space<hbm>>
      tpu.enqueue_dma source(%dma_start3A_126 : memref<1x64xf32, #tpu.memory_space<hbm>>) target(%dma_start3A_124 : memref<1x64xf32, #tpu.memory_space<vmem>>) target_semaphore(%arg17 : memref<!tpu.dma_semaphore, #tpu.memory_space<semaphore_mem>>)
      %mul3A_127 = arith.constant 16 : i32
      %mul3A_128 = arith.muli %add3A_80, %mul3A_127 : i32
      %add3A_129 = arith.constant 2 : i32
      %add3A_130 = arith.addi %mul3A_128, %add3A_129 : i32
      %slice3A_131 = vector.extract_strided_slice %get3A_84 {offsets = [2], sizes = [1], strides = [1]} : vector<16xi32> to vector<1xi32>
      %squeeze3A_132 = vector.extract %slice3A_131[0] : i32 from vector<1xi32>
      %dma_start3A_133 = arith.constant 0 : i32
      %dma_start3A_134 = tpu.memref_slice %arg15[%add3A_130, %dma_start3A_133] : memref<128x64xf32, #tpu.memory_space<vmem>> -> memref<1x64xf32, #tpu.memory_space<vmem>>
      %dma_start3A_135 = arith.constant 0 : i32
      %dma_start3A_136 = tpu.memref_slice %arg5[%squeeze3A_132, %dma_start3A_135] : memref<1000000x64xf32, #tpu.memory_space<hbm>> -> memref<1x64xf32, #tpu.memory_space<hbm>>
      %dma_start3A_137 = arith.constant 0 : i32
      %dma_start3A_138 = tpu.memref_slice %arg15[%add3A_130, %dma_start3A_137] : memref<128x64xf32, #tpu.memory_space<vmem>> -> memref<1x64xf32, #tpu.memory_space<vmem>>
      %dma_start3A_139 = arith.constant 0 : i32
      %dma_start3A_140 = tpu.memref_slice %arg5[%squeeze3A_132, %dma_start3A_139] : memref<1000000x64xf32, #tpu.memory_space<hbm>> -> memref<1x64xf32, #tpu.memory_space<hbm>>
      tpu.enqueue_dma source(%dma_start3A_140 : memref<1x64xf32, #tpu.memory_space<hbm>>) target(%dma_start3A_138 : memref<1x64xf32, #tpu.memory_space<vmem>>) target_semaphore(%arg17 : memref<!tpu.dma_semaphore, #tpu.memory_space<semaphore_mem>>)
      %dma_start3A_141 = arith.constant 0 : i32
      %dma_start3A_142 = tpu.memref_slice %arg16[%add3A_130, %dma_start3A_141] : memref<128x64xf32, #tpu.memory_space<vmem>> -> memref<1x64xf32, #tpu.memory_space<vmem>>
      %dma_start3A_143 = arith.constant 0 : i32
      %dma_start3A_144 = tpu.memref_slice %arg6[%squeeze3A_132, %dma_start3A_143] : memref<1000000x64xf32, #tpu.memory_space<hbm>> -> memref<1x64xf32, #tpu.memory_space<hbm>>
      %dma_start3A_145 = arith.constant 0 : i32
      %dma_start3A_146 = tpu.memref_slice %arg16[%add3A_130, %dma_start3A_145] : memref<128x64xf32, #tpu.memory_space<vmem>> -> memref<1x64xf32, #tpu.memory_space<vmem>>
      %dma_start3A_147 = arith.constant 0 : i32
      %dma_start3A_148 = tpu.memref_slice %arg6[%squeeze3A_132, %dma_start3A_147] : memref<1000000x64xf32, #tpu.memory_space<hbm>> -> memref<1x64xf32, #tpu.memory_space<hbm>>
      tpu.enqueue_dma source(%dma_start3A_148 : memref<1x64xf32, #tpu.memory_space<hbm>>) target(%dma_start3A_146 : memref<1x64xf32, #tpu.memory_space<vmem>>) target_semaphore(%arg17 : memref<!tpu.dma_semaphore, #tpu.memory_space<semaphore_mem>>)
      %mul3A_149 = arith.constant 16 : i32
      %mul3A_150 = arith.muli %add3A_80, %mul3A_149 : i32
      %add3A_151 = arith.constant 3 : i32
      %add3A_152 = arith.addi %mul3A_150, %add3A_151 : i32
      %slice3A_153 = vector.extract_strided_slice %get3A_84 {offsets = [3], sizes = [1], strides = [1]} : vector<16xi32> to vector<1xi32>
      %squeeze3A_154 = vector.extract %slice3A_153[0] : i32 from vector<1xi32>
      %dma_start3A_155 = arith.constant 0 : i32
      %dma_start3A_156 = tpu.memref_slice %arg15[%add3A_152, %dma_start3A_155] : memref<128x64xf32, #tpu.memory_space<vmem>> -> memref<1x64xf32, #tpu.memory_space<vmem>>
      %dma_start3A_157 = arith.constant 0 : i32
      %dma_start3A_158 = tpu.memref_slice %arg5[%squeeze3A_154, %dma_start3A_157] : memref<1000000x64xf32, #tpu.memory_space<hbm>> -> memref<1x64xf32, #tpu.memory_space<hbm>>
      %dma_start3A_159 = arith.constant 0 : i32
      %dma_start3A_160 = tpu.memref_slice %arg15[%add3A_152, %dma_start3A_159] : memref<128x64xf32, #tpu.memory_space<vmem>> -> memref<1x64xf32, #tpu.memory_space<vmem>>
      %dma_start3A_161 = arith.constant 0 : i32
      %dma_start3A_162 = tpu.memref_slice %arg5[%squeeze3A_154, %dma_start3A_161] : memref<1000000x64xf32, #tpu.memory_space<hbm>> -> memref<1x64xf32, #tpu.memory_space<hbm>>
      tpu.enqueue_dma source(%dma_start3A_162 : memref<1x64xf32, #tpu.memory_space<hbm>>) target(%dma_start3A_160 : memref<1x64xf32, #tpu.memory_space<vmem>>) target_semaphore(%arg17 : memref<!tpu.dma_semaphore, #tpu.memory_space<semaphore_mem>>)
      %dma_start3A_163 = arith.constant 0 : i32
      %dma_start3A_164 = tpu.memref_slice %arg16[%add3A_152, %dma_start3A_163] : memref<128x64xf32, #tpu.memory_space<vmem>> -> memref<1x64xf32, #tpu.memory_space<vmem>>
      %dma_start3A_165 = arith.constant 0 : i32
      %dma_start3A_166 = tpu.memref_slice %arg6[%squeeze3A_154, %dma_start3A_165] : memref<1000000x64xf32, #tpu.memory_space<hbm>> -> memref<1x64xf32, #tpu.memory_space<hbm>>
      %dma_start3A_167 = arith.constant 0 : i32
      %dma_start3A_168 = tpu.memref_slice %arg16[%add3A_152, %dma_start3A_167] : memref<128x64xf32, #tpu.memory_space<vmem>> -> memref<1x64xf32, #tpu.memory_space<vmem>>
      %dma_start3A_169 = arith.constant 0 : i32
      %dma_start3A_170 = tpu.memref_slice %arg6[%squeeze3A_154, %dma_start3A_169] : memref<1000000x64xf32, #tpu.memory_space<hbm>> -> memref<1x64xf32, #tpu.memory_space<hbm>>
      tpu.enqueue_dma source(%dma_start3A_170 : memref<1x64xf32, #tpu.memory_space<hbm>>) target(%dma_start3A_168 : memref<1x64xf32, #tpu.memory_space<vmem>>) target_semaphore(%arg17 : memref<!tpu.dma_semaphore, #tpu.memory_space<semaphore_mem>>)
      %mul3A_171 = arith.constant 16 : i32
      %mul3A_172 = arith.muli %add3A_80, %mul3A_171 : i32
      %add3A_173 = arith.constant 4 : i32
      %add3A_174 = arith.addi %mul3A_172, %add3A_173 : i32
      %slice3A_175 = vector.extract_strided_slice %get3A_84 {offsets = [4], sizes = [1], strides = [1]} : vector<16xi32> to vector<1xi32>
      %squeeze3A_176 = vector.extract %slice3A_175[0] : i32 from vector<1xi32>
      %dma_start3A_177 = arith.constant 0 : i32
      %dma_start3A_178 = tpu.memref_slice %arg15[%add3A_174, %dma_start3A_177] : memref<128x64xf32, #tpu.memory_space<vmem>> -> memref<1x64xf32, #tpu.memory_space<vmem>>
      %dma_start3A_179 = arith.constant 0 : i32
      %dma_start3A_180 = tpu.memref_slice %arg5[%squeeze3A_176, %dma_start3A_179] : memref<1000000x64xf32, #tpu.memory_space<hbm>> -> memref<1x64xf32, #tpu.memory_space<hbm>>
      %dma_start3A_181 = arith.constant 0 : i32
      %dma_start3A_182 = tpu.memref_slice %arg15[%add3A_174, %dma_start3A_181] : memref<128x64xf32, #tpu.memory_space<vmem>> -> memref<1x64xf32, #tpu.memory_space<vmem>>
      %dma_start3A_183 = arith.constant 0 : i32
      %dma_start3A_184 = tpu.memref_slice %arg5[%squeeze3A_176, %dma_start3A_183] : memref<1000000x64xf32, #tpu.memory_space<hbm>> -> memref<1x64xf32, #tpu.memory_space<hbm>>
      tpu.enqueue_dma source(%dma_start3A_184 : memref<1x64xf32, #tpu.memory_space<hbm>>) target(%dma_start3A_182 : memref<1x64xf32, #tpu.memory_space<vmem>>) target_semaphore(%arg17 : memref<!tpu.dma_semaphore, #tpu.memory_space<semaphore_mem>>)
      %dma_start3A_185 = arith.constant 0 : i32
      %dma_start3A_186 = tpu.memref_slice %arg16[%add3A_174, %dma_start3A_185] : memref<128x64xf32, #tpu.memory_space<vmem>> -> memref<1x64xf32, #tpu.memory_space<vmem>>
      %dma_start3A_187 = arith.constant 0 : i32
      %dma_start3A_188 = tpu.memref_slice %arg6[%squeeze3A_176, %dma_start3A_187] : memref<1000000x64xf32, #tpu.memory_space<hbm>> -> memref<1x64xf32, #tpu.memory_space<hbm>>
      %dma_start3A_189 = arith.constant 0 : i32
      %dma_start3A_190 = tpu.memref_slice %arg16[%add3A_174, %dma_start3A_189] : memref<128x64xf32, #tpu.memory_space<vmem>> -> memref<1x64xf32, #tpu.memory_space<vmem>>
      %dma_start3A_191 = arith.constant 0 : i32
      %dma_start3A_192 = tpu.memref_slice %arg6[%squeeze3A_176, %dma_start3A_191] : memref<1000000x64xf32, #tpu.memory_space<hbm>> -> memref<1x64xf32, #tpu.memory_space<hbm>>
      tpu.enqueue_dma source(%dma_start3A_192 : memref<1x64xf32, #tpu.memory_space<hbm>>) target(%dma_start3A_190 : memref<1x64xf32, #tpu.memory_space<vmem>>) target_semaphore(%arg17 : memref<!tpu.dma_semaphore, #tpu.memory_space<semaphore_mem>>)
      %mul3A_193 = arith.constant 16 : i32
      %mul3A_194 = arith.muli %add3A_80, %mul3A_193 : i32
      %add3A_195 = arith.constant 5 : i32
      %add3A_196 = arith.addi %mul3A_194, %add3A_195 : i32
      %slice3A_197 = vector.extract_strided_slice %get3A_84 {offsets = [5], sizes = [1], strides = [1]} : vector<16xi32> to vector<1xi32>
      %squeeze3A_198 = vector.extract %slice3A_197[0] : i32 from vector<1xi32>
      %dma_start3A_199 = arith.constant 0 : i32
      %dma_start3A_200 = tpu.memref_slice %arg15[%add3A_196, %dma_start3A_199] : memref<128x64xf32, #tpu.memory_space<vmem>> -> memref<1x64xf32, #tpu.memory_space<vmem>>
      %dma_start3A_201 = arith.constant 0 : i32
      %dma_start3A_202 = tpu.memref_slice %arg5[%squeeze3A_198, %dma_start3A_201] : memref<1000000x64xf32, #tpu.memory_space<hbm>> -> memref<1x64xf32, #tpu.memory_space<hbm>>
      %dma_start3A_203 = arith.constant 0 : i32
      %dma_start3A_204 = tpu.memref_slice %arg15[%add3A_196, %dma_start3A_203] : memref<128x64xf32, #tpu.memory_space<vmem>> -> memref<1x64xf32, #tpu.memory_space<vmem>>
      %dma_start3A_205 = arith.constant 0 : i32
      %dma_start3A_206 = tpu.memref_slice %arg5[%squeeze3A_198, %dma_start3A_205] : memref<1000000x64xf32, #tpu.memory_space<hbm>> -> memref<1x64xf32, #tpu.memory_space<hbm>>
      tpu.enqueue_dma source(%dma_start3A_206 : memref<1x64xf32, #tpu.memory_space<hbm>>) target(%dma_start3A_204 : memref<1x64xf32, #tpu.memory_space<vmem>>) target_semaphore(%arg17 : memref<!tpu.dma_semaphore, #tpu.memory_space<semaphore_mem>>)
      %dma_start3A_207 = arith.constant 0 : i32
      %dma_start3A_208 = tpu.memref_slice %arg16[%add3A_196, %dma_start3A_207] : memref<128x64xf32, #tpu.memory_space<vmem>> -> memref<1x64xf32, #tpu.memory_space<vmem>>
      %dma_start3A_209 = arith.constant 0 : i32
      %dma_start3A_210 = tpu.memref_slice %arg6[%squeeze3A_198, %dma_start3A_209] : memref<1000000x64xf32, #tpu.memory_space<hbm>> -> memref<1x64xf32, #tpu.memory_space<hbm>>
      %dma_start3A_211 = arith.constant 0 : i32
      %dma_start3A_212 = tpu.memref_slice %arg16[%add3A_196, %dma_start3A_211] : memref<128x64xf32, #tpu.memory_space<vmem>> -> memref<1x64xf32, #tpu.memory_space<vmem>>
      %dma_start3A_213 = arith.constant 0 : i32
      %dma_start3A_214 = tpu.memref_slice %arg6[%squeeze3A_198, %dma_start3A_213] : memref<1000000x64xf32, #tpu.memory_space<hbm>> -> memref<1x64xf32, #tpu.memory_space<hbm>>
      tpu.enqueue_dma source(%dma_start3A_214 : memref<1x64xf32, #tpu.memory_space<hbm>>) target(%dma_start3A_212 : memref<1x64xf32, #tpu.memory_space<vmem>>) target_semaphore(%arg17 : memref<!tpu.dma_semaphore, #tpu.memory_space<semaphore_mem>>)
      %mul3A_215 = arith.constant 16 : i32
      %mul3A_216 = arith.muli %add3A_80, %mul3A_215 : i32
      %add3A_217 = arith.constant 6 : i32
      %add3A_218 = arith.addi %mul3A_216, %add3A_217 : i32
      %slice3A_219 = vector.extract_strided_slice %get3A_84 {offsets = [6], sizes = [1], strides = [1]} : vector<16xi32> to vector<1xi32>
      %squeeze3A_220 = vector.extract %slice3A_219[0] : i32 from vector<1xi32>
      %dma_start3A_221 = arith.constant 0 : i32
      %dma_start3A_222 = tpu.memref_slice %arg15[%add3A_218, %dma_start3A_221] : memref<128x64xf32, #tpu.memory_space<vmem>> -> memref<1x64xf32, #tpu.memory_space<vmem>>
      %dma_start3A_223 = arith.constant 0 : i32
      %dma_start3A_224 = tpu.memref_slice %arg5[%squeeze3A_220, %dma_start3A_223] : memref<1000000x64xf32, #tpu.memory_space<hbm>> -> memref<1x64xf32, #tpu.memory_space<hbm>>
      %dma_start3A_225 = arith.constant 0 : i32
      %dma_start3A_226 = tpu.memref_slice %arg15[%add3A_218, %dma_start3A_225] : memref<128x64xf32, #tpu.memory_space<vmem>> -> memref<1x64xf32, #tpu.memory_space<vmem>>
      %dma_start3A_227 = arith.constant 0 : i32
      %dma_start3A_228 = tpu.memref_slice %arg5[%squeeze3A_220, %dma_start3A_227] : memref<1000000x64xf32, #tpu.memory_space<hbm>> -> memref<1x64xf32, #tpu.memory_space<hbm>>
      tpu.enqueue_dma source(%dma_start3A_228 : memref<1x64xf32, #tpu.memory_space<hbm>>) target(%dma_start3A_226 : memref<1x64xf32, #tpu.memory_space<vmem>>) target_semaphore(%arg17 : memref<!tpu.dma_semaphore, #tpu.memory_space<semaphore_mem>>)
      %dma_start3A_229 = arith.constant 0 : i32
      %dma_start3A_230 = tpu.memref_slice %arg16[%add3A_218, %dma_start3A_229] : memref<128x64xf32, #tpu.memory_space<vmem>> -> memref<1x64xf32, #tpu.memory_space<vmem>>
      %dma_start3A_231 = arith.constant 0 : i32
      %dma_start3A_232 = tpu.memref_slice %arg6[%squeeze3A_220, %dma_start3A_231] : memref<1000000x64xf32, #tpu.memory_space<hbm>> -> memref<1x64xf32, #tpu.memory_space<hbm>>
      %dma_start3A_233 = arith.constant 0 : i32
      %dma_start3A_234 = tpu.memref_slice %arg16[%add3A_218, %dma_start3A_233] : memref<128x64xf32, #tpu.memory_space<vmem>> -> memref<1x64xf32, #tpu.memory_space<vmem>>
      %dma_start3A_235 = arith.constant 0 : i32
      %dma_start3A_236 = tpu.memref_slice %arg6[%squeeze3A_220, %dma_start3A_235] : memref<1000000x64xf32, #tpu.memory_space<hbm>> -> memref<1x64xf32, #tpu.memory_space<hbm>>
      tpu.enqueue_dma source(%dma_start3A_236 : memref<1x64xf32, #tpu.memory_space<hbm>>) target(%dma_start3A_234 : memref<1x64xf32, #tpu.memory_space<vmem>>) target_semaphore(%arg17 : memref<!tpu.dma_semaphore, #tpu.memory_space<semaphore_mem>>)
      %mul3A_237 = arith.constant 16 : i32
      %mul3A_238 = arith.muli %add3A_80, %mul3A_237 : i32
      %add3A_239 = arith.constant 7 : i32
      %add3A_240 = arith.addi %mul3A_238, %add3A_239 : i32
      %slice3A_241 = vector.extract_strided_slice %get3A_84 {offsets = [7], sizes = [1], strides = [1]} : vector<16xi32> to vector<1xi32>
      %squeeze3A_242 = vector.extract %slice3A_241[0] : i32 from vector<1xi32>
      %dma_start3A_243 = arith.constant 0 : i32
      %dma_start3A_244 = tpu.memref_slice %arg15[%add3A_240, %dma_start3A_243] : memref<128x64xf32, #tpu.memory_space<vmem>> -> memref<1x64xf32, #tpu.memory_space<vmem>>
      %dma_start3A_245 = arith.constant 0 : i32
      %dma_start3A_246 = tpu.memref_slice %arg5[%squeeze3A_242, %dma_start3A_245] : memref<1000000x64xf32, #tpu.memory_space<hbm>> -> memref<1x64xf32, #tpu.memory_space<hbm>>
      %dma_start3A_247 = arith.constant 0 : i32
      %dma_start3A_248 = tpu.memref_slice %arg15[%add3A_240, %dma_start3A_247] : memref<128x64xf32, #tpu.memory_space<vmem>> -> memref<1x64xf32, #tpu.memory_space<vmem>>
      %dma_start3A_249 = arith.constant 0 : i32
      %dma_start3A_250 = tpu.memref_slice %arg5[%squeeze3A_242, %dma_start3A_249] : memref<1000000x64xf32, #tpu.memory_space<hbm>> -> memref<1x64xf32, #tpu.memory_space<hbm>>
      tpu.enqueue_dma source(%dma_start3A_250 : memref<1x64xf32, #tpu.memory_space<hbm>>) target(%dma_start3A_248 : memref<1x64xf32, #tpu.memory_space<vmem>>) target_semaphore(%arg17 : memref<!tpu.dma_semaphore, #tpu.memory_space<semaphore_mem>>)
      %dma_start3A_251 = arith.constant 0 : i32
      %dma_start3A_252 = tpu.memref_slice %arg16[%add3A_240, %dma_start3A_251] : memref<128x64xf32, #tpu.memory_space<vmem>> -> memref<1x64xf32, #tpu.memory_space<vmem>>
      %dma_start3A_253 = arith.constant 0 : i32
      %dma_start3A_254 = tpu.memref_slice %arg6[%squeeze3A_242, %dma_start3A_253] : memref<1000000x64xf32, #tpu.memory_space<hbm>> -> memref<1x64xf32, #tpu.memory_space<hbm>>
      %dma_start3A_255 = arith.constant 0 : i32
      %dma_start3A_256 = tpu.memref_slice %arg16[%add3A_240, %dma_start3A_255] : memref<128x64xf32, #tpu.memory_space<vmem>> -> memref<1x64xf32, #tpu.memory_space<vmem>>
      %dma_start3A_257 = arith.constant 0 : i32
      %dma_start3A_258 = tpu.memref_slice %arg6[%squeeze3A_242, %dma_start3A_257] : memref<1000000x64xf32, #tpu.memory_space<hbm>> -> memref<1x64xf32, #tpu.memory_space<hbm>>
      tpu.enqueue_dma source(%dma_start3A_258 : memref<1x64xf32, #tpu.memory_space<hbm>>) target(%dma_start3A_256 : memref<1x64xf32, #tpu.memory_space<vmem>>) target_semaphore(%arg17 : memref<!tpu.dma_semaphore, #tpu.memory_space<semaphore_mem>>)
      %mul3A_259 = arith.constant 16 : i32
      %mul3A_260 = arith.muli %add3A_80, %mul3A_259 : i32
      %add3A_261 = arith.constant 8 : i32
      %add3A_262 = arith.addi %mul3A_260, %add3A_261 : i32
      %slice3A_263 = vector.extract_strided_slice %get3A_84 {offsets = [8], sizes = [1], strides = [1]} : vector<16xi32> to vector<1xi32>
      %squeeze3A_264 = vector.extract %slice3A_263[0] : i32 from vector<1xi32>
      %dma_start3A_265 = arith.constant 0 : i32
      %dma_start3A_266 = tpu.memref_slice %arg15[%add3A_262, %dma_start3A_265] : memref<128x64xf32, #tpu.memory_space<vmem>> -> memref<1x64xf32, #tpu.memory_space<vmem>>
      %dma_start3A_267 = arith.constant 0 : i32
      %dma_start3A_268 = tpu.memref_slice %arg5[%squeeze3A_264, %dma_start3A_267] : memref<1000000x64xf32, #tpu.memory_space<hbm>> -> memref<1x64xf32, #tpu.memory_space<hbm>>
      %dma_start3A_269 = arith.constant 0 : i32
      %dma_start3A_270 = tpu.memref_slice %arg15[%add3A_262, %dma_start3A_269] : memref<128x64xf32, #tpu.memory_space<vmem>> -> memref<1x64xf32, #tpu.memory_space<vmem>>
      %dma_start3A_271 = arith.constant 0 : i32
      %dma_start3A_272 = tpu.memref_slice %arg5[%squeeze3A_264, %dma_start3A_271] : memref<1000000x64xf32, #tpu.memory_space<hbm>> -> memref<1x64xf32, #tpu.memory_space<hbm>>
      tpu.enqueue_dma source(%dma_start3A_272 : memref<1x64xf32, #tpu.memory_space<hbm>>) target(%dma_start3A_270 : memref<1x64xf32, #tpu.memory_space<vmem>>) target_semaphore(%arg17 : memref<!tpu.dma_semaphore, #tpu.memory_space<semaphore_mem>>)
      %dma_start3A_273 = arith.constant 0 : i32
      %dma_start3A_274 = tpu.memref_slice %arg16[%add3A_262, %dma_start3A_273] : memref<128x64xf32, #tpu.memory_space<vmem>> -> memref<1x64xf32, #tpu.memory_space<vmem>>
      %dma_start3A_275 = arith.constant 0 : i32
      %dma_start3A_276 = tpu.memref_slice %arg6[%squeeze3A_264, %dma_start3A_275] : memref<1000000x64xf32, #tpu.memory_space<hbm>> -> memref<1x64xf32, #tpu.memory_space<hbm>>
      %dma_start3A_277 = arith.constant 0 : i32
      %dma_start3A_278 = tpu.memref_slice %arg16[%add3A_262, %dma_start3A_277] : memref<128x64xf32, #tpu.memory_space<vmem>> -> memref<1x64xf32, #tpu.memory_space<vmem>>
      %dma_start3A_279 = arith.constant 0 : i32
      %dma_start3A_280 = tpu.memref_slice %arg6[%squeeze3A_264, %dma_start3A_279] : memref<1000000x64xf32, #tpu.memory_space<hbm>> -> memref<1x64xf32, #tpu.memory_space<hbm>>
      tpu.enqueue_dma source(%dma_start3A_280 : memref<1x64xf32, #tpu.memory_space<hbm>>) target(%dma_start3A_278 : memref<1x64xf32, #tpu.memory_space<vmem>>) target_semaphore(%arg17 : memref<!tpu.dma_semaphore, #tpu.memory_space<semaphore_mem>>)
      %mul3A_281 = arith.constant 16 : i32
      %mul3A_282 = arith.muli %add3A_80, %mul3A_281 : i32
      %add3A_283 = arith.constant 9 : i32
      %add3A_284 = arith.addi %mul3A_282, %add3A_283 : i32
      %slice3A_285 = vector.extract_strided_slice %get3A_84 {offsets = [9], sizes = [1], strides = [1]} : vector<16xi32> to vector<1xi32>
      %squeeze3A_286 = vector.extract %slice3A_285[0] : i32 from vector<1xi32>
      %dma_start3A_287 = arith.constant 0 : i32
      %dma_start3A_288 = tpu.memref_slice %arg15[%add3A_284, %dma_start3A_287] : memref<128x64xf32, #tpu.memory_space<vmem>> -> memref<1x64xf32, #tpu.memory_space<vmem>>
      %dma_start3A_289 = arith.constant 0 : i32
      %dma_start3A_290 = tpu.memref_slice %arg5[%squeeze3A_286, %dma_start3A_289] : memref<1000000x64xf32, #tpu.memory_space<hbm>> -> memref<1x64xf32, #tpu.memory_space<hbm>>
      %dma_start3A_291 = arith.constant 0 : i32
      %dma_start3A_292 = tpu.memref_slice %arg15[%add3A_284, %dma_start3A_291] : memref<128x64xf32, #tpu.memory_space<vmem>> -> memref<1x64xf32, #tpu.memory_space<vmem>>
      %dma_start3A_293 = arith.constant 0 : i32
      %dma_start3A_294 = tpu.memref_slice %arg5[%squeeze3A_286, %dma_start3A_293] : memref<1000000x64xf32, #tpu.memory_space<hbm>> -> memref<1x64xf32, #tpu.memory_space<hbm>>
      tpu.enqueue_dma source(%dma_start3A_294 : memref<1x64xf32, #tpu.memory_space<hbm>>) target(%dma_start3A_292 : memref<1x64xf32, #tpu.memory_space<vmem>>) target_semaphore(%arg17 : memref<!tpu.dma_semaphore, #tpu.memory_space<semaphore_mem>>)
      %dma_start3A_295 = arith.constant 0 : i32
      %dma_start3A_296 = tpu.memref_slice %arg16[%add3A_284, %dma_start3A_295] : memref<128x64xf32, #tpu.memory_space<vmem>> -> memref<1x64xf32, #tpu.memory_space<vmem>>
      %dma_start3A_297 = arith.constant 0 : i32
      %dma_start3A_298 = tpu.memref_slice %arg6[%squeeze3A_286, %dma_start3A_297] : memref<1000000x64xf32, #tpu.memory_space<hbm>> -> memref<1x64xf32, #tpu.memory_space<hbm>>
      %dma_start3A_299 = arith.constant 0 : i32
      %dma_start3A_300 = tpu.memref_slice %arg16[%add3A_284, %dma_start3A_299] : memref<128x64xf32, #tpu.memory_space<vmem>> -> memref<1x64xf32, #tpu.memory_space<vmem>>
      %dma_start3A_301 = arith.constant 0 : i32
      %dma_start3A_302 = tpu.memref_slice %arg6[%squeeze3A_286, %dma_start3A_301] : memref<1000000x64xf32, #tpu.memory_space<hbm>> -> memref<1x64xf32, #tpu.memory_space<hbm>>
      tpu.enqueue_dma source(%dma_start3A_302 : memref<1x64xf32, #tpu.memory_space<hbm>>) target(%dma_start3A_300 : memref<1x64xf32, #tpu.memory_space<vmem>>) target_semaphore(%arg17 : memref<!tpu.dma_semaphore, #tpu.memory_space<semaphore_mem>>)
      %mul3A_303 = arith.constant 16 : i32
      %mul3A_304 = arith.muli %add3A_80, %mul3A_303 : i32
      %add3A_305 = arith.constant 10 : i32
      %add3A_306 = arith.addi %mul3A_304, %add3A_305 : i32
      %slice3A_307 = vector.extract_strided_slice %get3A_84 {offsets = [10], sizes = [1], strides = [1]} : vector<16xi32> to vector<1xi32>
      %squeeze3A_308 = vector.extract %slice3A_307[0] : i32 from vector<1xi32>
      %dma_start3A_309 = arith.constant 0 : i32
      %dma_start3A_310 = tpu.memref_slice %arg15[%add3A_306, %dma_start3A_309] : memref<128x64xf32, #tpu.memory_space<vmem>> -> memref<1x64xf32, #tpu.memory_space<vmem>>
      %dma_start3A_311 = arith.constant 0 : i32
      %dma_start3A_312 = tpu.memref_slice %arg5[%squeeze3A_308, %dma_start3A_311] : memref<1000000x64xf32, #tpu.memory_space<hbm>> -> memref<1x64xf32, #tpu.memory_space<hbm>>
      %dma_start3A_313 = arith.constant 0 : i32
      %dma_start3A_314 = tpu.memref_slice %arg15[%add3A_306, %dma_start3A_313] : memref<128x64xf32, #tpu.memory_space<vmem>> -> memref<1x64xf32, #tpu.memory_space<vmem>>
      %dma_start3A_315 = arith.constant 0 : i32
      %dma_start3A_316 = tpu.memref_slice %arg5[%squeeze3A_308, %dma_start3A_315] : memref<1000000x64xf32, #tpu.memory_space<hbm>> -> memref<1x64xf32, #tpu.memory_space<hbm>>
      tpu.enqueue_dma source(%dma_start3A_316 : memref<1x64xf32, #tpu.memory_space<hbm>>) target(%dma_start3A_314 : memref<1x64xf32, #tpu.memory_space<vmem>>) target_semaphore(%arg17 : memref<!tpu.dma_semaphore, #tpu.memory_space<semaphore_mem>>)
      %dma_start3A_317 = arith.constant 0 : i32
      %dma_start3A_318 = tpu.memref_slice %arg16[%add3A_306, %dma_start3A_317] : memref<128x64xf32, #tpu.memory_space<vmem>> -> memref<1x64xf32, #tpu.memory_space<vmem>>
      %dma_start3A_319 = arith.constant 0 : i32
      %dma_start3A_320 = tpu.memref_slice %arg6[%squeeze3A_308, %dma_start3A_319] : memref<1000000x64xf32, #tpu.memory_space<hbm>> -> memref<1x64xf32, #tpu.memory_space<hbm>>
      %dma_start3A_321 = arith.constant 0 : i32
      %dma_start3A_322 = tpu.memref_slice %arg16[%add3A_306, %dma_start3A_321] : memref<128x64xf32, #tpu.memory_space<vmem>> -> memref<1x64xf32, #tpu.memory_space<vmem>>
      %dma_start3A_323 = arith.constant 0 : i32
      %dma_start3A_324 = tpu.memref_slice %arg6[%squeeze3A_308, %dma_start3A_323] : memref<1000000x64xf32, #tpu.memory_space<hbm>> -> memref<1x64xf32, #tpu.memory_space<hbm>>
      tpu.enqueue_dma source(%dma_start3A_324 : memref<1x64xf32, #tpu.memory_space<hbm>>) target(%dma_start3A_322 : memref<1x64xf32, #tpu.memory_space<vmem>>) target_semaphore(%arg17 : memref<!tpu.dma_semaphore, #tpu.memory_space<semaphore_mem>>)
      %mul3A_325 = arith.constant 16 : i32
      %mul3A_326 = arith.muli %add3A_80, %mul3A_325 : i32
      %add3A_327 = arith.constant 11 : i32
      %add3A_328 = arith.addi %mul3A_326, %add3A_327 : i32
      %slice3A_329 = vector.extract_strided_slice %get3A_84 {offsets = [11], sizes = [1], strides = [1]} : vector<16xi32> to vector<1xi32>
      %squeeze3A_330 = vector.extract %slice3A_329[0] : i32 from vector<1xi32>
      %dma_start3A_331 = arith.constant 0 : i32
      %dma_start3A_332 = tpu.memref_slice %arg15[%add3A_328, %dma_start3A_331] : memref<128x64xf32, #tpu.memory_space<vmem>> -> memref<1x64xf32, #tpu.memory_space<vmem>>
      %dma_start3A_333 = arith.constant 0 : i32
      %dma_start3A_334 = tpu.memref_slice %arg5[%squeeze3A_330, %dma_start3A_333] : memref<1000000x64xf32, #tpu.memory_space<hbm>> -> memref<1x64xf32, #tpu.memory_space<hbm>>
      %dma_start3A_335 = arith.constant 0 : i32
      %dma_start3A_336 = tpu.memref_slice %arg15[%add3A_328, %dma_start3A_335] : memref<128x64xf32, #tpu.memory_space<vmem>> -> memref<1x64xf32, #tpu.memory_space<vmem>>
      %dma_start3A_337 = arith.constant 0 : i32
      %dma_start3A_338 = tpu.memref_slice %arg5[%squeeze3A_330, %dma_start3A_337] : memref<1000000x64xf32, #tpu.memory_space<hbm>> -> memref<1x64xf32, #tpu.memory_space<hbm>>
      tpu.enqueue_dma source(%dma_start3A_338 : memref<1x64xf32, #tpu.memory_space<hbm>>) target(%dma_start3A_336 : memref<1x64xf32, #tpu.memory_space<vmem>>) target_semaphore(%arg17 : memref<!tpu.dma_semaphore, #tpu.memory_space<semaphore_mem>>)
      %dma_start3A_339 = arith.constant 0 : i32
      %dma_start3A_340 = tpu.memref_slice %arg16[%add3A_328, %dma_start3A_339] : memref<128x64xf32, #tpu.memory_space<vmem>> -> memref<1x64xf32, #tpu.memory_space<vmem>>
      %dma_start3A_341 = arith.constant 0 : i32
      %dma_start3A_342 = tpu.memref_slice %arg6[%squeeze3A_330, %dma_start3A_341] : memref<1000000x64xf32, #tpu.memory_space<hbm>> -> memref<1x64xf32, #tpu.memory_space<hbm>>
      %dma_start3A_343 = arith.constant 0 : i32
      %dma_start3A_344 = tpu.memref_slice %arg16[%add3A_328, %dma_start3A_343] : memref<128x64xf32, #tpu.memory_space<vmem>> -> memref<1x64xf32, #tpu.memory_space<vmem>>
      %dma_start3A_345 = arith.constant 0 : i32
      %dma_start3A_346 = tpu.memref_slice %arg6[%squeeze3A_330, %dma_start3A_345] : memref<1000000x64xf32, #tpu.memory_space<hbm>> -> memref<1x64xf32, #tpu.memory_space<hbm>>
      tpu.enqueue_dma source(%dma_start3A_346 : memref<1x64xf32, #tpu.memory_space<hbm>>) target(%dma_start3A_344 : memref<1x64xf32, #tpu.memory_space<vmem>>) target_semaphore(%arg17 : memref<!tpu.dma_semaphore, #tpu.memory_space<semaphore_mem>>)
      %mul3A_347 = arith.constant 16 : i32
      %mul3A_348 = arith.muli %add3A_80, %mul3A_347 : i32
      %add3A_349 = arith.constant 12 : i32
      %add3A_350 = arith.addi %mul3A_348, %add3A_349 : i32
      %slice3A_351 = vector.extract_strided_slice %get3A_84 {offsets = [12], sizes = [1], strides = [1]} : vector<16xi32> to vector<1xi32>
      %squeeze3A_352 = vector.extract %slice3A_351[0] : i32 from vector<1xi32>
      %dma_start3A_353 = arith.constant 0 : i32
      %dma_start3A_354 = tpu.memref_slice %arg15[%add3A_350, %dma_start3A_353] : memref<128x64xf32, #tpu.memory_space<vmem>> -> memref<1x64xf32, #tpu.memory_space<vmem>>
      %dma_start3A_355 = arith.constant 0 : i32
      %dma_start3A_356 = tpu.memref_slice %arg5[%squeeze3A_352, %dma_start3A_355] : memref<1000000x64xf32, #tpu.memory_space<hbm>> -> memref<1x64xf32, #tpu.memory_space<hbm>>
      %dma_start3A_357 = arith.constant 0 : i32
      %dma_start3A_358 = tpu.memref_slice %arg15[%add3A_350, %dma_start3A_357] : memref<128x64xf32, #tpu.memory_space<vmem>> -> memref<1x64xf32, #tpu.memory_space<vmem>>
      %dma_start3A_359 = arith.constant 0 : i32
      %dma_start3A_360 = tpu.memref_slice %arg5[%squeeze3A_352, %dma_start3A_359] : memref<1000000x64xf32, #tpu.memory_space<hbm>> -> memref<1x64xf32, #tpu.memory_space<hbm>>
      tpu.enqueue_dma source(%dma_start3A_360 : memref<1x64xf32, #tpu.memory_space<hbm>>) target(%dma_start3A_358 : memref<1x64xf32, #tpu.memory_space<vmem>>) target_semaphore(%arg17 : memref<!tpu.dma_semaphore, #tpu.memory_space<semaphore_mem>>)
      %dma_start3A_361 = arith.constant 0 : i32
      %dma_start3A_362 = tpu.memref_slice %arg16[%add3A_350, %dma_start3A_361] : memref<128x64xf32, #tpu.memory_space<vmem>> -> memref<1x64xf32, #tpu.memory_space<vmem>>
      %dma_start3A_363 = arith.constant 0 : i32
      %dma_start3A_364 = tpu.memref_slice %arg6[%squeeze3A_352, %dma_start3A_363] : memref<1000000x64xf32, #tpu.memory_space<hbm>> -> memref<1x64xf32, #tpu.memory_space<hbm>>
      %dma_start3A_365 = arith.constant 0 : i32
      %dma_start3A_366 = tpu.memref_slice %arg16[%add3A_350, %dma_start3A_365] : memref<128x64xf32, #tpu.memory_space<vmem>> -> memref<1x64xf32, #tpu.memory_space<vmem>>
      %dma_start3A_367 = arith.constant 0 : i32
      %dma_start3A_368 = tpu.memref_slice %arg6[%squeeze3A_352, %dma_start3A_367] : memref<1000000x64xf32, #tpu.memory_space<hbm>> -> memref<1x64xf32, #tpu.memory_space<hbm>>
      tpu.enqueue_dma source(%dma_start3A_368 : memref<1x64xf32, #tpu.memory_space<hbm>>) target(%dma_start3A_366 : memref<1x64xf32, #tpu.memory_space<vmem>>) target_semaphore(%arg17 : memref<!tpu.dma_semaphore, #tpu.memory_space<semaphore_mem>>)
      %mul3A_369 = arith.constant 16 : i32
      %mul3A_370 = arith.muli %add3A_80, %mul3A_369 : i32
      %add3A_371 = arith.constant 13 : i32
      %add3A_372 = arith.addi %mul3A_370, %add3A_371 : i32
      %slice3A_373 = vector.extract_strided_slice %get3A_84 {offsets = [13], sizes = [1], strides = [1]} : vector<16xi32> to vector<1xi32>
      %squeeze3A_374 = vector.extract %slice3A_373[0] : i32 from vector<1xi32>
      %dma_start3A_375 = arith.constant 0 : i32
      %dma_start3A_376 = tpu.memref_slice %arg15[%add3A_372, %dma_start3A_375] : memref<128x64xf32, #tpu.memory_space<vmem>> -> memref<1x64xf32, #tpu.memory_space<vmem>>
      %dma_start3A_377 = arith.constant 0 : i32
      %dma_start3A_378 = tpu.memref_slice %arg5[%squeeze3A_374, %dma_start3A_377] : memref<1000000x64xf32, #tpu.memory_space<hbm>> -> memref<1x64xf32, #tpu.memory_space<hbm>>
      %dma_start3A_379 = arith.constant 0 : i32
      %dma_start3A_380 = tpu.memref_slice %arg15[%add3A_372, %dma_start3A_379] : memref<128x64xf32, #tpu.memory_space<vmem>> -> memref<1x64xf32, #tpu.memory_space<vmem>>
      %dma_start3A_381 = arith.constant 0 : i32
      %dma_start3A_382 = tpu.memref_slice %arg5[%squeeze3A_374, %dma_start3A_381] : memref<1000000x64xf32, #tpu.memory_space<hbm>> -> memref<1x64xf32, #tpu.memory_space<hbm>>
      tpu.enqueue_dma source(%dma_start3A_382 : memref<1x64xf32, #tpu.memory_space<hbm>>) target(%dma_start3A_380 : memref<1x64xf32, #tpu.memory_space<vmem>>) target_semaphore(%arg17 : memref<!tpu.dma_semaphore, #tpu.memory_space<semaphore_mem>>)
      %dma_start3A_383 = arith.constant 0 : i32
      %dma_start3A_384 = tpu.memref_slice %arg16[%add3A_372, %dma_start3A_383] : memref<128x64xf32, #tpu.memory_space<vmem>> -> memref<1x64xf32, #tpu.memory_space<vmem>>
      %dma_start3A_385 = arith.constant 0 : i32
      %dma_start3A_386 = tpu.memref_slice %arg6[%squeeze3A_374, %dma_start3A_385] : memref<1000000x64xf32, #tpu.memory_space<hbm>> -> memref<1x64xf32, #tpu.memory_space<hbm>>
      %dma_start3A_387 = arith.constant 0 : i32
      %dma_start3A_388 = tpu.memref_slice %arg16[%add3A_372, %dma_start3A_387] : memref<128x64xf32, #tpu.memory_space<vmem>> -> memref<1x64xf32, #tpu.memory_space<vmem>>
      %dma_start3A_389 = arith.constant 0 : i32
      %dma_start3A_390 = tpu.memref_slice %arg6[%squeeze3A_374, %dma_start3A_389] : memref<1000000x64xf32, #tpu.memory_space<hbm>> -> memref<1x64xf32, #tpu.memory_space<hbm>>
      tpu.enqueue_dma source(%dma_start3A_390 : memref<1x64xf32, #tpu.memory_space<hbm>>) target(%dma_start3A_388 : memref<1x64xf32, #tpu.memory_space<vmem>>) target_semaphore(%arg17 : memref<!tpu.dma_semaphore, #tpu.memory_space<semaphore_mem>>)
      %mul3A_391 = arith.constant 16 : i32
      %mul3A_392 = arith.muli %add3A_80, %mul3A_391 : i32
      %add3A_393 = arith.constant 14 : i32
      %add3A_394 = arith.addi %mul3A_392, %add3A_393 : i32
      %slice3A_395 = vector.extract_strided_slice %get3A_84 {offsets = [14], sizes = [1], strides = [1]} : vector<16xi32> to vector<1xi32>
      %squeeze3A_396 = vector.extract %slice3A_395[0] : i32 from vector<1xi32>
      %dma_start3A_397 = arith.constant 0 : i32
      %dma_start3A_398 = tpu.memref_slice %arg15[%add3A_394, %dma_start3A_397] : memref<128x64xf32, #tpu.memory_space<vmem>> -> memref<1x64xf32, #tpu.memory_space<vmem>>
      %dma_start3A_399 = arith.constant 0 : i32
      %dma_start3A_400 = tpu.memref_slice %arg5[%squeeze3A_396, %dma_start3A_399] : memref<1000000x64xf32, #tpu.memory_space<hbm>> -> memref<1x64xf32, #tpu.memory_space<hbm>>
      %dma_start3A_401 = arith.constant 0 : i32
      %dma_start3A_402 = tpu.memref_slice %arg15[%add3A_394, %dma_start3A_401] : memref<128x64xf32, #tpu.memory_space<vmem>> -> memref<1x64xf32, #tpu.memory_space<vmem>>
      %dma_start3A_403 = arith.constant 0 : i32
      %dma_start3A_404 = tpu.memref_slice %arg5[%squeeze3A_396, %dma_start3A_403] : memref<1000000x64xf32, #tpu.memory_space<hbm>> -> memref<1x64xf32, #tpu.memory_space<hbm>>
      tpu.enqueue_dma source(%dma_start3A_404 : memref<1x64xf32, #tpu.memory_space<hbm>>) target(%dma_start3A_402 : memref<1x64xf32, #tpu.memory_space<vmem>>) target_semaphore(%arg17 : memref<!tpu.dma_semaphore, #tpu.memory_space<semaphore_mem>>)
      %dma_start3A_405 = arith.constant 0 : i32
      %dma_start3A_406 = tpu.memref_slice %arg16[%add3A_394, %dma_start3A_405] : memref<128x64xf32, #tpu.memory_space<vmem>> -> memref<1x64xf32, #tpu.memory_space<vmem>>
      %dma_start3A_407 = arith.constant 0 : i32
      %dma_start3A_408 = tpu.memref_slice %arg6[%squeeze3A_396, %dma_start3A_407] : memref<1000000x64xf32, #tpu.memory_space<hbm>> -> memref<1x64xf32, #tpu.memory_space<hbm>>
      %dma_start3A_409 = arith.constant 0 : i32
      %dma_start3A_410 = tpu.memref_slice %arg16[%add3A_394, %dma_start3A_409] : memref<128x64xf32, #tpu.memory_space<vmem>> -> memref<1x64xf32, #tpu.memory_space<vmem>>
      %dma_start3A_411 = arith.constant 0 : i32
      %dma_start3A_412 = tpu.memref_slice %arg6[%squeeze3A_396, %dma_start3A_411] : memref<1000000x64xf32, #tpu.memory_space<hbm>> -> memref<1x64xf32, #tpu.memory_space<hbm>>
      tpu.enqueue_dma source(%dma_start3A_412 : memref<1x64xf32, #tpu.memory_space<hbm>>) target(%dma_start3A_410 : memref<1x64xf32, #tpu.memory_space<vmem>>) target_semaphore(%arg17 : memref<!tpu.dma_semaphore, #tpu.memory_space<semaphore_mem>>)
      %mul3A_413 = arith.constant 16 : i32
      %mul3A_414 = arith.muli %add3A_80, %mul3A_413 : i32
      %add3A_415 = arith.constant 15 : i32
      %add3A_416 = arith.addi %mul3A_414, %add3A_415 : i32
      %slice3A_417 = vector.extract_strided_slice %get3A_84 {offsets = [15], sizes = [1], strides = [1]} : vector<16xi32> to vector<1xi32>
      %squeeze3A_418 = vector.extract %slice3A_417[0] : i32 from vector<1xi32>
      %dma_start3A_419 = arith.constant 0 : i32
      %dma_start3A_420 = tpu.memref_slice %arg15[%add3A_416, %dma_start3A_419] : memref<128x64xf32, #tpu.memory_space<vmem>> -> memref<1x64xf32, #tpu.memory_space<vmem>>
      %dma_start3A_421 = arith.constant 0 : i32
      %dma_start3A_422 = tpu.memref_slice %arg5[%squeeze3A_418, %dma_start3A_421] : memref<1000000x64xf32, #tpu.memory_space<hbm>> -> memref<1x64xf32, #tpu.memory_space<hbm>>
      %dma_start3A_423 = arith.constant 0 : i32
      %dma_start3A_424 = tpu.memref_slice %arg15[%add3A_416, %dma_start3A_423] : memref<128x64xf32, #tpu.memory_space<vmem>> -> memref<1x64xf32, #tpu.memory_space<vmem>>
      %dma_start3A_425 = arith.constant 0 : i32
      %dma_start3A_426 = tpu.memref_slice %arg5[%squeeze3A_418, %dma_start3A_425] : memref<1000000x64xf32, #tpu.memory_space<hbm>> -> memref<1x64xf32, #tpu.memory_space<hbm>>
      tpu.enqueue_dma source(%dma_start3A_426 : memref<1x64xf32, #tpu.memory_space<hbm>>) target(%dma_start3A_424 : memref<1x64xf32, #tpu.memory_space<vmem>>) target_semaphore(%arg17 : memref<!tpu.dma_semaphore, #tpu.memory_space<semaphore_mem>>)
      %dma_start3A_427 = arith.constant 0 : i32
      %dma_start3A_428 = tpu.memref_slice %arg16[%add3A_416, %dma_start3A_427] : memref<128x64xf32, #tpu.memory_space<vmem>> -> memref<1x64xf32, #tpu.memory_space<vmem>>
      %dma_start3A_429 = arith.constant 0 : i32
      %dma_start3A_430 = tpu.memref_slice %arg6[%squeeze3A_418, %dma_start3A_429] : memref<1000000x64xf32, #tpu.memory_space<hbm>> -> memref<1x64xf32, #tpu.memory_space<hbm>>
      %dma_start3A_431 = arith.constant 0 : i32
      %dma_start3A_432 = tpu.memref_slice %arg16[%add3A_416, %dma_start3A_431] : memref<128x64xf32, #tpu.memory_space<vmem>> -> memref<1x64xf32, #tpu.memory_space<vmem>>
      %dma_start3A_433 = arith.constant 0 : i32
      %dma_start3A_434 = tpu.memref_slice %arg6[%squeeze3A_418, %dma_start3A_433] : memref<1000000x64xf32, #tpu.memory_space<hbm>> -> memref<1x64xf32, #tpu.memory_space<hbm>>
      tpu.enqueue_dma source(%dma_start3A_434 : memref<1x64xf32, #tpu.memory_space<hbm>>) target(%dma_start3A_432 : memref<1x64xf32, #tpu.memory_space<vmem>>) target_semaphore(%arg17 : memref<!tpu.dma_semaphore, #tpu.memory_space<semaphore_mem>>)
      %dma_wait3A_435 = arith.constant 0 : i32
      %dma_wait3A_436 = tpu.memref_slice %arg15[%add3A_88, %dma_wait3A_435] : memref<128x64xf32, #tpu.memory_space<vmem>> -> memref<1x64xf32, #tpu.memory_space<vmem>>
      %dma_wait3A_437 = arith.constant 0 : i32
      %dma_wait3A_438 = tpu.memref_slice %arg5[%squeeze3A, %dma_wait3A_437] : memref<1000000x64xf32, #tpu.memory_space<hbm>> -> memref<1x64xf32, #tpu.memory_space<hbm>>
      %dma_wait3A_439 = arith.constant 0 : i32
      %dma_wait3A_440 = tpu.memref_slice %arg15[%add3A_88, %dma_wait3A_439] : memref<128x64xf32, #tpu.memory_space<vmem>> -> memref<1x64xf32, #tpu.memory_space<vmem>>
      %dma_wait3A_441 = arith.constant 0 : i32
      %dma_wait3A_442 = tpu.memref_slice %arg5[%squeeze3A, %dma_wait3A_441] : memref<1000000x64xf32, #tpu.memory_space<hbm>> -> memref<1x64xf32, #tpu.memory_space<hbm>>
      tpu.wait_dma2 semaphore(%arg17 : memref<!tpu.dma_semaphore, #tpu.memory_space<semaphore_mem>>) src(%dma_wait3A_442 : memref<1x64xf32, #tpu.memory_space<hbm>>) dst(%dma_wait3A_440 : memref<1x64xf32, #tpu.memory_space<vmem>>)
      %dma_wait3A_443 = arith.constant 0 : i32
      %dma_wait3A_444 = tpu.memref_slice %arg16[%add3A_88, %dma_wait3A_443] : memref<128x64xf32, #tpu.memory_space<vmem>> -> memref<1x64xf32, #tpu.memory_space<vmem>>
      %dma_wait3A_445 = arith.constant 0 : i32
      %dma_wait3A_446 = tpu.memref_slice %arg6[%squeeze3A, %dma_wait3A_445] : memref<1000000x64xf32, #tpu.memory_space<hbm>> -> memref<1x64xf32, #tpu.memory_space<hbm>>
      %dma_wait3A_447 = arith.constant 0 : i32
      %dma_wait3A_448 = tpu.memref_slice %arg16[%add3A_88, %dma_wait3A_447] : memref<128x64xf32, #tpu.memory_space<vmem>> -> memref<1x64xf32, #tpu.memory_space<vmem>>
      %dma_wait3A_449 = arith.constant 0 : i32
      %dma_wait3A_450 = tpu.memref_slice %arg6[%squeeze3A, %dma_wait3A_449] : memref<1000000x64xf32, #tpu.memory_space<hbm>> -> memref<1x64xf32, #tpu.memory_space<hbm>>
      tpu.wait_dma2 semaphore(%arg17 : memref<!tpu.dma_semaphore, #tpu.memory_space<semaphore_mem>>) src(%dma_wait3A_450 : memref<1x64xf32, #tpu.memory_space<hbm>>) dst(%dma_wait3A_448 : memref<1x64xf32, #tpu.memory_space<vmem>>)
      %dma_wait3A_451 = arith.constant 0 : i32
      %dma_wait3A_452 = tpu.memref_slice %arg15[%add3A_108, %dma_wait3A_451] : memref<128x64xf32, #tpu.memory_space<vmem>> -> memref<1x64xf32, #tpu.memory_space<vmem>>
      %dma_wait3A_453 = arith.constant 0 : i32
      %dma_wait3A_454 = tpu.memref_slice %arg5[%squeeze3A_110, %dma_wait3A_453] : memref<1000000x64xf32, #tpu.memory_space<hbm>> -> memref<1x64xf32, #tpu.memory_space<hbm>>
      %dma_wait3A_455 = arith.constant 0 : i32
      %dma_wait3A_456 = tpu.memref_slice %arg15[%add3A_108, %dma_wait3A_455] : memref<128x64xf32, #tpu.memory_space<vmem>> -> memref<1x64xf32, #tpu.memory_space<vmem>>
      %dma_wait3A_457 = arith.constant 0 : i32
      %dma_wait3A_458 = tpu.memref_slice %arg5[%squeeze3A_110, %dma_wait3A_457] : memref<1000000x64xf32, #tpu.memory_space<hbm>> -> memref<1x64xf32, #tpu.memory_space<hbm>>
      tpu.wait_dma2 semaphore(%arg17 : memref<!tpu.dma_semaphore, #tpu.memory_space<semaphore_mem>>) src(%dma_wait3A_458 : memref<1x64xf32, #tpu.memory_space<hbm>>) dst(%dma_wait3A_456 : memref<1x64xf32, #tpu.memory_space<vmem>>)
      %dma_wait3A_459 = arith.constant 0 : i32
      %dma_wait3A_460 = tpu.memref_slice %arg16[%add3A_108, %dma_wait3A_459] : memref<128x64xf32, #tpu.memory_space<vmem>> -> memref<1x64xf32, #tpu.memory_space<vmem>>
      %dma_wait3A_461 = arith.constant 0 : i32
      %dma_wait3A_462 = tpu.memref_slice %arg6[%squeeze3A_110, %dma_wait3A_461] : memref<1000000x64xf32, #tpu.memory_space<hbm>> -> memref<1x64xf32, #tpu.memory_space<hbm>>
      %dma_wait3A_463 = arith.constant 0 : i32
      %dma_wait3A_464 = tpu.memref_slice %arg16[%add3A_108, %dma_wait3A_463] : memref<128x64xf32, #tpu.memory_space<vmem>> -> memref<1x64xf32, #tpu.memory_space<vmem>>
      %dma_wait3A_465 = arith.constant 0 : i32
      %dma_wait3A_466 = tpu.memref_slice %arg6[%squeeze3A_110, %dma_wait3A_465] : memref<1000000x64xf32, #tpu.memory_space<hbm>> -> memref<1x64xf32, #tpu.memory_space<hbm>>
      tpu.wait_dma2 semaphore(%arg17 : memref<!tpu.dma_semaphore, #tpu.memory_space<semaphore_mem>>) src(%dma_wait3A_466 : memref<1x64xf32, #tpu.memory_space<hbm>>) dst(%dma_wait3A_464 : memref<1x64xf32, #tpu.memory_space<vmem>>)
      %dma_wait3A_467 = arith.constant 0 : i32
      %dma_wait3A_468 = tpu.memref_slice %arg15[%add3A_130, %dma_wait3A_467] : memref<128x64xf32, #tpu.memory_space<vmem>> -> memref<1x64xf32, #tpu.memory_space<vmem>>
      %dma_wait3A_469 = arith.constant 0 : i32
      %dma_wait3A_470 = tpu.memref_slice %arg5[%squeeze3A_132, %dma_wait3A_469] : memref<1000000x64xf32, #tpu.memory_space<hbm>> -> memref<1x64xf32, #tpu.memory_space<hbm>>
      %dma_wait3A_471 = arith.constant 0 : i32
      %dma_wait3A_472 = tpu.memref_slice %arg15[%add3A_130, %dma_wait3A_471] : memref<128x64xf32, #tpu.memory_space<vmem>> -> memref<1x64xf32, #tpu.memory_space<vmem>>
      %dma_wait3A_473 = arith.constant 0 : i32
      %dma_wait3A_474 = tpu.memref_slice %arg5[%squeeze3A_132, %dma_wait3A_473] : memref<1000000x64xf32, #tpu.memory_space<hbm>> -> memref<1x64xf32, #tpu.memory_space<hbm>>
      tpu.wait_dma2 semaphore(%arg17 : memref<!tpu.dma_semaphore, #tpu.memory_space<semaphore_mem>>) src(%dma_wait3A_474 : memref<1x64xf32, #tpu.memory_space<hbm>>) dst(%dma_wait3A_472 : memref<1x64xf32, #tpu.memory_space<vmem>>)
      %dma_wait3A_475 = arith.constant 0 : i32
      %dma_wait3A_476 = tpu.memref_slice %arg16[%add3A_130, %dma_wait3A_475] : memref<128x64xf32, #tpu.memory_space<vmem>> -> memref<1x64xf32, #tpu.memory_space<vmem>>
      %dma_wait3A_477 = arith.constant 0 : i32
      %dma_wait3A_478 = tpu.memref_slice %arg6[%squeeze3A_132, %dma_wait3A_477] : memref<1000000x64xf32, #tpu.memory_space<hbm>> -> memref<1x64xf32, #tpu.memory_space<hbm>>
      %dma_wait3A_479 = arith.constant 0 : i32
      %dma_wait3A_480 = tpu.memref_slice %arg16[%add3A_130, %dma_wait3A_479] : memref<128x64xf32, #tpu.memory_space<vmem>> -> memref<1x64xf32, #tpu.memory_space<vmem>>
      %dma_wait3A_481 = arith.constant 0 : i32
      %dma_wait3A_482 = tpu.memref_slice %arg6[%squeeze3A_132, %dma_wait3A_481] : memref<1000000x64xf32, #tpu.memory_space<hbm>> -> memref<1x64xf32, #tpu.memory_space<hbm>>
      tpu.wait_dma2 semaphore(%arg17 : memref<!tpu.dma_semaphore, #tpu.memory_space<semaphore_mem>>) src(%dma_wait3A_482 : memref<1x64xf32, #tpu.memory_space<hbm>>) dst(%dma_wait3A_480 : memref<1x64xf32, #tpu.memory_space<vmem>>)
      %dma_wait3A_483 = arith.constant 0 : i32
      %dma_wait3A_484 = tpu.memref_slice %arg15[%add3A_152, %dma_wait3A_483] : memref<128x64xf32, #tpu.memory_space<vmem>> -> memref<1x64xf32, #tpu.memory_space<vmem>>
      %dma_wait3A_485 = arith.constant 0 : i32
      %dma_wait3A_486 = tpu.memref_slice %arg5[%squeeze3A_154, %dma_wait3A_485] : memref<1000000x64xf32, #tpu.memory_space<hbm>> -> memref<1x64xf32, #tpu.memory_space<hbm>>
      %dma_wait3A_487 = arith.constant 0 : i32
      %dma_wait3A_488 = tpu.memref_slice %arg15[%add3A_152, %dma_wait3A_487] : memref<128x64xf32, #tpu.memory_space<vmem>> -> memref<1x64xf32, #tpu.memory_space<vmem>>
      %dma_wait3A_489 = arith.constant 0 : i32
      %dma_wait3A_490 = tpu.memref_slice %arg5[%squeeze3A_154, %dma_wait3A_489] : memref<1000000x64xf32, #tpu.memory_space<hbm>> -> memref<1x64xf32, #tpu.memory_space<hbm>>
      tpu.wait_dma2 semaphore(%arg17 : memref<!tpu.dma_semaphore, #tpu.memory_space<semaphore_mem>>) src(%dma_wait3A_490 : memref<1x64xf32, #tpu.memory_space<hbm>>) dst(%dma_wait3A_488 : memref<1x64xf32, #tpu.memory_space<vmem>>)
      %dma_wait3A_491 = arith.constant 0 : i32
      %dma_wait3A_492 = tpu.memref_slice %arg16[%add3A_152, %dma_wait3A_491] : memref<128x64xf32, #tpu.memory_space<vmem>> -> memref<1x64xf32, #tpu.memory_space<vmem>>
      %dma_wait3A_493 = arith.constant 0 : i32
      %dma_wait3A_494 = tpu.memref_slice %arg6[%squeeze3A_154, %dma_wait3A_493] : memref<1000000x64xf32, #tpu.memory_space<hbm>> -> memref<1x64xf32, #tpu.memory_space<hbm>>
      %dma_wait3A_495 = arith.constant 0 : i32
      %dma_wait3A_496 = tpu.memref_slice %arg16[%add3A_152, %dma_wait3A_495] : memref<128x64xf32, #tpu.memory_space<vmem>> -> memref<1x64xf32, #tpu.memory_space<vmem>>
      %dma_wait3A_497 = arith.constant 0 : i32
      %dma_wait3A_498 = tpu.memref_slice %arg6[%squeeze3A_154, %dma_wait3A_497] : memref<1000000x64xf32, #tpu.memory_space<hbm>> -> memref<1x64xf32, #tpu.memory_space<hbm>>
      tpu.wait_dma2 semaphore(%arg17 : memref<!tpu.dma_semaphore, #tpu.memory_space<semaphore_mem>>) src(%dma_wait3A_498 : memref<1x64xf32, #tpu.memory_space<hbm>>) dst(%dma_wait3A_496 : memref<1x64xf32, #tpu.memory_space<vmem>>)
      %dma_wait3A_499 = arith.constant 0 : i32
      %dma_wait3A_500 = tpu.memref_slice %arg15[%add3A_174, %dma_wait3A_499] : memref<128x64xf32, #tpu.memory_space<vmem>> -> memref<1x64xf32, #tpu.memory_space<vmem>>
      %dma_wait3A_501 = arith.constant 0 : i32
      %dma_wait3A_502 = tpu.memref_slice %arg5[%squeeze3A_176, %dma_wait3A_501] : memref<1000000x64xf32, #tpu.memory_space<hbm>> -> memref<1x64xf32, #tpu.memory_space<hbm>>
      %dma_wait3A_503 = arith.constant 0 : i32
      %dma_wait3A_504 = tpu.memref_slice %arg15[%add3A_174, %dma_wait3A_503] : memref<128x64xf32, #tpu.memory_space<vmem>> -> memref<1x64xf32, #tpu.memory_space<vmem>>
      %dma_wait3A_505 = arith.constant 0 : i32
      %dma_wait3A_506 = tpu.memref_slice %arg5[%squeeze3A_176, %dma_wait3A_505] : memref<1000000x64xf32, #tpu.memory_space<hbm>> -> memref<1x64xf32, #tpu.memory_space<hbm>>
      tpu.wait_dma2 semaphore(%arg17 : memref<!tpu.dma_semaphore, #tpu.memory_space<semaphore_mem>>) src(%dma_wait3A_506 : memref<1x64xf32, #tpu.memory_space<hbm>>) dst(%dma_wait3A_504 : memref<1x64xf32, #tpu.memory_space<vmem>>)
      %dma_wait3A_507 = arith.constant 0 : i32
      %dma_wait3A_508 = tpu.memref_slice %arg16[%add3A_174, %dma_wait3A_507] : memref<128x64xf32, #tpu.memory_space<vmem>> -> memref<1x64xf32, #tpu.memory_space<vmem>>
      %dma_wait3A_509 = arith.constant 0 : i32
      %dma_wait3A_510 = tpu.memref_slice %arg6[%squeeze3A_176, %dma_wait3A_509] : memref<1000000x64xf32, #tpu.memory_space<hbm>> -> memref<1x64xf32, #tpu.memory_space<hbm>>
      %dma_wait3A_511 = arith.constant 0 : i32
      %dma_wait3A_512 = tpu.memref_slice %arg16[%add3A_174, %dma_wait3A_511] : memref<128x64xf32, #tpu.memory_space<vmem>> -> memref<1x64xf32, #tpu.memory_space<vmem>>
      %dma_wait3A_513 = arith.constant 0 : i32
      %dma_wait3A_514 = tpu.memref_slice %arg6[%squeeze3A_176, %dma_wait3A_513] : memref<1000000x64xf32, #tpu.memory_space<hbm>> -> memref<1x64xf32, #tpu.memory_space<hbm>>
      tpu.wait_dma2 semaphore(%arg17 : memref<!tpu.dma_semaphore, #tpu.memory_space<semaphore_mem>>) src(%dma_wait3A_514 : memref<1x64xf32, #tpu.memory_space<hbm>>) dst(%dma_wait3A_512 : memref<1x64xf32, #tpu.memory_space<vmem>>)
      %dma_wait3A_515 = arith.constant 0 : i32
      %dma_wait3A_516 = tpu.memref_slice %arg15[%add3A_196, %dma_wait3A_515] : memref<128x64xf32, #tpu.memory_space<vmem>> -> memref<1x64xf32, #tpu.memory_space<vmem>>
      %dma_wait3A_517 = arith.constant 0 : i32
      %dma_wait3A_518 = tpu.memref_slice %arg5[%squeeze3A_198, %dma_wait3A_517] : memref<1000000x64xf32, #tpu.memory_space<hbm>> -> memref<1x64xf32, #tpu.memory_space<hbm>>
      %dma_wait3A_519 = arith.constant 0 : i32
      %dma_wait3A_520 = tpu.memref_slice %arg15[%add3A_196, %dma_wait3A_519] : memref<128x64xf32, #tpu.memory_space<vmem>> -> memref<1x64xf32, #tpu.memory_space<vmem>>
      %dma_wait3A_521 = arith.constant 0 : i32
      %dma_wait3A_522 = tpu.memref_slice %arg5[%squeeze3A_198, %dma_wait3A_521] : memref<1000000x64xf32, #tpu.memory_space<hbm>> -> memref<1x64xf32, #tpu.memory_space<hbm>>
      tpu.wait_dma2 semaphore(%arg17 : memref<!tpu.dma_semaphore, #tpu.memory_space<semaphore_mem>>) src(%dma_wait3A_522 : memref<1x64xf32, #tpu.memory_space<hbm>>) dst(%dma_wait3A_520 : memref<1x64xf32, #tpu.memory_space<vmem>>)
      %dma_wait3A_523 = arith.constant 0 : i32
      %dma_wait3A_524 = tpu.memref_slice %arg16[%add3A_196, %dma_wait3A_523] : memref<128x64xf32, #tpu.memory_space<vmem>> -> memref<1x64xf32, #tpu.memory_space<vmem>>
      %dma_wait3A_525 = arith.constant 0 : i32
      %dma_wait3A_526 = tpu.memref_slice %arg6[%squeeze3A_198, %dma_wait3A_525] : memref<1000000x64xf32, #tpu.memory_space<hbm>> -> memref<1x64xf32, #tpu.memory_space<hbm>>
      %dma_wait3A_527 = arith.constant 0 : i32
      %dma_wait3A_528 = tpu.memref_slice %arg16[%add3A_196, %dma_wait3A_527] : memref<128x64xf32, #tpu.memory_space<vmem>> -> memref<1x64xf32, #tpu.memory_space<vmem>>
      %dma_wait3A_529 = arith.constant 0 : i32
      %dma_wait3A_530 = tpu.memref_slice %arg6[%squeeze3A_198, %dma_wait3A_529] : memref<1000000x64xf32, #tpu.memory_space<hbm>> -> memref<1x64xf32, #tpu.memory_space<hbm>>
      tpu.wait_dma2 semaphore(%arg17 : memref<!tpu.dma_semaphore, #tpu.memory_space<semaphore_mem>>) src(%dma_wait3A_530 : memref<1x64xf32, #tpu.memory_space<hbm>>) dst(%dma_wait3A_528 : memref<1x64xf32, #tpu.memory_space<vmem>>)
      %dma_wait3A_531 = arith.constant 0 : i32
      %dma_wait3A_532 = tpu.memref_slice %arg15[%add3A_218, %dma_wait3A_531] : memref<128x64xf32, #tpu.memory_space<vmem>> -> memref<1x64xf32, #tpu.memory_space<vmem>>
      %dma_wait3A_533 = arith.constant 0 : i32
      %dma_wait3A_534 = tpu.memref_slice %arg5[%squeeze3A_220, %dma_wait3A_533] : memref<1000000x64xf32, #tpu.memory_space<hbm>> -> memref<1x64xf32, #tpu.memory_space<hbm>>
      %dma_wait3A_535 = arith.constant 0 : i32
      %dma_wait3A_536 = tpu.memref_slice %arg15[%add3A_218, %dma_wait3A_535] : memref<128x64xf32, #tpu.memory_space<vmem>> -> memref<1x64xf32, #tpu.memory_space<vmem>>
      %dma_wait3A_537 = arith.constant 0 : i32
      %dma_wait3A_538 = tpu.memref_slice %arg5[%squeeze3A_220, %dma_wait3A_537] : memref<1000000x64xf32, #tpu.memory_space<hbm>> -> memref<1x64xf32, #tpu.memory_space<hbm>>
      tpu.wait_dma2 semaphore(%arg17 : memref<!tpu.dma_semaphore, #tpu.memory_space<semaphore_mem>>) src(%dma_wait3A_538 : memref<1x64xf32, #tpu.memory_space<hbm>>) dst(%dma_wait3A_536 : memref<1x64xf32, #tpu.memory_space<vmem>>)
      %dma_wait3A_539 = arith.constant 0 : i32
      %dma_wait3A_540 = tpu.memref_slice %arg16[%add3A_218, %dma_wait3A_539] : memref<128x64xf32, #tpu.memory_space<vmem>> -> memref<1x64xf32, #tpu.memory_space<vmem>>
      %dma_wait3A_541 = arith.constant 0 : i32
      %dma_wait3A_542 = tpu.memref_slice %arg6[%squeeze3A_220, %dma_wait3A_541] : memref<1000000x64xf32, #tpu.memory_space<hbm>> -> memref<1x64xf32, #tpu.memory_space<hbm>>
      %dma_wait3A_543 = arith.constant 0 : i32
      %dma_wait3A_544 = tpu.memref_slice %arg16[%add3A_218, %dma_wait3A_543] : memref<128x64xf32, #tpu.memory_space<vmem>> -> memref<1x64xf32, #tpu.memory_space<vmem>>
      %dma_wait3A_545 = arith.constant 0 : i32
      %dma_wait3A_546 = tpu.memref_slice %arg6[%squeeze3A_220, %dma_wait3A_545] : memref<1000000x64xf32, #tpu.memory_space<hbm>> -> memref<1x64xf32, #tpu.memory_space<hbm>>
      tpu.wait_dma2 semaphore(%arg17 : memref<!tpu.dma_semaphore, #tpu.memory_space<semaphore_mem>>) src(%dma_wait3A_546 : memref<1x64xf32, #tpu.memory_space<hbm>>) dst(%dma_wait3A_544 : memref<1x64xf32, #tpu.memory_space<vmem>>)
      %dma_wait3A_547 = arith.constant 0 : i32
      %dma_wait3A_548 = tpu.memref_slice %arg15[%add3A_240, %dma_wait3A_547] : memref<128x64xf32, #tpu.memory_space<vmem>> -> memref<1x64xf32, #tpu.memory_space<vmem>>
      %dma_wait3A_549 = arith.constant 0 : i32
      %dma_wait3A_550 = tpu.memref_slice %arg5[%squeeze3A_242, %dma_wait3A_549] : memref<1000000x64xf32, #tpu.memory_space<hbm>> -> memref<1x64xf32, #tpu.memory_space<hbm>>
      %dma_wait3A_551 = arith.constant 0 : i32
      %dma_wait3A_552 = tpu.memref_slice %arg15[%add3A_240, %dma_wait3A_551] : memref<128x64xf32, #tpu.memory_space<vmem>> -> memref<1x64xf32, #tpu.memory_space<vmem>>
      %dma_wait3A_553 = arith.constant 0 : i32
      %dma_wait3A_554 = tpu.memref_slice %arg5[%squeeze3A_242, %dma_wait3A_553] : memref<1000000x64xf32, #tpu.memory_space<hbm>> -> memref<1x64xf32, #tpu.memory_space<hbm>>
      tpu.wait_dma2 semaphore(%arg17 : memref<!tpu.dma_semaphore, #tpu.memory_space<semaphore_mem>>) src(%dma_wait3A_554 : memref<1x64xf32, #tpu.memory_space<hbm>>) dst(%dma_wait3A_552 : memref<1x64xf32, #tpu.memory_space<vmem>>)
      %dma_wait3A_555 = arith.constant 0 : i32
      %dma_wait3A_556 = tpu.memref_slice %arg16[%add3A_240, %dma_wait3A_555] : memref<128x64xf32, #tpu.memory_space<vmem>> -> memref<1x64xf32, #tpu.memory_space<vmem>>
      %dma_wait3A_557 = arith.constant 0 : i32
      %dma_wait3A_558 = tpu.memref_slice %arg6[%squeeze3A_242, %dma_wait3A_557] : memref<1000000x64xf32, #tpu.memory_space<hbm>> -> memref<1x64xf32, #tpu.memory_space<hbm>>
      %dma_wait3A_559 = arith.constant 0 : i32
      %dma_wait3A_560 = tpu.memref_slice %arg16[%add3A_240, %dma_wait3A_559] : memref<128x64xf32, #tpu.memory_space<vmem>> -> memref<1x64xf32, #tpu.memory_space<vmem>>
      %dma_wait3A_561 = arith.constant 0 : i32
      %dma_wait3A_562 = tpu.memref_slice %arg6[%squeeze3A_242, %dma_wait3A_561] : memref<1000000x64xf32, #tpu.memory_space<hbm>> -> memref<1x64xf32, #tpu.memory_space<hbm>>
      tpu.wait_dma2 semaphore(%arg17 : memref<!tpu.dma_semaphore, #tpu.memory_space<semaphore_mem>>) src(%dma_wait3A_562 : memref<1x64xf32, #tpu.memory_space<hbm>>) dst(%dma_wait3A_560 : memref<1x64xf32, #tpu.memory_space<vmem>>)
      %dma_wait3A_563 = arith.constant 0 : i32
      %dma_wait3A_564 = tpu.memref_slice %arg15[%add3A_262, %dma_wait3A_563] : memref<128x64xf32, #tpu.memory_space<vmem>> -> memref<1x64xf32, #tpu.memory_space<vmem>>
      %dma_wait3A_565 = arith.constant 0 : i32
      %dma_wait3A_566 = tpu.memref_slice %arg5[%squeeze3A_264, %dma_wait3A_565] : memref<1000000x64xf32, #tpu.memory_space<hbm>> -> memref<1x64xf32, #tpu.memory_space<hbm>>
      %dma_wait3A_567 = arith.constant 0 : i32
      %dma_wait3A_568 = tpu.memref_slice %arg15[%add3A_262, %dma_wait3A_567] : memref<128x64xf32, #tpu.memory_space<vmem>> -> memref<1x64xf32, #tpu.memory_space<vmem>>
      %dma_wait3A_569 = arith.constant 0 : i32
      %dma_wait3A_570 = tpu.memref_slice %arg5[%squeeze3A_264, %dma_wait3A_569] : memref<1000000x64xf32, #tpu.memory_space<hbm>> -> memref<1x64xf32, #tpu.memory_space<hbm>>
      tpu.wait_dma2 semaphore(%arg17 : memref<!tpu.dma_semaphore, #tpu.memory_space<semaphore_mem>>) src(%dma_wait3A_570 : memref<1x64xf32, #tpu.memory_space<hbm>>) dst(%dma_wait3A_568 : memref<1x64xf32, #tpu.memory_space<vmem>>)
      %dma_wait3A_571 = arith.constant 0 : i32
      %dma_wait3A_572 = tpu.memref_slice %arg16[%add3A_262, %dma_wait3A_571] : memref<128x64xf32, #tpu.memory_space<vmem>> -> memref<1x64xf32, #tpu.memory_space<vmem>>
      %dma_wait3A_573 = arith.constant 0 : i32
      %dma_wait3A_574 = tpu.memref_slice %arg6[%squeeze3A_264, %dma_wait3A_573] : memref<1000000x64xf32, #tpu.memory_space<hbm>> -> memref<1x64xf32, #tpu.memory_space<hbm>>
      %dma_wait3A_575 = arith.constant 0 : i32
      %dma_wait3A_576 = tpu.memref_slice %arg16[%add3A_262, %dma_wait3A_575] : memref<128x64xf32, #tpu.memory_space<vmem>> -> memref<1x64xf32, #tpu.memory_space<vmem>>
      %dma_wait3A_577 = arith.constant 0 : i32
      %dma_wait3A_578 = tpu.memref_slice %arg6[%squeeze3A_264, %dma_wait3A_577] : memref<1000000x64xf32, #tpu.memory_space<hbm>> -> memref<1x64xf32, #tpu.memory_space<hbm>>
      tpu.wait_dma2 semaphore(%arg17 : memref<!tpu.dma_semaphore, #tpu.memory_space<semaphore_mem>>) src(%dma_wait3A_578 : memref<1x64xf32, #tpu.memory_space<hbm>>) dst(%dma_wait3A_576 : memref<1x64xf32, #tpu.memory_space<vmem>>)
      %dma_wait3A_579 = arith.constant 0 : i32
      %dma_wait3A_580 = tpu.memref_slice %arg15[%add3A_284, %dma_wait3A_579] : memref<128x64xf32, #tpu.memory_space<vmem>> -> memref<1x64xf32, #tpu.memory_space<vmem>>
      %dma_wait3A_581 = arith.constant 0 : i32
      %dma_wait3A_582 = tpu.memref_slice %arg5[%squeeze3A_286, %dma_wait3A_581] : memref<1000000x64xf32, #tpu.memory_space<hbm>> -> memref<1x64xf32, #tpu.memory_space<hbm>>
      %dma_wait3A_583 = arith.constant 0 : i32
      %dma_wait3A_584 = tpu.memref_slice %arg15[%add3A_284, %dma_wait3A_583] : memref<128x64xf32, #tpu.memory_space<vmem>> -> memref<1x64xf32, #tpu.memory_space<vmem>>
      %dma_wait3A_585 = arith.constant 0 : i32
      %dma_wait3A_586 = tpu.memref_slice %arg5[%squeeze3A_286, %dma_wait3A_585] : memref<1000000x64xf32, #tpu.memory_space<hbm>> -> memref<1x64xf32, #tpu.memory_space<hbm>>
      tpu.wait_dma2 semaphore(%arg17 : memref<!tpu.dma_semaphore, #tpu.memory_space<semaphore_mem>>) src(%dma_wait3A_586 : memref<1x64xf32, #tpu.memory_space<hbm>>) dst(%dma_wait3A_584 : memref<1x64xf32, #tpu.memory_space<vmem>>)
      %dma_wait3A_587 = arith.constant 0 : i32
      %dma_wait3A_588 = tpu.memref_slice %arg16[%add3A_284, %dma_wait3A_587] : memref<128x64xf32, #tpu.memory_space<vmem>> -> memref<1x64xf32, #tpu.memory_space<vmem>>
      %dma_wait3A_589 = arith.constant 0 : i32
      %dma_wait3A_590 = tpu.memref_slice %arg6[%squeeze3A_286, %dma_wait3A_589] : memref<1000000x64xf32, #tpu.memory_space<hbm>> -> memref<1x64xf32, #tpu.memory_space<hbm>>
      %dma_wait3A_591 = arith.constant 0 : i32
      %dma_wait3A_592 = tpu.memref_slice %arg16[%add3A_284, %dma_wait3A_591] : memref<128x64xf32, #tpu.memory_space<vmem>> -> memref<1x64xf32, #tpu.memory_space<vmem>>
      %dma_wait3A_593 = arith.constant 0 : i32
      %dma_wait3A_594 = tpu.memref_slice %arg6[%squeeze3A_286, %dma_wait3A_593] : memref<1000000x64xf32, #tpu.memory_space<hbm>> -> memref<1x64xf32, #tpu.memory_space<hbm>>
      tpu.wait_dma2 semaphore(%arg17 : memref<!tpu.dma_semaphore, #tpu.memory_space<semaphore_mem>>) src(%dma_wait3A_594 : memref<1x64xf32, #tpu.memory_space<hbm>>) dst(%dma_wait3A_592 : memref<1x64xf32, #tpu.memory_space<vmem>>)
      %dma_wait3A_595 = arith.constant 0 : i32
      %dma_wait3A_596 = tpu.memref_slice %arg15[%add3A_306, %dma_wait3A_595] : memref<128x64xf32, #tpu.memory_space<vmem>> -> memref<1x64xf32, #tpu.memory_space<vmem>>
      %dma_wait3A_597 = arith.constant 0 : i32
      %dma_wait3A_598 = tpu.memref_slice %arg5[%squeeze3A_308, %dma_wait3A_597] : memref<1000000x64xf32, #tpu.memory_space<hbm>> -> memref<1x64xf32, #tpu.memory_space<hbm>>
      %dma_wait3A_599 = arith.constant 0 : i32
      %dma_wait3A_600 = tpu.memref_slice %arg15[%add3A_306, %dma_wait3A_599] : memref<128x64xf32, #tpu.memory_space<vmem>> -> memref<1x64xf32, #tpu.memory_space<vmem>>
      %dma_wait3A_601 = arith.constant 0 : i32
      %dma_wait3A_602 = tpu.memref_slice %arg5[%squeeze3A_308, %dma_wait3A_601] : memref<1000000x64xf32, #tpu.memory_space<hbm>> -> memref<1x64xf32, #tpu.memory_space<hbm>>
      tpu.wait_dma2 semaphore(%arg17 : memref<!tpu.dma_semaphore, #tpu.memory_space<semaphore_mem>>) src(%dma_wait3A_602 : memref<1x64xf32, #tpu.memory_space<hbm>>) dst(%dma_wait3A_600 : memref<1x64xf32, #tpu.memory_space<vmem>>)
      %dma_wait3A_603 = arith.constant 0 : i32
      %dma_wait3A_604 = tpu.memref_slice %arg16[%add3A_306, %dma_wait3A_603] : memref<128x64xf32, #tpu.memory_space<vmem>> -> memref<1x64xf32, #tpu.memory_space<vmem>>
      %dma_wait3A_605 = arith.constant 0 : i32
      %dma_wait3A_606 = tpu.memref_slice %arg6[%squeeze3A_308, %dma_wait3A_605] : memref<1000000x64xf32, #tpu.memory_space<hbm>> -> memref<1x64xf32, #tpu.memory_space<hbm>>
      %dma_wait3A_607 = arith.constant 0 : i32
      %dma_wait3A_608 = tpu.memref_slice %arg16[%add3A_306, %dma_wait3A_607] : memref<128x64xf32, #tpu.memory_space<vmem>> -> memref<1x64xf32, #tpu.memory_space<vmem>>
      %dma_wait3A_609 = arith.constant 0 : i32
      %dma_wait3A_610 = tpu.memref_slice %arg6[%squeeze3A_308, %dma_wait3A_609] : memref<1000000x64xf32, #tpu.memory_space<hbm>> -> memref<1x64xf32, #tpu.memory_space<hbm>>
      tpu.wait_dma2 semaphore(%arg17 : memref<!tpu.dma_semaphore, #tpu.memory_space<semaphore_mem>>) src(%dma_wait3A_610 : memref<1x64xf32, #tpu.memory_space<hbm>>) dst(%dma_wait3A_608 : memref<1x64xf32, #tpu.memory_space<vmem>>)
      %dma_wait3A_611 = arith.constant 0 : i32
      %dma_wait3A_612 = tpu.memref_slice %arg15[%add3A_328, %dma_wait3A_611] : memref<128x64xf32, #tpu.memory_space<vmem>> -> memref<1x64xf32, #tpu.memory_space<vmem>>
      %dma_wait3A_613 = arith.constant 0 : i32
      %dma_wait3A_614 = tpu.memref_slice %arg5[%squeeze3A_330, %dma_wait3A_613] : memref<1000000x64xf32, #tpu.memory_space<hbm>> -> memref<1x64xf32, #tpu.memory_space<hbm>>
      %dma_wait3A_615 = arith.constant 0 : i32
      %dma_wait3A_616 = tpu.memref_slice %arg15[%add3A_328, %dma_wait3A_615] : memref<128x64xf32, #tpu.memory_space<vmem>> -> memref<1x64xf32, #tpu.memory_space<vmem>>
      %dma_wait3A_617 = arith.constant 0 : i32
      %dma_wait3A_618 = tpu.memref_slice %arg5[%squeeze3A_330, %dma_wait3A_617] : memref<1000000x64xf32, #tpu.memory_space<hbm>> -> memref<1x64xf32, #tpu.memory_space<hbm>>
      tpu.wait_dma2 semaphore(%arg17 : memref<!tpu.dma_semaphore, #tpu.memory_space<semaphore_mem>>) src(%dma_wait3A_618 : memref<1x64xf32, #tpu.memory_space<hbm>>) dst(%dma_wait3A_616 : memref<1x64xf32, #tpu.memory_space<vmem>>)
      %dma_wait3A_619 = arith.constant 0 : i32
      %dma_wait3A_620 = tpu.memref_slice %arg16[%add3A_328, %dma_wait3A_619] : memref<128x64xf32, #tpu.memory_space<vmem>> -> memref<1x64xf32, #tpu.memory_space<vmem>>
      %dma_wait3A_621 = arith.constant 0 : i32
      %dma_wait3A_622 = tpu.memref_slice %arg6[%squeeze3A_330, %dma_wait3A_621] : memref<1000000x64xf32, #tpu.memory_space<hbm>> -> memref<1x64xf32, #tpu.memory_space<hbm>>
      %dma_wait3A_623 = arith.constant 0 : i32
      %dma_wait3A_624 = tpu.memref_slice %arg16[%add3A_328, %dma_wait3A_623] : memref<128x64xf32, #tpu.memory_space<vmem>> -> memref<1x64xf32, #tpu.memory_space<vmem>>
      %dma_wait3A_625 = arith.constant 0 : i32
      %dma_wait3A_626 = tpu.memref_slice %arg6[%squeeze3A_330, %dma_wait3A_625] : memref<1000000x64xf32, #tpu.memory_space<hbm>> -> memref<1x64xf32, #tpu.memory_space<hbm>>
      tpu.wait_dma2 semaphore(%arg17 : memref<!tpu.dma_semaphore, #tpu.memory_space<semaphore_mem>>) src(%dma_wait3A_626 : memref<1x64xf32, #tpu.memory_space<hbm>>) dst(%dma_wait3A_624 : memref<1x64xf32, #tpu.memory_space<vmem>>)
      %dma_wait3A_627 = arith.constant 0 : i32
      %dma_wait3A_628 = tpu.memref_slice %arg15[%add3A_350, %dma_wait3A_627] : memref<128x64xf32, #tpu.memory_space<vmem>> -> memref<1x64xf32, #tpu.memory_space<vmem>>
      %dma_wait3A_629 = arith.constant 0 : i32
      %dma_wait3A_630 = tpu.memref_slice %arg5[%squeeze3A_352, %dma_wait3A_629] : memref<1000000x64xf32, #tpu.memory_space<hbm>> -> memref<1x64xf32, #tpu.memory_space<hbm>>
      %dma_wait3A_631 = arith.constant 0 : i32
      %dma_wait3A_632 = tpu.memref_slice %arg15[%add3A_350, %dma_wait3A_631] : memref<128x64xf32, #tpu.memory_space<vmem>> -> memref<1x64xf32, #tpu.memory_space<vmem>>
      %dma_wait3A_633 = arith.constant 0 : i32
      %dma_wait3A_634 = tpu.memref_slice %arg5[%squeeze3A_352, %dma_wait3A_633] : memref<1000000x64xf32, #tpu.memory_space<hbm>> -> memref<1x64xf32, #tpu.memory_space<hbm>>
      tpu.wait_dma2 semaphore(%arg17 : memref<!tpu.dma_semaphore, #tpu.memory_space<semaphore_mem>>) src(%dma_wait3A_634 : memref<1x64xf32, #tpu.memory_space<hbm>>) dst(%dma_wait3A_632 : memref<1x64xf32, #tpu.memory_space<vmem>>)
      %dma_wait3A_635 = arith.constant 0 : i32
      %dma_wait3A_636 = tpu.memref_slice %arg16[%add3A_350, %dma_wait3A_635] : memref<128x64xf32, #tpu.memory_space<vmem>> -> memref<1x64xf32, #tpu.memory_space<vmem>>
      %dma_wait3A_637 = arith.constant 0 : i32
      %dma_wait3A_638 = tpu.memref_slice %arg6[%squeeze3A_352, %dma_wait3A_637] : memref<1000000x64xf32, #tpu.memory_space<hbm>> -> memref<1x64xf32, #tpu.memory_space<hbm>>
      %dma_wait3A_639 = arith.constant 0 : i32
      %dma_wait3A_640 = tpu.memref_slice %arg16[%add3A_350, %dma_wait3A_639] : memref<128x64xf32, #tpu.memory_space<vmem>> -> memref<1x64xf32, #tpu.memory_space<vmem>>
      %dma_wait3A_641 = arith.constant 0 : i32
      %dma_wait3A_642 = tpu.memref_slice %arg6[%squeeze3A_352, %dma_wait3A_641] : memref<1000000x64xf32, #tpu.memory_space<hbm>> -> memref<1x64xf32, #tpu.memory_space<hbm>>
      tpu.wait_dma2 semaphore(%arg17 : memref<!tpu.dma_semaphore, #tpu.memory_space<semaphore_mem>>) src(%dma_wait3A_642 : memref<1x64xf32, #tpu.memory_space<hbm>>) dst(%dma_wait3A_640 : memref<1x64xf32, #tpu.memory_space<vmem>>)
      %dma_wait3A_643 = arith.constant 0 : i32
      %dma_wait3A_644 = tpu.memref_slice %arg15[%add3A_372, %dma_wait3A_643] : memref<128x64xf32, #tpu.memory_space<vmem>> -> memref<1x64xf32, #tpu.memory_space<vmem>>
      %dma_wait3A_645 = arith.constant 0 : i32
      %dma_wait3A_646 = tpu.memref_slice %arg5[%squeeze3A_374, %dma_wait3A_645] : memref<1000000x64xf32, #tpu.memory_space<hbm>> -> memref<1x64xf32, #tpu.memory_space<hbm>>
      %dma_wait3A_647 = arith.constant 0 : i32
      %dma_wait3A_648 = tpu.memref_slice %arg15[%add3A_372, %dma_wait3A_647] : memref<128x64xf32, #tpu.memory_space<vmem>> -> memref<1x64xf32, #tpu.memory_space<vmem>>
      %dma_wait3A_649 = arith.constant 0 : i32
      %dma_wait3A_650 = tpu.memref_slice %arg5[%squeeze3A_374, %dma_wait3A_649] : memref<1000000x64xf32, #tpu.memory_space<hbm>> -> memref<1x64xf32, #tpu.memory_space<hbm>>
      tpu.wait_dma2 semaphore(%arg17 : memref<!tpu.dma_semaphore, #tpu.memory_space<semaphore_mem>>) src(%dma_wait3A_650 : memref<1x64xf32, #tpu.memory_space<hbm>>) dst(%dma_wait3A_648 : memref<1x64xf32, #tpu.memory_space<vmem>>)
      %dma_wait3A_651 = arith.constant 0 : i32
      %dma_wait3A_652 = tpu.memref_slice %arg16[%add3A_372, %dma_wait3A_651] : memref<128x64xf32, #tpu.memory_space<vmem>> -> memref<1x64xf32, #tpu.memory_space<vmem>>
      %dma_wait3A_653 = arith.constant 0 : i32
      %dma_wait3A_654 = tpu.memref_slice %arg6[%squeeze3A_374, %dma_wait3A_653] : memref<1000000x64xf32, #tpu.memory_space<hbm>> -> memref<1x64xf32, #tpu.memory_space<hbm>>
      %dma_wait3A_655 = arith.constant 0 : i32
      %dma_wait3A_656 = tpu.memref_slice %arg16[%add3A_372, %dma_wait3A_655] : memref<128x64xf32, #tpu.memory_space<vmem>> -> memref<1x64xf32, #tpu.memory_space<vmem>>
      %dma_wait3A_657 = arith.constant 0 : i32
      %dma_wait3A_658 = tpu.memref_slice %arg6[%squeeze3A_374, %dma_wait3A_657] : memref<1000000x64xf32, #tpu.memory_space<hbm>> -> memref<1x64xf32, #tpu.memory_space<hbm>>
      tpu.wait_dma2 semaphore(%arg17 : memref<!tpu.dma_semaphore, #tpu.memory_space<semaphore_mem>>) src(%dma_wait3A_658 : memref<1x64xf32, #tpu.memory_space<hbm>>) dst(%dma_wait3A_656 : memref<1x64xf32, #tpu.memory_space<vmem>>)
      %dma_wait3A_659 = arith.constant 0 : i32
      %dma_wait3A_660 = tpu.memref_slice %arg15[%add3A_394, %dma_wait3A_659] : memref<128x64xf32, #tpu.memory_space<vmem>> -> memref<1x64xf32, #tpu.memory_space<vmem>>
      %dma_wait3A_661 = arith.constant 0 : i32
      %dma_wait3A_662 = tpu.memref_slice %arg5[%squeeze3A_396, %dma_wait3A_661] : memref<1000000x64xf32, #tpu.memory_space<hbm>> -> memref<1x64xf32, #tpu.memory_space<hbm>>
      %dma_wait3A_663 = arith.constant 0 : i32
      %dma_wait3A_664 = tpu.memref_slice %arg15[%add3A_394, %dma_wait3A_663] : memref<128x64xf32, #tpu.memory_space<vmem>> -> memref<1x64xf32, #tpu.memory_space<vmem>>
      %dma_wait3A_665 = arith.constant 0 : i32
      %dma_wait3A_666 = tpu.memref_slice %arg5[%squeeze3A_396, %dma_wait3A_665] : memref<1000000x64xf32, #tpu.memory_space<hbm>> -> memref<1x64xf32, #tpu.memory_space<hbm>>
      tpu.wait_dma2 semaphore(%arg17 : memref<!tpu.dma_semaphore, #tpu.memory_space<semaphore_mem>>) src(%dma_wait3A_666 : memref<1x64xf32, #tpu.memory_space<hbm>>) dst(%dma_wait3A_664 : memref<1x64xf32, #tpu.memory_space<vmem>>)
      %dma_wait3A_667 = arith.constant 0 : i32
      %dma_wait3A_668 = tpu.memref_slice %arg16[%add3A_394, %dma_wait3A_667] : memref<128x64xf32, #tpu.memory_space<vmem>> -> memref<1x64xf32, #tpu.memory_space<vmem>>
      %dma_wait3A_669 = arith.constant 0 : i32
      %dma_wait3A_670 = tpu.memref_slice %arg6[%squeeze3A_396, %dma_wait3A_669] : memref<1000000x64xf32, #tpu.memory_space<hbm>> -> memref<1x64xf32, #tpu.memory_space<hbm>>
      %dma_wait3A_671 = arith.constant 0 : i32
      %dma_wait3A_672 = tpu.memref_slice %arg16[%add3A_394, %dma_wait3A_671] : memref<128x64xf32, #tpu.memory_space<vmem>> -> memref<1x64xf32, #tpu.memory_space<vmem>>
      %dma_wait3A_673 = arith.constant 0 : i32
      %dma_wait3A_674 = tpu.memref_slice %arg6[%squeeze3A_396, %dma_wait3A_673] : memref<1000000x64xf32, #tpu.memory_space<hbm>> -> memref<1x64xf32, #tpu.memory_space<hbm>>
      tpu.wait_dma2 semaphore(%arg17 : memref<!tpu.dma_semaphore, #tpu.memory_space<semaphore_mem>>) src(%dma_wait3A_674 : memref<1x64xf32, #tpu.memory_space<hbm>>) dst(%dma_wait3A_672 : memref<1x64xf32, #tpu.memory_space<vmem>>)
      %dma_wait3A_675 = arith.constant 0 : i32
      %dma_wait3A_676 = tpu.memref_slice %arg15[%add3A_416, %dma_wait3A_675] : memref<128x64xf32, #tpu.memory_space<vmem>> -> memref<1x64xf32, #tpu.memory_space<vmem>>
      %dma_wait3A_677 = arith.constant 0 : i32
      %dma_wait3A_678 = tpu.memref_slice %arg5[%squeeze3A_418, %dma_wait3A_677] : memref<1000000x64xf32, #tpu.memory_space<hbm>> -> memref<1x64xf32, #tpu.memory_space<hbm>>
      %dma_wait3A_679 = arith.constant 0 : i32
      %dma_wait3A_680 = tpu.memref_slice %arg15[%add3A_416, %dma_wait3A_679] : memref<128x64xf32, #tpu.memory_space<vmem>> -> memref<1x64xf32, #tpu.memory_space<vmem>>
      %dma_wait3A_681 = arith.constant 0 : i32
      %dma_wait3A_682 = tpu.memref_slice %arg5[%squeeze3A_418, %dma_wait3A_681] : memref<1000000x64xf32, #tpu.memory_space<hbm>> -> memref<1x64xf32, #tpu.memory_space<hbm>>
      tpu.wait_dma2 semaphore(%arg17 : memref<!tpu.dma_semaphore, #tpu.memory_space<semaphore_mem>>) src(%dma_wait3A_682 : memref<1x64xf32, #tpu.memory_space<hbm>>) dst(%dma_wait3A_680 : memref<1x64xf32, #tpu.memory_space<vmem>>)
      %dma_wait3A_683 = arith.constant 0 : i32
      %dma_wait3A_684 = tpu.memref_slice %arg16[%add3A_416, %dma_wait3A_683] : memref<128x64xf32, #tpu.memory_space<vmem>> -> memref<1x64xf32, #tpu.memory_space<vmem>>
      %dma_wait3A_685 = arith.constant 0 : i32
      %dma_wait3A_686 = tpu.memref_slice %arg6[%squeeze3A_418, %dma_wait3A_685] : memref<1000000x64xf32, #tpu.memory_space<hbm>> -> memref<1x64xf32, #tpu.memory_space<hbm>>
      %dma_wait3A_687 = arith.constant 0 : i32
      %dma_wait3A_688 = tpu.memref_slice %arg16[%add3A_416, %dma_wait3A_687] : memref<128x64xf32, #tpu.memory_space<vmem>> -> memref<1x64xf32, #tpu.memory_space<vmem>>
      %dma_wait3A_689 = arith.constant 0 : i32
      %dma_wait3A_690 = tpu.memref_slice %arg6[%squeeze3A_418, %dma_wait3A_689] : memref<1000000x64xf32, #tpu.memory_space<hbm>> -> memref<1x64xf32, #tpu.memory_space<hbm>>
      tpu.wait_dma2 semaphore(%arg17 : memref<!tpu.dma_semaphore, #tpu.memory_space<semaphore_mem>>) src(%dma_wait3A_690 : memref<1x64xf32, #tpu.memory_space<hbm>>) dst(%dma_wait3A_688 : memref<1x64xf32, #tpu.memory_space<vmem>>)
    }
    %scan3A_63 = arith.constant 8 : i32
    "tpu.region"() ({
      %run_scoped3A = tpu.sem_alloc : memref<!tpu.dma_semaphore, #tpu.memory_space<semaphore_mem>>
      %dma_start3A_76 = arith.constant 0 : i32
      %dma_start3A_77 = tpu.memref_slice %arg8[%add3A_58, %dma_start3A_76] : memref<16384x64xf32, #tpu.memory_space<hbm>> -> memref<128x64xf32, #tpu.memory_space<hbm>>
      %dma_start3A_78 = arith.constant 0 : i32
      %dma_start3A_79 = tpu.memref_slice %arg8[%add3A_58, %dma_start3A_78] : memref<16384x64xf32, #tpu.memory_space<hbm>> -> memref<128x64xf32, #tpu.memory_space<hbm>>
      tpu.enqueue_dma source(%arg15 : memref<128x64xf32, #tpu.memory_space<vmem>>) target(%dma_start3A_79 : memref<128x64xf32, #tpu.memory_space<hbm>>) target_semaphore(%run_scoped3A : memref<!tpu.dma_semaphore, #tpu.memory_space<semaphore_mem>>)
      %dma_wait3A_80 = arith.constant 0 : i32
      %dma_wait3A_81 = tpu.memref_slice %arg8[%add3A_58, %dma_wait3A_80] : memref<16384x64xf32, #tpu.memory_space<hbm>> -> memref<128x64xf32, #tpu.memory_space<hbm>>
      %dma_wait3A_82 = arith.constant 0 : i32
      %dma_wait3A_83 = tpu.memref_slice %arg8[%add3A_58, %dma_wait3A_82] : memref<16384x64xf32, #tpu.memory_space<hbm>> -> memref<128x64xf32, #tpu.memory_space<hbm>>
      tpu.wait_dma2 semaphore(%run_scoped3A : memref<!tpu.dma_semaphore, #tpu.memory_space<semaphore_mem>>) src(%arg15 : memref<128x64xf32, #tpu.memory_space<vmem>>) dst(%dma_wait3A_83 : memref<128x64xf32, #tpu.memory_space<hbm>>)
      tpu.yield
    }) : () -> ()
    "tpu.region"() ({
      %run_scoped3A = tpu.sem_alloc : memref<!tpu.dma_semaphore, #tpu.memory_space<semaphore_mem>>
      %dma_start3A_76 = arith.constant 0 : i32
      %dma_start3A_77 = tpu.memref_slice %arg9[%add3A_58, %dma_start3A_76] : memref<16384x64xf32, #tpu.memory_space<hbm>> -> memref<128x64xf32, #tpu.memory_space<hbm>>
      %dma_start3A_78 = arith.constant 0 : i32
      %dma_start3A_79 = tpu.memref_slice %arg9[%add3A_58, %dma_start3A_78] : memref<16384x64xf32, #tpu.memory_space<hbm>> -> memref<128x64xf32, #tpu.memory_space<hbm>>
      tpu.enqueue_dma source(%arg16 : memref<128x64xf32, #tpu.memory_space<vmem>>) target(%dma_start3A_79 : memref<128x64xf32, #tpu.memory_space<hbm>>) target_semaphore(%run_scoped3A : memref<!tpu.dma_semaphore, #tpu.memory_space<semaphore_mem>>)
      %dma_wait3A_80 = arith.constant 0 : i32
      %dma_wait3A_81 = tpu.memref_slice %arg9[%add3A_58, %dma_wait3A_80] : memref<16384x64xf32, #tpu.memory_space<hbm>> -> memref<128x64xf32, #tpu.memory_space<hbm>>
      %dma_wait3A_82 = arith.constant 0 : i32
      %dma_wait3A_83 = tpu.memref_slice %arg9[%add3A_58, %dma_wait3A_82] : memref<16384x64xf32, #tpu.memory_space<hbm>> -> memref<128x64xf32, #tpu.memory_space<hbm>>
      tpu.wait_dma2 semaphore(%run_scoped3A : memref<!tpu.dma_semaphore, #tpu.memory_space<semaphore_mem>>) src(%arg16 : memref<128x64xf32, #tpu.memory_space<vmem>>) dst(%dma_wait3A_83 : memref<128x64xf32, #tpu.memory_space<hbm>>)
      tpu.yield
    }) : () -> ()
    "tpu.region"() ({
      %run_scoped3A = tpu.sem_alloc : memref<!tpu.dma_semaphore, #tpu.memory_space<semaphore_mem>>
      %dma_start3A_76 = tpu.memref_slice %arg3[%add3A_58] : memref<16384xi32, #tpu.memory_space<hbm>> -> memref<128xi32, #tpu.memory_space<hbm>>
      %dma_start3A_77 = tpu.memref_slice %arg3[%add3A_58] : memref<16384xi32, #tpu.memory_space<hbm>> -> memref<128xi32, #tpu.memory_space<hbm>>
      tpu.enqueue_dma source(%dma_start3A_77 : memref<128xi32, #tpu.memory_space<hbm>>) target(%arg13 : memref<128xi32, #tpu.memory_space<vmem>>) target_semaphore(%run_scoped3A : memref<!tpu.dma_semaphore, #tpu.memory_space<semaphore_mem>>)
      %dma_wait3A_78 = tpu.memref_slice %arg3[%add3A_58] : memref<16384xi32, #tpu.memory_space<hbm>> -> memref<128xi32, #tpu.memory_space<hbm>>
      %dma_wait3A_79 = tpu.memref_slice %arg3[%add3A_58] : memref<16384xi32, #tpu.memory_space<hbm>> -> memref<128xi32, #tpu.memory_space<hbm>>
      tpu.wait_dma2 semaphore(%run_scoped3A : memref<!tpu.dma_semaphore, #tpu.memory_space<semaphore_mem>>) src(%dma_wait3A_79 : memref<128xi32, #tpu.memory_space<hbm>>) dst(%arg13 : memref<128xi32, #tpu.memory_space<vmem>>)
      tpu.yield
    }) : () -> ()
    %dma_start3A_64 = arith.constant 0 : i32
    %dma_start3A_65 = arith.constant 0 : i32
    %dma_start3A_66 = tpu.memref_slice %arg7[%dma_start3A_64, %dma_start3A_65] : memref<100000x128xf32, #tpu.memory_space<hbm>> -> memref<100000x128xf32, #tpu.memory_space<hbm>>
    tpu.enqueue_indirect_dma source(%dma_start3A_66 : memref<100000x128xf32, #tpu.memory_space<hbm>>) target(%arg14 : memref<128x128xf32, #tpu.memory_space<vmem>>) offsets(%arg13 : memref<128xi32, #tpu.memory_space<vmem>>) semaphore(%arg18 : memref<!tpu.dma_semaphore, #tpu.memory_space<semaphore_mem>>)
    %dma_wait3A_67 = arith.constant 0 : i32
    %dma_wait3A_68 = arith.constant 0 : i32
    %dma_wait3A_69 = tpu.memref_slice %arg7[%dma_wait3A_67, %dma_wait3A_68] : memref<100000x128xf32, #tpu.memory_space<hbm>> -> memref<100000x128xf32, #tpu.memory_space<hbm>>
    tpu.wait_indirect_dma semaphore(%arg18 : memref<!tpu.dma_semaphore, #tpu.memory_space<semaphore_mem>>) src(%dma_wait3A_69 : memref<100000x128xf32, #tpu.memory_space<hbm>>) dst(%arg14 : memref<128x128xf32, #tpu.memory_space<vmem>>)
    "tpu.region"() ({
      %run_scoped3A = tpu.sem_alloc : memref<!tpu.dma_semaphore, #tpu.memory_space<semaphore_mem>>
      %dma_start3A_76 = arith.constant 0 : i32
      %dma_start3A_77 = tpu.memref_slice %arg10[%add3A_58, %dma_start3A_76] : memref<16384x128xf32, #tpu.memory_space<hbm>> -> memref<128x128xf32, #tpu.memory_space<hbm>>
      %dma_start3A_78 = arith.constant 0 : i32
      %dma_start3A_79 = tpu.memref_slice %arg10[%add3A_58, %dma_start3A_78] : memref<16384x128xf32, #tpu.memory_space<hbm>> -> memref<128x128xf32, #tpu.memory_space<hbm>>
      tpu.enqueue_dma source(%arg14 : memref<128x128xf32, #tpu.memory_space<vmem>>) target(%dma_start3A_79 : memref<128x128xf32, #tpu.memory_space<hbm>>) target_semaphore(%run_scoped3A : memref<!tpu.dma_semaphore, #tpu.memory_space<semaphore_mem>>)
      %dma_wait3A_80 = arith.constant 0 : i32
      %dma_wait3A_81 = tpu.memref_slice %arg10[%add3A_58, %dma_wait3A_80] : memref<16384x128xf32, #tpu.memory_space<hbm>> -> memref<128x128xf32, #tpu.memory_space<hbm>>
      %dma_wait3A_82 = arith.constant 0 : i32
      %dma_wait3A_83 = tpu.memref_slice %arg10[%add3A_58, %dma_wait3A_82] : memref<16384x128xf32, #tpu.memory_space<hbm>> -> memref<128x128xf32, #tpu.memory_space<hbm>>
      tpu.wait_dma2 semaphore(%run_scoped3A : memref<!tpu.dma_semaphore, #tpu.memory_space<semaphore_mem>>) src(%arg14 : memref<128x128xf32, #tpu.memory_space<vmem>>) dst(%dma_wait3A_83 : memref<128x128xf32, #tpu.memory_space<hbm>>)
      tpu.yield
    }) : () -> ()
    "tpu.region"() ({
      %run_scoped3A = tpu.sem_alloc : memref<!tpu.dma_semaphore, #tpu.memory_space<semaphore_mem>>
      %dma_start3A_76 = tpu.memref_slice %arg4[%add3A_58] : memref<16384xi32, #tpu.memory_space<hbm>> -> memref<128xi32, #tpu.memory_space<hbm>>
      %dma_start3A_77 = tpu.memref_slice %arg4[%add3A_58] : memref<16384xi32, #tpu.memory_space<hbm>> -> memref<128xi32, #tpu.memory_space<hbm>>
      tpu.enqueue_dma source(%dma_start3A_77 : memref<128xi32, #tpu.memory_space<hbm>>) target(%arg13 : memref<128xi32, #tpu.memory_space<vmem>>) target_semaphore(%run_scoped3A : memref<!tpu.dma_semaphore, #tpu.memory_space<semaphore_mem>>)
      %dma_wait3A_78 = tpu.memref_slice %arg4[%add3A_58] : memref<16384xi32, #tpu.memory_space<hbm>> -> memref<128xi32, #tpu.memory_space<hbm>>
      %dma_wait3A_79 = tpu.memref_slice %arg4[%add3A_58] : memref<16384xi32, #tpu.memory_space<hbm>> -> memref<128xi32, #tpu.memory_space<hbm>>
      tpu.wait_dma2 semaphore(%run_scoped3A : memref<!tpu.dma_semaphore, #tpu.memory_space<semaphore_mem>>) src(%dma_wait3A_79 : memref<128xi32, #tpu.memory_space<hbm>>) dst(%arg13 : memref<128xi32, #tpu.memory_space<vmem>>)
      tpu.yield
    }) : () -> ()
    %dma_start3A_70 = arith.constant 0 : i32
    %dma_start3A_71 = arith.constant 0 : i32
    %dma_start3A_72 = tpu.memref_slice %arg7[%dma_start3A_70, %dma_start3A_71] : memref<100000x128xf32, #tpu.memory_space<hbm>> -> memref<100000x128xf32, #tpu.memory_space<hbm>>
    tpu.enqueue_indirect_dma source(%dma_start3A_72 : memref<100000x128xf32, #tpu.memory_space<hbm>>) target(%arg14 : memref<128x128xf32, #tpu.memory_space<vmem>>) offsets(%arg13 : memref<128xi32, #tpu.memory_space<vmem>>) semaphore(%arg18 : memref<!tpu.dma_semaphore, #tpu.memory_space<semaphore_mem>>)
    %dma_wait3A_73 = arith.constant 0 : i32
    %dma_wait3A_74 = arith.constant 0 : i32
    %dma_wait3A_75 = tpu.memref_slice %arg7[%dma_wait3A_73, %dma_wait3A_74] : memref<100000x128xf32, #tpu.memory_space<hbm>> -> memref<100000x128xf32, #tpu.memory_space<hbm>>
    tpu.wait_indirect_dma semaphore(%arg18 : memref<!tpu.dma_semaphore, #tpu.memory_space<semaphore_mem>>) src(%dma_wait3A_75 : memref<100000x128xf32, #tpu.memory_space<hbm>>) dst(%arg14 : memref<128x128xf32, #tpu.memory_space<vmem>>)
    "tpu.region"() ({
      %run_scoped3A = tpu.sem_alloc : memref<!tpu.dma_semaphore, #tpu.memory_space<semaphore_mem>>
      %dma_start3A_76 = arith.constant 0 : i32
      %dma_start3A_77 = tpu.memref_slice %arg11[%add3A_58, %dma_start3A_76] : memref<16384x128xf32, #tpu.memory_space<hbm>> -> memref<128x128xf32, #tpu.memory_space<hbm>>
      %dma_start3A_78 = arith.constant 0 : i32
      %dma_start3A_79 = tpu.memref_slice %arg11[%add3A_58, %dma_start3A_78] : memref<16384x128xf32, #tpu.memory_space<hbm>> -> memref<128x128xf32, #tpu.memory_space<hbm>>
      tpu.enqueue_dma source(%arg14 : memref<128x128xf32, #tpu.memory_space<vmem>>) target(%dma_start3A_79 : memref<128x128xf32, #tpu.memory_space<hbm>>) target_semaphore(%run_scoped3A : memref<!tpu.dma_semaphore, #tpu.memory_space<semaphore_mem>>)
      %dma_wait3A_80 = arith.constant 0 : i32
      %dma_wait3A_81 = tpu.memref_slice %arg11[%add3A_58, %dma_wait3A_80] : memref<16384x128xf32, #tpu.memory_space<hbm>> -> memref<128x128xf32, #tpu.memory_space<hbm>>
      %dma_wait3A_82 = arith.constant 0 : i32
      %dma_wait3A_83 = tpu.memref_slice %arg11[%add3A_58, %dma_wait3A_82] : memref<16384x128xf32, #tpu.memory_space<hbm>> -> memref<128x128xf32, #tpu.memory_space<hbm>>
      tpu.wait_dma2 semaphore(%run_scoped3A : memref<!tpu.dma_semaphore, #tpu.memory_space<semaphore_mem>>) src(%arg14 : memref<128x128xf32, #tpu.memory_space<vmem>>) dst(%dma_wait3A_83 : memref<128x128xf32, #tpu.memory_space<hbm>>)
      tpu.yield
    }) : () -> ()
    return
  }
}

module attributes {stable_mosaic.version = 14 : i64} {
  func.func @_fuse_items_body(%arg0: i32, %arg1: memref<4000x64xf32, #tpu.memory_space<vmem>>, %arg2: memref<4000x512xf32, #tpu.memory_space<vmem>>, %arg3: memref<512x64xf32, #tpu.memory_space<vmem>>, %arg4: memref<4000x128xf32, #tpu.memory_space<vmem>>) attributes {dimension_semantics = [#tpu.dimension_semantics<arbitrary>], iteration_bounds = array<i64: 25>, scalar_prefetch = 0 : i64, scratch_operands = 0 : i64, tpu.core_type = #tpu.core_type<tc>, window_params = [{transform_indices = @transform_0, window_bounds = array<i64: 4000, 64>}, {transform_indices = @transform_1, window_bounds = array<i64: 4000, 512>}, {pipeline_mode = #tpu.pipeline_mode<synchronous>, transform_indices = @transform_2, window_bounds = array<i64: 512, 64>}, {transform_indices = @transform_3, window_bounds = array<i64: 4000, 128>}]} {
    %get3A = arith.constant 0 : index
    %get3A_0 = arith.constant 0 : index
    %get3A_1 = vector.load %arg1[%get3A, %get3A_0] : memref<4000x64xf32, #tpu.memory_space<vmem>>, vector<4000x64xf32>
    %swap3A = arith.constant 0 : index
    %swap3A_2 = arith.constant 0 : index
    %swap3A_3 = vector.load %arg4[%swap3A, %swap3A_2] : memref<4000x128xf32, #tpu.memory_space<vmem>>, vector<4000x64xf32>
    tpu.vector_store %arg4[%swap3A, %swap3A_2], %get3A_1 {strides = array<i32>} : memref<4000x128xf32, #tpu.memory_space<vmem>>, vector<4000x64xf32>,
    %get3A_4 = arith.constant 0 : index
    %get3A_5 = arith.constant 0 : index
    %get3A_6 = vector.load %arg2[%get3A_4, %get3A_5] : memref<4000x512xf32, #tpu.memory_space<vmem>>, vector<4000x512xf32>
    %get3A_7 = arith.constant 0 : index
    %get3A_8 = arith.constant 0 : index
    %get3A_9 = vector.load %arg3[%get3A_7, %get3A_8] : memref<512x64xf32, #tpu.memory_space<vmem>>, vector<512x64xf32>
    %dot_general3A = arith.constant dense<0.000000e+00> : vector<4000x64xf32>
    %dot_general3A_10 = tpu.matmul %get3A_6, %get3A_9, %dot_general3A {dimension_numbers = #tpu.dot_dimension_numbers<[1], [0], [0], [1], [0, 0, 1, 1], [], []>, transpose_lhs_hint = false} : vector<4000x512xf32>, vector<512x64xf32>, vector<4000x64xf32> -> vector<4000x64xf32>
    %swap3A_11 = arith.constant 0 : index
    %swap3A_12 = arith.constant 64 : index
    %swap3A_13 = vector.load %arg4[%swap3A_11, %swap3A_12] : memref<4000x128xf32, #tpu.memory_space<vmem>>, vector<4000x64xf32>
    tpu.vector_store %arg4[%swap3A_11, %swap3A_12], %dot_general3A_10 {strides = array<i32>} : memref<4000x128xf32, #tpu.memory_space<vmem>>, vector<4000x64xf32>,
    return
  }
  func.func @transform_0(%arg0: i32) -> (i32, i32) {
    %c0_i32 = arith.constant 0 : i32
    %c0_i32_0 = arith.constant 0 : i32
    return %arg0, %c0_i32 : i32, i32
  }
  func.func @transform_1(%arg0: i32) -> (i32, i32) {
    %c0_i32 = arith.constant 0 : i32
    %c0_i32_0 = arith.constant 0 : i32
    return %arg0, %c0_i32 : i32, i32
  }
  func.func @transform_2(%arg0: i32) -> (i32, i32) {
    %c0_i32 = arith.constant 0 : i32
    %c0_i32_0 = arith.constant 0 : i32
    %c0_i32_1 = arith.constant 0 : i32
    return %c0_i32, %c0_i32_0 : i32, i32
  }
  func.func @transform_3(%arg0: i32) -> (i32, i32) {
    %c0_i32 = arith.constant 0 : i32
    %c0_i32_0 = arith.constant 0 : i32
    return %arg0, %c0_i32 : i32, i32
  }
}

module attributes {stable_mosaic.version = 14 : i64} {
  func.func @_loss_body(%arg0: i32, %arg1: memref<2048x64xf32, #tpu.memory_space<vmem>>, %arg2: memref<2048x64xf32, #tpu.memory_space<vmem>>, %arg3: memref<2048x128xf32, #tpu.memory_space<vmem>>, %arg4: memref<2048x128xf32, #tpu.memory_space<vmem>>, %arg5: memref<1x1xf32, #tpu.memory_space<smem>>) attributes {dimension_semantics = [#tpu.dimension_semantics<arbitrary>], iteration_bounds = array<i64: 8>, scalar_prefetch = 0 : i64, scratch_operands = 0 : i64, tpu.core_type = #tpu.core_type<tc>, window_params = [{transform_indices = @transform_0, window_bounds = array<i64: 2048, 64>}, {transform_indices = @transform_1, window_bounds = array<i64: 2048, 64>}, {transform_indices = @transform_2, window_bounds = array<i64: 2048, 128>}, {transform_indices = @transform_3, window_bounds = array<i64: 2048, 128>}, {transform_indices = @transform_4, window_bounds = array<i64: 1, 1>}]} {
    %get3A = arith.constant 0 : index
    %get3A_0 = arith.constant 0 : index
    %get3A_1 = vector.load %arg1[%get3A, %get3A_0] : memref<2048x64xf32, #tpu.memory_space<vmem>>, vector<2048x64xf32>
    %get3A_2 = arith.constant 0 : index
    %get3A_3 = arith.constant 0 : index
    %get3A_4 = vector.load %arg2[%get3A_2, %get3A_3] : memref<2048x64xf32, #tpu.memory_space<vmem>>, vector<2048x64xf32>
    %concatenate3A = tpu.concatenate %get3A_1, %get3A_4 in 1 : vector<2048x64xf32>, vector<2048x64xf32> -> vector<2048x128xf32>
    %get3A_5 = arith.constant 0 : index
    %get3A_6 = arith.constant 0 : index
    %get3A_7 = vector.load %arg3[%get3A_5, %get3A_6] : memref<2048x128xf32, #tpu.memory_space<vmem>>, vector<2048x128xf32>
    %get3A_8 = arith.constant 0 : index
    %get3A_9 = arith.constant 0 : index
    %get3A_10 = vector.load %arg4[%get3A_8, %get3A_9] : memref<2048x128xf32, #tpu.memory_space<vmem>>, vector<2048x128xf32>
    %mul3A = arith.mulf %concatenate3A, %get3A_7 : vector<2048x128xf32>
    %reduce_sum3A = arith.constant dense<0.000000e+00> : vector<2048xf32>
    %reduce_sum3A_11 = vector.multi_reduction <add>, %mul3A, %reduce_sum3A [1] : vector<2048x128xf32> to vector<2048xf32>
    %mul3A_12 = arith.mulf %concatenate3A, %get3A_10 : vector<2048x128xf32>
    %reduce_sum3A_13 = arith.constant dense<0.000000e+00> : vector<2048xf32>
    %reduce_sum3A_14 = vector.multi_reduction <add>, %mul3A_12, %reduce_sum3A_13 [1] : vector<2048x128xf32> to vector<2048xf32>
    %sub3A = arith.subf %reduce_sum3A_11, %reduce_sum3A_14 : vector<2048xf32>
    %neg3A = arith.constant 0.000000e+00 : f32
    %neg3A_15 = vector.broadcast %neg3A : f32 to vector<2048xf32>
    %neg3A_16 = arith.subf %neg3A_15, %sub3A : vector<2048xf32>
    %max3A = arith.constant 0.000000e+00 : f32
    %max3A_17 = vector.broadcast %max3A : f32 to vector<2048xf32>
    %max3A_18 = arith.maximumf %neg3A_16, %max3A_17 : vector<2048xf32>
    %abs3A = math.absf %sub3A : vector<2048xf32>
    %neg3A_19 = arith.constant 0.000000e+00 : f32
    %neg3A_20 = vector.broadcast %neg3A_19 : f32 to vector<2048xf32>
    %neg3A_21 = arith.subf %neg3A_20, %abs3A : vector<2048xf32>
    %exp3A = math.exp %neg3A_21 : vector<2048xf32>
    %log1p3A = math.log1p %exp3A : vector<2048xf32>
    %add3A = arith.addf %max3A_18, %log1p3A : vector<2048xf32>
    %mul3A_22 = arith.mulf %get3A_1, %get3A_1 : vector<2048x64xf32>
    %reduce_sum3A_23 = arith.constant dense<0.000000e+00> : vector<2048xf32>
    %reduce_sum3A_24 = vector.multi_reduction <add>, %mul3A_22, %reduce_sum3A_23 [1] : vector<2048x64xf32> to vector<2048xf32>
    %slice3A = vector.extract_strided_slice %get3A_7 {offsets = [0, 0], sizes = [2048, 64], strides = [1, 1]} : vector<2048x128xf32> to vector<2048x64xf32>
    %slice3A_25 = vector.extract_strided_slice %get3A_7 {offsets = [0, 0], sizes = [2048, 64], strides = [1, 1]} : vector<2048x128xf32> to vector<2048x64xf32>
    %mul3A_26 = arith.mulf %slice3A, %slice3A_25 : vector<2048x64xf32>
    %reduce_sum3A_27 = arith.constant dense<0.000000e+00> : vector<2048xf32>
    %reduce_sum3A_28 = vector.multi_reduction <add>, %mul3A_26, %reduce_sum3A_27 [1] : vector<2048x64xf32> to vector<2048xf32>
    %add3A_29 = arith.addf %reduce_sum3A_24, %reduce_sum3A_28 : vector<2048xf32>
    %slice3A_30 = vector.extract_strided_slice %get3A_10 {offsets = [0, 0], sizes = [2048, 64], strides = [1, 1]} : vector<2048x128xf32> to vector<2048x64xf32>
    %slice3A_31 = vector.extract_strided_slice %get3A_10 {offsets = [0, 0], sizes = [2048, 64], strides = [1, 1]} : vector<2048x128xf32> to vector<2048x64xf32>
    %mul3A_32 = arith.mulf %slice3A_30, %slice3A_31 : vector<2048x64xf32>
    %reduce_sum3A_33 = arith.constant dense<0.000000e+00> : vector<2048xf32>
    %reduce_sum3A_34 = vector.multi_reduction <add>, %mul3A_32, %reduce_sum3A_33 [1] : vector<2048x64xf32> to vector<2048xf32>
    %add3A_35 = arith.addf %add3A_29, %reduce_sum3A_34 : vector<2048xf32>
    %mul3A_36 = arith.constant 5.000000e-01 : f32
    %mul3A_37 = vector.broadcast %mul3A_36 : f32 to vector<2048xf32>
    %mul3A_38 = arith.mulf %mul3A_37, %add3A_35 : vector<2048xf32>
    %mul3A_39 = arith.constant 9.99999974E-6 : f32
    %mul3A_40 = vector.broadcast %mul3A_39 : f32 to vector<2048xf32>
    %mul3A_41 = arith.mulf %mul3A_40, %mul3A_38 : vector<2048xf32>
    %add3A_42 = arith.addf %add3A, %mul3A_41 : vector<2048xf32>
    %reduce_sum3A_43 = vector.shape_cast %add3A_42 : vector<2048xf32> to vector<1x2048xf32>
    %reduce_sum3A_44 = arith.constant dense<0.000000e+00> : vector<1xf32>
    %reduce_sum3A_45 = vector.multi_reduction <add>, %reduce_sum3A_43, %reduce_sum3A_44 [1] : vector<1x2048xf32> to vector<1xf32>
    %reduce_sum3A_46 = vector.shape_cast %reduce_sum3A_45 : vector<1xf32> to vector<1x1xf32>
    %reduce_sum3A_47 = vector.extract %reduce_sum3A_46[0, 0] : f32 from vector<1x1xf32>
    %eq3A = arith.constant 0 : i32
    %eq3A_48 = arith.cmpi eq, %arg0, %eq3A : i32
    %convert_element_type3A = arith.extui %eq3A_48 : i1 to i32
    %cond3A = arith.constant 0 : i32
    %cond3A_49 = arith.cmpi ne, %convert_element_type3A, %cond3A : i32
    scf.if %cond3A_49 {
      %swap3A_61 = arith.constant 0.000000e+00 : f32
      %swap3A_62 = arith.constant 0 : index
      %swap3A_63 = arith.constant 0 : index
      %swap3A_64 = memref.load %arg5[%swap3A_62, %swap3A_63] : memref<1x1xf32, #tpu.memory_space<smem>>
      memref.store %swap3A_61, %arg5[%swap3A_62, %swap3A_63] : memref<1x1xf32, #tpu.memory_space<smem>>
    } else {
    }
    %get3A_50 = arith.constant 0 : index
    %get3A_51 = arith.constant 0 : index
    %get3A_52 = memref.load %arg5[%get3A_50, %get3A_51] : memref<1x1xf32, #tpu.memory_space<smem>>
    %add3A_53 = arith.addf %get3A_52, %reduce_sum3A_47 : f32
    %swap3A = arith.constant 0 : index
    %swap3A_54 = arith.constant 0 : index
    %swap3A_55 = memref.load %arg5[%swap3A, %swap3A_54] : memref<1x1xf32, #tpu.memory_space<smem>>
    memref.store %add3A_53, %arg5[%swap3A, %swap3A_54] : memref<1x1xf32, #tpu.memory_space<smem>>
    %eq3A_56 = arith.constant 7 : i32
    %eq3A_57 = arith.cmpi eq, %arg0, %eq3A_56 : i32
    %convert_element_type3A_58 = arith.extui %eq3A_57 : i1 to i32
    %cond3A_59 = arith.constant 0 : i32
    %cond3A_60 = arith.cmpi ne, %convert_element_type3A_58, %cond3A_59 : i32
    scf.if %cond3A_60 {
      %get3A_61 = arith.constant 0 : index
      %get3A_62 = arith.constant 0 : index
      %get3A_63 = memref.load %arg5[%get3A_61, %get3A_62] : memref<1x1xf32, #tpu.memory_space<smem>>
      %div3A = arith.constant 1.638400e+04 : f32
      %div3A_64 = arith.divf %get3A_63, %div3A : f32
      %swap3A_65 = arith.constant 0 : index
      %swap3A_66 = arith.constant 0 : index
      %swap3A_67 = memref.load %arg5[%swap3A_65, %swap3A_66] : memref<1x1xf32, #tpu.memory_space<smem>>
      memref.store %div3A_64, %arg5[%swap3A_65, %swap3A_66] : memref<1x1xf32, #tpu.memory_space<smem>>
    } else {
    }
    return
  }
  func.func @transform_0(%arg0: i32) -> (i32, i32) {
    %c0_i32 = arith.constant 0 : i32
    %c0_i32_0 = arith.constant 0 : i32
    return %arg0, %c0_i32 : i32, i32
  }
  func.func @transform_1(%arg0: i32) -> (i32, i32) {
    %c0_i32 = arith.constant 0 : i32
    %c0_i32_0 = arith.constant 0 : i32
    return %arg0, %c0_i32 : i32, i32
  }
  func.func @transform_2(%arg0: i32) -> (i32, i32) {
    %c0_i32 = arith.constant 0 : i32
    %c0_i32_0 = arith.constant 0 : i32
    return %arg0, %c0_i32 : i32, i32
  }
  func.func @transform_3(%arg0: i32) -> (i32, i32) {
    %c0_i32 = arith.constant 0 : i32
    %c0_i32_0 = arith.constant 0 : i32
    return %arg0, %c0_i32 : i32, i32
  }
  func.func @transform_4(%arg0: i32) -> (i32, i32) {
    %c0_i32 = arith.constant 0 : i32
    %c0_i32_0 = arith.constant 0 : i32
    %c0_i32_1 = arith.constant 0 : i32
    return %c0_i32, %c0_i32_0 : i32, i32
  }
}

</mosaic_0001>

<sc_bundles>
// kernel: kernel.5.cloned.1.call-start
scs
__scs_entry_jumppad:
0x0: {  	(pc) =	sbr.rel $0x88, $3  }
0x1: {  	(tag) =	ssettag $0x0;
	lr =	simm.s32 $0x1  }
0x2: {  	[smem:$0x3F99] =	sst lr;
	_ =	strace $0xD0000000  }
0x3: {  	_ = 	snop  }
0x4: {  	_ = 	snop  }
0x5: {  	_ = 	snop  }
0x6: {  	_ = 	snop  }
0x7: {  	_ = 	snop  }
__scs_overlays_trampoline_lowered:
0x8: {  	[smem:$0x3FA8] =	sst s0  }
0x9: {  	[smem:$0x3FA9] =	sst s1  }
0xa: {  	[smem:$0x3FAA] =	sst s2  }
0xb: {  	[smem:$0x3FAB] =	sst s3  }
0xc: {  	[smem:$0x3FAC] =	sst s4  }
0xd: {  	[smem:$0x3FAD] =	sst s5  }
0xe: {  	[smem:$0x3FAE] =	sst s6  }
0xf: {  	[smem:$0x3FAF] =	sst s7  }
0x10: {  	[smem:$0x3FB0] =	sst s8  }
0x11: {  	[smem:$0x3FB1] =	sst s9;
	s0 =	simm.s32 @!p0 $0x0  }
0x12: {  	s1 =	sld [smem:$0x3F97];
	s0 =	simm.s32 @p0 $0x1  }
0x13: {  	[smem:$0x3FB2] =	sst s0;
	s0 =	simm.s32 @!p1 $0x0  }
0x14: {  	s2 =	sld [smem:$0x3F96];
	s0 =	simm.s32 @p1 $0x1  }
0x15: {  	[smem:$0x3FB3] =	sst s0;
	s0 =	simm.s32 @!p2 $0x0  }
0x16: {  	s3 =	sld [smem:$0x3FDB];
	s0 =	simm.s32 @p2 $0x1  }
0x17: {  	s4 =	simm.s32 $0x1BF5;
	[smem:$0x3FB5] =	sst s0  }
0x18: {  	s0 =	sld [smem:$0x3F98];
	_ =	swait.ge [sflag:s4], $0x0  }
0x19: {  	s7 =	sld [smem:$0x3F99]  }
0x1a: {  	s8 =	sadd.s32 $0xFFFFE003, lr  }
0x1b: {  	s9 =	sadd.s32 $0xFFFFFEF7, lr;
	s5 =	simm.s32 $0xFFFFFFFF;
	p2 =	slt.u32 s8, $0xFFFFF086  }
0x1c: {  	p1 =	slt.u32 s9, $0xF7A;
	s5 =	simm.s32 @!p2 $0x0  }
0x1d: {  	s5 =	simm.s32 @p1 $0x1;
	p0 =	seq.s32 s7, s2  }
0x1e: {  	s7 =	smul.u32 @!p0 $0xF7A, s2;
	p2 =	seq.s32 @!p0 s5, $0x0  }
0x1f: {  	s9 =	smul.u32 $0xF7A, s1;
	s8 =	simm.s32 @!p0 $0x1BF5;
	p2 =	por !p2, p0  }
0x20: {  	[sflag:s8] =	ssyncset.s32 @!p0 $0xFFFFF086;
	s6 =	sadd.s32 @!p0 s3, s7;
	s7 =	simm.s32 @!p0 $0x108  }
0x21: {  	s3 =	sadd.s32 s3, s9;
	s6 =	sadd.s32 @!p0 $0x88, s6;
	s7 =	simm.s32 @p2 $0x1082  }
0x22: {  	[simem:s7], [sflag:s8] =	dma.local @!p0 [hbm:s6], $0xF7A  }
0x23: {  	s9 =	sor.u32 $0xD0000000, s2;
	s6 =	simm.s32 $0x108;
	_ =	swait.ge @!p0 [sflag:s8], $0x0  }
0x24: {  	s3 =	sadd.s32 $0x88, s3;
	s6 =	simm.s32 @!p1 $0x1082;
	[sflag:s4] =	ssyncset.s32 $0xFFFFF086  }
0x25: {  	[simem:s6], [sflag:s4] =	dma.local [hbm:s3], $0xF7A  }
0x26: {  	[smem:$0x3F99] =	sst s1;
	(tag) =	ssettag s2;
	_ =	strace s9  }
0x27: {  	s1 =	sld [smem:$0x3FA9]  }
0x28: {  	s2 =	sld [smem:$0x3FAA]  }
0x29: {  	s4 =	sld [smem:$0x3FAC]  }
0x2a: {  	p0 =	seq.s32 s5, $0x0;
	s5 =	sld [smem:$0x3FAD]  }
0x2b: {  	s6 =	sld [smem:$0x3FAE]  }
0x2c: {  	s7 =	sld [smem:$0x3FAF]  }
0x2d: {  	s3 =	simm.s32 $0x108;
	s8 =	sld [smem:$0x3FB0]  }
0x2e: {  	s3 =	simm.s32 @!p0 $0x1082;
	s9 =	sld [smem:$0x3FB1]  }
0x2f: {  	lr =	sadd.s32 s0, s3;
	s0 =	sld [smem:$0x3FA8]  }
0x30: {  	s3 =	sld [smem:$0x3FAB]  }
0x31: {  	[smem:$0x3FB4] =	sst s10  }
0x32: {  	s10 =	sld [smem:$0x3FB2];
	_ =	sdelay $0x3  }
0x33: {  	p0 =	seq.s32 s10, $0x1;
	s10 =	sld [smem:$0x3FB4];
	_ =	sdelay $0x3  }
0x34: {  	[smem:$0x3FB4] =	sst s10  }
0x35: {  	s10 =	sld [smem:$0x3FB3];
	_ =	sdelay $0x3  }
0x36: {  	p1 =	seq.s32 s10, $0x1;
	s10 =	sld [smem:$0x3FB4];
	_ =	sdelay $0x3  }
0x37: {  	[smem:$0x3FB4] =	sst s10  }
0x38: {  	s10 =	sld [smem:$0x3FB5]  }
0x39: {  	_ = 	snop;
	(pc) =	sbr.ind lr, $3  }
0x3a: {  	_ = 	snop  }
0x3b: {  	_ = 	snop  }
0x3c: {  	p2 =	seq.s32 s10, $0x1;
	s10 =	sld [smem:$0x3FB4]  }
0x3d: {  	_ =	shalt  }
0x3e: {  	_ =	shalt  }
0x3f: {  	_ =	shalt  }
0x40: {  	_ =	shalt  }
0x41: {  	_ =	shalt  }
0x42: {  	_ =	shalt  }
0x43: {  	_ =	shalt  }
0x44: {  	_ =	shalt  }
0x45: {  	_ =	shalt  }
0x46: {  	_ =	shalt  }
0x47: {  	_ =	shalt  }
0x48: {  	_ =	shalt  }
0x49: {  	_ =	shalt  }
0x4a: {  	_ =	shalt  }
0x4b: {  	_ =	shalt  }
0x4c: {  	_ =	shalt  }
0x4d: {  	_ =	shalt  }
0x4e: {  	_ =	shalt  }
0x4f: {  	_ =	shalt  }
0x50: {  	_ =	shalt  }
0x51: {  	_ =	shalt  }
0x52: {  	_ =	shalt  }
0x53: {  	_ =	shalt  }
0x54: {  	_ =	shalt  }
0x55: {  	_ =	shalt  }
0x56: {  	_ =	shalt  }
0x57: {  	_ =	shalt  }
0x58: {  	_ =	shalt  }
0x59: {  	_ =	shalt  }
0x5a: {  	_ =	shalt  }
0x5b: {  	_ =	shalt  }
0x5c: {  	_ =	shalt  }
0x5d: {  	_ =	shalt  }
0x5e: {  	_ =	shalt  }
0x5f: {  	_ =	shalt  }
0x60: {  	_ =	shalt  }
0x61: {  	_ =	shalt  }
0x62: {  	_ =	shalt  }
0x63: {  	_ =	shalt  }
0x64: {  	_ =	shalt  }
0x65: {  	_ =	shalt  }
0x66: {  	_ =	shalt  }
0x67: {  	_ =	shalt  }
0x68: {  	_ =	shalt  }
0x69: {  	_ =	shalt  }
0x6a: {  	_ =	shalt  }
0x6b: {  	_ =	shalt  }
0x6c: {  	_ =	shalt  }
0x6d: {  	_ =	shalt  }
0x6e: {  	_ =	shalt  }
0x6f: {  	_ =	shalt  }
0x70: {  	_ =	shalt  }
0x71: {  	_ =	shalt  }
0x72: {  	_ =	shalt  }
0x73: {  	_ =	shalt  }
0x74: {  	_ =	shalt  }
0x75: {  	_ =	shalt  }
0x76: {  	_ =	shalt  }
0x77: {  	_ =	shalt  }
0x78: {  	_ =	shalt  }
0x79: {  	_ =	shalt  }
0x7a: {  	_ =	shalt  }
0x7b: {  	_ =	shalt  }
0x7c: {  	_ =	shalt  }
0x7d: {  	_ =	shalt  }
0x7e: {  	_ =	shalt  }
0x7f: {  	_ =	shalt  }
0x80: {  	_ =	shalt  }
0x81: {  	_ =	shalt  }
0x82: {  	_ =	shalt  }
0x83: {  	_ =	shalt  }
0x84: {  	_ =	shalt  }
0x85: {  	_ =	shalt  }
0x86: {  	_ =	shalt  }
0x87: {  	_ =	shalt  }
.Lfunc_end0:
.L_simem_size_0:
called_computation_lowered:
.L_overlay_start_0:
0x88: {  	s2 =	sld [smem:$0x3FD9]  }
0x89: {  	s3 =	sld [smem:$0x3FFE];
	_ =	sdelay $0x1  }
0x8a: {  	s1 =	srdreg.scid  }
0x8b: {  	s0 =	sand.u32 $0x1, s1  }
0x8c: {  	s17 =	sshll.u32 s0, $0xA;
	s2 =	sadd.s32 s3, s2  }
0x8d: {  	s2 =	sadd.s32 s2, s17  }
0x8e: {  	[smem:$0x3FC0] =	sst s2  }
0x8f: {  	_ = 	snop  }
0x90: {  	s2 =	sld [smem:$0x3FC9]  }
0x91: {  	s18 =	sld [smem:$0x3FC8]  }
0x92: {  	s4 =	sld [smem:$0x3FC7];
	(tm) =	ssettm $0x1  }
0x93: {  	s5 =	sld [smem:$0x3FFB];
	_ =	sdelay $0x3  }
0x94: {  	_ =	strace s5  }
0x95: {  	s5 =	sld [smem:$0x3FFC];
	_ =	sdelay $0x3  }
0x96: {  	_ =	strace s5  }
0x97: {  	s5 =	sld [smem:$0x3FFD];
	_ =	sdelay $0x3  }
0x98: {  	_ =	strace s5  }
0x99: {  	_ =	strace $0x8FFFFFFF  }
0x9a: {  	s19 =	sld [smem:$0x3FDB];
	_ =	sdelay $0x1  }
0x9b: {  	s6 =	simm.s32 $_scs_section_size  }
0x9c: {  	s7 =	simm.s32 $_size__tile_overlayer_lowered;
	s8 =	simm.s32 $_tile_overlayer_lowered  }
0x9d: {  	s22 =	simm.s32 $0x1BFF;
	s21 =	sshll.u32 s8, $0x1;
	s5 =	sadd.s32 s6, s19  }
0x9e: {  	s9 =	simm.s32 $0x0;
	s20 =	sshll.u32 s7, $0x1;
	s7 =	sadd.s32 s21, s5  }
0x9f: {  	[timem:s9], [sflag:s22] =	dma.local [hbm:s7], s20  }
0xa0: {  	_ =	swait.ge [sflag:s22], s20  }
0xa1: {  	s6 =	ssub.s32 $0x0, s20;
	[sflag:s22] =	ssyncset.done $0x0  }
0xa2: {  	[sflag:s22] =	ssyncadd.s32 s6;
	_ =	sdelay $0x1  }
0xa3: {  	s23 =	simm.s32 $0x1B8B  }
0xa4: {  	_ =	swait.ge [sflag:s23], $0x1  }
0xa5: {  	[sflag:s23] =	ssyncset.done $0x0  }
0xa6: {  	s25 =	simm.s32 $0x1B8E;
	s24 =	sld [smem:$0x3FFE];
	[sflag:s23] =	ssyncadd.s32 $0xFFFFFFFF  }
0xa7: {  	s26 =	simm.s32 $execute0_lowered;
	[smem:$0x3FD2] =	sst s25  }
0xa8: {  	s7 =	sshll.u32 s26, $0x1;
	_ =	strace $0x80000046;
	[dreg:$0x1] =	wrdreg $0xFFFFFFFF  }
0xa9: {  	s28 =	simm.s32 $_size_execute0_lowered;
	s5 =	sadd.s32 s5, s7;
	[dreg:$0x0] =	wrdreg $0x0  }
0xaa: {  	s7 =	sshll.u32 s28, $0x1;
	[dreg:$0x2] =	wrdreg s5  }
0xab: {  	[dreg:$0x3] =	wrdreg s7  }
0xac: {  	[dreg:$0x4] =	wrdreg $0xC0  }
0xad: {  	_ =	task [dreg:s9], $0x5FFFF  }
0xae: {  	[dreg:$0x1] =	wrdreg $0xFFFFFFFF  }
0xaf: {  	[dreg:$0x0] =	wrdreg $0x60  }
0xb0: {  	[dreg:$0x2] =	wrdreg s2  }
0xb1: {  	[dreg:$0x3] =	wrdreg s18  }
0xb2: {  	[dreg:$0x4] =	wrdreg s4  }
0xb3: {  	[dreg:$0x5] =	wrdreg s24  }
0xb4: {  	[dreg:$0x6] =	wrdreg $0x9  }
0xb5: {  	_ =	task.clear_ibuf [dreg:s9], $0x7FFFF;
	_ =	strace $0x90000046  }
0xb6: {  	s29 =	simm.s32 $0x9;
	_ =	strace $0x80000048  }
0xb7: {  	_ =	swait.ge [sflag:s29], $0x1  }
0xb8: {  	[sflag:s29] =	ssyncadd.s32 $0xFFFFFFFF  }
0xb9: {  	_ =	strace $0x90000048  }
0xba: {  	_ =	sfence  }
0xbb: {  	s30 =	sld [smem:$0x0];
	_ =	sdelay $0x2  }
0xbc: {  	s31 =	sshll.u32 s1, $0xD;
	s1 =	sshrl.u32 s1, $0x2  }
0xbd: {  	s3 =	sand.u32 $0x4000, s31;
	s1 =	sadd.s32 s1, s30  }
0xbe: {  	s0 =	sor.u32 s3, s0;
	s1 =	sshll.u32 s1, $0x11  }
0xbf: {  	s0 =	sor.u32 s1, s0  }
0xc0: {  	s0 =	sadd.s32 $0x8F2B, s0  }
0xc1: {  	[sflag:s0] =	ssyncadd.remote.s32 $0x1  }
0xc2: {  	_ =	sfence.sel $0xFFFF  }
0xc3: {  	[dreg:$0x0] =	wrdreg $0xFFFFFFFF;
	(pc) =	sbr.abs _section_cstart, $3  }
0xc4: {  	[dreg:$0x1] =	wrdreg $0xFFFFFFFF  }
0xc5: {  	_ =	task.clear_ibuf [dreg:s9], $0x2FFFF;
	_ =	strace $0x9FFFFFFF  }
0xc6: {  	(tm) =	ssettm $0x7FFFFFFF  }
0xc7: {  	_ =	shalt  }
tec
execute0_lowered:
.L_overlay_start_1:
0x0: {  	(tag) =	ssettag $0x1  }
0x1: {  	s0 =	rddreg [dreg:$0x0]  }
0x2: {  	s2 =	rddreg [dreg:$0x1]  }
0x3: {  	s3 =	rddreg [dreg:$0x2]  }
0x4: {  	s4 =	rddreg [dreg:$0x3];
	s1 =	simm.s32 $0x0;
	s5 =	srdreg.scid  }
0x5: {  	s8 =	stileid.u32;
	[smem:$0x7FF] =	sst s1  }
0x6: {  	s6 =	sadd.s32 $0xE00, s4;
	s5 =	sand.u32 $0x1, s5;
	s7 =	sadd.s32 $0x40E00, s4  }
0x7: {  	s8 =	sshll.u32 s8, $0xA;
	s10 =	sadd.s32 $0x80E00, s4;
	s9 =	sshll.u32 s5, $0x9  }
0x8: {  	s31 =	sadd.s32 $0x189800, s4;
	s5 =	ssub.s32 $0x2, s5;
	s8 =	sor.u32 s9, s8  }
0x9: {  	_ =	strace $0x80000047;
	s11 =	sshrl.u32 s5, $0x1;
	s12 =	sshrl.u32 s8, $0x3  }
0xa: {  	s9 =	sadd.s32 $0xC0E00, s4;
	s5 =	ssub.s32 s5, s11;
	s16 =	sadd.s32 s0, s12  }
0xb: {  	s17 =	sor.u32 $0x80, s8;
	s14 =	sadd.s32 s2, s12;
	[dreg:$0x5] =	wrdreg s16  }
0xc: {  	s18 =	sshrl.u32 s17, $0x3;
	s12 =	sadd.s32 s3, s12;
	[dreg:$0x6] =	wrdreg s14  }
0xd: {  	s13 =	sshll.u32 s8, $0x4;
	[dreg:$0x7] =	wrdreg s12;
	s19 =	sadd.s32 s0, s18  }
0xe: {  	s20 =	sor.u32 $0x100, s8;
	s15 =	sadd.s32 s2, s18;
	[dreg:$0x8] =	wrdreg s19  }
0xf: {  	s23 =	sshrl.u32 s20, $0x3;
	s14 =	sadd.s32 s3, s18;
	[dreg:$0x9] =	wrdreg s15  }
0x10: {  	s8 =	sor.u32 $0x180, s8;
	s24 =	sadd.s32 s0, s23;
	[dreg:$0xa] =	wrdreg s14  }
0x11: {  	s25 =	sshrl.u32 s8, $0x3;
	s16 =	sadd.s32 s2, s23;
	[dreg:$0xb] =	wrdreg s24  }
0x12: {  	s11 =	sshll.u32 s17, $0x4;
	s0 =	sadd.s32 s0, s25;
	[dreg:$0xc] =	wrdreg s16  }
0x13: {  	s26 =	sadd.s32 s2, s25;
	s2 =	sadd.s32 s3, s25;
	[dreg:$0xe] =	wrdreg s0  }
0x14: {  	s17 =	sadd.s32 s6, s11;
	s18 =	sadd.s32 s7, s11;
	[dreg:$0xf] =	wrdreg s26  }
0x15: {  	s21 =	sadd.s32 s10, s11;
	s22 =	sadd.s32 s9, s11;
	[dreg:$0x10] =	wrdreg s2  }
0x16: {  	s11 =	simm.s32 $0x2;
	s12 =	simm.s32 $0x0;
	[dreg:$0x15] =	wrdreg s17  }
0x17: {  	s15 =	sadd.s32 s3, s23;
	s3 =	sadd.s32 s6, s13;
	[dreg:$0x16] =	wrdreg s18  }
0x18: {  	s14 =	sadd.s32 s7, s13;
	s16 =	sadd.s32 s9, s13;
	[dreg:$0xd] =	wrdreg s15  }
0x19: {  	s19 =	sshll.u32 s20, $0x4;
	s20 =	sshll.u32 s8, $0x4;
	[dreg:$0x11] =	wrdreg s3  }
0x1a: {  	s2 =	sadd.s32 $0x10CBC00, s4;
	s8 =	simm.s32 $0x8100;
	[dreg:$0x12] =	wrdreg s14  }
0x1b: {  	s15 =	sadd.s32 s10, s13;
	[dreg:$0x14] =	wrdreg s16;
	s23 =	sadd.s32 s6, s19  }
0x1c: {  	s24 =	sadd.s32 s7, s19;
	s25 =	sadd.s32 s10, s19;
	s26 =	sadd.s32 s9, s19  }
0x1d: {  	s28 =	sadd.s32 s6, s20;
	s29 =	sadd.s32 s7, s20;
	s30 =	sadd.s32 s10, s20  }
0x1e: {  	s0 =	sadd.s32 s9, s20;
	s3 =	sadd.s32 $0x200E000, s4;
	s4 =	smax.u32 s5, $0x1  }
0x1f: {  	s5 =	simm.s32 $0x3;
	s6 =	simm.s32 $0x1;
	s7 =	simm.s32 $0x4100  }
0x20: {  	s9 =	simm.s32 $0x80;
	s10 =	simm.s32 $0x100;
	[dreg:$0x13] =	wrdreg s15  }
.LBB2_1:
0x21: {  	s13 =	rddreg [dreg:$0x5]  }
0x22: {  	[tilespmem:s1], [sflag:$0x3] =	stream.linear.gather [hbm4b:s13+s1], $0x80, $0x38;
	[tilespmem:$0xC100] =	vst v63  }
0x23: {  	_ =	swait.ge [sflag:s5], $0x80  }
0x24: {  	[sflag:s5] =	ssyncset.done $0x0  }
0x25: {  	[sflag:s5] =	ssyncadd.s32 $0xFFFFFF80  }
0x26: {  	v0 =	vld [tilespmem:s1+$0x0];
	_ =	sdelay $0x4  }
0x27: {  	v0 =	vshll.u32 v0, $0x4  }
0x28: {  	(v2sf) =	vpush v0, $0x0;
	_ =	sdelay $0x1  }
0x29: {  	(v2sf) =	vpush v0, $0x1;
	_ =	sdelay $0x3  }
0x2a: {  	(v2sf) =	vpush v0, $0x2;
	_ =	sdelay $0x3  }
0x2b: {  	(v2sf) =	vpush v0, $0x3;
	_ =	sdelay $0x3  }
0x2c: {  	(v2sf) =	vpush v0, $0x4  }
0x2d: {  	s16 =	spop (v2sf)  }
0x2e: {  	s13 =	sand.u32 $0x1FFFFFF0, s16  }
0x2f: {  	s14 =	simm.s32 $0x4100;
	s15 =	spop (v2sf);
	s16 =	sadd.s32 s31, s13  }
0x30: {  	(v2sf) =	vpush v0, $0x5;
	[tilespmem:s14], [sflag:$0x1] =	stream.linear.gather [hbm4b:s16+s1], $0x80, $0x38;
	[tilespmem:$0xC100] =	vst v63  }
0x31: {  	s17 =	simm.s32 $0x8100;
	s13 =	sadd.s32 s2, s13;
	s15 =	sand.u32 $0x1FFFFFF0, s15  }
0x32: {  	[tilespmem:s17], [sflag:$0x1] =	stream.linear.gather [hbm4b:s13+s1], $0x80, $0x38;
	[tilespmem:$0xC100] =	vst v63  }
0x33: {  	s20 =	simm.s32 $0x4180;
	s19 =	spop (v2sf);
	s18 =	sadd.s32 s31, s15  }
0x34: {  	(v2sf) =	vpush v0, $0x6;
	[tilespmem:s20], [sflag:$0x1] =	stream.linear.gather [hbm4b:s18+s1], $0x80, $0x38;
	[tilespmem:$0xC100] =	vst v63  }
0x35: {  	s16 =	sadd.s32 s2, s15;
	s14 =	sand.u32 $0x1FFFFFF0, s19;
	s17 =	simm.s32 $0x8180  }
0x36: {  	[tilespmem:s17], [sflag:$0x1] =	stream.linear.gather [hbm4b:s16+s1], $0x80, $0x38;
	[tilespmem:$0xC100] =	vst v63  }
0x37: {  	s19 =	sadd.s32 s31, s14;
	s18 =	simm.s32 $0x4200;
	s20 =	spop (v2sf)  }
0x38: {  	(v2sf) =	vpush v0, $0x7;
	[tilespmem:s18], [sflag:$0x1] =	stream.linear.gather [hbm4b:s19+s1], $0x80, $0x38;
	[tilespmem:$0xC100] =	vst v63  }
0x39: {  	s15 =	simm.s32 $0x8200;
	s14 =	sadd.s32 s2, s14;
	s17 =	sand.u32 $0x1FFFFFF0, s20  }
0x3a: {  	[tilespmem:s15], [sflag:$0x1] =	stream.linear.gather [hbm4b:s14+s1], $0x80, $0x38;
	[tilespmem:$0xC100] =	vst v63  }
0x3b: {  	s20 =	spop (v2sf);
	s18 =	simm.s32 $0x4280;
	s19 =	sadd.s32 s31, s17  }
0x3c: {  	(v2sf) =	vpush v0, $0x8;
	[tilespmem:s18], [sflag:$0x1] =	stream.linear.gather [hbm4b:s19+s1], $0x80, $0x38;
	[tilespmem:$0xC100] =	vst v63  }
0x3d: {  	s14 =	sadd.s32 s2, s17;
	s15 =	simm.s32 $0x8280;
	s17 =	sand.u32 $0x1FFFFFF0, s20  }
0x3e: {  	[tilespmem:s15], [sflag:$0x1] =	stream.linear.gather [hbm4b:s14+s1], $0x80, $0x38;
	[tilespmem:$0xC100] =	vst v63  }
0x3f: {  	s18 =	simm.s32 $0x4300;
	s19 =	sadd.s32 s31, s17;
	s20 =	spop (v2sf)  }
0x40: {  	(v2sf) =	vpush v0, $0x9;
	[tilespmem:s18], [sflag:$0x1] =	stream.linear.gather [hbm4b:s19+s1], $0x80, $0x38;
	[tilespmem:$0xC100] =	vst v63  }
0x41: {  	s14 =	sadd.s32 s2, s17;
	s15 =	simm.s32 $0x8300;
	s17 =	sand.u32 $0x1FFFFFF0, s20  }
0x42: {  	[tilespmem:s15], [sflag:$0x1] =	stream.linear.gather [hbm4b:s14+s1], $0x80, $0x38;
	[tilespmem:$0xC100] =	vst v63  }
0x43: {  	s20 =	spop (v2sf);
	s18 =	simm.s32 $0x4380;
	s19 =	sadd.s32 s31, s17  }
0x44: {  	(v2sf) =	vpush v0, $0xA;
	[tilespmem:s18], [sflag:$0x1] =	stream.linear.gather [hbm4b:s19+s1], $0x80, $0x38;
	[tilespmem:$0xC100] =	vst v63  }
0x45: {  	s14 =	sadd.s32 s2, s17;
	s15 =	simm.s32 $0x8380;
	s17 =	sand.u32 $0x1FFFFFF0, s20  }
0x46: {  	[tilespmem:s15], [sflag:$0x1] =	stream.linear.gather [hbm4b:s14+s1], $0x80, $0x38;
	[tilespmem:$0xC100] =	vst v63  }
0x47: {  	s20 =	spop (v2sf);
	s18 =	simm.s32 $0x4400;
	s19 =	sadd.s32 s31, s17  }
0x48: {  	(v2sf) =	vpush v0, $0xB;
	[tilespmem:s18], [sflag:$0x1] =	stream.linear.gather [hbm4b:s19+s1], $0x80, $0x38;
	[tilespmem:$0xC100] =	vst v63  }
0x49: {  	s14 =	sadd.s32 s2, s17;
	s15 =	simm.s32 $0x8400;
	s17 =	sand.u32 $0x1FFFFFF0, s20  }
0x4a: {  	[tilespmem:s15], [sflag:$0x1] =	stream.linear.gather [hbm4b:s14+s1], $0x80, $0x38;
	[tilespmem:$0xC100] =	vst v63  }
0x4b: {  	s20 =	spop (v2sf);
	s18 =	simm.s32 $0x4480;
	s19 =	sadd.s32 s31, s17  }
0x4c: {  	(v2sf) =	vpush v0, $0xC;
	[tilespmem:s18], [sflag:$0x1] =	stream.linear.gather [hbm4b:s19+s1], $0x80, $0x38;
	[tilespmem:$0xC100] =	vst v63  }
0x4d: {  	s14 =	sadd.s32 s2, s17;
	s15 =	simm.s32 $0x8480;
	s17 =	sand.u32 $0x1FFFFFF0, s20  }
0x4e: {  	[tilespmem:s15], [sflag:$0x1] =	stream.linear.gather [hbm4b:s14+s1], $0x80, $0x38;
	[tilespmem:$0xC100] =	vst v63  }
0x4f: {  	s20 =	spop (v2sf);
	s18 =	simm.s32 $0x4500;
	s19 =	sadd.s32 s31, s17  }
0x50: {  	(v2sf) =	vpush v0, $0xD;
	[tilespmem:s18], [sflag:$0x1] =	stream.linear.gather [hbm4b:s19+s1], $0x80, $0x38;
	[tilespmem:$0xC100] =	vst v63  }
0x51: {  	s14 =	sadd.s32 s2, s17;
	s15 =	simm.s32 $0x8500;
	s17 =	sand.u32 $0x1FFFFFF0, s20  }
0x52: {  	[tilespmem:s15], [sflag:$0x1] =	stream.linear.gather [hbm4b:s14+s1], $0x80, $0x38;
	[tilespmem:$0xC100] =	vst v63  }
0x53: {  	s20 =	spop (v2sf);
	s18 =	simm.s32 $0x4580;
	s19 =	sadd.s32 s31, s17  }
0x54: {  	(v2sf) =	vpush v0, $0xE;
	[tilespmem:s18], [sflag:$0x1] =	stream.linear.gather [hbm4b:s19+s1], $0x80, $0x38;
	[tilespmem:$0xC100] =	vst v63  }
0x55: {  	s14 =	sadd.s32 s2, s17;
	s15 =	simm.s32 $0x8580;
	s17 =	sand.u32 $0x1FFFFFF0, s20  }
0x56: {  	[tilespmem:s15], [sflag:$0x1] =	stream.linear.gather [hbm4b:s14+s1], $0x80, $0x38;
	[tilespmem:$0xC100] =	vst v63  }
0x57: {  	s20 =	spop (v2sf);
	s18 =	simm.s32 $0x4600;
	s19 =	sadd.s32 s31, s17  }
0x58: {  	(v2sf) =	vpush v0, $0xF;
	[tilespmem:s18], [sflag:$0x1] =	stream.linear.gather [hbm4b:s19+s1], $0x80, $0x38;
	[tilespmem:$0xC100] =	vst v63  }
0x59: {  	s14 =	sadd.s32 s2, s17;
	s15 =	simm.s32 $0x8600;
	s17 =	sand.u32 $0x1FFFFFF0, s20  }
0x5a: {  	[tilespmem:s15], [sflag:$0x1] =	stream.linear.gather [hbm4b:s14+s1], $0x80, $0x38;
	[tilespmem:$0xC100] =	vst v63  }
0x5b: {  	s20 =	spop (v2sf);
	s18 =	simm.s32 $0x4680;
	s19 =	sadd.s32 s31, s17  }
0x5c: {  	[tilespmem:s18], [sflag:$0x1] =	stream.linear.gather [hbm4b:s19+s1], $0x80, $0x38;
	[tilespmem:$0xC100] =	vst v63  }
0x5d: {  	s14 =	sadd.s32 s2, s17;
	s15 =	simm.s32 $0x8680;
	s17 =	sand.u32 $0x1FFFFFF0, s20  }
0x5e: {  	[tilespmem:s15], [sflag:$0x1] =	stream.linear.gather [hbm4b:s14+s1], $0x80, $0x38;
	[tilespmem:$0xC100] =	vst v63  }
0x5f: {  	s20 =	spop (v2sf);
	s18 =	simm.s32 $0x4700;
	s19 =	sadd.s32 s31, s17  }
0x60: {  	[tilespmem:s18], [sflag:$0x1] =	stream.linear.gather [hbm4b:s19+s1], $0x80, $0x38;
	[tilespmem:$0xC100] =	vst v63  }
0x61: {  	s14 =	sadd.s32 s2, s17;
	s15 =	simm.s32 $0x8700;
	s17 =	sand.u32 $0x1FFFFFF0, s20  }
0x62: {  	[tilespmem:s15], [sflag:$0x1] =	stream.linear.gather [hbm4b:s14+s1], $0x80, $0x38;
	[tilespmem:$0xC100] =	vst v63  }
0x63: {  	s20 =	spop (v2sf);
	s18 =	simm.s32 $0x4780;
	s19 =	sadd.s32 s31, s17  }
0x64: {  	[tilespmem:s18], [sflag:$0x1] =	stream.linear.gather [hbm4b:s19+s1], $0x80, $0x38;
	[tilespmem:$0xC100] =	vst v63  }
0x65: {  	s14 =	sadd.s32 s2, s17;
	s15 =	simm.s32 $0x8780;
	s17 =	sand.u32 $0x1FFFFFF0, s20  }
0x66: {  	[tilespmem:s15], [sflag:$0x1] =	stream.linear.gather [hbm4b:s14+s1], $0x80, $0x38;
	[tilespmem:$0xC100] =	vst v63  }
0x67: {  	s20 =	spop (v2sf);
	s18 =	simm.s32 $0x4800;
	s19 =	sadd.s32 s31, s17  }
0x68: {  	[tilespmem:s18], [sflag:$0x1] =	stream.linear.gather [hbm4b:s19+s1], $0x80, $0x38;
	[tilespmem:$0xC100] =	vst v63  }
0x69: {  	s16 =	sand.u32 $0x1FFFFFF0, s20;
	s14 =	sadd.s32 s2, s17;
	s15 =	simm.s32 $0x8800  }
0x6a: {  	[tilespmem:s15], [sflag:$0x1] =	stream.linear.gather [hbm4b:s14+s1], $0x80, $0x38;
	[tilespmem:$0xC100] =	vst v63  }
0x6b: {  	s17 =	simm.s32 $0x4880;
	s18 =	sadd.s32 s31, s16  }
0x6c: {  	[tilespmem:s17], [sflag:$0x1] =	stream.linear.gather [hbm4b:s18+s1], $0x80, $0x38;
	[tilespmem:$0xC100] =	vst v63  }
0x6d: {  	s20 =	sadd.s32 s2, s16;
	s19 =	simm.s32 $0x8880  }
0x6e: {  	[tilespmem:s19], [sflag:$0x1] =	stream.linear.gather [hbm4b:s20+s1], $0x80, $0x38;
	[tilespmem:$0xC100] =	vst v63  }
0x6f: {  	_ =	swait.ge [sflag:s6], $0x80  }
0x70: {  	[sflag:s6] =	ssyncset.done $0x0  }
0x71: {  	[sflag:s6] =	ssyncadd.s32 $0xFFFFFF80  }
0x72: {  	_ =	swait.ge [sflag:s6], $0x80  }
0x73: {  	[sflag:s6] =	ssyncset.done $0x0  }
0x74: {  	[sflag:s6] =	ssyncadd.s32 $0xFFFFFF80  }
0x75: {  	_ =	swait.ge [sflag:s6], $0x80  }
0x76: {  	[sflag:s6] =	ssyncset.done $0x0  }
0x77: {  	[sflag:s6] =	ssyncadd.s32 $0xFFFFFF80  }
0x78: {  	_ =	swait.ge [sflag:s6], $0x80  }
0x79: {  	[sflag:s6] =	ssyncset.done $0x0  }
0x7a: {  	[sflag:s6] =	ssyncadd.s32 $0xFFFFFF80  }
0x7b: {  	_ =	swait.ge [sflag:s6], $0x80  }
0x7c: {  	[sflag:s6] =	ssyncset.done $0x0  }
0x7d: {  	[sflag:s6] =	ssyncadd.s32 $0xFFFFFF80  }
0x7e: {  	_ =	swait.ge [sflag:s6], $0x80  }
0x7f: {  	[sflag:s6] =	ssyncset.done $0x0  }
0x80: {  	[sflag:s6] =	ssyncadd.s32 $0xFFFFFF80  }
0x81: {  	_ =	swait.ge [sflag:s6], $0x80  }
0x82: {  	[sflag:s6] =	ssyncset.done $0x0  }
0x83: {  	[sflag:s6] =	ssyncadd.s32 $0xFFFFFF80  }
0x84: {  	_ =	swait.ge [sflag:s6], $0x80  }
0x85: {  	[sflag:s6] =	ssyncset.done $0x0  }
0x86: {  	[sflag:s6] =	ssyncadd.s32 $0xFFFFFF80  }
0x87: {  	_ =	swait.ge [sflag:s6], $0x80  }
0x88: {  	[sflag:s6] =	ssyncset.done $0x0  }
0x89: {  	[sflag:s6] =	ssyncadd.s32 $0xFFFFFF80  }
0x8a: {  	_ =	swait.ge [sflag:s6], $0x80  }
0x8b: {  	[sflag:s6] =	ssyncset.done $0x0  }
0x8c: {  	[sflag:s6] =	ssyncadd.s32 $0xFFFFFF80  }
0x8d: {  	_ =	swait.ge [sflag:s6], $0x80  }
0x8e: {  	[sflag:s6] =	ssyncset.done $0x0  }
0x8f: {  	[sflag:s6] =	ssyncadd.s32 $0xFFFFFF80  }
0x90: {  	_ =	swait.ge [sflag:s6], $0x80  }
0x91: {  	[sflag:s6] =	ssyncset.done $0x0  }
0x92: {  	[sflag:s6] =	ssyncadd.s32 $0xFFFFFF80  }
0x93: {  	_ =	swait.ge [sflag:s6], $0x80  }
0x94: {  	[sflag:s6] =	ssyncset.done $0x0  }
0x95: {  	[sflag:s6] =	ssyncadd.s32 $0xFFFFFF80  }
0x96: {  	_ =	swait.ge [sflag:s6], $0x80  }
0x97: {  	[sflag:s6] =	ssyncset.done $0x0  }
0x98: {  	[sflag:s6] =	ssyncadd.s32 $0xFFFFFF80  }
0x99: {  	_ =	swait.ge [sflag:s6], $0x80  }
0x9a: {  	[sflag:s6] =	ssyncset.done $0x0  }
0x9b: {  	[sflag:s6] =	ssyncadd.s32 $0xFFFFFF80  }
0x9c: {  	_ =	swait.ge [sflag:s6], $0x80  }
0x9d: {  	[sflag:s6] =	ssyncset.done $0x0  }
0x9e: {  	[sflag:s6] =	ssyncadd.s32 $0xFFFFFF80  }
0x9f: {  	_ =	swait.ge [sflag:s6], $0x80  }
0xa0: {  	[sflag:s6] =	ssyncset.done $0x0  }
0xa1: {  	[sflag:s6] =	ssyncadd.s32 $0xFFFFFF80  }
0xa2: {  	_ =	swait.ge [sflag:s6], $0x80  }
0xa3: {  	[sflag:s6] =	ssyncset.done $0x0  }
0xa4: {  	[sflag:s6] =	ssyncadd.s32 $0xFFFFFF80  }
0xa5: {  	_ =	swait.ge [sflag:s6], $0x80  }
0xa6: {  	[sflag:s6] =	ssyncset.done $0x0  }
0xa7: {  	[sflag:s6] =	ssyncadd.s32 $0xFFFFFF80  }
0xa8: {  	_ =	swait.ge [sflag:s6], $0x80  }
0xa9: {  	[sflag:s6] =	ssyncset.done $0x0  }
0xaa: {  	[sflag:s6] =	ssyncadd.s32 $0xFFFFFF80  }
0xab: {  	_ =	swait.ge [sflag:s6], $0x80  }
0xac: {  	[sflag:s6] =	ssyncset.done $0x0  }
0xad: {  	[sflag:s6] =	ssyncadd.s32 $0xFFFFFF80  }
0xae: {  	_ =	swait.ge [sflag:s6], $0x80  }
0xaf: {  	[sflag:s6] =	ssyncset.done $0x0  }
0xb0: {  	[sflag:s6] =	ssyncadd.s32 $0xFFFFFF80  }
0xb1: {  	_ =	swait.ge [sflag:s6], $0x80  }
0xb2: {  	[sflag:s6] =	ssyncset.done $0x0  }
0xb3: {  	[sflag:s6] =	ssyncadd.s32 $0xFFFFFF80  }
0xb4: {  	_ =	swait.ge [sflag:s6], $0x80  }
0xb5: {  	[sflag:s6] =	ssyncset.done $0x0  }
0xb6: {  	[sflag:s6] =	ssyncadd.s32 $0xFFFFFF80  }
0xb7: {  	_ =	swait.ge [sflag:s6], $0x80  }
0xb8: {  	[sflag:s6] =	ssyncset.done $0x0  }
0xb9: {  	[sflag:s6] =	ssyncadd.s32 $0xFFFFFF80  }
0xba: {  	_ =	swait.ge [sflag:s6], $0x80  }
0xbb: {  	[sflag:s6] =	ssyncset.done $0x0  }
0xbc: {  	[sflag:s6] =	ssyncadd.s32 $0xFFFFFF80  }
0xbd: {  	_ =	swait.ge [sflag:s6], $0x80  }
0xbe: {  	[sflag:s6] =	ssyncset.done $0x0  }
0xbf: {  	[sflag:s6] =	ssyncadd.s32 $0xFFFFFF80  }
0xc0: {  	_ =	swait.ge [sflag:s6], $0x80  }
0xc1: {  	[sflag:s6] =	ssyncset.done $0x0  }
0xc2: {  	[sflag:s6] =	ssyncadd.s32 $0xFFFFFF80  }
0xc3: {  	_ =	swait.ge [sflag:s6], $0x80  }
0xc4: {  	[sflag:s6] =	ssyncset.done $0x0  }
0xc5: {  	[sflag:s6] =	ssyncadd.s32 $0xFFFFFF80  }
0xc6: {  	_ =	swait.ge [sflag:s6], $0x80  }
0xc7: {  	[sflag:s6] =	ssyncset.done $0x0  }
0xc8: {  	[sflag:s6] =	ssyncadd.s32 $0xFFFFFF80  }
0xc9: {  	_ =	swait.ge [sflag:s6], $0x80  }
0xca: {  	s13 =	simm.s32 $0x2000;
	s14 =	simm.s32 $0x0;
	[sflag:s6] =	ssyncset.done $0x0  }
.LBB2_2:
0xcb: {  	p0 =	sne.s32 s13, $0xE000;
	[sflag:s6] =	ssyncadd.s32 $0xFFFFFF80;
	s14 =	sadd.s32 $0x10, s14  }
0xcc: {  	s15 =	smov.u32 s13;
	s13 =	sadd.s32 $0x2000, s13;
	_ =	swait.ge [sflag:s6], $0x80  }
0xcd: {  	[sflag:s6] =	ssyncset.done $0x0  }
0xce: {  	[sflag:s6] =	ssyncadd.s32 $0xFFFFFF80  }
0xcf: {  	v0 =	vld [tilespmem:s14+$0x0];
	_ =	sdelay $0x4  }
0xd0: {  	v0 =	vshll.u32 v0, $0x4  }
0xd1: {  	(v2sf) =	vpush v0, $0x0  }
0xd2: {  	(v2sf) =	vpush v0, $0x1;
	_ =	sdelay $0x2  }
0xd3: {  	(v2sf) =	vpush v0, $0x2;
	_ =	sdelay $0x5  }
0xd4: {  	(v2sf) =	vpush v0, $0x3;
	_ =	sdelay $0x2  }
0xd5: {  	s15 =	sshra.s32 s15, $0x2  }
0xd6: {  	s16 =	sadd.s32 $0x8100, s15;
	(v2sf) =	vpush v0, $0x4  }
0xd7: {  	s17 =	sadd.s32 $0x4100, s15;
	s18 =	spop (v2sf)  }
0xd8: {  	s18 =	sand.u32 $0x1FFFFFF0, s18;
	s19 =	spop (v2sf)  }
0xd9: {  	s20 =	sadd.s32 s31, s18;
	s18 =	sadd.s32 s2, s18;
	s19 =	sand.u32 $0x1FFFFFF0, s19  }
0xda: {  	[tilespmem:s17], [sflag:$0x1] =	stream.linear.gather [hbm4b:s20+s1], $0x80, $0x38;
	(v2sf) =	vpush v0, $0x5;
	[tilespmem:$0xC100] =	vst v63  }
0xdb: {  	s17 =	sadd.s32 s31, s19;
	s20 =	spop (v2sf)  }
0xdc: {  	[tilespmem:s16], [sflag:$0x1] =	stream.linear.gather [hbm4b:s18+s1], $0x80, $0x38;
	[tilespmem:$0xC100] =	vst v63  }
0xdd: {  	s16 =	sadd.s32 $0x4180, s15;
	s18 =	sadd.s32 s2, s19;
	s19 =	sand.u32 $0x1FFFFFF0, s20  }
0xde: {  	[tilespmem:s16], [sflag:$0x1] =	stream.linear.gather [hbm4b:s17+s1], $0x80, $0x38;
	(v2sf) =	vpush v0, $0x6;
	[tilespmem:$0xC100] =	vst v63  }
0xdf: {  	s20 =	sadd.s32 s31, s19;
	s16 =	sadd.s32 $0x8180, s15;
	s17 =	sadd.s32 $0x4200, s15  }
0xe0: {  	[tilespmem:s16], [sflag:$0x1] =	stream.linear.gather [hbm4b:s18+s1], $0x80, $0x38;
	[tilespmem:$0xC100] =	vst v63  }
0xe1: {  	s16 =	sadd.s32 s2, s19;
	s18 =	spop (v2sf)  }
0xe2: {  	[tilespmem:s17], [sflag:$0x1] =	stream.linear.gather [hbm4b:s20+s1], $0x80, $0x38;
	(v2sf) =	vpush v0, $0x7;
	[tilespmem:$0xC100] =	vst v63  }
0xe3: {  	s19 =	sadd.s32 $0x4280, s15;
	s17 =	sadd.s32 $0x8200, s15;
	s18 =	sand.u32 $0x1FFFFFF0, s18  }
0xe4: {  	[tilespmem:s17], [sflag:$0x1] =	stream.linear.gather [hbm4b:s16+s1], $0x80, $0x38;
	[tilespmem:$0xC100] =	vst v63  }
0xe5: {  	s16 =	sadd.s32 s31, s18;
	s17 =	sadd.s32 s2, s18;
	s18 =	spop (v2sf)  }
0xe6: {  	[tilespmem:s19], [sflag:$0x1] =	stream.linear.gather [hbm4b:s16+s1], $0x80, $0x38;
	(v2sf) =	vpush v0, $0x8;
	[tilespmem:$0xC100] =	vst v63  }
0xe7: {  	s16 =	sadd.s32 $0x8280, s15;
	s19 =	sadd.s32 $0x4300, s15;
	s18 =	sand.u32 $0x1FFFFFF0, s18  }
0xe8: {  	[tilespmem:s16], [sflag:$0x1] =	stream.linear.gather [hbm4b:s17+s1], $0x80, $0x38;
	[tilespmem:$0xC100] =	vst v63  }
0xe9: {  	s16 =	sadd.s32 s31, s18;
	s17 =	sadd.s32 s2, s18;
	s18 =	spop (v2sf)  }
0xea: {  	[tilespmem:s19], [sflag:$0x1] =	stream.linear.gather [hbm4b:s16+s1], $0x80, $0x38;
	(v2sf) =	vpush v0, $0x9;
	[tilespmem:$0xC100] =	vst v63  }
0xeb: {  	s16 =	sadd.s32 $0x8300, s15;
	s19 =	sadd.s32 $0x4380, s15;
	s18 =	sand.u32 $0x1FFFFFF0, s18  }
0xec: {  	[tilespmem:s16], [sflag:$0x1] =	stream.linear.gather [hbm4b:s17+s1], $0x80, $0x38;
	[tilespmem:$0xC100] =	vst v63  }
0xed: {  	s16 =	sadd.s32 s31, s18;
	s17 =	sadd.s32 s2, s18;
	s18 =	spop (v2sf)  }
0xee: {  	[tilespmem:s19], [sflag:$0x1] =	stream.linear.gather [hbm4b:s16+s1], $0x80, $0x38;
	(v2sf) =	vpush v0, $0xA;
	[tilespmem:$0xC100] =	vst v63  }
0xef: {  	s16 =	sadd.s32 $0x8380, s15;
	s19 =	sadd.s32 $0x4400, s15;
	s18 =	sand.u32 $0x1FFFFFF0, s18  }
0xf0: {  	[tilespmem:s16], [sflag:$0x1] =	stream.linear.gather [hbm4b:s17+s1], $0x80, $0x38;
	[tilespmem:$0xC100] =	vst v63  }
0xf1: {  	s16 =	sadd.s32 s31, s18;
	s17 =	sadd.s32 s2, s18;
	s18 =	spop (v2sf)  }
0xf2: {  	[tilespmem:s19], [sflag:$0x1] =	stream.linear.gather [hbm4b:s16+s1], $0x80, $0x38;
	(v2sf) =	vpush v0, $0xB;
	[tilespmem:$0xC100] =	vst v63  }
0xf3: {  	s16 =	sadd.s32 $0x8400, s15;
	s19 =	sadd.s32 $0x4480, s15;
	s18 =	sand.u32 $0x1FFFFFF0, s18  }
0xf4: {  	[tilespmem:s16], [sflag:$0x1] =	stream.linear.gather [hbm4b:s17+s1], $0x80, $0x38;
	[tilespmem:$0xC100] =	vst v63  }
0xf5: {  	s16 =	sadd.s32 s31, s18;
	s17 =	sadd.s32 s2, s18;
	s18 =	spop (v2sf)  }
0xf6: {  	[tilespmem:s19], [sflag:$0x1] =	stream.linear.gather [hbm4b:s16+s1], $0x80, $0x38;
	(v2sf) =	vpush v0, $0xC;
	[tilespmem:$0xC100] =	vst v63  }
0xf7: {  	s16 =	sadd.s32 $0x8480, s15;
	s19 =	sadd.s32 $0x4500, s15;
	s18 =	sand.u32 $0x1FFFFFF0, s18  }
0xf8: {  	[tilespmem:s16], [sflag:$0x1] =	stream.linear.gather [hbm4b:s17+s1], $0x80, $0x38;
	[tilespmem:$0xC100] =	vst v63  }
0xf9: {  	s16 =	sadd.s32 s31, s18;
	s17 =	sadd.s32 s2, s18;
	s18 =	spop (v2sf)  }
0xfa: {  	[tilespmem:s19], [sflag:$0x1] =	stream.linear.gather [hbm4b:s16+s1], $0x80, $0x38;
	(v2sf) =	vpush v0, $0xD;
	[tilespmem:$0xC100] =	vst v63  }
0xfb: {  	s16 =	sadd.s32 $0x8500, s15;
	s19 =	sadd.s32 $0x4580, s15;
	s18 =	sand.u32 $0x1FFFFFF0, s18  }
0xfc: {  	[tilespmem:s16], [sflag:$0x1] =	stream.linear.gather [hbm4b:s17+s1], $0x80, $0x38;
	[tilespmem:$0xC100] =	vst v63  }
0xfd: {  	s16 =	sadd.s32 s31, s18;
	s17 =	sadd.s32 s2, s18;
	s18 =	spop (v2sf)  }
0xfe: {  	[tilespmem:s19], [sflag:$0x1] =	stream.linear.gather [hbm4b:s16+s1], $0x80, $0x38;
	(v2sf) =	vpush v0, $0xE;
	[tilespmem:$0xC100] =	vst v63  }
0xff: {  	s16 =	sadd.s32 $0x8580, s15;
	s19 =	sadd.s32 $0x4600, s15;
	s18 =	sand.u32 $0x1FFFFFF0, s18  }
0x100: {  	[tilespmem:s16], [sflag:$0x1] =	stream.linear.gather [hbm4b:s17+s1], $0x80, $0x38;
	[tilespmem:$0xC100] =	vst v63  }
0x101: {  	s16 =	sadd.s32 s31, s18;
	s17 =	sadd.s32 s2, s18;
	s18 =	spop (v2sf)  }
0x102: {  	[tilespmem:s19], [sflag:$0x1] =	stream.linear.gather [hbm4b:s16+s1], $0x80, $0x38;
	(v2sf) =	vpush v0, $0xF;
	[tilespmem:$0xC100] =	vst v63  }
0x103: {  	s16 =	sadd.s32 $0x8600, s15;
	s19 =	sadd.s32 $0x4680, s15;
	s18 =	sand.u32 $0x1FFFFFF0, s18  }
0x104: {  	[tilespmem:s16], [sflag:$0x1] =	stream.linear.gather [hbm4b:s17+s1], $0x80, $0x38;
	[tilespmem:$0xC100] =	vst v63  }
0x105: {  	s16 =	sadd.s32 s31, s18;
	s17 =	sadd.s32 s2, s18;
	s18 =	spop (v2sf)  }
0x106: {  	[tilespmem:s19], [sflag:$0x1] =	stream.linear.gather [hbm4b:s16+s1], $0x80, $0x38;
	[tilespmem:$0xC100] =	vst v63  }
0x107: {  	s16 =	sadd.s32 $0x8680, s15;
	s19 =	sadd.s32 $0x4700, s15;
	s18 =	sand.u32 $0x1FFFFFF0, s18  }
0x108: {  	[tilespmem:s16], [sflag:$0x1] =	stream.linear.gather [hbm4b:s17+s1], $0x80, $0x38;
	[tilespmem:$0xC100] =	vst v63  }
0x109: {  	s16 =	sadd.s32 s31, s18;
	s17 =	sadd.s32 s2, s18;
	s18 =	spop (v2sf)  }
0x10a: {  	[tilespmem:s19], [sflag:$0x1] =	stream.linear.gather [hbm4b:s16+s1], $0x80, $0x38;
	[tilespmem:$0xC100] =	vst v63  }
0x10b: {  	s16 =	sadd.s32 $0x8700, s15;
	s19 =	sadd.s32 $0x4780, s15;
	s18 =	sand.u32 $0x1FFFFFF0, s18  }
0x10c: {  	[tilespmem:s16], [sflag:$0x1] =	stream.linear.gather [hbm4b:s17+s1], $0x80, $0x38;
	[tilespmem:$0xC100] =	vst v63  }
0x10d: {  	s16 =	sadd.s32 s31, s18;
	s17 =	sadd.s32 s2, s18;
	s18 =	spop (v2sf)  }
0x10e: {  	[tilespmem:s19], [sflag:$0x1] =	stream.linear.gather [hbm4b:s16+s1], $0x80, $0x38;
	[tilespmem:$0xC100] =	vst v63  }
0x10f: {  	s16 =	sadd.s32 $0x8780, s15;
	s19 =	sadd.s32 $0x4800, s15;
	s18 =	sand.u32 $0x1FFFFFF0, s18  }
0x110: {  	[tilespmem:s16], [sflag:$0x1] =	stream.linear.gather [hbm4b:s17+s1], $0x80, $0x38;
	[tilespmem:$0xC100] =	vst v63  }
0x111: {  	s16 =	sadd.s32 s31, s18;
	s17 =	sadd.s32 s2, s18;
	s18 =	spop (v2sf)  }
0x112: {  	[tilespmem:s19], [sflag:$0x1] =	stream.linear.gather [hbm4b:s16+s1], $0x80, $0x38;
	[tilespmem:$0xC100] =	vst v63  }
0x113: {  	s16 =	sadd.s32 $0x8800, s15;
	s19 =	sadd.s32 $0x4880, s15;
	s18 =	sand.u32 $0x1FFFFFF0, s18  }
0x114: {  	[tilespmem:s16], [sflag:$0x1] =	stream.linear.gather [hbm4b:s17+s1], $0x80, $0x38;
	[tilespmem:$0xC100] =	vst v63  }
0x115: {  	s15 =	sadd.s32 $0x8880, s15;
	s16 =	sadd.s32 s31, s18;
	s17 =	sadd.s32 s2, s18  }
0x116: {  	[tilespmem:s19], [sflag:$0x1] =	stream.linear.gather [hbm4b:s16+s1], $0x80, $0x38;
	[tilespmem:$0xC100] =	vst v63  }
0x117: {  	_ = 	snop  }
0x118: {  	[tilespmem:s15], [sflag:$0x1] =	stream.linear.gather [hbm4b:s17+s1], $0x80, $0x38;
	[tilespmem:$0xC100] =	vst v63  }
0x119: {  	_ =	swait.ge [sflag:s6], $0x80  }
0x11a: {  	[sflag:s6] =	ssyncset.done $0x0  }
0x11b: {  	[sflag:s6] =	ssyncadd.s32 $0xFFFFFF80  }
0x11c: {  	_ =	swait.ge [sflag:s6], $0x80  }
0x11d: {  	[sflag:s6] =	ssyncset.done $0x0  }
0x11e: {  	[sflag:s6] =	ssyncadd.s32 $0xFFFFFF80  }
0x11f: {  	_ =	swait.ge [sflag:s6], $0x80  }
0x120: {  	[sflag:s6] =	ssyncset.done $0x0  }
0x121: {  	[sflag:s6] =	ssyncadd.s32 $0xFFFFFF80  }
0x122: {  	_ =	swait.ge [sflag:s6], $0x80  }
0x123: {  	[sflag:s6] =	ssyncset.done $0x0  }
0x124: {  	[sflag:s6] =	ssyncadd.s32 $0xFFFFFF80  }
0x125: {  	_ =	swait.ge [sflag:s6], $0x80  }
0x126: {  	[sflag:s6] =	ssyncset.done $0x0  }
0x127: {  	[sflag:s6] =	ssyncadd.s32 $0xFFFFFF80  }
0x128: {  	_ =	swait.ge [sflag:s6], $0x80  }
0x129: {  	[sflag:s6] =	ssyncset.done $0x0  }
0x12a: {  	[sflag:s6] =	ssyncadd.s32 $0xFFFFFF80  }
0x12b: {  	_ =	swait.ge [sflag:s6], $0x80  }
0x12c: {  	[sflag:s6] =	ssyncset.done $0x0  }
0x12d: {  	[sflag:s6] =	ssyncadd.s32 $0xFFFFFF80  }
0x12e: {  	_ =	swait.ge [sflag:s6], $0x80  }
0x12f: {  	[sflag:s6] =	ssyncset.done $0x0  }
0x130: {  	[sflag:s6] =	ssyncadd.s32 $0xFFFFFF80  }
0x131: {  	_ =	swait.ge [sflag:s6], $0x80  }
0x132: {  	[sflag:s6] =	ssyncset.done $0x0  }
0x133: {  	[sflag:s6] =	ssyncadd.s32 $0xFFFFFF80  }
0x134: {  	_ =	swait.ge [sflag:s6], $0x80  }
0x135: {  	[sflag:s6] =	ssyncset.done $0x0  }
0x136: {  	[sflag:s6] =	ssyncadd.s32 $0xFFFFFF80  }
0x137: {  	_ =	swait.ge [sflag:s6], $0x80  }
0x138: {  	[sflag:s6] =	ssyncset.done $0x0  }
0x139: {  	[sflag:s6] =	ssyncadd.s32 $0xFFFFFF80  }
0x13a: {  	_ =	swait.ge [sflag:s6], $0x80  }
0x13b: {  	[sflag:s6] =	ssyncset.done $0x0  }
0x13c: {  	[sflag:s6] =	ssyncadd.s32 $0xFFFFFF80  }
0x13d: {  	_ =	swait.ge [sflag:s6], $0x80  }
0x13e: {  	[sflag:s6] =	ssyncset.done $0x0  }
0x13f: {  	[sflag:s6] =	ssyncadd.s32 $0xFFFFFF80  }
0x140: {  	_ =	swait.ge [sflag:s6], $0x80  }
0x141: {  	[sflag:s6] =	ssyncset.done $0x0  }
0x142: {  	[sflag:s6] =	ssyncadd.s32 $0xFFFFFF80  }
0x143: {  	_ =	swait.ge [sflag:s6], $0x80  }
0x144: {  	[sflag:s6] =	ssyncset.done $0x0  }
0x145: {  	[sflag:s6] =	ssyncadd.s32 $0xFFFFFF80  }
0x146: {  	_ =	swait.ge [sflag:s6], $0x80  }
0x147: {  	[sflag:s6] =	ssyncset.done $0x0  }
0x148: {  	[sflag:s6] =	ssyncadd.s32 $0xFFFFFF80  }
0x149: {  	_ =	swait.ge [sflag:s6], $0x80  }
0x14a: {  	[sflag:s6] =	ssyncset.done $0x0  }
0x14b: {  	[sflag:s6] =	ssyncadd.s32 $0xFFFFFF80  }
0x14c: {  	_ =	swait.ge [sflag:s6], $0x80  }
0x14d: {  	[sflag:s6] =	ssyncset.done $0x0  }
0x14e: {  	[sflag:s6] =	ssyncadd.s32 $0xFFFFFF80  }
0x14f: {  	_ =	swait.ge [sflag:s6], $0x80  }
0x150: {  	[sflag:s6] =	ssyncset.done $0x0  }
0x151: {  	[sflag:s6] =	ssyncadd.s32 $0xFFFFFF80  }
0x152: {  	_ =	swait.ge [sflag:s6], $0x80  }
0x153: {  	[sflag:s6] =	ssyncset.done $0x0  }
0x154: {  	[sflag:s6] =	ssyncadd.s32 $0xFFFFFF80  }
0x155: {  	_ =	swait.ge [sflag:s6], $0x80  }
0x156: {  	[sflag:s6] =	ssyncset.done $0x0  }
0x157: {  	[sflag:s6] =	ssyncadd.s32 $0xFFFFFF80  }
0x158: {  	_ =	swait.ge [sflag:s6], $0x80  }
0x159: {  	[sflag:s6] =	ssyncset.done $0x0  }
0x15a: {  	[sflag:s6] =	ssyncadd.s32 $0xFFFFFF80  }
0x15b: {  	_ =	swait.ge [sflag:s6], $0x80  }
0x15c: {  	[sflag:s6] =	ssyncset.done $0x0  }
0x15d: {  	[sflag:s6] =	ssyncadd.s32 $0xFFFFFF80  }
0x15e: {  	_ =	swait.ge [sflag:s6], $0x80  }
0x15f: {  	[sflag:s6] =	ssyncset.done $0x0  }
0x160: {  	[sflag:s6] =	ssyncadd.s32 $0xFFFFFF80  }
0x161: {  	_ =	swait.ge [sflag:s6], $0x80  }
0x162: {  	[sflag:s6] =	ssyncset.done $0x0  }
0x163: {  	[sflag:s6] =	ssyncadd.s32 $0xFFFFFF80  }
0x164: {  	_ =	swait.ge [sflag:s6], $0x80  }
0x165: {  	[sflag:s6] =	ssyncset.done $0x0  }
0x166: {  	[sflag:s6] =	ssyncadd.s32 $0xFFFFFF80  }
0x167: {  	_ =	swait.ge [sflag:s6], $0x80  }
0x168: {  	[sflag:s6] =	ssyncset.done $0x0  }
0x169: {  	[sflag:s6] =	ssyncadd.s32 $0xFFFFFF80  }
0x16a: {  	_ =	swait.ge [sflag:s6], $0x80  }
0x16b: {  	[sflag:s6] =	ssyncset.done $0x0  }
0x16c: {  	[sflag:s6] =	ssyncadd.s32 $0xFFFFFF80  }
0x16d: {  	_ =	swait.ge [sflag:s6], $0x80  }
0x16e: {  	[sflag:s6] =	ssyncset.done $0x0  }
0x16f: {  	[sflag:s6] =	ssyncadd.s32 $0xFFFFFF80  }
.Ltmp0:
0x170: {  	_ =	swait.ge [sflag:s6], $0x80;
	(pc) =	sbr.rel @p0 .LBB2_2-.Ltmp0, $4  }
0x171: {  	[sflag:s6] =	ssyncset.done $0x0  }
0x172: {  	[sflag:s6] =	ssyncadd.s32 $0xFFFFFF80  }
0x173: {  	_ =	swait.ge [sflag:s6], $0x80  }
0x174: {  	[sflag:s6] =	ssyncset.done $0x0  }
0x175: {  	[sflag:s6] =	ssyncadd.s32 $0xFFFFFF80  }
0x176: {  	_ =	swait.ge [sflag:s6], $0x80  }
0x177: {  	[sflag:s6] =	ssyncset.done $0x0  }
0x178: {  	s13 =	simm.s32 $0x0;
	s14 =	rddreg [dreg:$0x11];
	[sflag:s6] =	ssyncadd.s32 $0xFFFFFF80  }
0x179: {  	[hbm4b:s14+s13] =	stream.linear.scatter [tilespmem:s7], [sflag:$0x3], $0x4000, $0x38;
	[tilespmem:$0xC100] =	vst v63  }
0x17a: {  	_ =	swait.ge [sflag:s5], $0x4000  }
0x17b: {  	[sflag:s5] =	ssyncset.done $0x0  }
0x17c: {  	s16 =	rddreg [dreg:$0x12];
	[sflag:s5] =	ssyncadd.s32 $0xFFFFC000  }
0x17d: {  	[hbm4b:s16+s13] =	stream.linear.scatter [tilespmem:s8], [sflag:$0x3], $0x4000, $0x38;
	[tilespmem:$0xC100] =	vst v63  }
0x17e: {  	_ =	swait.ge [sflag:s5], $0x4000  }
0x17f: {  	[sflag:s5] =	ssyncset.done $0x0  }
0x180: {  	s17 =	rddreg [dreg:$0x6];
	[sflag:s5] =	ssyncadd.s32 $0xFFFFC000  }
0x181: {  	[tilespmem:s9], [sflag:$0x3] =	stream.linear.gather [hbm4b:s17+s13], $0x80, $0x38;
	[tilespmem:$0xC100] =	vst v63  }
0x182: {  	_ =	swait.ge [sflag:s5], $0x80  }
0x183: {  	[sflag:s5] =	ssyncset.done $0x0  }
0x184: {  	[sflag:s5] =	ssyncadd.s32 $0xFFFFFF80  }
0x185: {  	[tilespmem:s10], [sflag:$0x2] =	stream.indirect.gather [hbm4b:s3+s9], $0x80, s9, s9, $0xb8;
	[tilespmem:$0xC100] =	vst v63  }
0x186: {  	_ =	swait.ge [sflag:s11], $0x4000  }
0x187: {  	[sflag:s11] =	ssyncset.done $0x0  }
0x188: {  	s18 =	rddreg [dreg:$0x13];
	[sflag:s11] =	ssyncadd.s32 $0xFFFFC000  }
0x189: {  	[hbm4b:s18+s13] =	stream.linear.scatter [tilespmem:s10], [sflag:$0x3], $0x4000, $0x38;
	[tilespmem:$0xC100] =	vst v63  }
0x18a: {  	_ =	swait.ge [sflag:s5], $0x4000  }
0x18b: {  	[sflag:s5] =	ssyncset.done $0x0  }
0x18c: {  	s19 =	rddreg [dreg:$0x7];
	[sflag:s5] =	ssyncadd.s32 $0xFFFFC000  }
0x18d: {  	[tilespmem:s9], [sflag:$0x3] =	stream.linear.gather [hbm4b:s19+s13], $0x80, $0x38;
	[tilespmem:$0xC100] =	vst v63  }
0x18e: {  	_ =	swait.ge [sflag:s5], $0x80  }
0x18f: {  	[sflag:s5] =	ssyncset.done $0x0  }
0x190: {  	[sflag:s5] =	ssyncadd.s32 $0xFFFFFF80  }
0x191: {  	[tilespmem:s10], [sflag:$0x2] =	stream.indirect.gather [hbm4b:s3+s9], $0x80, s9, s9, $0xb8;
	[tilespmem:$0xC100] =	vst v63  }
0x192: {  	_ =	swait.ge [sflag:s11], $0x4000  }
0x193: {  	[sflag:s11] =	ssyncset.done $0x0  }
0x194: {  	s20 =	rddreg [dreg:$0x14];
	[sflag:s11] =	ssyncadd.s32 $0xFFFFC000  }
0x195: {  	[hbm4b:s20+s13] =	stream.linear.scatter [tilespmem:s10], [sflag:$0x3], $0x4000, $0x38;
	[tilespmem:$0xC100] =	vst v63  }
0x196: {  	_ =	swait.ge [sflag:s5], $0x4000  }
0x197: {  	[sflag:s5] =	ssyncset.done $0x0  }
0x198: {  	s15 =	rddreg [dreg:$0x8];
	[sflag:s5] =	ssyncadd.s32 $0xFFFFC000  }
0x199: {  	[tilespmem:s13], [sflag:$0x3] =	stream.linear.gather [hbm4b:s15+s13], $0x80, $0x38;
	[tilespmem:$0xC100] =	vst v63  }
0x19a: {  	_ =	swait.ge [sflag:s5], $0x80  }
0x19b: {  	[sflag:s5] =	ssyncset.done $0x0  }
0x19c: {  	[sflag:s5] =	ssyncadd.s32 $0xFFFFFF80  }
0x19d: {  	v0 =	vld [tilespmem:s13+$0x0];
	_ =	sdelay $0x4  }
0x19e: {  	v0 =	vshll.u32 v0, $0x4  }
0x19f: {  	(v2sf) =	vpush v0, $0x0;
	_ =	sdelay $0x1  }
0x1a0: {  	(v2sf) =	vpush v0, $0x1;
	_ =	sdelay $0x3  }
0x1a1: {  	(v2sf) =	vpush v0, $0x2;
	_ =	sdelay $0x3  }
0x1a2: {  	(v2sf) =	vpush v0, $0x3;
	_ =	sdelay $0x3  }
0x1a3: {  	(v2sf) =	vpush v0, $0x4  }
0x1a4: {  	s16 =	spop (v2sf)  }
0x1a5: {  	s14 =	sand.u32 $0x1FFFFFF0, s16  }
0x1a6: {  	s15 =	simm.s32 $0x4100;
	s16 =	spop (v2sf);
	s17 =	sadd.s32 s31, s14  }
0x1a7: {  	(v2sf) =	vpush v0, $0x5;
	[tilespmem:s15], [sflag:$0x1] =	stream.linear.gather [hbm4b:s17+s1], $0x80, $0x38;
	[tilespmem:$0xC100] =	vst v63  }
0x1a8: {  	s14 =	sadd.s32 s2, s14;
	s16 =	sand.u32 $0x1FFFFFF0, s16;
	s17 =	simm.s32 $0x8100  }
0x1a9: {  	[tilespmem:s17], [sflag:$0x1] =	stream.linear.gather [hbm4b:s14+s1], $0x80, $0x38;
	[tilespmem:$0xC100] =	vst v63  }
0x1aa: {  	s20 =	simm.s32 $0x4180;
	s19 =	spop (v2sf);
	s18 =	sadd.s32 s31, s16  }
0x1ab: {  	(v2sf) =	vpush v0, $0x6;
	[tilespmem:s20], [sflag:$0x1] =	stream.linear.gather [hbm4b:s18+s1], $0x80, $0x38;
	[tilespmem:$0xC100] =	vst v63  }
0x1ac: {  	s16 =	sadd.s32 s2, s16;
	s15 =	sand.u32 $0x1FFFFFF0, s19;
	s17 =	simm.s32 $0x8180  }
0x1ad: {  	[tilespmem:s17], [sflag:$0x1] =	stream.linear.gather [hbm4b:s16+s1], $0x80, $0x38;
	[tilespmem:$0xC100] =	vst v63  }
0x1ae: {  	s19 =	sadd.s32 s31, s15;
	s18 =	simm.s32 $0x4200;
	s20 =	spop (v2sf)  }
0x1af: {  	(v2sf) =	vpush v0, $0x7;
	[tilespmem:s18], [sflag:$0x1] =	stream.linear.gather [hbm4b:s19+s1], $0x80, $0x38;
	[tilespmem:$0xC100] =	vst v63  }
0x1b0: {  	s15 =	sadd.s32 s2, s15;
	s16 =	simm.s32 $0x8200;
	s17 =	sand.u32 $0x1FFFFFF0, s20  }
0x1b1: {  	[tilespmem:s16], [sflag:$0x1] =	stream.linear.gather [hbm4b:s15+s1], $0x80, $0x38;
	[tilespmem:$0xC100] =	vst v63  }
0x1b2: {  	s20 =	spop (v2sf);
	s18 =	simm.s32 $0x4280;
	s19 =	sadd.s32 s31, s17  }
0x1b3: {  	(v2sf) =	vpush v0, $0x8;
	[tilespmem:s18], [sflag:$0x1] =	stream.linear.gather [hbm4b:s19+s1], $0x80, $0x38;
	[tilespmem:$0xC100] =	vst v63  }
0x1b4: {  	s15 =	sadd.s32 s2, s17;
	s16 =	simm.s32 $0x8280;
	s17 =	sand.u32 $0x1FFFFFF0, s20  }
0x1b5: {  	[tilespmem:s16], [sflag:$0x1] =	stream.linear.gather [hbm4b:s15+s1], $0x80, $0x38;
	[tilespmem:$0xC100] =	vst v63  }
0x1b6: {  	s18 =	simm.s32 $0x4300;
	s19 =	sadd.s32 s31, s17;
	s20 =	spop (v2sf)  }
0x1b7: {  	(v2sf) =	vpush v0, $0x9;
	[tilespmem:s18], [sflag:$0x1] =	stream.linear.gather [hbm4b:s19+s1], $0x80, $0x38;
	[tilespmem:$0xC100] =	vst v63  }
0x1b8: {  	s15 =	sadd.s32 s2, s17;
	s16 =	simm.s32 $0x8300;
	s17 =	sand.u32 $0x1FFFFFF0, s20  }
0x1b9: {  	[tilespmem:s16], [sflag:$0x1] =	stream.linear.gather [hbm4b:s15+s1], $0x80, $0x38;
	[tilespmem:$0xC100] =	vst v63  }
0x1ba: {  	s20 =	spop (v2sf);
	s18 =	simm.s32 $0x4380;
	s19 =	sadd.s32 s31, s17  }
0x1bb: {  	(v2sf) =	vpush v0, $0xA;
	[tilespmem:s18], [sflag:$0x1] =	stream.linear.gather [hbm4b:s19+s1], $0x80, $0x38;
	[tilespmem:$0xC100] =	vst v63  }
0x1bc: {  	s15 =	sadd.s32 s2, s17;
	s16 =	simm.s32 $0x8380;
	s17 =	sand.u32 $0x1FFFFFF0, s20  }
0x1bd: {  	[tilespmem:s16], [sflag:$0x1] =	stream.linear.gather [hbm4b:s15+s1], $0x80, $0x38;
	[tilespmem:$0xC100] =	vst v63  }
0x1be: {  	s20 =	spop (v2sf);
	s18 =	simm.s32 $0x4400;
	s19 =	sadd.s32 s31, s17  }
0x1bf: {  	(v2sf) =	vpush v0, $0xB;
	[tilespmem:s18], [sflag:$0x1] =	stream.linear.gather [hbm4b:s19+s1], $0x80, $0x38;
	[tilespmem:$0xC100] =	vst v63  }
0x1c0: {  	s15 =	sadd.s32 s2, s17;
	s16 =	simm.s32 $0x8400;
	s17 =	sand.u32 $0x1FFFFFF0, s20  }
0x1c1: {  	[tilespmem:s16], [sflag:$0x1] =	stream.linear.gather [hbm4b:s15+s1], $0x80, $0x38;
	[tilespmem:$0xC100] =	vst v63  }
0x1c2: {  	s20 =	spop (v2sf);
	s18 =	simm.s32 $0x4480;
	s19 =	sadd.s32 s31, s17  }
0x1c3: {  	(v2sf) =	vpush v0, $0xC;
	[tilespmem:s18], [sflag:$0x1] =	stream.linear.gather [hbm4b:s19+s1], $0x80, $0x38;
	[tilespmem:$0xC100] =	vst v63  }
0x1c4: {  	s15 =	sadd.s32 s2, s17;
	s16 =	simm.s32 $0x8480;
	s17 =	sand.u32 $0x1FFFFFF0, s20  }
0x1c5: {  	[tilespmem:s16], [sflag:$0x1] =	stream.linear.gather [hbm4b:s15+s1], $0x80, $0x38;
	[tilespmem:$0xC100] =	vst v63  }
0x1c6: {  	s20 =	spop (v2sf);
	s18 =	simm.s32 $0x4500;
	s19 =	sadd.s32 s31, s17  }
0x1c7: {  	(v2sf) =	vpush v0, $0xD;
	[tilespmem:s18], [sflag:$0x1] =	stream.linear.gather [hbm4b:s19+s1], $0x80, $0x38;
	[tilespmem:$0xC100] =	vst v63  }
0x1c8: {  	s15 =	sadd.s32 s2, s17;
	s16 =	simm.s32 $0x8500;
	s17 =	sand.u32 $0x1FFFFFF0, s20  }
0x1c9: {  	[tilespmem:s16], [sflag:$0x1] =	stream.linear.gather [hbm4b:s15+s1], $0x80, $0x38;
	[tilespmem:$0xC100] =	vst v63  }
0x1ca: {  	s20 =	spop (v2sf);
	s18 =	simm.s32 $0x4580;
	s19 =	sadd.s32 s31, s17  }
0x1cb: {  	(v2sf) =	vpush v0, $0xE;
	[tilespmem:s18], [sflag:$0x1] =	stream.linear.gather [hbm4b:s19+s1], $0x80, $0x38;
	[tilespmem:$0xC100] =	vst v63  }
0x1cc: {  	s15 =	sadd.s32 s2, s17;
	s16 =	simm.s32 $0x8580;
	s17 =	sand.u32 $0x1FFFFFF0, s20  }
0x1cd: {  	[tilespmem:s16], [sflag:$0x1] =	stream.linear.gather [hbm4b:s15+s1], $0x80, $0x38;
	[tilespmem:$0xC100] =	vst v63  }
0x1ce: {  	s20 =	spop (v2sf);
	s18 =	simm.s32 $0x4600;
	s19 =	sadd.s32 s31, s17  }
0x1cf: {  	(v2sf) =	vpush v0, $0xF;
	[tilespmem:s18], [sflag:$0x1] =	stream.linear.gather [hbm4b:s19+s1], $0x80, $0x38;
	[tilespmem:$0xC100] =	vst v63  }
0x1d0: {  	s15 =	sadd.s32 s2, s17;
	s16 =	simm.s32 $0x8600;
	s17 =	sand.u32 $0x1FFFFFF0, s20  }
0x1d1: {  	[tilespmem:s16], [sflag:$0x1] =	stream.linear.gather [hbm4b:s15+s1], $0x80, $0x38;
	[tilespmem:$0xC100] =	vst v63  }
0x1d2: {  	s20 =	spop (v2sf);
	s18 =	simm.s32 $0x4680;
	s19 =	sadd.s32 s31, s17  }
0x1d3: {  	[tilespmem:s18], [sflag:$0x1] =	stream.linear.gather [hbm4b:s19+s1], $0x80, $0x38;
	[tilespmem:$0xC100] =	vst v63  }
0x1d4: {  	s15 =	sadd.s32 s2, s17;
	s16 =	simm.s32 $0x8680;
	s17 =	sand.u32 $0x1FFFFFF0, s20  }
0x1d5: {  	[tilespmem:s16], [sflag:$0x1] =	stream.linear.gather [hbm4b:s15+s1], $0x80, $0x38;
	[tilespmem:$0xC100] =	vst v63  }
0x1d6: {  	s20 =	spop (v2sf);
	s18 =	simm.s32 $0x4700;
	s19 =	sadd.s32 s31, s17  }
0x1d7: {  	[tilespmem:s18], [sflag:$0x1] =	stream.linear.gather [hbm4b:s19+s1], $0x80, $0x38;
	[tilespmem:$0xC100] =	vst v63  }
0x1d8: {  	s15 =	sadd.s32 s2, s17;
	s16 =	simm.s32 $0x8700;
	s17 =	sand.u32 $0x1FFFFFF0, s20  }
0x1d9: {  	[tilespmem:s16], [sflag:$0x1] =	stream.linear.gather [hbm4b:s15+s1], $0x80, $0x38;
	[tilespmem:$0xC100] =	vst v63  }
0x1da: {  	s20 =	spop (v2sf);
	s18 =	simm.s32 $0x4780;
	s19 =	sadd.s32 s31, s17  }
0x1db: {  	[tilespmem:s18], [sflag:$0x1] =	stream.linear.gather [hbm4b:s19+s1], $0x80, $0x38;
	[tilespmem:$0xC100] =	vst v63  }
0x1dc: {  	s15 =	sadd.s32 s2, s17;
	s16 =	simm.s32 $0x8780;
	s17 =	sand.u32 $0x1FFFFFF0, s20  }
0x1dd: {  	[tilespmem:s16], [sflag:$0x1] =	stream.linear.gather [hbm4b:s15+s1], $0x80, $0x38;
	[tilespmem:$0xC100] =	vst v63  }
0x1de: {  	s20 =	spop (v2sf);
	s18 =	simm.s32 $0x4800;
	s19 =	sadd.s32 s31, s17  }
0x1df: {  	[tilespmem:s18], [sflag:$0x1] =	stream.linear.gather [hbm4b:s19+s1], $0x80, $0x38;
	[tilespmem:$0xC100] =	vst v63  }
0x1e0: {  	s20 =	sand.u32 $0x1FFFFFF0, s20;
	s18 =	sadd.s32 s2, s17;
	s19 =	simm.s32 $0x8800  }
0x1e1: {  	[tilespmem:s19], [sflag:$0x1] =	stream.linear.gather [hbm4b:s18+s1], $0x80, $0x38;
	[tilespmem:$0xC100] =	vst v63  }
0x1e2: {  	s17 =	simm.s32 $0x4880;
	s18 =	sadd.s32 s31, s20  }
0x1e3: {  	[tilespmem:s17], [sflag:$0x1] =	stream.linear.gather [hbm4b:s18+s1], $0x80, $0x38;
	[tilespmem:$0xC100] =	vst v63  }
0x1e4: {  	s19 =	simm.s32 $0x8880;
	s20 =	sadd.s32 s2, s20  }
0x1e5: {  	[tilespmem:s19], [sflag:$0x1] =	stream.linear.gather [hbm4b:s20+s1], $0x80, $0x38;
	[tilespmem:$0xC100] =	vst v63  }
0x1e6: {  	_ =	swait.ge [sflag:s6], $0x80  }
0x1e7: {  	[sflag:s6] =	ssyncset.done $0x0  }
0x1e8: {  	[sflag:s6] =	ssyncadd.s32 $0xFFFFFF80  }
0x1e9: {  	_ =	swait.ge [sflag:s6], $0x80  }
0x1ea: {  	[sflag:s6] =	ssyncset.done $0x0  }
0x1eb: {  	[sflag:s6] =	ssyncadd.s32 $0xFFFFFF80  }
0x1ec: {  	_ =	swait.ge [sflag:s6], $0x80  }
0x1ed: {  	[sflag:s6] =	ssyncset.done $0x0  }
0x1ee: {  	[sflag:s6] =	ssyncadd.s32 $0xFFFFFF80  }
0x1ef: {  	_ =	swait.ge [sflag:s6], $0x80  }
0x1f0: {  	[sflag:s6] =	ssyncset.done $0x0  }
0x1f1: {  	[sflag:s6] =	ssyncadd.s32 $0xFFFFFF80  }
0x1f2: {  	_ =	swait.ge [sflag:s6], $0x80  }
0x1f3: {  	[sflag:s6] =	ssyncset.done $0x0  }
0x1f4: {  	[sflag:s6] =	ssyncadd.s32 $0xFFFFFF80  }
0x1f5: {  	_ =	swait.ge [sflag:s6], $0x80  }
0x1f6: {  	[sflag:s6] =	ssyncset.done $0x0  }
0x1f7: {  	[sflag:s6] =	ssyncadd.s32 $0xFFFFFF80  }
0x1f8: {  	_ =	swait.ge [sflag:s6], $0x80  }
0x1f9: {  	[sflag:s6] =	ssyncset.done $0x0  }
0x1fa: {  	[sflag:s6] =	ssyncadd.s32 $0xFFFFFF80  }
0x1fb: {  	_ =	swait.ge [sflag:s6], $0x80  }
0x1fc: {  	[sflag:s6] =	ssyncset.done $0x0  }
0x1fd: {  	[sflag:s6] =	ssyncadd.s32 $0xFFFFFF80  }
0x1fe: {  	_ =	swait.ge [sflag:s6], $0x80  }
0x1ff: {  	[sflag:s6] =	ssyncset.done $0x0  }
0x200: {  	[sflag:s6] =	ssyncadd.s32 $0xFFFFFF80  }
0x201: {  	_ =	swait.ge [sflag:s6], $0x80  }
0x202: {  	[sflag:s6] =	ssyncset.done $0x0  }
0x203: {  	[sflag:s6] =	ssyncadd.s32 $0xFFFFFF80  }
0x204: {  	_ =	swait.ge [sflag:s6], $0x80  }
0x205: {  	[sflag:s6] =	ssyncset.done $0x0  }
0x206: {  	[sflag:s6] =	ssyncadd.s32 $0xFFFFFF80  }
0x207: {  	_ =	swait.ge [sflag:s6], $0x80  }
0x208: {  	[sflag:s6] =	ssyncset.done $0x0  }
0x209: {  	[sflag:s6] =	ssyncadd.s32 $0xFFFFFF80  }
0x20a: {  	_ =	swait.ge [sflag:s6], $0x80  }
0x20b: {  	[sflag:s6] =	ssyncset.done $0x0  }
0x20c: {  	[sflag:s6] =	ssyncadd.s32 $0xFFFFFF80  }
0x20d: {  	_ =	swait.ge [sflag:s6], $0x80  }
0x20e: {  	[sflag:s6] =	ssyncset.done $0x0  }
0x20f: {  	[sflag:s6] =	ssyncadd.s32 $0xFFFFFF80  }
0x210: {  	_ =	swait.ge [sflag:s6], $0x80  }
0x211: {  	[sflag:s6] =	ssyncset.done $0x0  }
0x212: {  	[sflag:s6] =	ssyncadd.s32 $0xFFFFFF80  }
0x213: {  	_ =	swait.ge [sflag:s6], $0x80  }
0x214: {  	[sflag:s6] =	ssyncset.done $0x0  }
0x215: {  	[sflag:s6] =	ssyncadd.s32 $0xFFFFFF80  }
0x216: {  	_ =	swait.ge [sflag:s6], $0x80  }
0x217: {  	[sflag:s6] =	ssyncset.done $0x0  }
0x218: {  	[sflag:s6] =	ssyncadd.s32 $0xFFFFFF80  }
0x219: {  	_ =	swait.ge [sflag:s6], $0x80  }
0x21a: {  	[sflag:s6] =	ssyncset.done $0x0  }
0x21b: {  	[sflag:s6] =	ssyncadd.s32 $0xFFFFFF80  }
0x21c: {  	_ =	swait.ge [sflag:s6], $0x80  }
0x21d: {  	[sflag:s6] =	ssyncset.done $0x0  }
0x21e: {  	[sflag:s6] =	ssyncadd.s32 $0xFFFFFF80  }
0x21f: {  	_ =	swait.ge [sflag:s6], $0x80  }
0x220: {  	[sflag:s6] =	ssyncset.done $0x0  }
0x221: {  	[sflag:s6] =	ssyncadd.s32 $0xFFFFFF80  }
0x222: {  	_ =	swait.ge [sflag:s6], $0x80  }
0x223: {  	[sflag:s6] =	ssyncset.done $0x0  }
0x224: {  	[sflag:s6] =	ssyncadd.s32 $0xFFFFFF80  }
0x225: {  	_ =	swait.ge [sflag:s6], $0x80  }
0x226: {  	[sflag:s6] =	ssyncset.done $0x0  }
0x227: {  	[sflag:s6] =	ssyncadd.s32 $0xFFFFFF80  }
0x228: {  	_ =	swait.ge [sflag:s6], $0x80  }
0x229: {  	[sflag:s6] =	ssyncset.done $0x0  }
0x22a: {  	[sflag:s6] =	ssyncadd.s32 $0xFFFFFF80  }
0x22b: {  	_ =	swait.ge [sflag:s6], $0x80  }
0x22c: {  	[sflag:s6] =	ssyncset.done $0x0  }
0x22d: {  	[sflag:s6] =	ssyncadd.s32 $0xFFFFFF80  }
0x22e: {  	_ =	swait.ge [sflag:s6], $0x80  }
0x22f: {  	[sflag:s6] =	ssyncset.done $0x0  }
0x230: {  	[sflag:s6] =	ssyncadd.s32 $0xFFFFFF80  }
0x231: {  	_ =	swait.ge [sflag:s6], $0x80  }
0x232: {  	[sflag:s6] =	ssyncset.done $0x0  }
0x233: {  	[sflag:s6] =	ssyncadd.s32 $0xFFFFFF80  }
0x234: {  	_ =	swait.ge [sflag:s6], $0x80  }
0x235: {  	[sflag:s6] =	ssyncset.done $0x0  }
0x236: {  	[sflag:s6] =	ssyncadd.s32 $0xFFFFFF80  }
0x237: {  	_ =	swait.ge [sflag:s6], $0x80  }
0x238: {  	[sflag:s6] =	ssyncset.done $0x0  }
0x239: {  	[sflag:s6] =	ssyncadd.s32 $0xFFFFFF80  }
0x23a: {  	_ =	swait.ge [sflag:s6], $0x80  }
0x23b: {  	[sflag:s6] =	ssyncset.done $0x0  }
0x23c: {  	[sflag:s6] =	ssyncadd.s32 $0xFFFFFF80  }
0x23d: {  	_ =	swait.ge [sflag:s6], $0x80  }
0x23e: {  	[sflag:s6] =	ssyncset.done $0x0  }
0x23f: {  	[sflag:s6] =	ssyncadd.s32 $0xFFFFFF80  }
0x240: {  	_ =	swait.ge [sflag:s6], $0x80  }
0x241: {  	s14 =	simm.s32 $0x2000;
	[sflag:s6] =	ssyncset.done $0x0  }
.LBB2_4:
0x242: {  	p0 =	sne.s32 s14, $0xE000;
	[sflag:s6] =	ssyncadd.s32 $0xFFFFFF80;
	s13 =	sadd.s32 $0x10, s13  }
0x243: {  	s15 =	smov.u32 s14;
	s14 =	sadd.s32 $0x2000, s14;
	_ =	swait.ge [sflag:s6], $0x80  }
0x244: {  	[sflag:s6] =	ssyncset.done $0x0  }
0x245: {  	[sflag:s6] =	ssyncadd.s32 $0xFFFFFF80  }
0x246: {  	v0 =	vld [tilespmem:s13+$0x0];
	_ =	sdelay $0x4  }
0x247: {  	v0 =	vshll.u32 v0, $0x4  }
0x248: {  	(v2sf) =	vpush v0, $0x0  }
0x249: {  	(v2sf) =	vpush v0, $0x1;
	_ =	sdelay $0x2  }
0x24a: {  	(v2sf) =	vpush v0, $0x2;
	_ =	sdelay $0x5  }
0x24b: {  	(v2sf) =	vpush v0, $0x3;
	_ =	sdelay $0x2  }
0x24c: {  	s15 =	sshra.s32 s15, $0x2  }
0x24d: {  	s16 =	sadd.s32 $0x8100, s15;
	(v2sf) =	vpush v0, $0x4  }
0x24e: {  	s17 =	sadd.s32 $0x4100, s15;
	s18 =	spop (v2sf)  }
0x24f: {  	s18 =	sand.u32 $0x1FFFFFF0, s18;
	s19 =	spop (v2sf)  }
0x250: {  	s20 =	sadd.s32 s31, s18;
	s18 =	sadd.s32 s2, s18;
	s19 =	sand.u32 $0x1FFFFFF0, s19  }
0x251: {  	[tilespmem:s17], [sflag:$0x1] =	stream.linear.gather [hbm4b:s20+s1], $0x80, $0x38;
	(v2sf) =	vpush v0, $0x5;
	[tilespmem:$0xC100] =	vst v63  }
0x252: {  	s17 =	sadd.s32 s31, s19;
	s20 =	spop (v2sf)  }
0x253: {  	[tilespmem:s16], [sflag:$0x1] =	stream.linear.gather [hbm4b:s18+s1], $0x80, $0x38;
	[tilespmem:$0xC100] =	vst v63  }
0x254: {  	s16 =	sadd.s32 $0x4180, s15;
	s18 =	sadd.s32 s2, s19;
	s19 =	sand.u32 $0x1FFFFFF0, s20  }
0x255: {  	[tilespmem:s16], [sflag:$0x1] =	stream.linear.gather [hbm4b:s17+s1], $0x80, $0x38;
	(v2sf) =	vpush v0, $0x6;
	[tilespmem:$0xC100] =	vst v63  }
0x256: {  	s20 =	sadd.s32 s31, s19;
	s16 =	sadd.s32 $0x8180, s15;
	s17 =	sadd.s32 $0x4200, s15  }
0x257: {  	[tilespmem:s16], [sflag:$0x1] =	stream.linear.gather [hbm4b:s18+s1], $0x80, $0x38;
	[tilespmem:$0xC100] =	vst v63  }
0x258: {  	s16 =	sadd.s32 s2, s19;
	s18 =	spop (v2sf)  }
0x259: {  	[tilespmem:s17], [sflag:$0x1] =	stream.linear.gather [hbm4b:s20+s1], $0x80, $0x38;
	(v2sf) =	vpush v0, $0x7;
	[tilespmem:$0xC100] =	vst v63  }
0x25a: {  	s19 =	sadd.s32 $0x4280, s15;
	s17 =	sadd.s32 $0x8200, s15;
	s18 =	sand.u32 $0x1FFFFFF0, s18  }
0x25b: {  	[tilespmem:s17], [sflag:$0x1] =	stream.linear.gather [hbm4b:s16+s1], $0x80, $0x38;
	[tilespmem:$0xC100] =	vst v63  }
0x25c: {  	s16 =	sadd.s32 s31, s18;
	s17 =	sadd.s32 s2, s18;
	s18 =	spop (v2sf)  }
0x25d: {  	[tilespmem:s19], [sflag:$0x1] =	stream.linear.gather [hbm4b:s16+s1], $0x80, $0x38;
	(v2sf) =	vpush v0, $0x8;
	[tilespmem:$0xC100] =	vst v63  }
0x25e: {  	s16 =	sadd.s32 $0x8280, s15;
	s19 =	sadd.s32 $0x4300, s15;
	s18 =	sand.u32 $0x1FFFFFF0, s18  }
0x25f: {  	[tilespmem:s16], [sflag:$0x1] =	stream.linear.gather [hbm4b:s17+s1], $0x80, $0x38;
	[tilespmem:$0xC100] =	vst v63  }
0x260: {  	s16 =	sadd.s32 s31, s18;
	s17 =	sadd.s32 s2, s18;
	s18 =	spop (v2sf)  }
0x261: {  	[tilespmem:s19], [sflag:$0x1] =	stream.linear.gather [hbm4b:s16+s1], $0x80, $0x38;
	(v2sf) =	vpush v0, $0x9;
	[tilespmem:$0xC100] =	vst v63  }
0x262: {  	s16 =	sadd.s32 $0x8300, s15;
	s19 =	sadd.s32 $0x4380, s15;
	s18 =	sand.u32 $0x1FFFFFF0, s18  }
0x263: {  	[tilespmem:s16], [sflag:$0x1] =	stream.linear.gather [hbm4b:s17+s1], $0x80, $0x38;
	[tilespmem:$0xC100] =	vst v63  }
0x264: {  	s16 =	sadd.s32 s31, s18;
	s17 =	sadd.s32 s2, s18;
	s18 =	spop (v2sf)  }
0x265: {  	[tilespmem:s19], [sflag:$0x1] =	stream.linear.gather [hbm4b:s16+s1], $0x80, $0x38;
	(v2sf) =	vpush v0, $0xA;
	[tilespmem:$0xC100] =	vst v63  }
0x266: {  	s16 =	sadd.s32 $0x8380, s15;
	s19 =	sadd.s32 $0x4400, s15;
	s18 =	sand.u32 $0x1FFFFFF0, s18  }
0x267: {  	[tilespmem:s16], [sflag:$0x1] =	stream.linear.gather [hbm4b:s17+s1], $0x80, $0x38;
	[tilespmem:$0xC100] =	vst v63  }
0x268: {  	s16 =	sadd.s32 s31, s18;
	s17 =	sadd.s32 s2, s18;
	s18 =	spop (v2sf)  }
0x269: {  	[tilespmem:s19], [sflag:$0x1] =	stream.linear.gather [hbm4b:s16+s1], $0x80, $0x38;
	(v2sf) =	vpush v0, $0xB;
	[tilespmem:$0xC100] =	vst v63  }
0x26a: {  	s16 =	sadd.s32 $0x8400, s15;
	s19 =	sadd.s32 $0x4480, s15;
	s18 =	sand.u32 $0x1FFFFFF0, s18  }
0x26b: {  	[tilespmem:s16], [sflag:$0x1] =	stream.linear.gather [hbm4b:s17+s1], $0x80, $0x38;
	[tilespmem:$0xC100] =	vst v63  }
0x26c: {  	s16 =	sadd.s32 s31, s18;
	s17 =	sadd.s32 s2, s18;
	s18 =	spop (v2sf)  }
0x26d: {  	[tilespmem:s19], [sflag:$0x1] =	stream.linear.gather [hbm4b:s16+s1], $0x80, $0x38;
	(v2sf) =	vpush v0, $0xC;
	[tilespmem:$0xC100] =	vst v63  }
0x26e: {  	s16 =	sadd.s32 $0x8480, s15;
	s19 =	sadd.s32 $0x4500, s15;
	s18 =	sand.u32 $0x1FFFFFF0, s18  }
0x26f: {  	[tilespmem:s16], [sflag:$0x1] =	stream.linear.gather [hbm4b:s17+s1], $0x80, $0x38;
	[tilespmem:$0xC100] =	vst v63  }
0x270: {  	s16 =	sadd.s32 s31, s18;
	s17 =	sadd.s32 s2, s18;
	s18 =	spop (v2sf)  }
0x271: {  	[tilespmem:s19], [sflag:$0x1] =	stream.linear.gather [hbm4b:s16+s1], $0x80, $0x38;
	(v2sf) =	vpush v0, $0xD;
	[tilespmem:$0xC100] =	vst v63  }
0x272: {  	s16 =	sadd.s32 $0x8500, s15;
	s19 =	sadd.s32 $0x4580, s15;
	s18 =	sand.u32 $0x1FFFFFF0, s18  }
0x273: {  	[tilespmem:s16], [sflag:$0x1] =	stream.linear.gather [hbm4b:s17+s1], $0x80, $0x38;
	[tilespmem:$0xC100] =	vst v63  }
0x274: {  	s16 =	sadd.s32 s31, s18;
	s17 =	sadd.s32 s2, s18;
	s18 =	spop (v2sf)  }
0x275: {  	[tilespmem:s19], [sflag:$0x1] =	stream.linear.gather [hbm4b:s16+s1], $0x80, $0x38;
	(v2sf) =	vpush v0, $0xE;
	[tilespmem:$0xC100] =	vst v63  }
0x276: {  	s16 =	sadd.s32 $0x8580, s15;
	s19 =	sadd.s32 $0x4600, s15;
	s18 =	sand.u32 $0x1FFFFFF0, s18  }
0x277: {  	[tilespmem:s16], [sflag:$0x1] =	stream.linear.gather [hbm4b:s17+s1], $0x80, $0x38;
	[tilespmem:$0xC100] =	vst v63  }
0x278: {  	s16 =	sadd.s32 s31, s18;
	s17 =	sadd.s32 s2, s18;
	s18 =	spop (v2sf)  }
0x279: {  	[tilespmem:s19], [sflag:$0x1] =	stream.linear.gather [hbm4b:s16+s1], $0x80, $0x38;
	(v2sf) =	vpush v0, $0xF;
	[tilespmem:$0xC100] =	vst v63  }
0x27a: {  	s16 =	sadd.s32 $0x8600, s15;
	s19 =	sadd.s32 $0x4680, s15;
	s18 =	sand.u32 $0x1FFFFFF0, s18  }
0x27b: {  	[tilespmem:s16], [sflag:$0x1] =	stream.linear.gather [hbm4b:s17+s1], $0x80, $0x38;
	[tilespmem:$0xC100] =	vst v63  }
0x27c: {  	s16 =	sadd.s32 s31, s18;
	s17 =	sadd.s32 s2, s18;
	s18 =	spop (v2sf)  }
0x27d: {  	[tilespmem:s19], [sflag:$0x1] =	stream.linear.gather [hbm4b:s16+s1], $0x80, $0x38;
	[tilespmem:$0xC100] =	vst v63  }
0x27e: {  	s16 =	sadd.s32 $0x8680, s15;
	s19 =	sadd.s32 $0x4700, s15;
	s18 =	sand.u32 $0x1FFFFFF0, s18  }
0x27f: {  	[tilespmem:s16], [sflag:$0x1] =	stream.linear.gather [hbm4b:s17+s1], $0x80, $0x38;
	[tilespmem:$0xC100] =	vst v63  }
0x280: {  	s16 =	sadd.s32 s31, s18;
	s17 =	sadd.s32 s2, s18;
	s18 =	spop (v2sf)  }
0x281: {  	[tilespmem:s19], [sflag:$0x1] =	stream.linear.gather [hbm4b:s16+s1], $0x80, $0x38;
	[tilespmem:$0xC100] =	vst v63  }
0x282: {  	s16 =	sadd.s32 $0x8700, s15;
	s19 =	sadd.s32 $0x4780, s15;
	s18 =	sand.u32 $0x1FFFFFF0, s18  }
0x283: {  	[tilespmem:s16], [sflag:$0x1] =	stream.linear.gather [hbm4b:s17+s1], $0x80, $0x38;
	[tilespmem:$0xC100] =	vst v63  }
0x284: {  	s16 =	sadd.s32 s31, s18;
	s17 =	sadd.s32 s2, s18;
	s18 =	spop (v2sf)  }
0x285: {  	[tilespmem:s19], [sflag:$0x1] =	stream.linear.gather [hbm4b:s16+s1], $0x80, $0x38;
	[tilespmem:$0xC100] =	vst v63  }
0x286: {  	s16 =	sadd.s32 $0x8780, s15;
	s19 =	sadd.s32 $0x4800, s15;
	s18 =	sand.u32 $0x1FFFFFF0, s18  }
0x287: {  	[tilespmem:s16], [sflag:$0x1] =	stream.linear.gather [hbm4b:s17+s1], $0x80, $0x38;
	[tilespmem:$0xC100] =	vst v63  }
0x288: {  	s16 =	sadd.s32 s31, s18;
	s17 =	sadd.s32 s2, s18;
	s18 =	spop (v2sf)  }
0x289: {  	[tilespmem:s19], [sflag:$0x1] =	stream.linear.gather [hbm4b:s16+s1], $0x80, $0x38;
	[tilespmem:$0xC100] =	vst v63  }
0x28a: {  	s16 =	sadd.s32 $0x8800, s15;
	s19 =	sadd.s32 $0x4880, s15;
	s18 =	sand.u32 $0x1FFFFFF0, s18  }
0x28b: {  	[tilespmem:s16], [sflag:$0x1] =	stream.linear.gather [hbm4b:s17+s1], $0x80, $0x38;
	[tilespmem:$0xC100] =	vst v63  }
0x28c: {  	s15 =	sadd.s32 $0x8880, s15;
	s16 =	sadd.s32 s31, s18;
	s17 =	sadd.s32 s2, s18  }
0x28d: {  	[tilespmem:s19], [sflag:$0x1] =	stream.linear.gather [hbm4b:s16+s1], $0x80, $0x38;
	[tilespmem:$0xC100] =	vst v63  }
0x28e: {  	_ = 	snop  }
0x28f: {  	[tilespmem:s15], [sflag:$0x1] =	stream.linear.gather [hbm4b:s17+s1], $0x80, $0x38;
	[tilespmem:$0xC100] =	vst v63  }
0x290: {  	_ =	swait.ge [sflag:s6], $0x80  }
0x291: {  	[sflag:s6] =	ssyncset.done $0x0  }
0x292: {  	[sflag:s6] =	ssyncadd.s32 $0xFFFFFF80  }
0x293: {  	_ =	swait.ge [sflag:s6], $0x80  }
0x294: {  	[sflag:s6] =	ssyncset.done $0x0  }
0x295: {  	[sflag:s6] =	ssyncadd.s32 $0xFFFFFF80  }
0x296: {  	_ =	swait.ge [sflag:s6], $0x80  }
0x297: {  	[sflag:s6] =	ssyncset.done $0x0  }
0x298: {  	[sflag:s6] =	ssyncadd.s32 $0xFFFFFF80  }
0x299: {  	_ =	swait.ge [sflag:s6], $0x80  }
0x29a: {  	[sflag:s6] =	ssyncset.done $0x0  }
0x29b: {  	[sflag:s6] =	ssyncadd.s32 $0xFFFFFF80  }
0x29c: {  	_ =	swait.ge [sflag:s6], $0x80  }
0x29d: {  	[sflag:s6] =	ssyncset.done $0x0  }
0x29e: {  	[sflag:s6] =	ssyncadd.s32 $0xFFFFFF80  }
0x29f: {  	_ =	swait.ge [sflag:s6], $0x80  }
0x2a0: {  	[sflag:s6] =	ssyncset.done $0x0  }
0x2a1: {  	[sflag:s6] =	ssyncadd.s32 $0xFFFFFF80  }
0x2a2: {  	_ =	swait.ge [sflag:s6], $0x80  }
0x2a3: {  	[sflag:s6] =	ssyncset.done $0x0  }
0x2a4: {  	[sflag:s6] =	ssyncadd.s32 $0xFFFFFF80  }
0x2a5: {  	_ =	swait.ge [sflag:s6], $0x80  }
0x2a6: {  	[sflag:s6] =	ssyncset.done $0x0  }
0x2a7: {  	[sflag:s6] =	ssyncadd.s32 $0xFFFFFF80  }
0x2a8: {  	_ =	swait.ge [sflag:s6], $0x80  }
0x2a9: {  	[sflag:s6] =	ssyncset.done $0x0  }
0x2aa: {  	[sflag:s6] =	ssyncadd.s32 $0xFFFFFF80  }
0x2ab: {  	_ =	swait.ge [sflag:s6], $0x80  }
0x2ac: {  	[sflag:s6] =	ssyncset.done $0x0  }
0x2ad: {  	[sflag:s6] =	ssyncadd.s32 $0xFFFFFF80  }
0x2ae: {  	_ =	swait.ge [sflag:s6], $0x80  }
0x2af: {  	[sflag:s6] =	ssyncset.done $0x0  }
0x2b0: {  	[sflag:s6] =	ssyncadd.s32 $0xFFFFFF80  }
0x2b1: {  	_ =	swait.ge [sflag:s6], $0x80  }
0x2b2: {  	[sflag:s6] =	ssyncset.done $0x0  }
0x2b3: {  	[sflag:s6] =	ssyncadd.s32 $0xFFFFFF80  }
0x2b4: {  	_ =	swait.ge [sflag:s6], $0x80  }
0x2b5: {  	[sflag:s6] =	ssyncset.done $0x0  }
0x2b6: {  	[sflag:s6] =	ssyncadd.s32 $0xFFFFFF80  }
0x2b7: {  	_ =	swait.ge [sflag:s6], $0x80  }
0x2b8: {  	[sflag:s6] =	ssyncset.done $0x0  }
0x2b9: {  	[sflag:s6] =	ssyncadd.s32 $0xFFFFFF80  }
0x2ba: {  	_ =	swait.ge [sflag:s6], $0x80  }
0x2bb: {  	[sflag:s6] =	ssyncset.done $0x0  }
0x2bc: {  	[sflag:s6] =	ssyncadd.s32 $0xFFFFFF80  }
0x2bd: {  	_ =	swait.ge [sflag:s6], $0x80  }
0x2be: {  	[sflag:s6] =	ssyncset.done $0x0  }
0x2bf: {  	[sflag:s6] =	ssyncadd.s32 $0xFFFFFF80  }
0x2c0: {  	_ =	swait.ge [sflag:s6], $0x80  }
0x2c1: {  	[sflag:s6] =	ssyncset.done $0x0  }
0x2c2: {  	[sflag:s6] =	ssyncadd.s32 $0xFFFFFF80  }
0x2c3: {  	_ =	swait.ge [sflag:s6], $0x80  }
0x2c4: {  	[sflag:s6] =	ssyncset.done $0x0  }
0x2c5: {  	[sflag:s6] =	ssyncadd.s32 $0xFFFFFF80  }
0x2c6: {  	_ =	swait.ge [sflag:s6], $0x80  }
0x2c7: {  	[sflag:s6] =	ssyncset.done $0x0  }
0x2c8: {  	[sflag:s6] =	ssyncadd.s32 $0xFFFFFF80  }
0x2c9: {  	_ =	swait.ge [sflag:s6], $0x80  }
0x2ca: {  	[sflag:s6] =	ssyncset.done $0x0  }
0x2cb: {  	[sflag:s6] =	ssyncadd.s32 $0xFFFFFF80  }
0x2cc: {  	_ =	swait.ge [sflag:s6], $0x80  }
0x2cd: {  	[sflag:s6] =	ssyncset.done $0x0  }
0x2ce: {  	[sflag:s6] =	ssyncadd.s32 $0xFFFFFF80  }
0x2cf: {  	_ =	swait.ge [sflag:s6], $0x80  }
0x2d0: {  	[sflag:s6] =	ssyncset.done $0x0  }
0x2d1: {  	[sflag:s6] =	ssyncadd.s32 $0xFFFFFF80  }
0x2d2: {  	_ =	swait.ge [sflag:s6], $0x80  }
0x2d3: {  	[sflag:s6] =	ssyncset.done $0x0  }
0x2d4: {  	[sflag:s6] =	ssyncadd.s32 $0xFFFFFF80  }
0x2d5: {  	_ =	swait.ge [sflag:s6], $0x80  }
0x2d6: {  	[sflag:s6] =	ssyncset.done $0x0  }
0x2d7: {  	[sflag:s6] =	ssyncadd.s32 $0xFFFFFF80  }
0x2d8: {  	_ =	swait.ge [sflag:s6], $0x80  }
0x2d9: {  	[sflag:s6] =	ssyncset.done $0x0  }
0x2da: {  	[sflag:s6] =	ssyncadd.s32 $0xFFFFFF80  }
0x2db: {  	_ =	swait.ge [sflag:s6], $0x80  }
0x2dc: {  	[sflag:s6] =	ssyncset.done $0x0  }
0x2dd: {  	[sflag:s6] =	ssyncadd.s32 $0xFFFFFF80  }
0x2de: {  	_ =	swait.ge [sflag:s6], $0x80  }
0x2df: {  	[sflag:s6] =	ssyncset.done $0x0  }
0x2e0: {  	[sflag:s6] =	ssyncadd.s32 $0xFFFFFF80  }
0x2e1: {  	_ =	swait.ge [sflag:s6], $0x80  }
0x2e2: {  	[sflag:s6] =	ssyncset.done $0x0  }
0x2e3: {  	[sflag:s6] =	ssyncadd.s32 $0xFFFFFF80  }
0x2e4: {  	_ =	swait.ge [sflag:s6], $0x80  }
0x2e5: {  	[sflag:s6] =	ssyncset.done $0x0  }
0x2e6: {  	[sflag:s6] =	ssyncadd.s32 $0xFFFFFF80  }
.Ltmp1:
0x2e7: {  	_ =	swait.ge [sflag:s6], $0x80;
	(pc) =	sbr.rel @p0 .LBB2_4-.Ltmp1, $4  }
0x2e8: {  	[sflag:s6] =	ssyncset.done $0x0  }
0x2e9: {  	[sflag:s6] =	ssyncadd.s32 $0xFFFFFF80  }
0x2ea: {  	_ =	swait.ge [sflag:s6], $0x80  }
0x2eb: {  	[sflag:s6] =	ssyncset.done $0x0  }
0x2ec: {  	[sflag:s6] =	ssyncadd.s32 $0xFFFFFF80  }
0x2ed: {  	_ =	swait.ge [sflag:s6], $0x80  }
0x2ee: {  	[sflag:s6] =	ssyncset.done $0x0  }
0x2ef: {  	s13 =	simm.s32 $0x0;
	s14 =	rddreg [dreg:$0x15];
	[sflag:s6] =	ssyncadd.s32 $0xFFFFFF80  }
0x2f0: {  	[hbm4b:s14+s13] =	stream.linear.scatter [tilespmem:s7], [sflag:$0x3], $0x4000, $0x38;
	[tilespmem:$0xC100] =	vst v63  }
0x2f1: {  	_ =	swait.ge [sflag:s5], $0x4000  }
0x2f2: {  	[sflag:s5] =	ssyncset.done $0x0  }
0x2f3: {  	s18 =	rddreg [dreg:$0x16];
	[sflag:s5] =	ssyncadd.s32 $0xFFFFC000  }
0x2f4: {  	[hbm4b:s18+s13] =	stream.linear.scatter [tilespmem:s8], [sflag:$0x3], $0x4000, $0x38;
	[tilespmem:$0xC100] =	vst v63  }
0x2f5: {  	_ =	swait.ge [sflag:s5], $0x4000  }
0x2f6: {  	[sflag:s5] =	ssyncset.done $0x0  }
0x2f7: {  	s19 =	rddreg [dreg:$0x9];
	[sflag:s5] =	ssyncadd.s32 $0xFFFFC000  }
0x2f8: {  	[tilespmem:s9], [sflag:$0x3] =	stream.linear.gather [hbm4b:s19+s13], $0x80, $0x38;
	[tilespmem:$0xC100] =	vst v63  }
0x2f9: {  	_ =	swait.ge [sflag:s5], $0x80  }
0x2fa: {  	[sflag:s5] =	ssyncset.done $0x0  }
0x2fb: {  	[sflag:s5] =	ssyncadd.s32 $0xFFFFFF80  }
0x2fc: {  	[tilespmem:s10], [sflag:$0x2] =	stream.indirect.gather [hbm4b:s3+s9], $0x80, s9, s9, $0xb8;
	[tilespmem:$0xC100] =	vst v63  }
0x2fd: {  	_ =	swait.ge [sflag:s11], $0x4000  }
0x2fe: {  	[sflag:s11] =	ssyncset.done $0x0  }
0x2ff: {  	[sflag:s11] =	ssyncadd.s32 $0xFFFFC000  }
0x300: {  	[hbm4b:s21+s13] =	stream.linear.scatter [tilespmem:s10], [sflag:$0x3], $0x4000, $0x38;
	[tilespmem:$0xC100] =	vst v63  }
0x301: {  	_ =	swait.ge [sflag:s5], $0x4000  }
0x302: {  	[sflag:s5] =	ssyncset.done $0x0  }
0x303: {  	s20 =	rddreg [dreg:$0xa];
	[sflag:s5] =	ssyncadd.s32 $0xFFFFC000  }
0x304: {  	[tilespmem:s9], [sflag:$0x3] =	stream.linear.gather [hbm4b:s20+s13], $0x80, $0x38;
	[tilespmem:$0xC100] =	vst v63  }
0x305: {  	_ =	swait.ge [sflag:s5], $0x80  }
0x306: {  	[sflag:s5] =	ssyncset.done $0x0  }
0x307: {  	[sflag:s5] =	ssyncadd.s32 $0xFFFFFF80  }
0x308: {  	[tilespmem:s10], [sflag:$0x2] =	stream.indirect.gather [hbm4b:s3+s9], $0x80, s9, s9, $0xb8;
	[tilespmem:$0xC100] =	vst v63  }
0x309: {  	_ =	swait.ge [sflag:s11], $0x4000  }
0x30a: {  	[sflag:s11] =	ssyncset.done $0x0  }
0x30b: {  	[sflag:s11] =	ssyncadd.s32 $0xFFFFC000  }
0x30c: {  	[hbm4b:s22+s13] =	stream.linear.scatter [tilespmem:s10], [sflag:$0x3], $0x4000, $0x38;
	[tilespmem:$0xC100] =	vst v63  }
0x30d: {  	_ =	swait.ge [sflag:s5], $0x4000  }
0x30e: {  	[sflag:s5] =	ssyncset.done $0x0  }
0x30f: {  	s15 =	rddreg [dreg:$0xb];
	[sflag:s5] =	ssyncadd.s32 $0xFFFFC000  }
0x310: {  	[tilespmem:s13], [sflag:$0x3] =	stream.linear.gather [hbm4b:s15+s13], $0x80, $0x38;
	[tilespmem:$0xC100] =	vst v63  }
0x311: {  	_ =	swait.ge [sflag:s5], $0x80  }
0x312: {  	[sflag:s5] =	ssyncset.done $0x0  }
0x313: {  	[sflag:s5] =	ssyncadd.s32 $0xFFFFFF80  }
0x314: {  	v0 =	vld [tilespmem:s13+$0x0];
	_ =	sdelay $0x4  }
0x315: {  	v0 =	vshll.u32 v0, $0x4  }
0x316: {  	(v2sf) =	vpush v0, $0x0;
	_ =	sdelay $0x1  }
0x317: {  	(v2sf) =	vpush v0, $0x1;
	_ =	sdelay $0x3  }
0x318: {  	(v2sf) =	vpush v0, $0x2;
	_ =	sdelay $0x3  }
0x319: {  	(v2sf) =	vpush v0, $0x3;
	_ =	sdelay $0x3  }
0x31a: {  	(v2sf) =	vpush v0, $0x4  }
0x31b: {  	s16 =	spop (v2sf)  }
0x31c: {  	s14 =	sand.u32 $0x1FFFFFF0, s16  }
0x31d: {  	s15 =	simm.s32 $0x4100;
	s16 =	spop (v2sf);
	s17 =	sadd.s32 s31, s14  }
0x31e: {  	(v2sf) =	vpush v0, $0x5;
	[tilespmem:s15], [sflag:$0x1] =	stream.linear.gather [hbm4b:s17+s1], $0x80, $0x38;
	[tilespmem:$0xC100] =	vst v63  }
0x31f: {  	s14 =	sadd.s32 s2, s14;
	s16 =	sand.u32 $0x1FFFFFF0, s16;
	s17 =	simm.s32 $0x8100  }
0x320: {  	[tilespmem:s17], [sflag:$0x1] =	stream.linear.gather [hbm4b:s14+s1], $0x80, $0x38;
	[tilespmem:$0xC100] =	vst v63  }
0x321: {  	s20 =	simm.s32 $0x4180;
	s19 =	spop (v2sf);
	s18 =	sadd.s32 s31, s16  }
0x322: {  	(v2sf) =	vpush v0, $0x6;
	[tilespmem:s20], [sflag:$0x1] =	stream.linear.gather [hbm4b:s18+s1], $0x80, $0x38;
	[tilespmem:$0xC100] =	vst v63  }
0x323: {  	s16 =	sadd.s32 s2, s16;
	s15 =	sand.u32 $0x1FFFFFF0, s19;
	s17 =	simm.s32 $0x8180  }
0x324: {  	[tilespmem:s17], [sflag:$0x1] =	stream.linear.gather [hbm4b:s16+s1], $0x80, $0x38;
	[tilespmem:$0xC100] =	vst v63  }
0x325: {  	s19 =	sadd.s32 s31, s15;
	s18 =	simm.s32 $0x4200;
	s20 =	spop (v2sf)  }
0x326: {  	(v2sf) =	vpush v0, $0x7;
	[tilespmem:s18], [sflag:$0x1] =	stream.linear.gather [hbm4b:s19+s1], $0x80, $0x38;
	[tilespmem:$0xC100] =	vst v63  }
0x327: {  	s15 =	sadd.s32 s2, s15;
	s16 =	simm.s32 $0x8200;
	s17 =	sand.u32 $0x1FFFFFF0, s20  }
0x328: {  	[tilespmem:s16], [sflag:$0x1] =	stream.linear.gather [hbm4b:s15+s1], $0x80, $0x38;
	[tilespmem:$0xC100] =	vst v63  }
0x329: {  	s20 =	spop (v2sf);
	s18 =	simm.s32 $0x4280;
	s19 =	sadd.s32 s31, s17  }
0x32a: {  	(v2sf) =	vpush v0, $0x8;
	[tilespmem:s18], [sflag:$0x1] =	stream.linear.gather [hbm4b:s19+s1], $0x80, $0x38;
	[tilespmem:$0xC100] =	vst v63  }
0x32b: {  	s15 =	sadd.s32 s2, s17;
	s16 =	simm.s32 $0x8280;
	s17 =	sand.u32 $0x1FFFFFF0, s20  }
0x32c: {  	[tilespmem:s16], [sflag:$0x1] =	stream.linear.gather [hbm4b:s15+s1], $0x80, $0x38;
	[tilespmem:$0xC100] =	vst v63  }
0x32d: {  	s18 =	simm.s32 $0x4300;
	s19 =	sadd.s32 s31, s17;
	s20 =	spop (v2sf)  }
0x32e: {  	(v2sf) =	vpush v0, $0x9;
	[tilespmem:s18], [sflag:$0x1] =	stream.linear.gather [hbm4b:s19+s1], $0x80, $0x38;
	[tilespmem:$0xC100] =	vst v63  }
0x32f: {  	s15 =	sadd.s32 s2, s17;
	s16 =	simm.s32 $0x8300;
	s17 =	sand.u32 $0x1FFFFFF0, s20  }
0x330: {  	[tilespmem:s16], [sflag:$0x1] =	stream.linear.gather [hbm4b:s15+s1], $0x80, $0x38;
	[tilespmem:$0xC100] =	vst v63  }
0x331: {  	s20 =	spop (v2sf);
	s18 =	simm.s32 $0x4380;
	s19 =	sadd.s32 s31, s17  }
0x332: {  	(v2sf) =	vpush v0, $0xA;
	[tilespmem:s18], [sflag:$0x1] =	stream.linear.gather [hbm4b:s19+s1], $0x80, $0x38;
	[tilespmem:$0xC100] =	vst v63  }
0x333: {  	s15 =	sadd.s32 s2, s17;
	s16 =	simm.s32 $0x8380;
	s17 =	sand.u32 $0x1FFFFFF0, s20  }
0x334: {  	[tilespmem:s16], [sflag:$0x1] =	stream.linear.gather [hbm4b:s15+s1], $0x80, $0x38;
	[tilespmem:$0xC100] =	vst v63  }
0x335: {  	s20 =	spop (v2sf);
	s18 =	simm.s32 $0x4400;
	s19 =	sadd.s32 s31, s17  }
0x336: {  	(v2sf) =	vpush v0, $0xB;
	[tilespmem:s18], [sflag:$0x1] =	stream.linear.gather [hbm4b:s19+s1], $0x80, $0x38;
	[tilespmem:$0xC100] =	vst v63  }
0x337: {  	s15 =	sadd.s32 s2, s17;
	s16 =	simm.s32 $0x8400;
	s17 =	sand.u32 $0x1FFFFFF0, s20  }
0x338: {  	[tilespmem:s16], [sflag:$0x1] =	stream.linear.gather [hbm4b:s15+s1], $0x80, $0x38;
	[tilespmem:$0xC100] =	vst v63  }
0x339: {  	s20 =	spop (v2sf);
	s18 =	simm.s32 $0x4480;
	s19 =	sadd.s32 s31, s17  }
0x33a: {  	(v2sf) =	vpush v0, $0xC;
	[tilespmem:s18], [sflag:$0x1] =	stream.linear.gather [hbm4b:s19+s1], $0x80, $0x38;
	[tilespmem:$0xC100] =	vst v63  }
0x33b: {  	s15 =	sadd.s32 s2, s17;
	s16 =	simm.s32 $0x8480;
	s17 =	sand.u32 $0x1FFFFFF0, s20  }
0x33c: {  	[tilespmem:s16], [sflag:$0x1] =	stream.linear.gather [hbm4b:s15+s1], $0x80, $0x38;
	[tilespmem:$0xC100] =	vst v63  }
0x33d: {  	s20 =	spop (v2sf);
	s18 =	simm.s32 $0x4500;
	s19 =	sadd.s32 s31, s17  }
0x33e: {  	(v2sf) =	vpush v0, $0xD;
	[tilespmem:s18], [sflag:$0x1] =	stream.linear.gather [hbm4b:s19+s1], $0x80, $0x38;
	[tilespmem:$0xC100] =	vst v63  }
0x33f: {  	s15 =	sadd.s32 s2, s17;
	s16 =	simm.s32 $0x8500;
	s17 =	sand.u32 $0x1FFFFFF0, s20  }
0x340: {  	[tilespmem:s16], [sflag:$0x1] =	stream.linear.gather [hbm4b:s15+s1], $0x80, $0x38;
	[tilespmem:$0xC100] =	vst v63  }
0x341: {  	s20 =	spop (v2sf);
	s18 =	simm.s32 $0x4580;
	s19 =	sadd.s32 s31, s17  }
0x342: {  	(v2sf) =	vpush v0, $0xE;
	[tilespmem:s18], [sflag:$0x1] =	stream.linear.gather [hbm4b:s19+s1], $0x80, $0x38;
	[tilespmem:$0xC100] =	vst v63  }
0x343: {  	s15 =	sadd.s32 s2, s17;
	s16 =	simm.s32 $0x8580;
	s17 =	sand.u32 $0x1FFFFFF0, s20  }
0x344: {  	[tilespmem:s16], [sflag:$0x1] =	stream.linear.gather [hbm4b:s15+s1], $0x80, $0x38;
	[tilespmem:$0xC100] =	vst v63  }
0x345: {  	s20 =	spop (v2sf);
	s18 =	simm.s32 $0x4600;
	s19 =	sadd.s32 s31, s17  }
0x346: {  	(v2sf) =	vpush v0, $0xF;
	[tilespmem:s18], [sflag:$0x1] =	stream.linear.gather [hbm4b:s19+s1], $0x80, $0x38;
	[tilespmem:$0xC100] =	vst v63  }
0x347: {  	s15 =	sadd.s32 s2, s17;
	s16 =	simm.s32 $0x8600;
	s17 =	sand.u32 $0x1FFFFFF0, s20  }
0x348: {  	[tilespmem:s16], [sflag:$0x1] =	stream.linear.gather [hbm4b:s15+s1], $0x80, $0x38;
	[tilespmem:$0xC100] =	vst v63  }
0x349: {  	s20 =	spop (v2sf);
	s18 =	simm.s32 $0x4680;
	s19 =	sadd.s32 s31, s17  }
0x34a: {  	[tilespmem:s18], [sflag:$0x1] =	stream.linear.gather [hbm4b:s19+s1], $0x80, $0x38;
	[tilespmem:$0xC100] =	vst v63  }
0x34b: {  	s15 =	sadd.s32 s2, s17;
	s16 =	simm.s32 $0x8680;
	s17 =	sand.u32 $0x1FFFFFF0, s20  }
0x34c: {  	[tilespmem:s16], [sflag:$0x1] =	stream.linear.gather [hbm4b:s15+s1], $0x80, $0x38;
	[tilespmem:$0xC100] =	vst v63  }
0x34d: {  	s20 =	spop (v2sf);
	s18 =	simm.s32 $0x4700;
	s19 =	sadd.s32 s31, s17  }
0x34e: {  	[tilespmem:s18], [sflag:$0x1] =	stream.linear.gather [hbm4b:s19+s1], $0x80, $0x38;
	[tilespmem:$0xC100] =	vst v63  }
0x34f: {  	s15 =	sadd.s32 s2, s17;
	s16 =	simm.s32 $0x8700;
	s17 =	sand.u32 $0x1FFFFFF0, s20  }
0x350: {  	[tilespmem:s16], [sflag:$0x1] =	stream.linear.gather [hbm4b:s15+s1], $0x80, $0x38;
	[tilespmem:$0xC100] =	vst v63  }
0x351: {  	s20 =	spop (v2sf);
	s18 =	simm.s32 $0x4780;
	s19 =	sadd.s32 s31, s17  }
0x352: {  	[tilespmem:s18], [sflag:$0x1] =	stream.linear.gather [hbm4b:s19+s1], $0x80, $0x38;
	[tilespmem:$0xC100] =	vst v63  }
0x353: {  	s15 =	sadd.s32 s2, s17;
	s16 =	simm.s32 $0x8780;
	s17 =	sand.u32 $0x1FFFFFF0, s20  }
0x354: {  	[tilespmem:s16], [sflag:$0x1] =	stream.linear.gather [hbm4b:s15+s1], $0x80, $0x38;
	[tilespmem:$0xC100] =	vst v63  }
0x355: {  	s20 =	spop (v2sf);
	s18 =	simm.s32 $0x4800;
	s19 =	sadd.s32 s31, s17  }
0x356: {  	[tilespmem:s18], [sflag:$0x1] =	stream.linear.gather [hbm4b:s19+s1], $0x80, $0x38;
	[tilespmem:$0xC100] =	vst v63  }
0x357: {  	s20 =	sand.u32 $0x1FFFFFF0, s20;
	s18 =	sadd.s32 s2, s17;
	s19 =	simm.s32 $0x8800  }
0x358: {  	[tilespmem:s19], [sflag:$0x1] =	stream.linear.gather [hbm4b:s18+s1], $0x80, $0x38;
	[tilespmem:$0xC100] =	vst v63  }
0x359: {  	s17 =	simm.s32 $0x4880;
	s18 =	sadd.s32 s31, s20  }
0x35a: {  	[tilespmem:s17], [sflag:$0x1] =	stream.linear.gather [hbm4b:s18+s1], $0x80, $0x38;
	[tilespmem:$0xC100] =	vst v63  }
0x35b: {  	s19 =	simm.s32 $0x8880;
	s20 =	sadd.s32 s2, s20  }
0x35c: {  	[tilespmem:s19], [sflag:$0x1] =	stream.linear.gather [hbm4b:s20+s1], $0x80, $0x38;
	[tilespmem:$0xC100] =	vst v63  }
0x35d: {  	_ =	swait.ge [sflag:s6], $0x80  }
0x35e: {  	[sflag:s6] =	ssyncset.done $0x0  }
0x35f: {  	[sflag:s6] =	ssyncadd.s32 $0xFFFFFF80  }
0x360: {  	_ =	swait.ge [sflag:s6], $0x80  }
0x361: {  	[sflag:s6] =	ssyncset.done $0x0  }
0x362: {  	[sflag:s6] =	ssyncadd.s32 $0xFFFFFF80  }
0x363: {  	_ =	swait.ge [sflag:s6], $0x80  }
0x364: {  	[sflag:s6] =	ssyncset.done $0x0  }
0x365: {  	[sflag:s6] =	ssyncadd.s32 $0xFFFFFF80  }
0x366: {  	_ =	swait.ge [sflag:s6], $0x80  }
0x367: {  	[sflag:s6] =	ssyncset.done $0x0  }
0x368: {  	[sflag:s6] =	ssyncadd.s32 $0xFFFFFF80  }
0x369: {  	_ =	swait.ge [sflag:s6], $0x80  }
0x36a: {  	[sflag:s6] =	ssyncset.done $0x0  }
0x36b: {  	[sflag:s6] =	ssyncadd.s32 $0xFFFFFF80  }
0x36c: {  	_ =	swait.ge [sflag:s6], $0x80  }
0x36d: {  	[sflag:s6] =	ssyncset.done $0x0  }
0x36e: {  	[sflag:s6] =	ssyncadd.s32 $0xFFFFFF80  }
0x36f: {  	_ =	swait.ge [sflag:s6], $0x80  }
0x370: {  	[sflag:s6] =	ssyncset.done $0x0  }
0x371: {  	[sflag:s6] =	ssyncadd.s32 $0xFFFFFF80  }
0x372: {  	_ =	swait.ge [sflag:s6], $0x80  }
0x373: {  	[sflag:s6] =	ssyncset.done $0x0  }
0x374: {  	[sflag:s6] =	ssyncadd.s32 $0xFFFFFF80  }
0x375: {  	_ =	swait.ge [sflag:s6], $0x80  }
0x376: {  	[sflag:s6] =	ssyncset.done $0x0  }
0x377: {  	[sflag:s6] =	ssyncadd.s32 $0xFFFFFF80  }
0x378: {  	_ =	swait.ge [sflag:s6], $0x80  }
0x379: {  	[sflag:s6] =	ssyncset.done $0x0  }
0x37a: {  	[sflag:s6] =	ssyncadd.s32 $0xFFFFFF80  }
0x37b: {  	_ =	swait.ge [sflag:s6], $0x80  }
0x37c: {  	[sflag:s6] =	ssyncset.done $0x0  }
0x37d: {  	[sflag:s6] =	ssyncadd.s32 $0xFFFFFF80  }
0x37e: {  	_ =	swait.ge [sflag:s6], $0x80  }
0x37f: {  	[sflag:s6] =	ssyncset.done $0x0  }
0x380: {  	[sflag:s6] =	ssyncadd.s32 $0xFFFFFF80  }
0x381: {  	_ =	swait.ge [sflag:s6], $0x80  }
0x382: {  	[sflag:s6] =	ssyncset.done $0x0  }
0x383: {  	[sflag:s6] =	ssyncadd.s32 $0xFFFFFF80  }
0x384: {  	_ =	swait.ge [sflag:s6], $0x80  }
0x385: {  	[sflag:s6] =	ssyncset.done $0x0  }
0x386: {  	[sflag:s6] =	ssyncadd.s32 $0xFFFFFF80  }
0x387: {  	_ =	swait.ge [sflag:s6], $0x80  }
0x388: {  	[sflag:s6] =	ssyncset.done $0x0  }
0x389: {  	[sflag:s6] =	ssyncadd.s32 $0xFFFFFF80  }
0x38a: {  	_ =	swait.ge [sflag:s6], $0x80  }
0x38b: {  	[sflag:s6] =	ssyncset.done $0x0  }
0x38c: {  	[sflag:s6] =	ssyncadd.s32 $0xFFFFFF80  }
0x38d: {  	_ =	swait.ge [sflag:s6], $0x80  }
0x38e: {  	[sflag:s6] =	ssyncset.done $0x0  }
0x38f: {  	[sflag:s6] =	ssyncadd.s32 $0xFFFFFF80  }
0x390: {  	_ =	swait.ge [sflag:s6], $0x80  }
0x391: {  	[sflag:s6] =	ssyncset.done $0x0  }
0x392: {  	[sflag:s6] =	ssyncadd.s32 $0xFFFFFF80  }
0x393: {  	_ =	swait.ge [sflag:s6], $0x80  }
0x394: {  	[sflag:s6] =	ssyncset.done $0x0  }
0x395: {  	[sflag:s6] =	ssyncadd.s32 $0xFFFFFF80  }
0x396: {  	_ =	swait.ge [sflag:s6], $0x80  }
0x397: {  	[sflag:s6] =	ssyncset.done $0x0  }
0x398: {  	[sflag:s6] =	ssyncadd.s32 $0xFFFFFF80  }
0x399: {  	_ =	swait.ge [sflag:s6], $0x80  }
0x39a: {  	[sflag:s6] =	ssyncset.done $0x0  }
0x39b: {  	[sflag:s6] =	ssyncadd.s32 $0xFFFFFF80  }
0x39c: {  	_ =	swait.ge [sflag:s6], $0x80  }
0x39d: {  	[sflag:s6] =	ssyncset.done $0x0  }
0x39e: {  	[sflag:s6] =	ssyncadd.s32 $0xFFFFFF80  }
0x39f: {  	_ =	swait.ge [sflag:s6], $0x80  }
0x3a0: {  	[sflag:s6] =	ssyncset.done $0x0  }
0x3a1: {  	[sflag:s6] =	ssyncadd.s32 $0xFFFFFF80  }
0x3a2: {  	_ =	swait.ge [sflag:s6], $0x80  }
0x3a3: {  	[sflag:s6] =	ssyncset.done $0x0  }
0x3a4: {  	[sflag:s6] =	ssyncadd.s32 $0xFFFFFF80  }
0x3a5: {  	_ =	swait.ge [sflag:s6], $0x80  }
0x3a6: {  	[sflag:s6] =	ssyncset.done $0x0  }
0x3a7: {  	[sflag:s6] =	ssyncadd.s32 $0xFFFFFF80  }
0x3a8: {  	_ =	swait.ge [sflag:s6], $0x80  }
0x3a9: {  	[sflag:s6] =	ssyncset.done $0x0  }
0x3aa: {  	[sflag:s6] =	ssyncadd.s32 $0xFFFFFF80  }
0x3ab: {  	_ =	swait.ge [sflag:s6], $0x80  }
0x3ac: {  	[sflag:s6] =	ssyncset.done $0x0  }
0x3ad: {  	[sflag:s6] =	ssyncadd.s32 $0xFFFFFF80  }
0x3ae: {  	_ =	swait.ge [sflag:s6], $0x80  }
0x3af: {  	[sflag:s6] =	ssyncset.done $0x0  }
0x3b0: {  	[sflag:s6] =	ssyncadd.s32 $0xFFFFFF80  }
0x3b1: {  	_ =	swait.ge [sflag:s6], $0x80  }
0x3b2: {  	[sflag:s6] =	ssyncset.done $0x0  }
0x3b3: {  	[sflag:s6] =	ssyncadd.s32 $0xFFFFFF80  }
0x3b4: {  	_ =	swait.ge [sflag:s6], $0x80  }
0x3b5: {  	[sflag:s6] =	ssyncset.done $0x0  }
0x3b6: {  	[sflag:s6] =	ssyncadd.s32 $0xFFFFFF80  }
0x3b7: {  	_ =	swait.ge [sflag:s6], $0x80  }
0x3b8: {  	s14 =	simm.s32 $0x2000;
	[sflag:s6] =	ssyncset.done $0x0  }
.LBB2_6:
0x3b9: {  	p0 =	sne.s32 s14, $0xE000;
	[sflag:s6] =	ssyncadd.s32 $0xFFFFFF80;
	s13 =	sadd.s32 $0x10, s13  }
0x3ba: {  	s15 =	smov.u32 s14;
	s14 =	sadd.s32 $0x2000, s14;
	_ =	swait.ge [sflag:s6], $0x80  }
0x3bb: {  	[sflag:s6] =	ssyncset.done $0x0  }
0x3bc: {  	[sflag:s6] =	ssyncadd.s32 $0xFFFFFF80  }
0x3bd: {  	v0 =	vld [tilespmem:s13+$0x0];
	_ =	sdelay $0x4  }
0x3be: {  	v0 =	vshll.u32 v0, $0x4  }
0x3bf: {  	(v2sf) =	vpush v0, $0x0  }
0x3c0: {  	(v2sf) =	vpush v0, $0x1;
	_ =	sdelay $0x2  }
0x3c1: {  	(v2sf) =	vpush v0, $0x2;
	_ =	sdelay $0x5  }
0x3c2: {  	(v2sf) =	vpush v0, $0x3;
	_ =	sdelay $0x2  }
0x3c3: {  	s15 =	sshra.s32 s15, $0x2  }
0x3c4: {  	s16 =	sadd.s32 $0x8100, s15;
	(v2sf) =	vpush v0, $0x4  }
0x3c5: {  	s17 =	sadd.s32 $0x4100, s15;
	s18 =	spop (v2sf)  }
0x3c6: {  	s18 =	sand.u32 $0x1FFFFFF0, s18;
	s19 =	spop (v2sf)  }
0x3c7: {  	s20 =	sadd.s32 s31, s18;
	s18 =	sadd.s32 s2, s18;
	s19 =	sand.u32 $0x1FFFFFF0, s19  }
0x3c8: {  	[tilespmem:s17], [sflag:$0x1] =	stream.linear.gather [hbm4b:s20+s1], $0x80, $0x38;
	(v2sf) =	vpush v0, $0x5;
	[tilespmem:$0xC100] =	vst v63  }
0x3c9: {  	s17 =	sadd.s32 s31, s19;
	s20 =	spop (v2sf)  }
0x3ca: {  	[tilespmem:s16], [sflag:$0x1] =	stream.linear.gather [hbm4b:s18+s1], $0x80, $0x38;
	[tilespmem:$0xC100] =	vst v63  }
0x3cb: {  	s16 =	sadd.s32 $0x4180, s15;
	s18 =	sadd.s32 s2, s19;
	s19 =	sand.u32 $0x1FFFFFF0, s20  }
0x3cc: {  	[tilespmem:s16], [sflag:$0x1] =	stream.linear.gather [hbm4b:s17+s1], $0x80, $0x38;
	(v2sf) =	vpush v0, $0x6;
	[tilespmem:$0xC100] =	vst v63  }
0x3cd: {  	s20 =	sadd.s32 s31, s19;
	s16 =	sadd.s32 $0x8180, s15;
	s17 =	sadd.s32 $0x4200, s15  }
0x3ce: {  	[tilespmem:s16], [sflag:$0x1] =	stream.linear.gather [hbm4b:s18+s1], $0x80, $0x38;
	[tilespmem:$0xC100] =	vst v63  }
0x3cf: {  	s16 =	sadd.s32 s2, s19;
	s18 =	spop (v2sf)  }
0x3d0: {  	[tilespmem:s17], [sflag:$0x1] =	stream.linear.gather [hbm4b:s20+s1], $0x80, $0x38;
	(v2sf) =	vpush v0, $0x7;
	[tilespmem:$0xC100] =	vst v63  }
0x3d1: {  	s19 =	sadd.s32 $0x4280, s15;
	s17 =	sadd.s32 $0x8200, s15;
	s18 =	sand.u32 $0x1FFFFFF0, s18  }
0x3d2: {  	[tilespmem:s17], [sflag:$0x1] =	stream.linear.gather [hbm4b:s16+s1], $0x80, $0x38;
	[tilespmem:$0xC100] =	vst v63  }
0x3d3: {  	s16 =	sadd.s32 s31, s18;
	s17 =	sadd.s32 s2, s18;
	s18 =	spop (v2sf)  }
0x3d4: {  	[tilespmem:s19], [sflag:$0x1] =	stream.linear.gather [hbm4b:s16+s1], $0x80, $0x38;
	(v2sf) =	vpush v0, $0x8;
	[tilespmem:$0xC100] =	vst v63  }
0x3d5: {  	s16 =	sadd.s32 $0x8280, s15;
	s19 =	sadd.s32 $0x4300, s15;
	s18 =	sand.u32 $0x1FFFFFF0, s18  }
0x3d6: {  	[tilespmem:s16], [sflag:$0x1] =	stream.linear.gather [hbm4b:s17+s1], $0x80, $0x38;
	[tilespmem:$0xC100] =	vst v63  }
0x3d7: {  	s16 =	sadd.s32 s31, s18;
	s17 =	sadd.s32 s2, s18;
	s18 =	spop (v2sf)  }
0x3d8: {  	[tilespmem:s19], [sflag:$0x1] =	stream.linear.gather [hbm4b:s16+s1], $0x80, $0x38;
	(v2sf) =	vpush v0, $0x9;
	[tilespmem:$0xC100] =	vst v63  }
0x3d9: {  	s16 =	sadd.s32 $0x8300, s15;
	s19 =	sadd.s32 $0x4380, s15;
	s18 =	sand.u32 $0x1FFFFFF0, s18  }
0x3da: {  	[tilespmem:s16], [sflag:$0x1] =	stream.linear.gather [hbm4b:s17+s1], $0x80, $0x38;
	[tilespmem:$0xC100] =	vst v63  }
0x3db: {  	s16 =	sadd.s32 s31, s18;
	s17 =	sadd.s32 s2, s18;
	s18 =	spop (v2sf)  }
0x3dc: {  	[tilespmem:s19], [sflag:$0x1] =	stream.linear.gather [hbm4b:s16+s1], $0x80, $0x38;
	(v2sf) =	vpush v0, $0xA;
	[tilespmem:$0xC100] =	vst v63  }
0x3dd: {  	s16 =	sadd.s32 $0x8380, s15;
	s19 =	sadd.s32 $0x4400, s15;
	s18 =	sand.u32 $0x1FFFFFF0, s18  }
0x3de: {  	[tilespmem:s16], [sflag:$0x1] =	stream.linear.gather [hbm4b:s17+s1], $0x80, $0x38;
	[tilespmem:$0xC100] =	vst v63  }
0x3df: {  	s16 =	sadd.s32 s31, s18;
	s17 =	sadd.s32 s2, s18;
	s18 =	spop (v2sf)  }
0x3e0: {  	[tilespmem:s19], [sflag:$0x1] =	stream.linear.gather [hbm4b:s16+s1], $0x80, $0x38;
	(v2sf) =	vpush v0, $0xB;
	[tilespmem:$0xC100] =	vst v63  }
0x3e1: {  	s16 =	sadd.s32 $0x8400, s15;
	s19 =	sadd.s32 $0x4480, s15;
	s18 =	sand.u32 $0x1FFFFFF0, s18  }
0x3e2: {  	[tilespmem:s16], [sflag:$0x1] =	stream.linear.gather [hbm4b:s17+s1], $0x80, $0x38;
	[tilespmem:$0xC100] =	vst v63  }
0x3e3: {  	s16 =	sadd.s32 s31, s18;
	s17 =	sadd.s32 s2, s18;
	s18 =	spop (v2sf)  }
0x3e4: {  	[tilespmem:s19], [sflag:$0x1] =	stream.linear.gather [hbm4b:s16+s1], $0x80, $0x38;
	(v2sf) =	vpush v0, $0xC;
	[tilespmem:$0xC100] =	vst v63  }
0x3e5: {  	s16 =	sadd.s32 $0x8480, s15;
	s19 =	sadd.s32 $0x4500, s15;
	s18 =	sand.u32 $0x1FFFFFF0, s18  }
0x3e6: {  	[tilespmem:s16], [sflag:$0x1] =	stream.linear.gather [hbm4b:s17+s1], $0x80, $0x38;
	[tilespmem:$0xC100] =	vst v63  }
0x3e7: {  	s16 =	sadd.s32 s31, s18;
	s17 =	sadd.s32 s2, s18;
	s18 =	spop (v2sf)  }
0x3e8: {  	[tilespmem:s19], [sflag:$0x1] =	stream.linear.gather [hbm4b:s16+s1], $0x80, $0x38;
	(v2sf) =	vpush v0, $0xD;
	[tilespmem:$0xC100] =	vst v63  }
0x3e9: {  	s16 =	sadd.s32 $0x8500, s15;
	s19 =	sadd.s32 $0x4580, s15;
	s18 =	sand.u32 $0x1FFFFFF0, s18  }
0x3ea: {  	[tilespmem:s16], [sflag:$0x1] =	stream.linear.gather [hbm4b:s17+s1], $0x80, $0x38;
	[tilespmem:$0xC100] =	vst v63  }
0x3eb: {  	s16 =	sadd.s32 s31, s18;
	s17 =	sadd.s32 s2, s18;
	s18 =	spop (v2sf)  }
0x3ec: {  	[tilespmem:s19], [sflag:$0x1] =	stream.linear.gather [hbm4b:s16+s1], $0x80, $0x38;
	(v2sf) =	vpush v0, $0xE;
	[tilespmem:$0xC100] =	vst v63  }
0x3ed: {  	s16 =	sadd.s32 $0x8580, s15;
	s19 =	sadd.s32 $0x4600, s15;
	s18 =	sand.u32 $0x1FFFFFF0, s18  }
0x3ee: {  	[tilespmem:s16], [sflag:$0x1] =	stream.linear.gather [hbm4b:s17+s1], $0x80, $0x38;
	[tilespmem:$0xC100] =	vst v63  }
0x3ef: {  	s16 =	sadd.s32 s31, s18;
	s17 =	sadd.s32 s2, s18;
	s18 =	spop (v2sf)  }
0x3f0: {  	[tilespmem:s19], [sflag:$0x1] =	stream.linear.gather [hbm4b:s16+s1], $0x80, $0x38;
	(v2sf) =	vpush v0, $0xF;
	[tilespmem:$0xC100] =	vst v63  }
0x3f1: {  	s16 =	sadd.s32 $0x8600, s15;
	s19 =	sadd.s32 $0x4680, s15;
	s18 =	sand.u32 $0x1FFFFFF0, s18  }
0x3f2: {  	[tilespmem:s16], [sflag:$0x1] =	stream.linear.gather [hbm4b:s17+s1], $0x80, $0x38;
	[tilespmem:$0xC100] =	vst v63  }
0x3f3: {  	s16 =	sadd.s32 s31, s18;
	s17 =	sadd.s32 s2, s18;
	s18 =	spop (v2sf)  }
0x3f4: {  	[tilespmem:s19], [sflag:$0x1] =	stream.linear.gather [hbm4b:s16+s1], $0x80, $0x38;
	[tilespmem:$0xC100] =	vst v63  }
0x3f5: {  	s16 =	sadd.s32 $0x8680, s15;
	s19 =	sadd.s32 $0x4700, s15;
	s18 =	sand.u32 $0x1FFFFFF0, s18  }
0x3f6: {  	[tilespmem:s16], [sflag:$0x1] =	stream.linear.gather [hbm4b:s17+s1], $0x80, $0x38;
	[tilespmem:$0xC100] =	vst v63  }
0x3f7: {  	s16 =	sadd.s32 s31, s18;
	s17 =	sadd.s32 s2, s18;
	s18 =	spop (v2sf)  }
0x3f8: {  	[tilespmem:s19], [sflag:$0x1] =	stream.linear.gather [hbm4b:s16+s1], $0x80, $0x38;
	[tilespmem:$0xC100] =	vst v63  }
0x3f9: {  	s16 =	sadd.s32 $0x8700, s15;
	s19 =	sadd.s32 $0x4780, s15;
	s18 =	sand.u32 $0x1FFFFFF0, s18  }
0x3fa: {  	[tilespmem:s16], [sflag:$0x1] =	stream.linear.gather [hbm4b:s17+s1], $0x80, $0x38;
	[tilespmem:$0xC100] =	vst v63  }
0x3fb: {  	s16 =	sadd.s32 s31, s18;
	s17 =	sadd.s32 s2, s18;
	s18 =	spop (v2sf)  }
0x3fc: {  	[tilespmem:s19], [sflag:$0x1] =	stream.linear.gather [hbm4b:s16+s1], $0x80, $0x38;
	[tilespmem:$0xC100] =	vst v63  }
0x3fd: {  	s16 =	sadd.s32 $0x8780, s15;
	s19 =	sadd.s32 $0x4800, s15;
	s18 =	sand.u32 $0x1FFFFFF0, s18  }
0x3fe: {  	[tilespmem:s16], [sflag:$0x1] =	stream.linear.gather [hbm4b:s17+s1], $0x80, $0x38;
	[tilespmem:$0xC100] =	vst v63  }
0x3ff: {  	s16 =	sadd.s32 s31, s18;
	s17 =	sadd.s32 s2, s18;
	s18 =	spop (v2sf)  }
0x400: {  	[tilespmem:s19], [sflag:$0x1] =	stream.linear.gather [hbm4b:s16+s1], $0x80, $0x38;
	[tilespmem:$0xC100] =	vst v63  }
0x401: {  	s16 =	sadd.s32 $0x8800, s15;
	s19 =	sadd.s32 $0x4880, s15;
	s18 =	sand.u32 $0x1FFFFFF0, s18  }
0x402: {  	[tilespmem:s16], [sflag:$0x1] =	stream.linear.gather [hbm4b:s17+s1], $0x80, $0x38;
	[tilespmem:$0xC100] =	vst v63  }
0x403: {  	s15 =	sadd.s32 $0x8880, s15;
	s16 =	sadd.s32 s31, s18;
	s17 =	sadd.s32 s2, s18  }
0x404: {  	[tilespmem:s19], [sflag:$0x1] =	stream.linear.gather [hbm4b:s16+s1], $0x80, $0x38;
	[tilespmem:$0xC100] =	vst v63  }
0x405: {  	_ = 	snop  }
0x406: {  	[tilespmem:s15], [sflag:$0x1] =	stream.linear.gather [hbm4b:s17+s1], $0x80, $0x38;
	[tilespmem:$0xC100] =	vst v63  }
0x407: {  	_ =	swait.ge [sflag:s6], $0x80  }
0x408: {  	[sflag:s6] =	ssyncset.done $0x0  }
0x409: {  	[sflag:s6] =	ssyncadd.s32 $0xFFFFFF80  }
0x40a: {  	_ =	swait.ge [sflag:s6], $0x80  }
0x40b: {  	[sflag:s6] =	ssyncset.done $0x0  }
0x40c: {  	[sflag:s6] =	ssyncadd.s32 $0xFFFFFF80  }
0x40d: {  	_ =	swait.ge [sflag:s6], $0x80  }
0x40e: {  	[sflag:s6] =	ssyncset.done $0x0  }
0x40f: {  	[sflag:s6] =	ssyncadd.s32 $0xFFFFFF80  }
0x410: {  	_ =	swait.ge [sflag:s6], $0x80  }
0x411: {  	[sflag:s6] =	ssyncset.done $0x0  }
0x412: {  	[sflag:s6] =	ssyncadd.s32 $0xFFFFFF80  }
0x413: {  	_ =	swait.ge [sflag:s6], $0x80  }
0x414: {  	[sflag:s6] =	ssyncset.done $0x0  }
0x415: {  	[sflag:s6] =	ssyncadd.s32 $0xFFFFFF80  }
0x416: {  	_ =	swait.ge [sflag:s6], $0x80  }
0x417: {  	[sflag:s6] =	ssyncset.done $0x0  }
0x418: {  	[sflag:s6] =	ssyncadd.s32 $0xFFFFFF80  }
0x419: {  	_ =	swait.ge [sflag:s6], $0x80  }
0x41a: {  	[sflag:s6] =	ssyncset.done $0x0  }
0x41b: {  	[sflag:s6] =	ssyncadd.s32 $0xFFFFFF80  }
0x41c: {  	_ =	swait.ge [sflag:s6], $0x80  }
0x41d: {  	[sflag:s6] =	ssyncset.done $0x0  }
0x41e: {  	[sflag:s6] =	ssyncadd.s32 $0xFFFFFF80  }
0x41f: {  	_ =	swait.ge [sflag:s6], $0x80  }
0x420: {  	[sflag:s6] =	ssyncset.done $0x0  }
0x421: {  	[sflag:s6] =	ssyncadd.s32 $0xFFFFFF80  }
0x422: {  	_ =	swait.ge [sflag:s6], $0x80  }
0x423: {  	[sflag:s6] =	ssyncset.done $0x0  }
0x424: {  	[sflag:s6] =	ssyncadd.s32 $0xFFFFFF80  }
0x425: {  	_ =	swait.ge [sflag:s6], $0x80  }
0x426: {  	[sflag:s6] =	ssyncset.done $0x0  }
0x427: {  	[sflag:s6] =	ssyncadd.s32 $0xFFFFFF80  }
0x428: {  	_ =	swait.ge [sflag:s6], $0x80  }
0x429: {  	[sflag:s6] =	ssyncset.done $0x0  }
0x42a: {  	[sflag:s6] =	ssyncadd.s32 $0xFFFFFF80  }
0x42b: {  	_ =	swait.ge [sflag:s6], $0x80  }
0x42c: {  	[sflag:s6] =	ssyncset.done $0x0  }
0x42d: {  	[sflag:s6] =	ssyncadd.s32 $0xFFFFFF80  }
0x42e: {  	_ =	swait.ge [sflag:s6], $0x80  }
0x42f: {  	[sflag:s6] =	ssyncset.done $0x0  }
0x430: {  	[sflag:s6] =	ssyncadd.s32 $0xFFFFFF80  }
0x431: {  	_ =	swait.ge [sflag:s6], $0x80  }
0x432: {  	[sflag:s6] =	ssyncset.done $0x0  }
0x433: {  	[sflag:s6] =	ssyncadd.s32 $0xFFFFFF80  }
0x434: {  	_ =	swait.ge [sflag:s6], $0x80  }
0x435: {  	[sflag:s6] =	ssyncset.done $0x0  }
0x436: {  	[sflag:s6] =	ssyncadd.s32 $0xFFFFFF80  }
0x437: {  	_ =	swait.ge [sflag:s6], $0x80  }
0x438: {  	[sflag:s6] =	ssyncset.done $0x0  }
0x439: {  	[sflag:s6] =	ssyncadd.s32 $0xFFFFFF80  }
0x43a: {  	_ =	swait.ge [sflag:s6], $0x80  }
0x43b: {  	[sflag:s6] =	ssyncset.done $0x0  }
0x43c: {  	[sflag:s6] =	ssyncadd.s32 $0xFFFFFF80  }
0x43d: {  	_ =	swait.ge [sflag:s6], $0x80  }
0x43e: {  	[sflag:s6] =	ssyncset.done $0x0  }
0x43f: {  	[sflag:s6] =	ssyncadd.s32 $0xFFFFFF80  }
0x440: {  	_ =	swait.ge [sflag:s6], $0x80  }
0x441: {  	[sflag:s6] =	ssyncset.done $0x0  }
0x442: {  	[sflag:s6] =	ssyncadd.s32 $0xFFFFFF80  }
0x443: {  	_ =	swait.ge [sflag:s6], $0x80  }
0x444: {  	[sflag:s6] =	ssyncset.done $0x0  }
0x445: {  	[sflag:s6] =	ssyncadd.s32 $0xFFFFFF80  }
0x446: {  	_ =	swait.ge [sflag:s6], $0x80  }
0x447: {  	[sflag:s6] =	ssyncset.done $0x0  }
0x448: {  	[sflag:s6] =	ssyncadd.s32 $0xFFFFFF80  }
0x449: {  	_ =	swait.ge [sflag:s6], $0x80  }
0x44a: {  	[sflag:s6] =	ssyncset.done $0x0  }
0x44b: {  	[sflag:s6] =	ssyncadd.s32 $0xFFFFFF80  }
0x44c: {  	_ =	swait.ge [sflag:s6], $0x80  }
0x44d: {  	[sflag:s6] =	ssyncset.done $0x0  }
0x44e: {  	[sflag:s6] =	ssyncadd.s32 $0xFFFFFF80  }
0x44f: {  	_ =	swait.ge [sflag:s6], $0x80  }
0x450: {  	[sflag:s6] =	ssyncset.done $0x0  }
0x451: {  	[sflag:s6] =	ssyncadd.s32 $0xFFFFFF80  }
0x452: {  	_ =	swait.ge [sflag:s6], $0x80  }
0x453: {  	[sflag:s6] =	ssyncset.done $0x0  }
0x454: {  	[sflag:s6] =	ssyncadd.s32 $0xFFFFFF80  }
0x455: {  	_ =	swait.ge [sflag:s6], $0x80  }
0x456: {  	[sflag:s6] =	ssyncset.done $0x0  }
0x457: {  	[sflag:s6] =	ssyncadd.s32 $0xFFFFFF80  }
0x458: {  	_ =	swait.ge [sflag:s6], $0x80  }
0x459: {  	[sflag:s6] =	ssyncset.done $0x0  }
0x45a: {  	[sflag:s6] =	ssyncadd.s32 $0xFFFFFF80  }
0x45b: {  	_ =	swait.ge [sflag:s6], $0x80  }
0x45c: {  	[sflag:s6] =	ssyncset.done $0x0  }
0x45d: {  	[sflag:s6] =	ssyncadd.s32 $0xFFFFFF80  }
.Ltmp2:
0x45e: {  	_ =	swait.ge [sflag:s6], $0x80;
	(pc) =	sbr.rel @p0 .LBB2_6-.Ltmp2, $4  }
0x45f: {  	[sflag:s6] =	ssyncset.done $0x0  }
0x460: {  	[sflag:s6] =	ssyncadd.s32 $0xFFFFFF80  }
0x461: {  	_ =	swait.ge [sflag:s6], $0x80  }
0x462: {  	[sflag:s6] =	ssyncset.done $0x0  }
0x463: {  	[sflag:s6] =	ssyncadd.s32 $0xFFFFFF80  }
0x464: {  	_ =	swait.ge [sflag:s6], $0x80  }
0x465: {  	[sflag:s6] =	ssyncset.done $0x0  }
0x466: {  	s13 =	simm.s32 $0x0;
	[sflag:s6] =	ssyncadd.s32 $0xFFFFFF80  }
0x467: {  	[hbm4b:s23+s13] =	stream.linear.scatter [tilespmem:s7], [sflag:$0x3], $0x4000, $0x38;
	[tilespmem:$0xC100] =	vst v63  }
0x468: {  	_ =	swait.ge [sflag:s5], $0x4000  }
0x469: {  	[sflag:s5] =	ssyncset.done $0x0  }
0x46a: {  	[sflag:s5] =	ssyncadd.s32 $0xFFFFC000  }
0x46b: {  	[hbm4b:s24+s13] =	stream.linear.scatter [tilespmem:s8], [sflag:$0x3], $0x4000, $0x38;
	[tilespmem:$0xC100] =	vst v63  }
0x46c: {  	_ =	swait.ge [sflag:s5], $0x4000  }
0x46d: {  	[sflag:s5] =	ssyncset.done $0x0  }
0x46e: {  	s14 =	rddreg [dreg:$0xc];
	[sflag:s5] =	ssyncadd.s32 $0xFFFFC000  }
0x46f: {  	[tilespmem:s9], [sflag:$0x3] =	stream.linear.gather [hbm4b:s14+s13], $0x80, $0x38;
	[tilespmem:$0xC100] =	vst v63  }
0x470: {  	_ =	swait.ge [sflag:s5], $0x80  }
0x471: {  	[sflag:s5] =	ssyncset.done $0x0  }
0x472: {  	[sflag:s5] =	ssyncadd.s32 $0xFFFFFF80  }
0x473: {  	[tilespmem:s10], [sflag:$0x2] =	stream.indirect.gather [hbm4b:s3+s9], $0x80, s9, s9, $0xb8;
	[tilespmem:$0xC100] =	vst v63  }
0x474: {  	_ =	swait.ge [sflag:s11], $0x4000  }
0x475: {  	[sflag:s11] =	ssyncset.done $0x0  }
0x476: {  	[sflag:s11] =	ssyncadd.s32 $0xFFFFC000  }
0x477: {  	[hbm4b:s25+s13] =	stream.linear.scatter [tilespmem:s10], [sflag:$0x3], $0x4000, $0x38;
	[tilespmem:$0xC100] =	vst v63  }
0x478: {  	_ =	swait.ge [sflag:s5], $0x4000  }
0x479: {  	[sflag:s5] =	ssyncset.done $0x0  }
0x47a: {  	s20 =	rddreg [dreg:$0xd];
	[sflag:s5] =	ssyncadd.s32 $0xFFFFC000  }
0x47b: {  	[tilespmem:s9], [sflag:$0x3] =	stream.linear.gather [hbm4b:s20+s13], $0x80, $0x38;
	[tilespmem:$0xC100] =	vst v63  }
0x47c: {  	_ =	swait.ge [sflag:s5], $0x80  }
0x47d: {  	[sflag:s5] =	ssyncset.done $0x0  }
0x47e: {  	[sflag:s5] =	ssyncadd.s32 $0xFFFFFF80  }
0x47f: {  	[tilespmem:s10], [sflag:$0x2] =	stream.indirect.gather [hbm4b:s3+s9], $0x80, s9, s9, $0xb8;
	[tilespmem:$0xC100] =	vst v63  }
0x480: {  	_ =	swait.ge [sflag:s11], $0x4000  }
0x481: {  	[sflag:s11] =	ssyncset.done $0x0  }
0x482: {  	[sflag:s11] =	ssyncadd.s32 $0xFFFFC000  }
0x483: {  	[hbm4b:s26+s13] =	stream.linear.scatter [tilespmem:s10], [sflag:$0x3], $0x4000, $0x38;
	[tilespmem:$0xC100] =	vst v63  }
0x484: {  	_ =	swait.ge [sflag:s5], $0x4000  }
0x485: {  	[sflag:s5] =	ssyncset.done $0x0  }
0x486: {  	s15 =	rddreg [dreg:$0xe];
	[sflag:s5] =	ssyncadd.s32 $0xFFFFC000  }
0x487: {  	[tilespmem:s13], [sflag:$0x3] =	stream.linear.gather [hbm4b:s15+s13], $0x80, $0x38;
	[tilespmem:$0xC100] =	vst v63  }
0x488: {  	_ =	swait.ge [sflag:s5], $0x80  }
0x489: {  	[sflag:s5] =	ssyncset.done $0x0  }
0x48a: {  	[sflag:s5] =	ssyncadd.s32 $0xFFFFFF80  }
0x48b: {  	v0 =	vld [tilespmem:s13+$0x0];
	_ =	sdelay $0x4  }
0x48c: {  	v0 =	vshll.u32 v0, $0x4  }
0x48d: {  	(v2sf) =	vpush v0, $0x0;
	_ =	sdelay $0x1  }
0x48e: {  	(v2sf) =	vpush v0, $0x1;
	_ =	sdelay $0x3  }
0x48f: {  	(v2sf) =	vpush v0, $0x2;
	_ =	sdelay $0x3  }
0x490: {  	(v2sf) =	vpush v0, $0x3;
	_ =	sdelay $0x3  }
0x491: {  	(v2sf) =	vpush v0, $0x4  }
0x492: {  	s16 =	spop (v2sf)  }
0x493: {  	s14 =	sand.u32 $0x1FFFFFF0, s16  }
0x494: {  	s15 =	simm.s32 $0x4100;
	s16 =	spop (v2sf);
	s17 =	sadd.s32 s31, s14  }
0x495: {  	(v2sf) =	vpush v0, $0x5;
	[tilespmem:s15], [sflag:$0x1] =	stream.linear.gather [hbm4b:s17+s1], $0x80, $0x38;
	[tilespmem:$0xC100] =	vst v63  }
0x496: {  	s14 =	sadd.s32 s2, s14;
	s16 =	sand.u32 $0x1FFFFFF0, s16;
	s17 =	simm.s32 $0x8100  }
0x497: {  	[tilespmem:s17], [sflag:$0x1] =	stream.linear.gather [hbm4b:s14+s1], $0x80, $0x38;
	[tilespmem:$0xC100] =	vst v63  }
0x498: {  	s20 =	simm.s32 $0x4180;
	s19 =	spop (v2sf);
	s18 =	sadd.s32 s31, s16  }
0x499: {  	(v2sf) =	vpush v0, $0x6;
	[tilespmem:s20], [sflag:$0x1] =	stream.linear.gather [hbm4b:s18+s1], $0x80, $0x38;
	[tilespmem:$0xC100] =	vst v63  }
0x49a: {  	s16 =	sadd.s32 s2, s16;
	s15 =	sand.u32 $0x1FFFFFF0, s19;
	s17 =	simm.s32 $0x8180  }
0x49b: {  	[tilespmem:s17], [sflag:$0x1] =	stream.linear.gather [hbm4b:s16+s1], $0x80, $0x38;
	[tilespmem:$0xC100] =	vst v63  }
0x49c: {  	s19 =	sadd.s32 s31, s15;
	s18 =	simm.s32 $0x4200;
	s20 =	spop (v2sf)  }
0x49d: {  	(v2sf) =	vpush v0, $0x7;
	[tilespmem:s18], [sflag:$0x1] =	stream.linear.gather [hbm4b:s19+s1], $0x80, $0x38;
	[tilespmem:$0xC100] =	vst v63  }
0x49e: {  	s15 =	sadd.s32 s2, s15;
	s16 =	simm.s32 $0x8200;
	s17 =	sand.u32 $0x1FFFFFF0, s20  }
0x49f: {  	[tilespmem:s16], [sflag:$0x1] =	stream.linear.gather [hbm4b:s15+s1], $0x80, $0x38;
	[tilespmem:$0xC100] =	vst v63  }
0x4a0: {  	s20 =	spop (v2sf);
	s18 =	simm.s32 $0x4280;
	s19 =	sadd.s32 s31, s17  }
0x4a1: {  	(v2sf) =	vpush v0, $0x8;
	[tilespmem:s18], [sflag:$0x1] =	stream.linear.gather [hbm4b:s19+s1], $0x80, $0x38;
	[tilespmem:$0xC100] =	vst v63  }
0x4a2: {  	s15 =	sadd.s32 s2, s17;
	s16 =	simm.s32 $0x8280;
	s17 =	sand.u32 $0x1FFFFFF0, s20  }
0x4a3: {  	[tilespmem:s16], [sflag:$0x1] =	stream.linear.gather [hbm4b:s15+s1], $0x80, $0x38;
	[tilespmem:$0xC100] =	vst v63  }
0x4a4: {  	s18 =	simm.s32 $0x4300;
	s19 =	sadd.s32 s31, s17;
	s20 =	spop (v2sf)  }
0x4a5: {  	(v2sf) =	vpush v0, $0x9;
	[tilespmem:s18], [sflag:$0x1] =	stream.linear.gather [hbm4b:s19+s1], $0x80, $0x38;
	[tilespmem:$0xC100] =	vst v63  }
0x4a6: {  	s15 =	sadd.s32 s2, s17;
	s16 =	simm.s32 $0x8300;
	s17 =	sand.u32 $0x1FFFFFF0, s20  }
0x4a7: {  	[tilespmem:s16], [sflag:$0x1] =	stream.linear.gather [hbm4b:s15+s1], $0x80, $0x38;
	[tilespmem:$0xC100] =	vst v63  }
0x4a8: {  	s20 =	spop (v2sf);
	s18 =	simm.s32 $0x4380;
	s19 =	sadd.s32 s31, s17  }
0x4a9: {  	(v2sf) =	vpush v0, $0xA;
	[tilespmem:s18], [sflag:$0x1] =	stream.linear.gather [hbm4b:s19+s1], $0x80, $0x38;
	[tilespmem:$0xC100] =	vst v63  }
0x4aa: {  	s15 =	sadd.s32 s2, s17;
	s16 =	simm.s32 $0x8380;
	s17 =	sand.u32 $0x1FFFFFF0, s20  }
0x4ab: {  	[tilespmem:s16], [sflag:$0x1] =	stream.linear.gather [hbm4b:s15+s1], $0x80, $0x38;
	[tilespmem:$0xC100] =	vst v63  }
0x4ac: {  	s20 =	spop (v2sf);
	s18 =	simm.s32 $0x4400;
	s19 =	sadd.s32 s31, s17  }
0x4ad: {  	(v2sf) =	vpush v0, $0xB;
	[tilespmem:s18], [sflag:$0x1] =	stream.linear.gather [hbm4b:s19+s1], $0x80, $0x38;
	[tilespmem:$0xC100] =	vst v63  }
0x4ae: {  	s15 =	sadd.s32 s2, s17;
	s16 =	simm.s32 $0x8400;
	s17 =	sand.u32 $0x1FFFFFF0, s20  }
0x4af: {  	[tilespmem:s16], [sflag:$0x1] =	stream.linear.gather [hbm4b:s15+s1], $0x80, $0x38;
	[tilespmem:$0xC100] =	vst v63  }
0x4b0: {  	s20 =	spop (v2sf);
	s18 =	simm.s32 $0x4480;
	s19 =	sadd.s32 s31, s17  }
0x4b1: {  	(v2sf) =	vpush v0, $0xC;
	[tilespmem:s18], [sflag:$0x1] =	stream.linear.gather [hbm4b:s19+s1], $0x80, $0x38;
	[tilespmem:$0xC100] =	vst v63  }
0x4b2: {  	s15 =	sadd.s32 s2, s17;
	s16 =	simm.s32 $0x8480;
	s17 =	sand.u32 $0x1FFFFFF0, s20  }
0x4b3: {  	[tilespmem:s16], [sflag:$0x1] =	stream.linear.gather [hbm4b:s15+s1], $0x80, $0x38;
	[tilespmem:$0xC100] =	vst v63  }
0x4b4: {  	s20 =	spop (v2sf);
	s18 =	simm.s32 $0x4500;
	s19 =	sadd.s32 s31, s17  }
0x4b5: {  	(v2sf) =	vpush v0, $0xD;
	[tilespmem:s18], [sflag:$0x1] =	stream.linear.gather [hbm4b:s19+s1], $0x80, $0x38;
	[tilespmem:$0xC100] =	vst v63  }
0x4b6: {  	s15 =	sadd.s32 s2, s17;
	s16 =	simm.s32 $0x8500;
	s17 =	sand.u32 $0x1FFFFFF0, s20  }
0x4b7: {  	[tilespmem:s16], [sflag:$0x1] =	stream.linear.gather [hbm4b:s15+s1], $0x80, $0x38;
	[tilespmem:$0xC100] =	vst v63  }
0x4b8: {  	s20 =	spop (v2sf);
	s18 =	simm.s32 $0x4580;
	s19 =	sadd.s32 s31, s17  }
0x4b9: {  	(v2sf) =	vpush v0, $0xE;
	[tilespmem:s18], [sflag:$0x1] =	stream.linear.gather [hbm4b:s19+s1], $0x80, $0x38;
	[tilespmem:$0xC100] =	vst v63  }
0x4ba: {  	s15 =	sadd.s32 s2, s17;
	s16 =	simm.s32 $0x8580;
	s17 =	sand.u32 $0x1FFFFFF0, s20  }
0x4bb: {  	[tilespmem:s16], [sflag:$0x1] =	stream.linear.gather [hbm4b:s15+s1], $0x80, $0x38;
	[tilespmem:$0xC100] =	vst v63  }
0x4bc: {  	s20 =	spop (v2sf);
	s18 =	simm.s32 $0x4600;
	s19 =	sadd.s32 s31, s17  }
0x4bd: {  	(v2sf) =	vpush v0, $0xF;
	[tilespmem:s18], [sflag:$0x1] =	stream.linear.gather [hbm4b:s19+s1], $0x80, $0x38;
	[tilespmem:$0xC100] =	vst v63  }
0x4be: {  	s15 =	sadd.s32 s2, s17;
	s16 =	simm.s32 $0x8600;
	s17 =	sand.u32 $0x1FFFFFF0, s20  }
0x4bf: {  	[tilespmem:s16], [sflag:$0x1] =	stream.linear.gather [hbm4b:s15+s1], $0x80, $0x38;
	[tilespmem:$0xC100] =	vst v63  }
0x4c0: {  	s20 =	spop (v2sf);
	s18 =	simm.s32 $0x4680;
	s19 =	sadd.s32 s31, s17  }
0x4c1: {  	[tilespmem:s18], [sflag:$0x1] =	stream.linear.gather [hbm4b:s19+s1], $0x80, $0x38;
	[tilespmem:$0xC100] =	vst v63  }
0x4c2: {  	s15 =	sadd.s32 s2, s17;
	s16 =	simm.s32 $0x8680;
	s17 =	sand.u32 $0x1FFFFFF0, s20  }
0x4c3: {  	[tilespmem:s16], [sflag:$0x1] =	stream.linear.gather [hbm4b:s15+s1], $0x80, $0x38;
	[tilespmem:$0xC100] =	vst v63  }
0x4c4: {  	s20 =	spop (v2sf);
	s18 =	simm.s32 $0x4700;
	s19 =	sadd.s32 s31, s17  }
0x4c5: {  	[tilespmem:s18], [sflag:$0x1] =	stream.linear.gather [hbm4b:s19+s1], $0x80, $0x38;
	[tilespmem:$0xC100] =	vst v63  }
0x4c6: {  	s15 =	sadd.s32 s2, s17;
	s16 =	simm.s32 $0x8700;
	s17 =	sand.u32 $0x1FFFFFF0, s20  }
0x4c7: {  	[tilespmem:s16], [sflag:$0x1] =	stream.linear.gather [hbm4b:s15+s1], $0x80, $0x38;
	[tilespmem:$0xC100] =	vst v63  }
0x4c8: {  	s20 =	spop (v2sf);
	s18 =	simm.s32 $0x4780;
	s19 =	sadd.s32 s31, s17  }
0x4c9: {  	[tilespmem:s18], [sflag:$0x1] =	stream.linear.gather [hbm4b:s19+s1], $0x80, $0x38;
	[tilespmem:$0xC100] =	vst v63  }
0x4ca: {  	s15 =	sadd.s32 s2, s17;
	s16 =	simm.s32 $0x8780;
	s17 =	sand.u32 $0x1FFFFFF0, s20  }
0x4cb: {  	[tilespmem:s16], [sflag:$0x1] =	stream.linear.gather [hbm4b:s15+s1], $0x80, $0x38;
	[tilespmem:$0xC100] =	vst v63  }
0x4cc: {  	s20 =	spop (v2sf);
	s18 =	simm.s32 $0x4800;
	s19 =	sadd.s32 s31, s17  }
0x4cd: {  	[tilespmem:s18], [sflag:$0x1] =	stream.linear.gather [hbm4b:s19+s1], $0x80, $0x38;
	[tilespmem:$0xC100] =	vst v63  }
0x4ce: {  	s20 =	sand.u32 $0x1FFFFFF0, s20;
	s18 =	sadd.s32 s2, s17;
	s19 =	simm.s32 $0x8800  }
0x4cf: {  	[tilespmem:s19], [sflag:$0x1] =	stream.linear.gather [hbm4b:s18+s1], $0x80, $0x38;
	[tilespmem:$0xC100] =	vst v63  }
0x4d0: {  	s17 =	simm.s32 $0x4880;
	s18 =	sadd.s32 s31, s20  }
0x4d1: {  	[tilespmem:s17], [sflag:$0x1] =	stream.linear.gather [hbm4b:s18+s1], $0x80, $0x38;
	[tilespmem:$0xC100] =	vst v63  }
0x4d2: {  	s19 =	simm.s32 $0x8880;
	s20 =	sadd.s32 s2, s20  }
0x4d3: {  	[tilespmem:s19], [sflag:$0x1] =	stream.linear.gather [hbm4b:s20+s1], $0x80, $0x38;
	[tilespmem:$0xC100] =	vst v63  }
0x4d4: {  	_ =	swait.ge [sflag:s6], $0x80  }
0x4d5: {  	[sflag:s6] =	ssyncset.done $0x0  }
0x4d6: {  	[sflag:s6] =	ssyncadd.s32 $0xFFFFFF80  }
0x4d7: {  	_ =	swait.ge [sflag:s6], $0x80  }
0x4d8: {  	[sflag:s6] =	ssyncset.done $0x0  }
0x4d9: {  	[sflag:s6] =	ssyncadd.s32 $0xFFFFFF80  }
0x4da: {  	_ =	swait.ge [sflag:s6], $0x80  }
0x4db: {  	[sflag:s6] =	ssyncset.done $0x0  }
0x4dc: {  	[sflag:s6] =	ssyncadd.s32 $0xFFFFFF80  }
0x4dd: {  	_ =	swait.ge [sflag:s6], $0x80  }
0x4de: {  	[sflag:s6] =	ssyncset.done $0x0  }
0x4df: {  	[sflag:s6] =	ssyncadd.s32 $0xFFFFFF80  }
0x4e0: {  	_ =	swait.ge [sflag:s6], $0x80  }
0x4e1: {  	[sflag:s6] =	ssyncset.done $0x0  }
0x4e2: {  	[sflag:s6] =	ssyncadd.s32 $0xFFFFFF80  }
0x4e3: {  	_ =	swait.ge [sflag:s6], $0x80  }
0x4e4: {  	[sflag:s6] =	ssyncset.done $0x0  }
0x4e5: {  	[sflag:s6] =	ssyncadd.s32 $0xFFFFFF80  }
0x4e6: {  	_ =	swait.ge [sflag:s6], $0x80  }
0x4e7: {  	[sflag:s6] =	ssyncset.done $0x0  }
0x4e8: {  	[sflag:s6] =	ssyncadd.s32 $0xFFFFFF80  }
0x4e9: {  	_ =	swait.ge [sflag:s6], $0x80  }
0x4ea: {  	[sflag:s6] =	ssyncset.done $0x0  }
0x4eb: {  	[sflag:s6] =	ssyncadd.s32 $0xFFFFFF80  }
0x4ec: {  	_ =	swait.ge [sflag:s6], $0x80  }
0x4ed: {  	[sflag:s6] =	ssyncset.done $0x0  }
0x4ee: {  	[sflag:s6] =	ssyncadd.s32 $0xFFFFFF80  }
0x4ef: {  	_ =	swait.ge [sflag:s6], $0x80  }
0x4f0: {  	[sflag:s6] =	ssyncset.done $0x0  }
0x4f1: {  	[sflag:s6] =	ssyncadd.s32 $0xFFFFFF80  }
0x4f2: {  	_ =	swait.ge [sflag:s6], $0x80  }
0x4f3: {  	[sflag:s6] =	ssyncset.done $0x0  }
0x4f4: {  	[sflag:s6] =	ssyncadd.s32 $0xFFFFFF80  }
0x4f5: {  	_ =	swait.ge [sflag:s6], $0x80  }
0x4f6: {  	[sflag:s6] =	ssyncset.done $0x0  }
0x4f7: {  	[sflag:s6] =	ssyncadd.s32 $0xFFFFFF80  }
0x4f8: {  	_ =	swait.ge [sflag:s6], $0x80  }
0x4f9: {  	[sflag:s6] =	ssyncset.done $0x0  }
0x4fa: {  	[sflag:s6] =	ssyncadd.s32 $0xFFFFFF80  }
0x4fb: {  	_ =	swait.ge [sflag:s6], $0x80  }
0x4fc: {  	[sflag:s6] =	ssyncset.done $0x0  }
0x4fd: {  	[sflag:s6] =	ssyncadd.s32 $0xFFFFFF80  }
0x4fe: {  	_ =	swait.ge [sflag:s6], $0x80  }
0x4ff: {  	[sflag:s6] =	ssyncset.done $0x0  }
0x500: {  	[sflag:s6] =	ssyncadd.s32 $0xFFFFFF80  }
0x501: {  	_ =	swait.ge [sflag:s6], $0x80  }
0x502: {  	[sflag:s6] =	ssyncset.done $0x0  }
0x503: {  	[sflag:s6] =	ssyncadd.s32 $0xFFFFFF80  }
0x504: {  	_ =	swait.ge [sflag:s6], $0x80  }
0x505: {  	[sflag:s6] =	ssyncset.done $0x0  }
0x506: {  	[sflag:s6] =	ssyncadd.s32 $0xFFFFFF80  }
0x507: {  	_ =	swait.ge [sflag:s6], $0x80  }
0x508: {  	[sflag:s6] =	ssyncset.done $0x0  }
0x509: {  	[sflag:s6] =	ssyncadd.s32 $0xFFFFFF80  }
0x50a: {  	_ =	swait.ge [sflag:s6], $0x80  }
0x50b: {  	[sflag:s6] =	ssyncset.done $0x0  }
0x50c: {  	[sflag:s6] =	ssyncadd.s32 $0xFFFFFF80  }
0x50d: {  	_ =	swait.ge [sflag:s6], $0x80  }
0x50e: {  	[sflag:s6] =	ssyncset.done $0x0  }
0x50f: {  	[sflag:s6] =	ssyncadd.s32 $0xFFFFFF80  }
0x510: {  	_ =	swait.ge [sflag:s6], $0x80  }
0x511: {  	[sflag:s6] =	ssyncset.done $0x0  }
0x512: {  	[sflag:s6] =	ssyncadd.s32 $0xFFFFFF80  }
0x513: {  	_ =	swait.ge [sflag:s6], $0x80  }
0x514: {  	[sflag:s6] =	ssyncset.done $0x0  }
0x515: {  	[sflag:s6] =	ssyncadd.s32 $0xFFFFFF80  }
0x516: {  	_ =	swait.ge [sflag:s6], $0x80  }
0x517: {  	[sflag:s6] =	ssyncset.done $0x0  }
0x518: {  	[sflag:s6] =	ssyncadd.s32 $0xFFFFFF80  }
0x519: {  	_ =	swait.ge [sflag:s6], $0x80  }
0x51a: {  	[sflag:s6] =	ssyncset.done $0x0  }
0x51b: {  	[sflag:s6] =	ssyncadd.s32 $0xFFFFFF80  }
0x51c: {  	_ =	swait.ge [sflag:s6], $0x80  }
0x51d: {  	[sflag:s6] =	ssyncset.done $0x0  }
0x51e: {  	[sflag:s6] =	ssyncadd.s32 $0xFFFFFF80  }
0x51f: {  	_ =	swait.ge [sflag:s6], $0x80  }
0x520: {  	[sflag:s6] =	ssyncset.done $0x0  }
0x521: {  	[sflag:s6] =	ssyncadd.s32 $0xFFFFFF80  }
0x522: {  	_ =	swait.ge [sflag:s6], $0x80  }
0x523: {  	[sflag:s6] =	ssyncset.done $0x0  }
0x524: {  	[sflag:s6] =	ssyncadd.s32 $0xFFFFFF80  }
0x525: {  	_ =	swait.ge [sflag:s6], $0x80  }
0x526: {  	[sflag:s6] =	ssyncset.done $0x0  }
0x527: {  	[sflag:s6] =	ssyncadd.s32 $0xFFFFFF80  }
0x528: {  	_ =	swait.ge [sflag:s6], $0x80  }
0x529: {  	[sflag:s6] =	ssyncset.done $0x0  }
0x52a: {  	[sflag:s6] =	ssyncadd.s32 $0xFFFFFF80  }
0x52b: {  	_ =	swait.ge [sflag:s6], $0x80  }
0x52c: {  	[sflag:s6] =	ssyncset.done $0x0  }
0x52d: {  	[sflag:s6] =	ssyncadd.s32 $0xFFFFFF80  }
0x52e: {  	_ =	swait.ge [sflag:s6], $0x80  }
0x52f: {  	s14 =	simm.s32 $0x2000;
	[sflag:s6] =	ssyncset.done $0x0  }
.LBB2_8:
0x530: {  	p0 =	sne.s32 s14, $0xE000;
	[sflag:s6] =	ssyncadd.s32 $0xFFFFFF80;
	s13 =	sadd.s32 $0x10, s13  }
0x531: {  	s15 =	smov.u32 s14;
	s14 =	sadd.s32 $0x2000, s14;
	_ =	swait.ge [sflag:s6], $0x80  }
0x532: {  	[sflag:s6] =	ssyncset.done $0x0  }
0x533: {  	[sflag:s6] =	ssyncadd.s32 $0xFFFFFF80  }
0x534: {  	v0 =	vld [tilespmem:s13+$0x0];
	_ =	sdelay $0x4  }
0x535: {  	v0 =	vshll.u32 v0, $0x4  }
0x536: {  	(v2sf) =	vpush v0, $0x0  }
0x537: {  	(v2sf) =	vpush v0, $0x1;
	_ =	sdelay $0x2  }
0x538: {  	(v2sf) =	vpush v0, $0x2;
	_ =	sdelay $0x5  }
0x539: {  	(v2sf) =	vpush v0, $0x3;
	_ =	sdelay $0x2  }
0x53a: {  	s15 =	sshra.s32 s15, $0x2  }
0x53b: {  	s16 =	sadd.s32 $0x8100, s15;
	(v2sf) =	vpush v0, $0x4  }
0x53c: {  	s17 =	sadd.s32 $0x4100, s15;
	s18 =	spop (v2sf)  }
0x53d: {  	s18 =	sand.u32 $0x1FFFFFF0, s18;
	s19 =	spop (v2sf)  }
0x53e: {  	s20 =	sadd.s32 s31, s18;
	s18 =	sadd.s32 s2, s18;
	s19 =	sand.u32 $0x1FFFFFF0, s19  }
0x53f: {  	[tilespmem:s17], [sflag:$0x1] =	stream.linear.gather [hbm4b:s20+s1], $0x80, $0x38;
	(v2sf) =	vpush v0, $0x5;
	[tilespmem:$0xC100] =	vst v63  }
0x540: {  	s17 =	sadd.s32 s31, s19;
	s20 =	spop (v2sf)  }
0x541: {  	[tilespmem:s16], [sflag:$0x1] =	stream.linear.gather [hbm4b:s18+s1], $0x80, $0x38;
	[tilespmem:$0xC100] =	vst v63  }
0x542: {  	s16 =	sadd.s32 $0x4180, s15;
	s18 =	sadd.s32 s2, s19;
	s19 =	sand.u32 $0x1FFFFFF0, s20  }
0x543: {  	[tilespmem:s16], [sflag:$0x1] =	stream.linear.gather [hbm4b:s17+s1], $0x80, $0x38;
	(v2sf) =	vpush v0, $0x6;
	[tilespmem:$0xC100] =	vst v63  }
0x544: {  	s20 =	sadd.s32 s31, s19;
	s16 =	sadd.s32 $0x8180, s15;
	s17 =	sadd.s32 $0x4200, s15  }
0x545: {  	[tilespmem:s16], [sflag:$0x1] =	stream.linear.gather [hbm4b:s18+s1], $0x80, $0x38;
	[tilespmem:$0xC100] =	vst v63  }
0x546: {  	s16 =	sadd.s32 s2, s19;
	s18 =	spop (v2sf)  }
0x547: {  	[tilespmem:s17], [sflag:$0x1] =	stream.linear.gather [hbm4b:s20+s1], $0x80, $0x38;
	(v2sf) =	vpush v0, $0x7;
	[tilespmem:$0xC100] =	vst v63  }
0x548: {  	s19 =	sadd.s32 $0x4280, s15;
	s17 =	sadd.s32 $0x8200, s15;
	s18 =	sand.u32 $0x1FFFFFF0, s18  }
0x549: {  	[tilespmem:s17], [sflag:$0x1] =	stream.linear.gather [hbm4b:s16+s1], $0x80, $0x38;
	[tilespmem:$0xC100] =	vst v63  }
0x54a: {  	s16 =	sadd.s32 s31, s18;
	s17 =	sadd.s32 s2, s18;
	s18 =	spop (v2sf)  }
0x54b: {  	[tilespmem:s19], [sflag:$0x1] =	stream.linear.gather [hbm4b:s16+s1], $0x80, $0x38;
	(v2sf) =	vpush v0, $0x8;
	[tilespmem:$0xC100] =	vst v63  }
0x54c: {  	s16 =	sadd.s32 $0x8280, s15;
	s19 =	sadd.s32 $0x4300, s15;
	s18 =	sand.u32 $0x1FFFFFF0, s18  }
0x54d: {  	[tilespmem:s16], [sflag:$0x1] =	stream.linear.gather [hbm4b:s17+s1], $0x80, $0x38;
	[tilespmem:$0xC100] =	vst v63  }
0x54e: {  	s16 =	sadd.s32 s31, s18;
	s17 =	sadd.s32 s2, s18;
	s18 =	spop (v2sf)  }
0x54f: {  	[tilespmem:s19], [sflag:$0x1] =	stream.linear.gather [hbm4b:s16+s1], $0x80, $0x38;
	(v2sf) =	vpush v0, $0x9;
	[tilespmem:$0xC100] =	vst v63  }
0x550: {  	s16 =	sadd.s32 $0x8300, s15;
	s19 =	sadd.s32 $0x4380, s15;
	s18 =	sand.u32 $0x1FFFFFF0, s18  }
0x551: {  	[tilespmem:s16], [sflag:$0x1] =	stream.linear.gather [hbm4b:s17+s1], $0x80, $0x38;
	[tilespmem:$0xC100] =	vst v63  }
0x552: {  	s16 =	sadd.s32 s31, s18;
	s17 =	sadd.s32 s2, s18;
	s18 =	spop (v2sf)  }
0x553: {  	[tilespmem:s19], [sflag:$0x1] =	stream.linear.gather [hbm4b:s16+s1], $0x80, $0x38;
	(v2sf) =	vpush v0, $0xA;
	[tilespmem:$0xC100] =	vst v63  }
0x554: {  	s16 =	sadd.s32 $0x8380, s15;
	s19 =	sadd.s32 $0x4400, s15;
	s18 =	sand.u32 $0x1FFFFFF0, s18  }
0x555: {  	[tilespmem:s16], [sflag:$0x1] =	stream.linear.gather [hbm4b:s17+s1], $0x80, $0x38;
	[tilespmem:$0xC100] =	vst v63  }
0x556: {  	s16 =	sadd.s32 s31, s18;
	s17 =	sadd.s32 s2, s18;
	s18 =	spop (v2sf)  }
0x557: {  	[tilespmem:s19], [sflag:$0x1] =	stream.linear.gather [hbm4b:s16+s1], $0x80, $0x38;
	(v2sf) =	vpush v0, $0xB;
	[tilespmem:$0xC100] =	vst v63  }
0x558: {  	s16 =	sadd.s32 $0x8400, s15;
	s19 =	sadd.s32 $0x4480, s15;
	s18 =	sand.u32 $0x1FFFFFF0, s18  }
0x559: {  	[tilespmem:s16], [sflag:$0x1] =	stream.linear.gather [hbm4b:s17+s1], $0x80, $0x38;
	[tilespmem:$0xC100] =	vst v63  }
0x55a: {  	s16 =	sadd.s32 s31, s18;
	s17 =	sadd.s32 s2, s18;
	s18 =	spop (v2sf)  }
0x55b: {  	[tilespmem:s19], [sflag:$0x1] =	stream.linear.gather [hbm4b:s16+s1], $0x80, $0x38;
	(v2sf) =	vpush v0, $0xC;
	[tilespmem:$0xC100] =	vst v63  }
0x55c: {  	s16 =	sadd.s32 $0x8480, s15;
	s19 =	sadd.s32 $0x4500, s15;
	s18 =	sand.u32 $0x1FFFFFF0, s18  }
0x55d: {  	[tilespmem:s16], [sflag:$0x1] =	stream.linear.gather [hbm4b:s17+s1], $0x80, $0x38;
	[tilespmem:$0xC100] =	vst v63  }
0x55e: {  	s16 =	sadd.s32 s31, s18;
	s17 =	sadd.s32 s2, s18;
	s18 =	spop (v2sf)  }
0x55f: {  	[tilespmem:s19], [sflag:$0x1] =	stream.linear.gather [hbm4b:s16+s1], $0x80, $0x38;
	(v2sf) =	vpush v0, $0xD;
	[tilespmem:$0xC100] =	vst v63  }
0x560: {  	s16 =	sadd.s32 $0x8500, s15;
	s19 =	sadd.s32 $0x4580, s15;
	s18 =	sand.u32 $0x1FFFFFF0, s18  }
0x561: {  	[tilespmem:s16], [sflag:$0x1] =	stream.linear.gather [hbm4b:s17+s1], $0x80, $0x38;
	[tilespmem:$0xC100] =	vst v63  }
0x562: {  	s16 =	sadd.s32 s31, s18;
	s17 =	sadd.s32 s2, s18;
	s18 =	spop (v2sf)  }
0x563: {  	[tilespmem:s19], [sflag:$0x1] =	stream.linear.gather [hbm4b:s16+s1], $0x80, $0x38;
	(v2sf) =	vpush v0, $0xE;
	[tilespmem:$0xC100] =	vst v63  }
0x564: {  	s16 =	sadd.s32 $0x8580, s15;
	s19 =	sadd.s32 $0x4600, s15;
	s18 =	sand.u32 $0x1FFFFFF0, s18  }
0x565: {  	[tilespmem:s16], [sflag:$0x1] =	stream.linear.gather [hbm4b:s17+s1], $0x80, $0x38;
	[tilespmem:$0xC100] =	vst v63  }
0x566: {  	s16 =	sadd.s32 s31, s18;
	s17 =	sadd.s32 s2, s18;
	s18 =	spop (v2sf)  }
0x567: {  	[tilespmem:s19], [sflag:$0x1] =	stream.linear.gather [hbm4b:s16+s1], $0x80, $0x38;
	(v2sf) =	vpush v0, $0xF;
	[tilespmem:$0xC100] =	vst v63  }
0x568: {  	s16 =	sadd.s32 $0x8600, s15;
	s19 =	sadd.s32 $0x4680, s15;
	s18 =	sand.u32 $0x1FFFFFF0, s18  }
0x569: {  	[tilespmem:s16], [sflag:$0x1] =	stream.linear.gather [hbm4b:s17+s1], $0x80, $0x38;
	[tilespmem:$0xC100] =	vst v63  }
0x56a: {  	s16 =	sadd.s32 s31, s18;
	s17 =	sadd.s32 s2, s18;
	s18 =	spop (v2sf)  }
0x56b: {  	[tilespmem:s19], [sflag:$0x1] =	stream.linear.gather [hbm4b:s16+s1], $0x80, $0x38;
	[tilespmem:$0xC100] =	vst v63  }
0x56c: {  	s16 =	sadd.s32 $0x8680, s15;
	s19 =	sadd.s32 $0x4700, s15;
	s18 =	sand.u32 $0x1FFFFFF0, s18  }
0x56d: {  	[tilespmem:s16], [sflag:$0x1] =	stream.linear.gather [hbm4b:s17+s1], $0x80, $0x38;
	[tilespmem:$0xC100] =	vst v63  }
0x56e: {  	s16 =	sadd.s32 s31, s18;
	s17 =	sadd.s32 s2, s18;
	s18 =	spop (v2sf)  }
0x56f: {  	[tilespmem:s19], [sflag:$0x1] =	stream.linear.gather [hbm4b:s16+s1], $0x80, $0x38;
	[tilespmem:$0xC100] =	vst v63  }
0x570: {  	s16 =	sadd.s32 $0x8700, s15;
	s19 =	sadd.s32 $0x4780, s15;
	s18 =	sand.u32 $0x1FFFFFF0, s18  }
0x571: {  	[tilespmem:s16], [sflag:$0x1] =	stream.linear.gather [hbm4b:s17+s1], $0x80, $0x38;
	[tilespmem:$0xC100] =	vst v63  }
0x572: {  	s16 =	sadd.s32 s31, s18;
	s17 =	sadd.s32 s2, s18;
	s18 =	spop (v2sf)  }
0x573: {  	[tilespmem:s19], [sflag:$0x1] =	stream.linear.gather [hbm4b:s16+s1], $0x80, $0x38;
	[tilespmem:$0xC100] =	vst v63  }
0x574: {  	s16 =	sadd.s32 $0x8780, s15;
	s19 =	sadd.s32 $0x4800, s15;
	s18 =	sand.u32 $0x1FFFFFF0, s18  }
0x575: {  	[tilespmem:s16], [sflag:$0x1] =	stream.linear.gather [hbm4b:s17+s1], $0x80, $0x38;
	[tilespmem:$0xC100] =	vst v63  }
0x576: {  	s16 =	sadd.s32 s31, s18;
	s17 =	sadd.s32 s2, s18;
	s18 =	spop (v2sf)  }
0x577: {  	[tilespmem:s19], [sflag:$0x1] =	stream.linear.gather [hbm4b:s16+s1], $0x80, $0x38;
	[tilespmem:$0xC100] =	vst v63  }
0x578: {  	s16 =	sadd.s32 $0x8800, s15;
	s19 =	sadd.s32 $0x4880, s15;
	s18 =	sand.u32 $0x1FFFFFF0, s18  }
0x579: {  	[tilespmem:s16], [sflag:$0x1] =	stream.linear.gather [hbm4b:s17+s1], $0x80, $0x38;
	[tilespmem:$0xC100] =	vst v63  }
0x57a: {  	s15 =	sadd.s32 $0x8880, s15;
	s16 =	sadd.s32 s31, s18;
	s17 =	sadd.s32 s2, s18  }
0x57b: {  	[tilespmem:s19], [sflag:$0x1] =	stream.linear.gather [hbm4b:s16+s1], $0x80, $0x38;
	[tilespmem:$0xC100] =	vst v63  }
0x57c: {  	_ = 	snop  }
0x57d: {  	[tilespmem:s15], [sflag:$0x1] =	stream.linear.gather [hbm4b:s17+s1], $0x80, $0x38;
	[tilespmem:$0xC100] =	vst v63  }
0x57e: {  	_ =	swait.ge [sflag:s6], $0x80  }
0x57f: {  	[sflag:s6] =	ssyncset.done $0x0  }
0x580: {  	[sflag:s6] =	ssyncadd.s32 $0xFFFFFF80  }
0x581: {  	_ =	swait.ge [sflag:s6], $0x80  }
0x582: {  	[sflag:s6] =	ssyncset.done $0x0  }
0x583: {  	[sflag:s6] =	ssyncadd.s32 $0xFFFFFF80  }
0x584: {  	_ =	swait.ge [sflag:s6], $0x80  }
0x585: {  	[sflag:s6] =	ssyncset.done $0x0  }
0x586: {  	[sflag:s6] =	ssyncadd.s32 $0xFFFFFF80  }
0x587: {  	_ =	swait.ge [sflag:s6], $0x80  }
0x588: {  	[sflag:s6] =	ssyncset.done $0x0  }
0x589: {  	[sflag:s6] =	ssyncadd.s32 $0xFFFFFF80  }
0x58a: {  	_ =	swait.ge [sflag:s6], $0x80  }
0x58b: {  	[sflag:s6] =	ssyncset.done $0x0  }
0x58c: {  	[sflag:s6] =	ssyncadd.s32 $0xFFFFFF80  }
0x58d: {  	_ =	swait.ge [sflag:s6], $0x80  }
0x58e: {  	[sflag:s6] =	ssyncset.done $0x0  }
0x58f: {  	[sflag:s6] =	ssyncadd.s32 $0xFFFFFF80  }
0x590: {  	_ =	swait.ge [sflag:s6], $0x80  }
0x591: {  	[sflag:s6] =	ssyncset.done $0x0  }
0x592: {  	[sflag:s6] =	ssyncadd.s32 $0xFFFFFF80  }
0x593: {  	_ =	swait.ge [sflag:s6], $0x80  }
0x594: {  	[sflag:s6] =	ssyncset.done $0x0  }
0x595: {  	[sflag:s6] =	ssyncadd.s32 $0xFFFFFF80  }
0x596: {  	_ =	swait.ge [sflag:s6], $0x80  }
0x597: {  	[sflag:s6] =	ssyncset.done $0x0  }
0x598: {  	[sflag:s6] =	ssyncadd.s32 $0xFFFFFF80  }
0x599: {  	_ =	swait.ge [sflag:s6], $0x80  }
0x59a: {  	[sflag:s6] =	ssyncset.done $0x0  }
0x59b: {  	[sflag:s6] =	ssyncadd.s32 $0xFFFFFF80  }
0x59c: {  	_ =	swait.ge [sflag:s6], $0x80  }
0x59d: {  	[sflag:s6] =	ssyncset.done $0x0  }
0x59e: {  	[sflag:s6] =	ssyncadd.s32 $0xFFFFFF80  }
0x59f: {  	_ =	swait.ge [sflag:s6], $0x80  }
0x5a0: {  	[sflag:s6] =	ssyncset.done $0x0  }
0x5a1: {  	[sflag:s6] =	ssyncadd.s32 $0xFFFFFF80  }
0x5a2: {  	_ =	swait.ge [sflag:s6], $0x80  }
0x5a3: {  	[sflag:s6] =	ssyncset.done $0x0  }
0x5a4: {  	[sflag:s6] =	ssyncadd.s32 $0xFFFFFF80  }
0x5a5: {  	_ =	swait.ge [sflag:s6], $0x80  }
0x5a6: {  	[sflag:s6] =	ssyncset.done $0x0  }
0x5a7: {  	[sflag:s6] =	ssyncadd.s32 $0xFFFFFF80  }
0x5a8: {  	_ =	swait.ge [sflag:s6], $0x80  }
0x5a9: {  	[sflag:s6] =	ssyncset.done $0x0  }
0x5aa: {  	[sflag:s6] =	ssyncadd.s32 $0xFFFFFF80  }
0x5ab: {  	_ =	swait.ge [sflag:s6], $0x80  }
0x5ac: {  	[sflag:s6] =	ssyncset.done $0x0  }
0x5ad: {  	[sflag:s6] =	ssyncadd.s32 $0xFFFFFF80  }
0x5ae: {  	_ =	swait.ge [sflag:s6], $0x80  }
0x5af: {  	[sflag:s6] =	ssyncset.done $0x0  }
0x5b0: {  	[sflag:s6] =	ssyncadd.s32 $0xFFFFFF80  }
0x5b1: {  	_ =	swait.ge [sflag:s6], $0x80  }
0x5b2: {  	[sflag:s6] =	ssyncset.done $0x0  }
0x5b3: {  	[sflag:s6] =	ssyncadd.s32 $0xFFFFFF80  }
0x5b4: {  	_ =	swait.ge [sflag:s6], $0x80  }
0x5b5: {  	[sflag:s6] =	ssyncset.done $0x0  }
0x5b6: {  	[sflag:s6] =	ssyncadd.s32 $0xFFFFFF80  }
0x5b7: {  	_ =	swait.ge [sflag:s6], $0x80  }
0x5b8: {  	[sflag:s6] =	ssyncset.done $0x0  }
0x5b9: {  	[sflag:s6] =	ssyncadd.s32 $0xFFFFFF80  }
0x5ba: {  	_ =	swait.ge [sflag:s6], $0x80  }
0x5bb: {  	[sflag:s6] =	ssyncset.done $0x0  }
0x5bc: {  	[sflag:s6] =	ssyncadd.s32 $0xFFFFFF80  }
0x5bd: {  	_ =	swait.ge [sflag:s6], $0x80  }
0x5be: {  	[sflag:s6] =	ssyncset.done $0x0  }
0x5bf: {  	[sflag:s6] =	ssyncadd.s32 $0xFFFFFF80  }
0x5c0: {  	_ =	swait.ge [sflag:s6], $0x80  }
0x5c1: {  	[sflag:s6] =	ssyncset.done $0x0  }
0x5c2: {  	[sflag:s6] =	ssyncadd.s32 $0xFFFFFF80  }
0x5c3: {  	_ =	swait.ge [sflag:s6], $0x80  }
0x5c4: {  	[sflag:s6] =	ssyncset.done $0x0  }
0x5c5: {  	[sflag:s6] =	ssyncadd.s32 $0xFFFFFF80  }
0x5c6: {  	_ =	swait.ge [sflag:s6], $0x80  }
0x5c7: {  	[sflag:s6] =	ssyncset.done $0x0  }
0x5c8: {  	[sflag:s6] =	ssyncadd.s32 $0xFFFFFF80  }
0x5c9: {  	_ =	swait.ge [sflag:s6], $0x80  }
0x5ca: {  	[sflag:s6] =	ssyncset.done $0x0  }
0x5cb: {  	[sflag:s6] =	ssyncadd.s32 $0xFFFFFF80  }
0x5cc: {  	_ =	swait.ge [sflag:s6], $0x80  }
0x5cd: {  	[sflag:s6] =	ssyncset.done $0x0  }
0x5ce: {  	[sflag:s6] =	ssyncadd.s32 $0xFFFFFF80  }
0x5cf: {  	_ =	swait.ge [sflag:s6], $0x80  }
0x5d0: {  	[sflag:s6] =	ssyncset.done $0x0  }
0x5d1: {  	[sflag:s6] =	ssyncadd.s32 $0xFFFFFF80  }
0x5d2: {  	_ =	swait.ge [sflag:s6], $0x80  }
0x5d3: {  	[sflag:s6] =	ssyncset.done $0x0  }
0x5d4: {  	[sflag:s6] =	ssyncadd.s32 $0xFFFFFF80  }
.Ltmp3:
0x5d5: {  	_ =	swait.ge [sflag:s6], $0x80;
	(pc) =	sbr.rel @p0 .LBB2_8-.Ltmp3, $4  }
0x5d6: {  	[sflag:s6] =	ssyncset.done $0x0  }
0x5d7: {  	[sflag:s6] =	ssyncadd.s32 $0xFFFFFF80  }
0x5d8: {  	_ =	swait.ge [sflag:s6], $0x80  }
0x5d9: {  	[sflag:s6] =	ssyncset.done $0x0  }
0x5da: {  	[sflag:s6] =	ssyncadd.s32 $0xFFFFFF80  }
0x5db: {  	_ =	swait.ge [sflag:s6], $0x80  }
0x5dc: {  	[sflag:s6] =	ssyncset.done $0x0  }
0x5dd: {  	[sflag:s6] =	ssyncadd.s32 $0xFFFFFF80  }
0x5de: {  	[hbm4b:s28+s1] =	stream.linear.scatter [tilespmem:s7], [sflag:$0x3], $0x4000, $0x38;
	[tilespmem:$0xC100] =	vst v63  }
0x5df: {  	_ =	swait.ge [sflag:s5], $0x4000  }
0x5e0: {  	[sflag:s5] =	ssyncset.done $0x0  }
0x5e1: {  	[sflag:s5] =	ssyncadd.s32 $0xFFFFC000  }
0x5e2: {  	[hbm4b:s29+s1] =	stream.linear.scatter [tilespmem:s8], [sflag:$0x3], $0x4000, $0x38;
	[tilespmem:$0xC100] =	vst v63  }
0x5e3: {  	_ =	swait.ge [sflag:s5], $0x4000  }
0x5e4: {  	[sflag:s5] =	ssyncset.done $0x0  }
0x5e5: {  	s13 =	rddreg [dreg:$0xf];
	[sflag:s5] =	ssyncadd.s32 $0xFFFFC000  }
0x5e6: {  	[tilespmem:s9], [sflag:$0x3] =	stream.linear.gather [hbm4b:s13+s1], $0x80, $0x38;
	[tilespmem:$0xC100] =	vst v63  }
0x5e7: {  	_ =	swait.ge [sflag:s5], $0x80  }
0x5e8: {  	[sflag:s5] =	ssyncset.done $0x0  }
0x5e9: {  	[sflag:s5] =	ssyncadd.s32 $0xFFFFFF80  }
0x5ea: {  	[tilespmem:s10], [sflag:$0x2] =	stream.indirect.gather [hbm4b:s3+s9], $0x80, s9, s9, $0xb8;
	[tilespmem:$0xC100] =	vst v63  }
0x5eb: {  	_ =	swait.ge [sflag:s11], $0x4000  }
0x5ec: {  	[sflag:s11] =	ssyncset.done $0x0  }
0x5ed: {  	[sflag:s11] =	ssyncadd.s32 $0xFFFFC000  }
0x5ee: {  	[hbm4b:s30+s1] =	stream.linear.scatter [tilespmem:s10], [sflag:$0x3], $0x4000, $0x38;
	[tilespmem:$0xC100] =	vst v63  }
0x5ef: {  	_ =	swait.ge [sflag:s5], $0x4000  }
0x5f0: {  	[sflag:s5] =	ssyncset.done $0x0  }
0x5f1: {  	s20 =	rddreg [dreg:$0x10];
	[sflag:s5] =	ssyncadd.s32 $0xFFFFC000  }
0x5f2: {  	[tilespmem:s9], [sflag:$0x3] =	stream.linear.gather [hbm4b:s20+s1], $0x80, $0x38;
	[tilespmem:$0xC100] =	vst v63  }
0x5f3: {  	_ =	swait.ge [sflag:s5], $0x80  }
0x5f4: {  	[sflag:s5] =	ssyncset.done $0x0  }
0x5f5: {  	[sflag:s5] =	ssyncadd.s32 $0xFFFFFF80  }
0x5f6: {  	[tilespmem:s10], [sflag:$0x2] =	stream.indirect.gather [hbm4b:s3+s9], $0x80, s9, s9, $0xb8;
	[tilespmem:$0xC100] =	vst v63  }
0x5f7: {  	s12 =	sadd.s32 $0x1, s12;
	_ =	swait.ge [sflag:s11], $0x4000  }
0x5f8: {  	p0 =	sne.s32 s12, s4;
	[sflag:s11] =	ssyncset.done $0x0  }
.Ltmp4:
0x5f9: {  	[sflag:s11] =	ssyncadd.s32 $0xFFFFC000;
	(pc) =	sbr.rel @p0 .LBB2_1-.Ltmp4, $4  }
0x5fa: {  	[hbm4b:s0+s1] =	stream.linear.scatter [tilespmem:s10], [sflag:$0x3], $0x4000, $0x38;
	[tilespmem:$0xC100] =	vst v63  }
0x5fb: {  	_ =	swait.ge [sflag:s5], $0x4000  }
0x5fc: {  	[sflag:s5] =	ssyncset.done $0x0  }
0x5fd: {  	[sflag:s5] =	ssyncadd.s32 $0xFFFFC000  }
0x5fe: {  	_ =	sfence.sel $0x180000  }
0x5ff: {  	[bflag:$0x0] =	sbarrier.arrive $0xFFFF  }
0x600: {  	_ =	strace $0x90000047  }
0x601: {  	s0 =	stileid.u32;
	[bflag:$0x2] =	sbarrier.arrive $0xFFFF  }
0x602: {  	p0 =	sne.s32 s0, $0x0;
	s0 =	rddreg [dreg:$0x4]  }
0x603: {  	s0 =	sadd.s32 @!p0 $0x100000, s0  }
0x604: {  	[sflag:s0] =	ssyncadd.tile.s32 @!p0 $0x1;
	_ =	shalt  }
.Lfunc_end2:
_tile_overlayer_lowered:
.L_overlay_start_2:
0x605: {  	(tag) =	ssettag $0x2  }
0x606: {  	s0 =	rddreg [dreg:$0x0];
	s2 =	stileid.u32  }
0x607: {  	s1 =	rddreg [dreg:$0x1];
	p0 =	sne.s32 s2, $0x0  }
0x608: {  	s3 =	rddreg [dreg:$0x2];
	[bflag:$0x3] =	sbarrier.arrive $0xFFFF;
	s2 =	simm.s32 @!p0 $0x1C03  }
0x609: {  	[timem:s3], [sflag:s2] =	dma.local @!p0 [hbm:s0], s1  }
0x60a: {  	s0 =	simm.s32 @!p0 $0x3  }
0x60b: {  	_ =	swait.ge @!p0 [sflag:s0], s1  }
0x60c: {  	s1 =	ssub.s32 @!p0 $0x0, s1;
	[sflag:s0] =	ssyncset.done @!p0 $0x0  }
0x60d: {  	[sflag:s0] =	ssyncadd.s32 @!p0 s1  }
0x60e: {  	[bflag:$0x3] =	sbarrier.arrive $0xFFFF  }
0x60f: {  	_ =	shalt  }

</sc_bundles>
